<compile_context>
chip_gen: v7x
topology: tpu7x:2x2x1
jax: 0.10.2.dev20260603
libtpu: 0.0.44.dev20260713+nightly
codegen_flags: <defaults>
</compile_context>

<pallas_src>
import functools

import jax
import jax.numpy as jnp
from jax import lax
from jax.experimental import pallas as pl
from jax.experimental.pallas import tpu as pltpu
from jax.experimental.pallas import tpu_sc as plsc

Q, N, D = 4096, 8192, 512
NB_A = 512
NBK = 1024
NG = N // NB_A
QB_R = 512
NB_B = 1024
CB = 32

_BIGI = 2**30

_PC = pl.pallas_call


def _topk_body(x_ref, e_ref, mg_ref, win_ref, mn_ref, mx_ref):
    j = pl.program_id(0)
    x = x_ref[...]
    e = e_ref[...]
    dm = (e - x) ** 2
    nidx = j * NBK + lax.broadcasted_iota(jnp.int32, (NBK, Q), 0)

    mq = jnp.min(dm, axis=1, keepdims=True)
    bw = jnp.max(jnp.where(dm == mq, nidx, -1), axis=0, keepdims=True)

    mg_ref[...] = jnp.stack(
        [jnp.min(dm[g * NB_A:(g + 1) * NB_A], axis=0, keepdims=True)
         for g in range(NBK // NB_A)], axis=0)

    bmn = jnp.min(e).reshape(1, 1)
    bmx = jnp.max(e).reshape(1, 1)

    @pl.when(j == 0)
    def _():
        win_ref[...] = bw
        mn_ref[...] = bmn
        mx_ref[...] = bmx

    @pl.when(j > 0)
    def _():
        win_ref[...] = jnp.maximum(win_ref[...], bw)
        mn_ref[...] = jnp.minimum(mn_ref[...], bmn)
        mx_ref[...] = jnp.maximum(mx_ref[...], bmx)


def _topk_call(x_row, ie_col):
    grid = (N // NBK,)
    return _PC(
        _topk_body,
        grid=grid,
        in_specs=[
            pl.BlockSpec((1, Q), lambda j: (0, 0)),
            pl.BlockSpec((NBK, 1), lambda j: (j, 0)),
        ],
        out_specs=[
            pl.BlockSpec((NBK // NB_A, 1, Q), lambda j: (j, 0, 0)),
            pl.BlockSpec((1, Q), lambda j: (0, 0)),
            pl.BlockSpec((1, 1), lambda j: (0, 0)),
            pl.BlockSpec((1, 1), lambda j: (0, 0)),
        ],
        out_shape=[
            jax.ShapeDtypeStruct((NG, 1, Q), jnp.float32),
            jax.ShapeDtypeStruct((1, Q), jnp.int32),
            jax.ShapeDtypeStruct((1, 1), jnp.float32),
            jax.ShapeDtypeStruct((1, 1), jnp.float32),
        ],
    )(x_row, ie_col)


def _top2_half(dh, nh):
    v1 = jnp.min(dh, axis=0, keepdims=True)
    a1 = jnp.min(jnp.where(dh == v1, nh, _BIGI), axis=0, keepdims=True)
    dmsk = jnp.where(nh == a1, float('inf'), dh)
    v2 = jnp.min(dmsk, axis=0, keepdims=True)
    a2 = jnp.min(jnp.where(dmsk == v2, nh, _BIGI), axis=0, keepdims=True)
    return v1, a1, v2, a2


def _plan_body(mg_ref, x_ref, xc_ref, et_ref, win_ref, mn_ref, mx_ref,
               mc_ref, mp_ref, mx2_ref,
               rA_ref, rB_ref, wA_ref, tbl_ref):
    i = pl.program_id(0)

    c = mc_ref[...]

    @pl.when(i == 0)
    def _():
        prev = jnp.concatenate([c[:1], c[:-1]], axis=0)
        nxt = jnp.concatenate([c[1:], mx2_ref[:1]], axis=0)
        tbl_ref[...] = (prev + c + nxt) / 3.0

    @pl.when((i > 0) & (i < 7))
    def _():
        prev = jnp.concatenate([mp_ref[-1:], c[:-1]], axis=0)
        nxt = jnp.concatenate([c[1:], mx2_ref[:1]], axis=0)
        tbl_ref[...] = (prev + c + nxt) / 3.0

    @pl.when(i == 7)
    def _():
        prev = jnp.concatenate([mp_ref[-1:], c[:-1]], axis=0)
        nxt = jnp.concatenate([c[1:], c[-1:]], axis=0)
        tbl_ref[...] = (prev + c + nxt) / 3.0

    @pl.when(i == 8)
    def _():
        tbl_ref[0:1, :] = mp_ref[0:1, :]
        tbl_ref[1:2, :] = c[-1:, :]

    @pl.when(i < 8)
    def _():
        _refine_step(i, mg_ref, x_ref, xc_ref, et_ref, win_ref, mn_ref,
                     mx_ref, rA_ref, rB_ref, wA_ref)


def _refine_step(i, mg_ref, x_ref, xc_ref, et_ref, win_ref, mn_ref, mx_ref,
                 rA_ref, rB_ref, wA_ref):
    mg = mg_ref[...].reshape(NG, QB_R)
    x = x_ref[...]
    gidx = lax.broadcasted_iota(jnp.int32, (NG, QB_R), 0)
    m1 = jnp.min(mg, axis=0, keepdims=True)
    g1 = jnp.min(jnp.where(mg == m1, gidx, _BIGI), axis=0, keepdims=True)
    mg2 = jnp.where(gidx == g1, float('inf'), mg)
    m2 = jnp.min(mg2, axis=0, keepdims=True)
    g2 = jnp.min(jnp.where(mg2 == m2, gidx, _BIGI), axis=0, keepdims=True)

    e1 = jnp.broadcast_to(et_ref[:, 0:1], (NB_A, QB_R))
    e2 = e1
    for g in range(1, NG):
        col = et_ref[:, g:g + 1]
        e1 = jnp.where(g1 == g, col, e1)
        e2 = jnp.where(g2 == g, col, e2)

    lidx = lax.broadcasted_iota(jnp.int32, (NB_A, QB_R), 0)
    n1 = g1 * NB_A + lidx
    n2 = g2 * NB_A + lidx
    d1 = (x - e1) ** 2
    d2 = (x - e2) ** 2
    pv1, pa1, pv2, pa2 = _top2_half(d1, n1)
    rv1, ra1, rv2, ra2 = _top2_half(d2, n2)

    winr = (rv1 < pv1) | ((rv1 == pv1) & (ra1 < pa1))
    v1 = jnp.where(winr, rv1, pv1)
    a1 = jnp.where(winr, ra1, pa1)
    cv = jnp.where(winr, pv1, pv2)
    ca = jnp.where(winr, pa1, pa2)
    c2v = jnp.where(winr, rv2, rv1)
    c2a = jnp.where(winr, ra2, ra1)
    sel = (c2v < cv) | ((c2v == cv) & (c2a < ca))
    v2 = jnp.where(sel, c2v, cv)
    a2 = jnp.where(sel, c2a, ca)

    xc = xc_ref[...]
    qrow = lax.broadcasted_iota(jnp.int32, (Q, QB_R), 0)
    qcol = i * QB_R + lax.broadcasted_iota(jnp.int32, (Q, QB_R), 1)
    dup = jnp.any((xc == x) & (qrow < qcol), axis=0, keepdims=True)

    win = win_ref[...]
    s = v1 + v2
    wa = v2 / s
    isw = (win >= 0) & (~dup)
    ra = jnp.where(isw, win, a1)
    rb = jnp.where(isw, win, a2)
    wa = jnp.where(isw, 1.0, wa)
    firstm = (x <= mn_ref[0, 0]) & (~isw)
    lastm = (x >= mx_ref[0, 0]) & (~isw)
    ra = jnp.where(firstm, N, ra)
    ra = jnp.where(lastm, N + 1, ra)
    clamped = firstm | lastm
    wa = jnp.where(clamped, 1.0, wa)
    rA_ref[...] = ra
    rB_ref[...] = rb
    wA_ref[...] = wa


TBL_ROWS = N + NB_B


def _plan_call(mg, x_row, x_col, etabT, win, mn, mx, mask):
    nblk = N // NB_B
    q_spec = pl.BlockSpec((1, QB_R), lambda i: (0, jnp.minimum(i, 7)))
    s_spec = pl.BlockSpec((1, 1), lambda i: (0, 0))
    return _PC(
        _plan_body,
        grid=(nblk + 1,),
        in_specs=[
            pl.BlockSpec((NG, 1, QB_R), lambda i: (0, 0, jnp.minimum(i, 7))),
            q_spec,
            pl.BlockSpec((Q, 1), lambda i: (0, 0)),
            pl.BlockSpec((NB_A, NG), lambda i: (0, 0)),
            q_spec, s_spec, s_spec,
            pl.BlockSpec((NB_B, D), lambda i: (jnp.minimum(i, nblk - 1), 0)),
            pl.BlockSpec((NB_B, D),
                         lambda i: (jnp.where(i >= nblk, 0,
                                              jnp.maximum(i - 1, 0)), 0)),
            pl.BlockSpec((NB_B, D), lambda i: (jnp.minimum(i + 1, nblk - 1), 0)),
        ],
        out_specs=[q_spec, q_spec, q_spec,
                   pl.BlockSpec((NB_B, D), lambda i: (i, 0))],
        out_shape=[
            jax.ShapeDtypeStruct((1, Q), jnp.int32),
            jax.ShapeDtypeStruct((1, Q), jnp.int32),
            jax.ShapeDtypeStruct((1, Q), jnp.float32),
            jax.ShapeDtypeStruct((TBL_ROWS, D), jnp.float32),
        ],
    )(mg, x_row, x_col, etabT, win, mn, mx, mask, mask, mask)


def _sc_gather(table, rA, rB, wA):
    info = plsc.get_sparse_core_info()
    nw = info.num_cores * info.num_subcores
    qw = Q // nw
    nchunk = qw // CB
    mesh = plsc.VectorSubcoreMesh(core_axis_name="c", subcore_axis_name="s")

    @functools.partial(
        pl.kernel,
        mesh=mesh,
        out_type=jax.ShapeDtypeStruct((Q, D), jnp.float32),
        scratch_types=[
            pltpu.VMEM((2, qw), jnp.int32),
            pltpu.VMEM((qw, 16), jnp.float32),
            pltpu.VMEM((2, CB, D), jnp.float32),
            pltpu.VMEM((2, CB, D), jnp.float32),
            pltpu.VMEM((CB, D), jnp.float32),
            pltpu.SemaphoreType.DMA,
            pltpu.SemaphoreType.DMA,
        ],
    )
    def k(tbl_h, ra_h, rb_h, wa_h, out_h,
          idxv, wav, bufa, bufb, obuf, gsem, osem):
        wid = lax.axis_index("s") * info.num_cores + lax.axis_index("c")
        base = wid * qw
        pltpu.sync_copy(ra_h.at[pl.ds(base, qw)], idxv.at[0])
        pltpu.sync_copy(rb_h.at[pl.ds(base, qw)], idxv.at[1])
        pltpu.sync_copy(wa_h.at[pl.ds(base, qw)], wav)

        def fire(c, s):
            ca = pltpu.async_copy(
                tbl_h.at[idxv.at[0, pl.ds(c * CB, CB)]], bufa.at[s], gsem)
            cb = pltpu.async_copy(
                tbl_h.at[idxv.at[1, pl.ds(c * CB, CB)]], bufb.at[s], gsem)
            return ca, cb

        cp_g = [None] * nchunk
        cp_o = [None] * nchunk
        cp_g[0] = fire(0, 0)
        for c in range(nchunk):
            s = c % 2
            for cp in cp_g[c]:
                cp.wait()
            if c + 1 < nchunk:
                cp_g[c + 1] = fire(c + 1, (c + 1) % 2)
            if c >= 1:
                cp_o[c - 1].wait()

            def per_q(q, carry_q):
                wav_q = wav[c * CB + q, :]
                for v in range(D // 16):
                    av = bufa[s, q, pl.ds(v * 16, 16)]
                    bv = bufb[s, q, pl.ds(v * 16, 16)]
                    obuf[q, pl.ds(v * 16, 16)] = bv + wav_q * (av - bv)
                return carry_q

            lax.fori_loop(0, CB, per_q, 0)
            cp_o[c] = pltpu.async_copy(
                obuf, out_h.at[pl.ds(base + c * CB, CB)], osem)
        cp_o[nchunk - 1].wait()

    return k(table, rA, rB, wA)


def kernel(x, input_example, mask):
    x_row = x.reshape(1, Q)
    mg, win, mn, mx = _topk_call(x_row, input_example)
    etabT = input_example.reshape(NG, NB_A).T
    rA, rB, wA, table = _plan_call(mg, x_row, x, etabT, win, mn, mx, mask)
    wA16 = jnp.broadcast_to(wA.reshape(Q, 1), (Q, 16))
    return _sc_gather(table, rA.reshape(Q), rB.reshape(Q), wA16)

# --- scband reference (transcript-rebuilt; emitter-appended) ---
"""Pipeline reference for scband-fixed-spatial-controller-75703093559620 (READ-ONLY COPY).

The authoritative reference and input builder live on the scoring server;
editing this copy changes nothing except your own understanding.
"""

import jax, jax.numpy as jnp
import numpy as np


def _blur1d_cols(mask_t):
    # mask_t: [D, N]; replicate-pad along N and apply uniform 3-tap conv (== nnf.conv1d with ones/3)
    padded = jnp.concatenate([mask_t[:, :1], mask_t, mask_t[:, -1:]], axis=1)
    return (padded[:, :-2] + padded[:, 1:-1] + padded[:, 2:]) / 3.0


def setup_inputs(seed: int = 0) -> dict:
    key = jax.random.key(seed)
    k1, k2, k3 = jax.random.split(key, 3)
    Q, N, D = 4096, 8192, 512
    x = jax.random.normal(k1, (Q, 1), dtype=jnp.float32)
    input_example = jax.random.normal(k2, (N, 1), dtype=jnp.float32)
    mask = jax.random.uniform(k3, (N, D), dtype=jnp.float32)
    return {"x": x, "input_example": input_example, "mask": mask}


def reference(x, input_example, mask):
    # Faithful jax translation of FixedSpatialController.interpolate1d (domain_dim == 1)
    # distances: [Q, N] squared distances between query coords and reference sample coords
    distances = jnp.squeeze((x[:, None, :] - input_example[None, :, :]) ** 2, axis=-1)
    # for each reference sample, the closest query index (used for exact-match override)
    indices_const = jnp.argmin(distances, axis=0)  # [N]
    # 2 smallest distances per query (torch.topk(..., largest=False))
    neg_vals, indices = jax.lax.top_k(-distances, 2)  # [Q, 2]
    min_dist = -neg_vals
    alpha = jnp.roll(min_dist, 1, axis=1) / jnp.sum(min_dist, axis=-1)[:, None]  # [Q, 2]
    # get_base_mask(): blur mask along sample axis (mask is [N, D]; blur over N)
    base_mask = _blur1d_cols(mask.T).T  # [N, D]  (torch: get_base_mask().permute(1, 0))
    sel = base_mask[indices]  # gather: [Q, 2, D]
    out = jnp.einsum('na,nad->nd', alpha, sel)  # [Q, D]
    first_mask = jnp.squeeze(x <= jnp.min(input_example), axis=1)  # [Q]
    last_mask = jnp.squeeze(x >= jnp.max(input_example), axis=1)  # [Q]
    out = jnp.where(first_mask[:, None], mask[0][None, :], out)
    out = jnp.where(last_mask[:, None], mask[-1][None, :], out)
    # scatter-overwrite: queries that are the nearest to some reference get the exact base mask row
    out = out.at[indices_const].set(base_mask)
    return out

if __name__ == "__main__":
    import jax
    _d = setup_inputs()
    print(jax.jit(kernel)(*tuple(_d.values())))

</pallas_src>

<mosaic_0001>
#map = affine_map<(d0, d1) -> (0, 0)>
#map1 = affine_map<(d0, d1) -> (0)>
module attributes {stable_mosaic.version = 14 : i64} {
  func.func @k(%arg0: i32, %arg1: i32, %arg2: memref<9216x512xf32, #tpu.memory_space<hbm>>, %arg3: memref<4096xi32, #tpu.memory_space<hbm>>, %arg4: memref<4096xi32, #tpu.memory_space<hbm>>, %arg5: memref<4096x16xf32, #tpu.memory_space<hbm>>, %arg6: memref<4096x512xf32, #tpu.memory_space<hbm>>, %arg7: memref<2x128xi32, #tpu.memory_space<vmem>>, %arg8: memref<128x16xf32, #tpu.memory_space<vmem>>, %arg9: memref<2x32x512xf32, #tpu.memory_space<vmem>>, %arg10: memref<2x32x512xf32, #tpu.memory_space<vmem>>, %arg11: memref<32x512xf32, #tpu.memory_space<vmem>>, %arg12: memref<!tpu.dma_semaphore, #tpu.memory_space<semaphore_mem>>, %arg13: memref<!tpu.dma_semaphore, #tpu.memory_space<semaphore_mem>>) attributes {dimension_semantics = [#tpu.dimension_semantics<core_parallel>, #tpu.dimension_semantics<subcore_parallel>], iteration_bounds = array<i64: 2, 16>, scalar_prefetch = 0 : i64, scratch_operands = 7 : i64, tpu.core_type = #tpu.core_type<sc_vector_subcore>, window_params = [{transform_indices = #map}, {transform_indices = #map1}, {transform_indices = #map1}, {transform_indices = #map}, {transform_indices = #map}]} {
    %mul3A = arith.constant 2 : i32
    %mul3A_0 = arith.muli %arg1, %mul3A : i32
    %add3A = arith.addi %mul3A_0, %arg0 : i32
    %mul3A_1 = arith.constant 128 : i32
    %mul3A_2 = arith.muli %add3A, %mul3A_1 : i32
    %run_scoped3A = arith.constant 0 : i32
    "tpu.region"() ({
      %run_scoped3A_257 = tpu.sem_alloc : memref<!tpu.dma_semaphore, #tpu.memory_space<semaphore_mem>>
      %dma_start3A_258 = arith.constant 0 : i32
      %dma_start3A_259 = tpu.memref_slice %arg7[%run_scoped3A, %dma_start3A_258] : memref<2x128xi32, #tpu.memory_space<vmem>> -> memref<1x128xi32, #tpu.memory_space<vmem>>
      %dma_start3A_260 = tpu.memref_squeeze %dma_start3A_259 : memref<1x128xi32, #tpu.memory_space<vmem>> -> memref<128xi32, #tpu.memory_space<vmem>>
      %dma_start3A_261 = tpu.memref_slice %arg3[%mul3A_2] : memref<4096xi32, #tpu.memory_space<hbm>> -> memref<128xi32, #tpu.memory_space<hbm>>
      %dma_start3A_262 = arith.constant 0 : i32
      %dma_start3A_263 = tpu.memref_slice %arg7[%run_scoped3A, %dma_start3A_262] : memref<2x128xi32, #tpu.memory_space<vmem>> -> memref<1x128xi32, #tpu.memory_space<vmem>>
      %dma_start3A_264 = tpu.memref_squeeze %dma_start3A_263 : memref<1x128xi32, #tpu.memory_space<vmem>> -> memref<128xi32, #tpu.memory_space<vmem>>
      %dma_start3A_265 = tpu.memref_slice %arg3[%mul3A_2] : memref<4096xi32, #tpu.memory_space<hbm>> -> memref<128xi32, #tpu.memory_space<hbm>>
      tpu.enqueue_dma source(%dma_start3A_265 : memref<128xi32, #tpu.memory_space<hbm>>) target(%dma_start3A_264 : memref<128xi32, #tpu.memory_space<vmem>>) target_semaphore(%run_scoped3A_257 : memref<!tpu.dma_semaphore, #tpu.memory_space<semaphore_mem>>)
      %dma_wait3A_266 = arith.constant 0 : i32
      %dma_wait3A_267 = tpu.memref_slice %arg7[%run_scoped3A, %dma_wait3A_266] : memref<2x128xi32, #tpu.memory_space<vmem>> -> memref<1x128xi32, #tpu.memory_space<vmem>>
      %dma_wait3A_268 = tpu.memref_squeeze %dma_wait3A_267 : memref<1x128xi32, #tpu.memory_space<vmem>> -> memref<128xi32, #tpu.memory_space<vmem>>
      %dma_wait3A_269 = tpu.memref_slice %arg3[%mul3A_2] : memref<4096xi32, #tpu.memory_space<hbm>> -> memref<128xi32, #tpu.memory_space<hbm>>
      %dma_wait3A_270 = arith.constant 0 : i32
      %dma_wait3A_271 = tpu.memref_slice %arg7[%run_scoped3A, %dma_wait3A_270] : memref<2x128xi32, #tpu.memory_space<vmem>> -> memref<1x128xi32, #tpu.memory_space<vmem>>
      %dma_wait3A_272 = tpu.memref_squeeze %dma_wait3A_271 : memref<1x128xi32, #tpu.memory_space<vmem>> -> memref<128xi32, #tpu.memory_space<vmem>>
      %dma_wait3A_273 = tpu.memref_slice %arg3[%mul3A_2] : memref<4096xi32, #tpu.memory_space<hbm>> -> memref<128xi32, #tpu.memory_space<hbm>>
      tpu.wait_dma2 semaphore(%run_scoped3A_257 : memref<!tpu.dma_semaphore, #tpu.memory_space<semaphore_mem>>) src(%dma_wait3A_273 : memref<128xi32, #tpu.memory_space<hbm>>) dst(%dma_wait3A_272 : memref<128xi32, #tpu.memory_space<vmem>>)
      tpu.yield
    }) : () -> ()
    %run_scoped3A_3 = arith.constant 1 : i32
    "tpu.region"() ({
      %run_scoped3A_257 = tpu.sem_alloc : memref<!tpu.dma_semaphore, #tpu.memory_space<semaphore_mem>>
      %dma_start3A_258 = arith.constant 0 : i32
      %dma_start3A_259 = tpu.memref_slice %arg7[%run_scoped3A_3, %dma_start3A_258] : memref<2x128xi32, #tpu.memory_space<vmem>> -> memref<1x128xi32, #tpu.memory_space<vmem>>
      %dma_start3A_260 = tpu.memref_squeeze %dma_start3A_259 : memref<1x128xi32, #tpu.memory_space<vmem>> -> memref<128xi32, #tpu.memory_space<vmem>>
      %dma_start3A_261 = tpu.memref_slice %arg4[%mul3A_2] : memref<4096xi32, #tpu.memory_space<hbm>> -> memref<128xi32, #tpu.memory_space<hbm>>
      %dma_start3A_262 = arith.constant 0 : i32
      %dma_start3A_263 = tpu.memref_slice %arg7[%run_scoped3A_3, %dma_start3A_262] : memref<2x128xi32, #tpu.memory_space<vmem>> -> memref<1x128xi32, #tpu.memory_space<vmem>>
      %dma_start3A_264 = tpu.memref_squeeze %dma_start3A_263 : memref<1x128xi32, #tpu.memory_space<vmem>> -> memref<128xi32, #tpu.memory_space<vmem>>
      %dma_start3A_265 = tpu.memref_slice %arg4[%mul3A_2] : memref<4096xi32, #tpu.memory_space<hbm>> -> memref<128xi32, #tpu.memory_space<hbm>>
      tpu.enqueue_dma source(%dma_start3A_265 : memref<128xi32, #tpu.memory_space<hbm>>) target(%dma_start3A_264 : memref<128xi32, #tpu.memory_space<vmem>>) target_semaphore(%run_scoped3A_257 : memref<!tpu.dma_semaphore, #tpu.memory_space<semaphore_mem>>)
      %dma_wait3A_266 = arith.constant 0 : i32
      %dma_wait3A_267 = tpu.memref_slice %arg7[%run_scoped3A_3, %dma_wait3A_266] : memref<2x128xi32, #tpu.memory_space<vmem>> -> memref<1x128xi32, #tpu.memory_space<vmem>>
      %dma_wait3A_268 = tpu.memref_squeeze %dma_wait3A_267 : memref<1x128xi32, #tpu.memory_space<vmem>> -> memref<128xi32, #tpu.memory_space<vmem>>
      %dma_wait3A_269 = tpu.memref_slice %arg4[%mul3A_2] : memref<4096xi32, #tpu.memory_space<hbm>> -> memref<128xi32, #tpu.memory_space<hbm>>
      %dma_wait3A_270 = arith.constant 0 : i32
      %dma_wait3A_271 = tpu.memref_slice %arg7[%run_scoped3A_3, %dma_wait3A_270] : memref<2x128xi32, #tpu.memory_space<vmem>> -> memref<1x128xi32, #tpu.memory_space<vmem>>
      %dma_wait3A_272 = tpu.memref_squeeze %dma_wait3A_271 : memref<1x128xi32, #tpu.memory_space<vmem>> -> memref<128xi32, #tpu.memory_space<vmem>>
      %dma_wait3A_273 = tpu.memref_slice %arg4[%mul3A_2] : memref<4096xi32, #tpu.memory_space<hbm>> -> memref<128xi32, #tpu.memory_space<hbm>>
      tpu.wait_dma2 semaphore(%run_scoped3A_257 : memref<!tpu.dma_semaphore, #tpu.memory_space<semaphore_mem>>) src(%dma_wait3A_273 : memref<128xi32, #tpu.memory_space<hbm>>) dst(%dma_wait3A_272 : memref<128xi32, #tpu.memory_space<vmem>>)
      tpu.yield
    }) : () -> ()
    "tpu.region"() ({
      %run_scoped3A_257 = tpu.sem_alloc : memref<!tpu.dma_semaphore, #tpu.memory_space<semaphore_mem>>
      %dma_start3A_258 = arith.constant 0 : i32
      %dma_start3A_259 = tpu.memref_slice %arg5[%mul3A_2, %dma_start3A_258] : memref<4096x16xf32, #tpu.memory_space<hbm>> -> memref<128x16xf32, #tpu.memory_space<hbm>>
      %dma_start3A_260 = arith.constant 0 : i32
      %dma_start3A_261 = tpu.memref_slice %arg5[%mul3A_2, %dma_start3A_260] : memref<4096x16xf32, #tpu.memory_space<hbm>> -> memref<128x16xf32, #tpu.memory_space<hbm>>
      tpu.enqueue_dma source(%dma_start3A_261 : memref<128x16xf32, #tpu.memory_space<hbm>>) target(%arg8 : memref<128x16xf32, #tpu.memory_space<vmem>>) target_semaphore(%run_scoped3A_257 : memref<!tpu.dma_semaphore, #tpu.memory_space<semaphore_mem>>)
      %dma_wait3A_262 = arith.constant 0 : i32
      %dma_wait3A_263 = tpu.memref_slice %arg5[%mul3A_2, %dma_wait3A_262] : memref<4096x16xf32, #tpu.memory_space<hbm>> -> memref<128x16xf32, #tpu.memory_space<hbm>>
      %dma_wait3A_264 = arith.constant 0 : i32
      %dma_wait3A_265 = tpu.memref_slice %arg5[%mul3A_2, %dma_wait3A_264] : memref<4096x16xf32, #tpu.memory_space<hbm>> -> memref<128x16xf32, #tpu.memory_space<hbm>>
      tpu.wait_dma2 semaphore(%run_scoped3A_257 : memref<!tpu.dma_semaphore, #tpu.memory_space<semaphore_mem>>) src(%dma_wait3A_265 : memref<128x16xf32, #tpu.memory_space<hbm>>) dst(%arg8 : memref<128x16xf32, #tpu.memory_space<vmem>>)
      tpu.yield
    }) : () -> ()
    %dma_start3A = arith.constant 0 : i32
    %dma_start3A_4 = arith.constant 0 : i32
    %dma_start3A_5 = arith.constant 0 : i32
    %dma_start3A_6 = arith.constant 0 : i32
    %dma_start3A_7 = tpu.memref_slice %arg9[%dma_start3A_4, %dma_start3A_5, %dma_start3A_6] : memref<2x32x512xf32, #tpu.memory_space<vmem>> -> memref<1x32x512xf32, #tpu.memory_space<vmem>>
    %dma_start3A_8 = tpu.memref_squeeze %dma_start3A_7 : memref<1x32x512xf32, #tpu.memory_space<vmem>> -> memref<32x512xf32, #tpu.memory_space<vmem>>
    %dma_start3A_9 = arith.constant 0 : i32
    %dma_start3A_10 = tpu.memref_slice %arg7[%dma_start3A, %dma_start3A_9] : memref<2x128xi32, #tpu.memory_space<vmem>> -> memref<1x32xi32, #tpu.memory_space<vmem>>
    %dma_start3A_11 = tpu.memref_squeeze %dma_start3A_10 : memref<1x32xi32, #tpu.memory_space<vmem>> -> memref<32xi32, #tpu.memory_space<vmem>>
    %dma_start3A_12 = arith.constant 0 : i32
    %dma_start3A_13 = arith.constant 0 : i32
    %dma_start3A_14 = tpu.memref_slice %arg2[%dma_start3A_12, %dma_start3A_13] : memref<9216x512xf32, #tpu.memory_space<hbm>> -> memref<9216x512xf32, #tpu.memory_space<hbm>>
    tpu.enqueue_indirect_dma source(%dma_start3A_14 : memref<9216x512xf32, #tpu.memory_space<hbm>>) target(%dma_start3A_8 : memref<32x512xf32, #tpu.memory_space<vmem>>) offsets(%dma_start3A_11 : memref<32xi32, #tpu.memory_space<vmem>>) semaphore(%arg12 : memref<!tpu.dma_semaphore, #tpu.memory_space<semaphore_mem>>)
    %dma_start3A_15 = arith.constant 1 : i32
    %dma_start3A_16 = arith.constant 0 : i32
    %dma_start3A_17 = arith.constant 0 : i32
    %dma_start3A_18 = arith.constant 0 : i32
    %dma_start3A_19 = tpu.memref_slice %arg10[%dma_start3A_16, %dma_start3A_17, %dma_start3A_18] : memref<2x32x512xf32, #tpu.memory_space<vmem>> -> memref<1x32x512xf32, #tpu.memory_space<vmem>>
    %dma_start3A_20 = tpu.memref_squeeze %dma_start3A_19 : memref<1x32x512xf32, #tpu.memory_space<vmem>> -> memref<32x512xf32, #tpu.memory_space<vmem>>
    %dma_start3A_21 = arith.constant 0 : i32
    %dma_start3A_22 = tpu.memref_slice %arg7[%dma_start3A_15, %dma_start3A_21] : memref<2x128xi32, #tpu.memory_space<vmem>> -> memref<1x32xi32, #tpu.memory_space<vmem>>
    %dma_start3A_23 = tpu.memref_squeeze %dma_start3A_22 : memref<1x32xi32, #tpu.memory_space<vmem>> -> memref<32xi32, #tpu.memory_space<vmem>>
    %dma_start3A_24 = arith.constant 0 : i32
    %dma_start3A_25 = arith.constant 0 : i32
    %dma_start3A_26 = tpu.memref_slice %arg2[%dma_start3A_24, %dma_start3A_25] : memref<9216x512xf32, #tpu.memory_space<hbm>> -> memref<9216x512xf32, #tpu.memory_space<hbm>>
    tpu.enqueue_indirect_dma source(%dma_start3A_26 : memref<9216x512xf32, #tpu.memory_space<hbm>>) target(%dma_start3A_20 : memref<32x512xf32, #tpu.memory_space<vmem>>) offsets(%dma_start3A_23 : memref<32xi32, #tpu.memory_space<vmem>>) semaphore(%arg12 : memref<!tpu.dma_semaphore, #tpu.memory_space<semaphore_mem>>)
    %dma_wait3A = arith.constant 0 : i32
    %dma_wait3A_27 = arith.constant 0 : i32
    %dma_wait3A_28 = arith.constant 0 : i32
    %dma_wait3A_29 = arith.constant 0 : i32
    %dma_wait3A_30 = tpu.memref_slice %arg9[%dma_wait3A_27, %dma_wait3A_28, %dma_wait3A_29] : memref<2x32x512xf32, #tpu.memory_space<vmem>> -> memref<1x32x512xf32, #tpu.memory_space<vmem>>
    %dma_wait3A_31 = tpu.memref_squeeze %dma_wait3A_30 : memref<1x32x512xf32, #tpu.memory_space<vmem>> -> memref<32x512xf32, #tpu.memory_space<vmem>>
    %dma_wait3A_32 = arith.constant 0 : i32
    %dma_wait3A_33 = tpu.memref_slice %arg7[%dma_wait3A, %dma_wait3A_32] : memref<2x128xi32, #tpu.memory_space<vmem>> -> memref<1x32xi32, #tpu.memory_space<vmem>>
    %dma_wait3A_34 = tpu.memref_squeeze %dma_wait3A_33 : memref<1x32xi32, #tpu.memory_space<vmem>> -> memref<32xi32, #tpu.memory_space<vmem>>
    %dma_wait3A_35 = arith.constant 0 : i32
    %dma_wait3A_36 = arith.constant 0 : i32
    %dma_wait3A_37 = tpu.memref_slice %arg2[%dma_wait3A_35, %dma_wait3A_36] : memref<9216x512xf32, #tpu.memory_space<hbm>> -> memref<9216x512xf32, #tpu.memory_space<hbm>>
    tpu.wait_indirect_dma semaphore(%arg12 : memref<!tpu.dma_semaphore, #tpu.memory_space<semaphore_mem>>) src(%dma_wait3A_37 : memref<9216x512xf32, #tpu.memory_space<hbm>>) dst(%dma_wait3A_31 : memref<32x512xf32, #tpu.memory_space<vmem>>)
    %dma_wait3A_38 = arith.constant 1 : i32
    %dma_wait3A_39 = arith.constant 0 : i32
    %dma_wait3A_40 = arith.constant 0 : i32
    %dma_wait3A_41 = arith.constant 0 : i32
    %dma_wait3A_42 = tpu.memref_slice %arg10[%dma_wait3A_39, %dma_wait3A_40, %dma_wait3A_41] : memref<2x32x512xf32, #tpu.memory_space<vmem>> -> memref<1x32x512xf32, #tpu.memory_space<vmem>>
    %dma_wait3A_43 = tpu.memref_squeeze %dma_wait3A_42 : memref<1x32x512xf32, #tpu.memory_space<vmem>> -> memref<32x512xf32, #tpu.memory_space<vmem>>
    %dma_wait3A_44 = arith.constant 0 : i32
    %dma_wait3A_45 = tpu.memref_slice %arg7[%dma_wait3A_38, %dma_wait3A_44] : memref<2x128xi32, #tpu.memory_space<vmem>> -> memref<1x32xi32, #tpu.memory_space<vmem>>
    %dma_wait3A_46 = tpu.memref_squeeze %dma_wait3A_45 : memref<1x32xi32, #tpu.memory_space<vmem>> -> memref<32xi32, #tpu.memory_space<vmem>>
    %dma_wait3A_47 = arith.constant 0 : i32
    %dma_wait3A_48 = arith.constant 0 : i32
    %dma_wait3A_49 = tpu.memref_slice %arg2[%dma_wait3A_47, %dma_wait3A_48] : memref<9216x512xf32, #tpu.memory_space<hbm>> -> memref<9216x512xf32, #tpu.memory_space<hbm>>
    tpu.wait_indirect_dma semaphore(%arg12 : memref<!tpu.dma_semaphore, #tpu.memory_space<semaphore_mem>>) src(%dma_wait3A_49 : memref<9216x512xf32, #tpu.memory_space<hbm>>) dst(%dma_wait3A_43 : memref<32x512xf32, #tpu.memory_space<vmem>>)
    %dma_start3A_50 = arith.constant 0 : i32
    %dma_start3A_51 = arith.constant 1 : i32
    %dma_start3A_52 = arith.constant 0 : i32
    %dma_start3A_53 = arith.constant 0 : i32
    %dma_start3A_54 = tpu.memref_slice %arg9[%dma_start3A_51, %dma_start3A_52, %dma_start3A_53] : memref<2x32x512xf32, #tpu.memory_space<vmem>> -> memref<1x32x512xf32, #tpu.memory_space<vmem>>
    %dma_start3A_55 = tpu.memref_squeeze %dma_start3A_54 : memref<1x32x512xf32, #tpu.memory_space<vmem>> -> memref<32x512xf32, #tpu.memory_space<vmem>>
    %dma_start3A_56 = arith.constant 32 : i32
    %dma_start3A_57 = tpu.memref_slice %arg7[%dma_start3A_50, %dma_start3A_56] : memref<2x128xi32, #tpu.memory_space<vmem>> -> memref<1x32xi32, #tpu.memory_space<vmem>>
    %dma_start3A_58 = tpu.memref_squeeze %dma_start3A_57 : memref<1x32xi32, #tpu.memory_space<vmem>> -> memref<32xi32, #tpu.memory_space<vmem>>
    %dma_start3A_59 = arith.constant 0 : i32
    %dma_start3A_60 = arith.constant 0 : i32
    %dma_start3A_61 = tpu.memref_slice %arg2[%dma_start3A_59, %dma_start3A_60] : memref<9216x512xf32, #tpu.memory_space<hbm>> -> memref<9216x512xf32, #tpu.memory_space<hbm>>
    tpu.enqueue_indirect_dma source(%dma_start3A_61 : memref<9216x512xf32, #tpu.memory_space<hbm>>) target(%dma_start3A_55 : memref<32x512xf32, #tpu.memory_space<vmem>>) offsets(%dma_start3A_58 : memref<32xi32, #tpu.memory_space<vmem>>) semaphore(%arg12 : memref<!tpu.dma_semaphore, #tpu.memory_space<semaphore_mem>>)
    %dma_start3A_62 = arith.constant 1 : i32
    %dma_start3A_63 = arith.constant 1 : i32
    %dma_start3A_64 = arith.constant 0 : i32
    %dma_start3A_65 = arith.constant 0 : i32
    %dma_start3A_66 = tpu.memref_slice %arg10[%dma_start3A_63, %dma_start3A_64, %dma_start3A_65] : memref<2x32x512xf32, #tpu.memory_space<vmem>> -> memref<1x32x512xf32, #tpu.memory_space<vmem>>
    %dma_start3A_67 = tpu.memref_squeeze %dma_start3A_66 : memref<1x32x512xf32, #tpu.memory_space<vmem>> -> memref<32x512xf32, #tpu.memory_space<vmem>>
    %dma_start3A_68 = arith.constant 32 : i32
    %dma_start3A_69 = tpu.memref_slice %arg7[%dma_start3A_62, %dma_start3A_68] : memref<2x128xi32, #tpu.memory_space<vmem>> -> memref<1x32xi32, #tpu.memory_space<vmem>>
    %dma_start3A_70 = tpu.memref_squeeze %dma_start3A_69 : memref<1x32xi32, #tpu.memory_space<vmem>> -> memref<32xi32, #tpu.memory_space<vmem>>
    %dma_start3A_71 = arith.constant 0 : i32
    %dma_start3A_72 = arith.constant 0 : i32
    %dma_start3A_73 = tpu.memref_slice %arg2[%dma_start3A_71, %dma_start3A_72] : memref<9216x512xf32, #tpu.memory_space<hbm>> -> memref<9216x512xf32, #tpu.memory_space<hbm>>
    tpu.enqueue_indirect_dma source(%dma_start3A_73 : memref<9216x512xf32, #tpu.memory_space<hbm>>) target(%dma_start3A_67 : memref<32x512xf32, #tpu.memory_space<vmem>>) offsets(%dma_start3A_70 : memref<32xi32, #tpu.memory_space<vmem>>) semaphore(%arg12 : memref<!tpu.dma_semaphore, #tpu.memory_space<semaphore_mem>>)
    %scan3A = arith.constant 0 : i32
    %scan3A_74 = arith.constant 0 : i32
    %scan3A_75 = arith.constant 32 : i32
    %scan3A_76 = arith.addi %scan3A_74, %scan3A_75 : i32
    %scan3A_77 = arith.constant 1 : i32
    scf.for %scan3A_257 = %scan3A_74 to %scan3A_76 step %scan3A_77  : i32 {
      %add3A_258 = arith.constant 0 : i32
      %add3A_259 = arith.addi %add3A_258, %scan3A_257 : i32
      %get3A = arith.index_cast %add3A_259 : i32 to index
      %get3A_260 = arith.constant 0 : index
      %get3A_261 = tpu.vector_load %arg8[%get3A, %get3A_260] {strides = array<i32>} : memref<128x16xf32, #tpu.memory_space<vmem>>, vector<1x16xf32>,
      %get3A_262 = vector.shape_cast %get3A_261 : vector<1x16xf32> to vector<16xf32>
      %get3A_263 = arith.constant 0 : i32
      %get3A_264 = arith.index_cast %get3A_263 : i32 to index
      %get3A_265 = arith.index_cast %scan3A_257 : i32 to index
      %get3A_266 = arith.constant 0 : index
      %get3A_267 = tpu.vector_load %arg9[%get3A_264, %get3A_265, %get3A_266] {strides = array<i32>} : memref<2x32x512xf32, #tpu.memory_space<vmem>>, vector<1x1x16xf32>,
      %get3A_268 = vector.shape_cast %get3A_267 : vector<1x1x16xf32> to vector<16xf32>
      %get3A_269 = arith.constant 0 : i32
      %get3A_270 = arith.index_cast %get3A_269 : i32 to index
      %get3A_271 = arith.index_cast %scan3A_257 : i32 to index
      %get3A_272 = arith.constant 0 : index
      %get3A_273 = tpu.vector_load %arg10[%get3A_270, %get3A_271, %get3A_272] {strides = array<i32>} : memref<2x32x512xf32, #tpu.memory_space<vmem>>, vector<1x1x16xf32>,
      %get3A_274 = vector.shape_cast %get3A_273 : vector<1x1x16xf32> to vector<16xf32>
      %sub3A = arith.subf %get3A_268, %get3A_274 : vector<16xf32>
      %mul3A_275 = arith.mulf %get3A_262, %sub3A : vector<16xf32>
      %add3A_276 = arith.addf %get3A_274, %mul3A_275 : vector<16xf32>
      %swap3A = arith.index_cast %scan3A_257 : i32 to index
      %swap3A_277 = arith.constant 0 : index
      %swap3A_278 = tpu.vector_load %arg11[%swap3A, %swap3A_277] {strides = array<i32>} : memref<32x512xf32, #tpu.memory_space<vmem>>, vector<1x16xf32>,
      %swap3A_279 = vector.shape_cast %swap3A_278 : vector<1x16xf32> to vector<16xf32>
      %swap3A_280 = vector.shape_cast %add3A_276 : vector<16xf32> to vector<1x16xf32>
      tpu.vector_store %arg11[%swap3A, %swap3A_277], %swap3A_280 {strides = array<i32>} : memref<32x512xf32, #tpu.memory_space<vmem>>, vector<1x16xf32>,
      %get3A_281 = arith.constant 0 : i32
      %get3A_282 = arith.index_cast %get3A_281 : i32 to index
      %get3A_283 = arith.index_cast %scan3A_257 : i32 to index
      %get3A_284 = arith.constant 16 : index
      %get3A_285 = tpu.vector_load %arg9[%get3A_282, %get3A_283, %get3A_284] {strides = array<i32>} : memref<2x32x512xf32, #tpu.memory_space<vmem>>, vector<1x1x16xf32>,
      %get3A_286 = vector.shape_cast %get3A_285 : vector<1x1x16xf32> to vector<16xf32>
      %get3A_287 = arith.constant 0 : i32
      %get3A_288 = arith.index_cast %get3A_287 : i32 to index
      %get3A_289 = arith.index_cast %scan3A_257 : i32 to index
      %get3A_290 = arith.constant 16 : index
      %get3A_291 = tpu.vector_load %arg10[%get3A_288, %get3A_289, %get3A_290] {strides = array<i32>} : memref<2x32x512xf32, #tpu.memory_space<vmem>>, vector<1x1x16xf32>,
      %get3A_292 = vector.shape_cast %get3A_291 : vector<1x1x16xf32> to vector<16xf32>
      %sub3A_293 = arith.subf %get3A_286, %get3A_292 : vector<16xf32>
      %mul3A_294 = arith.mulf %get3A_262, %sub3A_293 : vector<16xf32>
      %add3A_295 = arith.addf %get3A_292, %mul3A_294 : vector<16xf32>
      %swap3A_296 = arith.index_cast %scan3A_257 : i32 to index
      %swap3A_297 = arith.constant 16 : index
      %swap3A_298 = tpu.vector_load %arg11[%swap3A_296, %swap3A_297] {strides = array<i32>} : memref<32x512xf32, #tpu.memory_space<vmem>>, vector<1x16xf32>,
      %swap3A_299 = vector.shape_cast %swap3A_298 : vector<1x16xf32> to vector<16xf32>
      %swap3A_300 = vector.shape_cast %add3A_295 : vector<16xf32> to vector<1x16xf32>
      tpu.vector_store %arg11[%swap3A_296, %swap3A_297], %swap3A_300 {strides = array<i32>} : memref<32x512xf32, #tpu.memory_space<vmem>>, vector<1x16xf32>,
      %get3A_301 = arith.constant 0 : i32
      %get3A_302 = arith.index_cast %get3A_301 : i32 to index
      %get3A_303 = arith.index_cast %scan3A_257 : i32 to index
      %get3A_304 = arith.constant 32 : index
      %get3A_305 = tpu.vector_load %arg9[%get3A_302, %get3A_303, %get3A_304] {strides = array<i32>} : memref<2x32x512xf32, #tpu.memory_space<vmem>>, vector<1x1x16xf32>,
      %get3A_306 = vector.shape_cast %get3A_305 : vector<1x1x16xf32> to vector<16xf32>
      %get3A_307 = arith.constant 0 : i32
      %get3A_308 = arith.index_cast %get3A_307 : i32 to index
      %get3A_309 = arith.index_cast %scan3A_257 : i32 to index
      %get3A_310 = arith.constant 32 : index
      %get3A_311 = tpu.vector_load %arg10[%get3A_308, %get3A_309, %get3A_310] {strides = array<i32>} : memref<2x32x512xf32, #tpu.memory_space<vmem>>, vector<1x1x16xf32>,
      %get3A_312 = vector.shape_cast %get3A_311 : vector<1x1x16xf32> to vector<16xf32>
      %sub3A_313 = arith.subf %get3A_306, %get3A_312 : vector<16xf32>
      %mul3A_314 = arith.mulf %get3A_262, %sub3A_313 : vector<16xf32>
      %add3A_315 = arith.addf %get3A_312, %mul3A_314 : vector<16xf32>
      %swap3A_316 = arith.index_cast %scan3A_257 : i32 to index
      %swap3A_317 = arith.constant 32 : index
      %swap3A_318 = tpu.vector_load %arg11[%swap3A_316, %swap3A_317] {strides = array<i32>} : memref<32x512xf32, #tpu.memory_space<vmem>>, vector<1x16xf32>,
      %swap3A_319 = vector.shape_cast %swap3A_318 : vector<1x16xf32> to vector<16xf32>
      %swap3A_320 = vector.shape_cast %add3A_315 : vector<16xf32> to vector<1x16xf32>
      tpu.vector_store %arg11[%swap3A_316, %swap3A_317], %swap3A_320 {strides = array<i32>} : memref<32x512xf32, #tpu.memory_space<vmem>>, vector<1x16xf32>,
      %get3A_321 = arith.constant 0 : i32
      %get3A_322 = arith.index_cast %get3A_321 : i32 to index
      %get3A_323 = arith.index_cast %scan3A_257 : i32 to index
      %get3A_324 = arith.constant 48 : index
      %get3A_325 = tpu.vector_load %arg9[%get3A_322, %get3A_323, %get3A_324] {strides = array<i32>} : memref<2x32x512xf32, #tpu.memory_space<vmem>>, vector<1x1x16xf32>,
      %get3A_326 = vector.shape_cast %get3A_325 : vector<1x1x16xf32> to vector<16xf32>
      %get3A_327 = arith.constant 0 : i32
      %get3A_328 = arith.index_cast %get3A_327 : i32 to index
      %get3A_329 = arith.index_cast %scan3A_257 : i32 to index
      %get3A_330 = arith.constant 48 : index
      %get3A_331 = tpu.vector_load %arg10[%get3A_328, %get3A_329, %get3A_330] {strides = array<i32>} : memref<2x32x512xf32, #tpu.memory_space<vmem>>, vector<1x1x16xf32>,
      %get3A_332 = vector.shape_cast %get3A_331 : vector<1x1x16xf32> to vector<16xf32>
      %sub3A_333 = arith.subf %get3A_326, %get3A_332 : vector<16xf32>
      %mul3A_334 = arith.mulf %get3A_262, %sub3A_333 : vector<16xf32>
      %add3A_335 = arith.addf %get3A_332, %mul3A_334 : vector<16xf32>
      %swap3A_336 = arith.index_cast %scan3A_257 : i32 to index
      %swap3A_337 = arith.constant 48 : index
      %swap3A_338 = tpu.vector_load %arg11[%swap3A_336, %swap3A_337] {strides = array<i32>} : memref<32x512xf32, #tpu.memory_space<vmem>>, vector<1x16xf32>,
      %swap3A_339 = vector.shape_cast %swap3A_338 : vector<1x16xf32> to vector<16xf32>
      %swap3A_340 = vector.shape_cast %add3A_335 : vector<16xf32> to vector<1x16xf32>
      tpu.vector_store %arg11[%swap3A_336, %swap3A_337], %swap3A_340 {strides = array<i32>} : memref<32x512xf32, #tpu.memory_space<vmem>>, vector<1x16xf32>,
      %get3A_341 = arith.constant 0 : i32
      %get3A_342 = arith.index_cast %get3A_341 : i32 to index
      %get3A_343 = arith.index_cast %scan3A_257 : i32 to index
      %get3A_344 = arith.constant 64 : index
      %get3A_345 = tpu.vector_load %arg9[%get3A_342, %get3A_343, %get3A_344] {strides = array<i32>} : memref<2x32x512xf32, #tpu.memory_space<vmem>>, vector<1x1x16xf32>,
      %get3A_346 = vector.shape_cast %get3A_345 : vector<1x1x16xf32> to vector<16xf32>
      %get3A_347 = arith.constant 0 : i32
      %get3A_348 = arith.index_cast %get3A_347 : i32 to index
      %get3A_349 = arith.index_cast %scan3A_257 : i32 to index
      %get3A_350 = arith.constant 64 : index
      %get3A_351 = tpu.vector_load %arg10[%get3A_348, %get3A_349, %get3A_350] {strides = array<i32>} : memref<2x32x512xf32, #tpu.memory_space<vmem>>, vector<1x1x16xf32>,
      %get3A_352 = vector.shape_cast %get3A_351 : vector<1x1x16xf32> to vector<16xf32>
      %sub3A_353 = arith.subf %get3A_346, %get3A_352 : vector<16xf32>
      %mul3A_354 = arith.mulf %get3A_262, %sub3A_353 : vector<16xf32>
      %add3A_355 = arith.addf %get3A_352, %mul3A_354 : vector<16xf32>
      %swap3A_356 = arith.index_cast %scan3A_257 : i32 to index
      %swap3A_357 = arith.constant 64 : index
      %swap3A_358 = tpu.vector_load %arg11[%swap3A_356, %swap3A_357] {strides = array<i32>} : memref<32x512xf32, #tpu.memory_space<vmem>>, vector<1x16xf32>,
      %swap3A_359 = vector.shape_cast %swap3A_358 : vector<1x16xf32> to vector<16xf32>
      %swap3A_360 = vector.shape_cast %add3A_355 : vector<16xf32> to vector<1x16xf32>
      tpu.vector_store %arg11[%swap3A_356, %swap3A_357], %swap3A_360 {strides = array<i32>} : memref<32x512xf32, #tpu.memory_space<vmem>>, vector<1x16xf32>,
      %get3A_361 = arith.constant 0 : i32
      %get3A_362 = arith.index_cast %get3A_361 : i32 to index
      %get3A_363 = arith.index_cast %scan3A_257 : i32 to index
      %get3A_364 = arith.constant 80 : index
      %get3A_365 = tpu.vector_load %arg9[%get3A_362, %get3A_363, %get3A_364] {strides = array<i32>} : memref<2x32x512xf32, #tpu.memory_space<vmem>>, vector<1x1x16xf32>,
      %get3A_366 = vector.shape_cast %get3A_365 : vector<1x1x16xf32> to vector<16xf32>
      %get3A_367 = arith.constant 0 : i32
      %get3A_368 = arith.index_cast %get3A_367 : i32 to index
      %get3A_369 = arith.index_cast %scan3A_257 : i32 to index
      %get3A_370 = arith.constant 80 : index
      %get3A_371 = tpu.vector_load %arg10[%get3A_368, %get3A_369, %get3A_370] {strides = array<i32>} : memref<2x32x512xf32, #tpu.memory_space<vmem>>, vector<1x1x16xf32>,
      %get3A_372 = vector.shape_cast %get3A_371 : vector<1x1x16xf32> to vector<16xf32>
      %sub3A_373 = arith.subf %get3A_366, %get3A_372 : vector<16xf32>
      %mul3A_374 = arith.mulf %get3A_262, %sub3A_373 : vector<16xf32>
      %add3A_375 = arith.addf %get3A_372, %mul3A_374 : vector<16xf32>
      %swap3A_376 = arith.index_cast %scan3A_257 : i32 to index
      %swap3A_377 = arith.constant 80 : index
      %swap3A_378 = tpu.vector_load %arg11[%swap3A_376, %swap3A_377] {strides = array<i32>} : memref<32x512xf32, #tpu.memory_space<vmem>>, vector<1x16xf32>,
      %swap3A_379 = vector.shape_cast %swap3A_378 : vector<1x16xf32> to vector<16xf32>
      %swap3A_380 = vector.shape_cast %add3A_375 : vector<16xf32> to vector<1x16xf32>
      tpu.vector_store %arg11[%swap3A_376, %swap3A_377], %swap3A_380 {strides = array<i32>} : memref<32x512xf32, #tpu.memory_space<vmem>>, vector<1x16xf32>,
      %get3A_381 = arith.constant 0 : i32
      %get3A_382 = arith.index_cast %get3A_381 : i32 to index
      %get3A_383 = arith.index_cast %scan3A_257 : i32 to index
      %get3A_384 = arith.constant 96 : index
      %get3A_385 = tpu.vector_load %arg9[%get3A_382, %get3A_383, %get3A_384] {strides = array<i32>} : memref<2x32x512xf32, #tpu.memory_space<vmem>>, vector<1x1x16xf32>,
      %get3A_386 = vector.shape_cast %get3A_385 : vector<1x1x16xf32> to vector<16xf32>
      %get3A_387 = arith.constant 0 : i32
      %get3A_388 = arith.index_cast %get3A_387 : i32 to index
      %get3A_389 = arith.index_cast %scan3A_257 : i32 to index
      %get3A_390 = arith.constant 96 : index
      %get3A_391 = tpu.vector_load %arg10[%get3A_388, %get3A_389, %get3A_390] {strides = array<i32>} : memref<2x32x512xf32, #tpu.memory_space<vmem>>, vector<1x1x16xf32>,
      %get3A_392 = vector.shape_cast %get3A_391 : vector<1x1x16xf32> to vector<16xf32>
      %sub3A_393 = arith.subf %get3A_386, %get3A_392 : vector<16xf32>
      %mul3A_394 = arith.mulf %get3A_262, %sub3A_393 : vector<16xf32>
      %add3A_395 = arith.addf %get3A_392, %mul3A_394 : vector<16xf32>
      %swap3A_396 = arith.index_cast %scan3A_257 : i32 to index
      %swap3A_397 = arith.constant 96 : index
      %swap3A_398 = tpu.vector_load %arg11[%swap3A_396, %swap3A_397] {strides = array<i32>} : memref<32x512xf32, #tpu.memory_space<vmem>>, vector<1x16xf32>,
      %swap3A_399 = vector.shape_cast %swap3A_398 : vector<1x16xf32> to vector<16xf32>
      %swap3A_400 = vector.shape_cast %add3A_395 : vector<16xf32> to vector<1x16xf32>
      tpu.vector_store %arg11[%swap3A_396, %swap3A_397], %swap3A_400 {strides = array<i32>} : memref<32x512xf32, #tpu.memory_space<vmem>>, vector<1x16xf32>,
      %get3A_401 = arith.constant 0 : i32
      %get3A_402 = arith.index_cast %get3A_401 : i32 to index
      %get3A_403 = arith.index_cast %scan3A_257 : i32 to index
      %get3A_404 = arith.constant 112 : index
      %get3A_405 = tpu.vector_load %arg9[%get3A_402, %get3A_403, %get3A_404] {strides = array<i32>} : memref<2x32x512xf32, #tpu.memory_space<vmem>>, vector<1x1x16xf32>,
      %get3A_406 = vector.shape_cast %get3A_405 : vector<1x1x16xf32> to vector<16xf32>
      %get3A_407 = arith.constant 0 : i32
      %get3A_408 = arith.index_cast %get3A_407 : i32 to index
      %get3A_409 = arith.index_cast %scan3A_257 : i32 to index
      %get3A_410 = arith.constant 112 : index
      %get3A_411 = tpu.vector_load %arg10[%get3A_408, %get3A_409, %get3A_410] {strides = array<i32>} : memref<2x32x512xf32, #tpu.memory_space<vmem>>, vector<1x1x16xf32>,
      %get3A_412 = vector.shape_cast %get3A_411 : vector<1x1x16xf32> to vector<16xf32>
      %sub3A_413 = arith.subf %get3A_406, %get3A_412 : vector<16xf32>
      %mul3A_414 = arith.mulf %get3A_262, %sub3A_413 : vector<16xf32>
      %add3A_415 = arith.addf %get3A_412, %mul3A_414 : vector<16xf32>
      %swap3A_416 = arith.index_cast %scan3A_257 : i32 to index
      %swap3A_417 = arith.constant 112 : index
      %swap3A_418 = tpu.vector_load %arg11[%swap3A_416, %swap3A_417] {strides = array<i32>} : memref<32x512xf32, #tpu.memory_space<vmem>>, vector<1x16xf32>,
      %swap3A_419 = vector.shape_cast %swap3A_418 : vector<1x16xf32> to vector<16xf32>
      %swap3A_420 = vector.shape_cast %add3A_415 : vector<16xf32> to vector<1x16xf32>
      tpu.vector_store %arg11[%swap3A_416, %swap3A_417], %swap3A_420 {strides = array<i32>} : memref<32x512xf32, #tpu.memory_space<vmem>>, vector<1x16xf32>,
      %get3A_421 = arith.constant 0 : i32
      %get3A_422 = arith.index_cast %get3A_421 : i32 to index
      %get3A_423 = arith.index_cast %scan3A_257 : i32 to index
      %get3A_424 = arith.constant 128 : index
      %get3A_425 = tpu.vector_load %arg9[%get3A_422, %get3A_423, %get3A_424] {strides = array<i32>} : memref<2x32x512xf32, #tpu.memory_space<vmem>>, vector<1x1x16xf32>,
      %get3A_426 = vector.shape_cast %get3A_425 : vector<1x1x16xf32> to vector<16xf32>
      %get3A_427 = arith.constant 0 : i32
      %get3A_428 = arith.index_cast %get3A_427 : i32 to index
      %get3A_429 = arith.index_cast %scan3A_257 : i32 to index
      %get3A_430 = arith.constant 128 : index
      %get3A_431 = tpu.vector_load %arg10[%get3A_428, %get3A_429, %get3A_430] {strides = array<i32>} : memref<2x32x512xf32, #tpu.memory_space<vmem>>, vector<1x1x16xf32>,
      %get3A_432 = vector.shape_cast %get3A_431 : vector<1x1x16xf32> to vector<16xf32>
      %sub3A_433 = arith.subf %get3A_426, %get3A_432 : vector<16xf32>
      %mul3A_434 = arith.mulf %get3A_262, %sub3A_433 : vector<16xf32>
      %add3A_435 = arith.addf %get3A_432, %mul3A_434 : vector<16xf32>
      %swap3A_436 = arith.index_cast %scan3A_257 : i32 to index
      %swap3A_437 = arith.constant 128 : index
      %swap3A_438 = tpu.vector_load %arg11[%swap3A_436, %swap3A_437] {strides = array<i32>} : memref<32x512xf32, #tpu.memory_space<vmem>>, vector<1x16xf32>,
      %swap3A_439 = vector.shape_cast %swap3A_438 : vector<1x16xf32> to vector<16xf32>
      %swap3A_440 = vector.shape_cast %add3A_435 : vector<16xf32> to vector<1x16xf32>
      tpu.vector_store %arg11[%swap3A_436, %swap3A_437], %swap3A_440 {strides = array<i32>} : memref<32x512xf32, #tpu.memory_space<vmem>>, vector<1x16xf32>,
      %get3A_441 = arith.constant 0 : i32
      %get3A_442 = arith.index_cast %get3A_441 : i32 to index
      %get3A_443 = arith.index_cast %scan3A_257 : i32 to index
      %get3A_444 = arith.constant 144 : index
      %get3A_445 = tpu.vector_load %arg9[%get3A_442, %get3A_443, %get3A_444] {strides = array<i32>} : memref<2x32x512xf32, #tpu.memory_space<vmem>>, vector<1x1x16xf32>,
      %get3A_446 = vector.shape_cast %get3A_445 : vector<1x1x16xf32> to vector<16xf32>
      %get3A_447 = arith.constant 0 : i32
      %get3A_448 = arith.index_cast %get3A_447 : i32 to index
      %get3A_449 = arith.index_cast %scan3A_257 : i32 to index
      %get3A_450 = arith.constant 144 : index
      %get3A_451 = tpu.vector_load %arg10[%get3A_448, %get3A_449, %get3A_450] {strides = array<i32>} : memref<2x32x512xf32, #tpu.memory_space<vmem>>, vector<1x1x16xf32>,
      %get3A_452 = vector.shape_cast %get3A_451 : vector<1x1x16xf32> to vector<16xf32>
      %sub3A_453 = arith.subf %get3A_446, %get3A_452 : vector<16xf32>
      %mul3A_454 = arith.mulf %get3A_262, %sub3A_453 : vector<16xf32>
      %add3A_455 = arith.addf %get3A_452, %mul3A_454 : vector<16xf32>
      %swap3A_456 = arith.index_cast %scan3A_257 : i32 to index
      %swap3A_457 = arith.constant 144 : index
      %swap3A_458 = tpu.vector_load %arg11[%swap3A_456, %swap3A_457] {strides = array<i32>} : memref<32x512xf32, #tpu.memory_space<vmem>>, vector<1x16xf32>,
      %swap3A_459 = vector.shape_cast %swap3A_458 : vector<1x16xf32> to vector<16xf32>
      %swap3A_460 = vector.shape_cast %add3A_455 : vector<16xf32> to vector<1x16xf32>
      tpu.vector_store %arg11[%swap3A_456, %swap3A_457], %swap3A_460 {strides = array<i32>} : memref<32x512xf32, #tpu.memory_space<vmem>>, vector<1x16xf32>,
      %get3A_461 = arith.constant 0 : i32
      %get3A_462 = arith.index_cast %get3A_461 : i32 to index
      %get3A_463 = arith.index_cast %scan3A_257 : i32 to index
      %get3A_464 = arith.constant 160 : index
      %get3A_465 = tpu.vector_load %arg9[%get3A_462, %get3A_463, %get3A_464] {strides = array<i32>} : memref<2x32x512xf32, #tpu.memory_space<vmem>>, vector<1x1x16xf32>,
      %get3A_466 = vector.shape_cast %get3A_465 : vector<1x1x16xf32> to vector<16xf32>
      %get3A_467 = arith.constant 0 : i32
      %get3A_468 = arith.index_cast %get3A_467 : i32 to index
      %get3A_469 = arith.index_cast %scan3A_257 : i32 to index
      %get3A_470 = arith.constant 160 : index
      %get3A_471 = tpu.vector_load %arg10[%get3A_468, %get3A_469, %get3A_470] {strides = array<i32>} : memref<2x32x512xf32, #tpu.memory_space<vmem>>, vector<1x1x16xf32>,
      %get3A_472 = vector.shape_cast %get3A_471 : vector<1x1x16xf32> to vector<16xf32>
      %sub3A_473 = arith.subf %get3A_466, %get3A_472 : vector<16xf32>
      %mul3A_474 = arith.mulf %get3A_262, %sub3A_473 : vector<16xf32>
      %add3A_475 = arith.addf %get3A_472, %mul3A_474 : vector<16xf32>
      %swap3A_476 = arith.index_cast %scan3A_257 : i32 to index
      %swap3A_477 = arith.constant 160 : index
      %swap3A_478 = tpu.vector_load %arg11[%swap3A_476, %swap3A_477] {strides = array<i32>} : memref<32x512xf32, #tpu.memory_space<vmem>>, vector<1x16xf32>,
      %swap3A_479 = vector.shape_cast %swap3A_478 : vector<1x16xf32> to vector<16xf32>
      %swap3A_480 = vector.shape_cast %add3A_475 : vector<16xf32> to vector<1x16xf32>
      tpu.vector_store %arg11[%swap3A_476, %swap3A_477], %swap3A_480 {strides = array<i32>} : memref<32x512xf32, #tpu.memory_space<vmem>>, vector<1x16xf32>,
      %get3A_481 = arith.constant 0 : i32
      %get3A_482 = arith.index_cast %get3A_481 : i32 to index
      %get3A_483 = arith.index_cast %scan3A_257 : i32 to index
      %get3A_484 = arith.constant 176 : index
      %get3A_485 = tpu.vector_load %arg9[%get3A_482, %get3A_483, %get3A_484] {strides = array<i32>} : memref<2x32x512xf32, #tpu.memory_space<vmem>>, vector<1x1x16xf32>,
      %get3A_486 = vector.shape_cast %get3A_485 : vector<1x1x16xf32> to vector<16xf32>
      %get3A_487 = arith.constant 0 : i32
      %get3A_488 = arith.index_cast %get3A_487 : i32 to index
      %get3A_489 = arith.index_cast %scan3A_257 : i32 to index
      %get3A_490 = arith.constant 176 : index
      %get3A_491 = tpu.vector_load %arg10[%get3A_488, %get3A_489, %get3A_490] {strides = array<i32>} : memref<2x32x512xf32, #tpu.memory_space<vmem>>, vector<1x1x16xf32>,
      %get3A_492 = vector.shape_cast %get3A_491 : vector<1x1x16xf32> to vector<16xf32>
      %sub3A_493 = arith.subf %get3A_486, %get3A_492 : vector<16xf32>
      %mul3A_494 = arith.mulf %get3A_262, %sub3A_493 : vector<16xf32>
      %add3A_495 = arith.addf %get3A_492, %mul3A_494 : vector<16xf32>
      %swap3A_496 = arith.index_cast %scan3A_257 : i32 to index
      %swap3A_497 = arith.constant 176 : index
      %swap3A_498 = tpu.vector_load %arg11[%swap3A_496, %swap3A_497] {strides = array<i32>} : memref<32x512xf32, #tpu.memory_space<vmem>>, vector<1x16xf32>,
      %swap3A_499 = vector.shape_cast %swap3A_498 : vector<1x16xf32> to vector<16xf32>
      %swap3A_500 = vector.shape_cast %add3A_495 : vector<16xf32> to vector<1x16xf32>
      tpu.vector_store %arg11[%swap3A_496, %swap3A_497], %swap3A_500 {strides = array<i32>} : memref<32x512xf32, #tpu.memory_space<vmem>>, vector<1x16xf32>,
      %get3A_501 = arith.constant 0 : i32
      %get3A_502 = arith.index_cast %get3A_501 : i32 to index
      %get3A_503 = arith.index_cast %scan3A_257 : i32 to index
      %get3A_504 = arith.constant 192 : index
      %get3A_505 = tpu.vector_load %arg9[%get3A_502, %get3A_503, %get3A_504] {strides = array<i32>} : memref<2x32x512xf32, #tpu.memory_space<vmem>>, vector<1x1x16xf32>,
      %get3A_506 = vector.shape_cast %get3A_505 : vector<1x1x16xf32> to vector<16xf32>
      %get3A_507 = arith.constant 0 : i32
      %get3A_508 = arith.index_cast %get3A_507 : i32 to index
      %get3A_509 = arith.index_cast %scan3A_257 : i32 to index
      %get3A_510 = arith.constant 192 : index
      %get3A_511 = tpu.vector_load %arg10[%get3A_508, %get3A_509, %get3A_510] {strides = array<i32>} : memref<2x32x512xf32, #tpu.memory_space<vmem>>, vector<1x1x16xf32>,
      %get3A_512 = vector.shape_cast %get3A_511 : vector<1x1x16xf32> to vector<16xf32>
      %sub3A_513 = arith.subf %get3A_506, %get3A_512 : vector<16xf32>
      %mul3A_514 = arith.mulf %get3A_262, %sub3A_513 : vector<16xf32>
      %add3A_515 = arith.addf %get3A_512, %mul3A_514 : vector<16xf32>
      %swap3A_516 = arith.index_cast %scan3A_257 : i32 to index
      %swap3A_517 = arith.constant 192 : index
      %swap3A_518 = tpu.vector_load %arg11[%swap3A_516, %swap3A_517] {strides = array<i32>} : memref<32x512xf32, #tpu.memory_space<vmem>>, vector<1x16xf32>,
      %swap3A_519 = vector.shape_cast %swap3A_518 : vector<1x16xf32> to vector<16xf32>
      %swap3A_520 = vector.shape_cast %add3A_515 : vector<16xf32> to vector<1x16xf32>
      tpu.vector_store %arg11[%swap3A_516, %swap3A_517], %swap3A_520 {strides = array<i32>} : memref<32x512xf32, #tpu.memory_space<vmem>>, vector<1x16xf32>,
      %get3A_521 = arith.constant 0 : i32
      %get3A_522 = arith.index_cast %get3A_521 : i32 to index
      %get3A_523 = arith.index_cast %scan3A_257 : i32 to index
      %get3A_524 = arith.constant 208 : index
      %get3A_525 = tpu.vector_load %arg9[%get3A_522, %get3A_523, %get3A_524] {strides = array<i32>} : memref<2x32x512xf32, #tpu.memory_space<vmem>>, vector<1x1x16xf32>,
      %get3A_526 = vector.shape_cast %get3A_525 : vector<1x1x16xf32> to vector<16xf32>
      %get3A_527 = arith.constant 0 : i32
      %get3A_528 = arith.index_cast %get3A_527 : i32 to index
      %get3A_529 = arith.index_cast %scan3A_257 : i32 to index
      %get3A_530 = arith.constant 208 : index
      %get3A_531 = tpu.vector_load %arg10[%get3A_528, %get3A_529, %get3A_530] {strides = array<i32>} : memref<2x32x512xf32, #tpu.memory_space<vmem>>, vector<1x1x16xf32>,
      %get3A_532 = vector.shape_cast %get3A_531 : vector<1x1x16xf32> to vector<16xf32>
      %sub3A_533 = arith.subf %get3A_526, %get3A_532 : vector<16xf32>
      %mul3A_534 = arith.mulf %get3A_262, %sub3A_533 : vector<16xf32>
      %add3A_535 = arith.addf %get3A_532, %mul3A_534 : vector<16xf32>
      %swap3A_536 = arith.index_cast %scan3A_257 : i32 to index
      %swap3A_537 = arith.constant 208 : index
      %swap3A_538 = tpu.vector_load %arg11[%swap3A_536, %swap3A_537] {strides = array<i32>} : memref<32x512xf32, #tpu.memory_space<vmem>>, vector<1x16xf32>,
      %swap3A_539 = vector.shape_cast %swap3A_538 : vector<1x16xf32> to vector<16xf32>
      %swap3A_540 = vector.shape_cast %add3A_535 : vector<16xf32> to vector<1x16xf32>
      tpu.vector_store %arg11[%swap3A_536, %swap3A_537], %swap3A_540 {strides = array<i32>} : memref<32x512xf32, #tpu.memory_space<vmem>>, vector<1x16xf32>,
      %get3A_541 = arith.constant 0 : i32
      %get3A_542 = arith.index_cast %get3A_541 : i32 to index
      %get3A_543 = arith.index_cast %scan3A_257 : i32 to index
      %get3A_544 = arith.constant 224 : index
      %get3A_545 = tpu.vector_load %arg9[%get3A_542, %get3A_543, %get3A_544] {strides = array<i32>} : memref<2x32x512xf32, #tpu.memory_space<vmem>>, vector<1x1x16xf32>,
      %get3A_546 = vector.shape_cast %get3A_545 : vector<1x1x16xf32> to vector<16xf32>
      %get3A_547 = arith.constant 0 : i32
      %get3A_548 = arith.index_cast %get3A_547 : i32 to index
      %get3A_549 = arith.index_cast %scan3A_257 : i32 to index
      %get3A_550 = arith.constant 224 : index
      %get3A_551 = tpu.vector_load %arg10[%get3A_548, %get3A_549, %get3A_550] {strides = array<i32>} : memref<2x32x512xf32, #tpu.memory_space<vmem>>, vector<1x1x16xf32>,
      %get3A_552 = vector.shape_cast %get3A_551 : vector<1x1x16xf32> to vector<16xf32>
      %sub3A_553 = arith.subf %get3A_546, %get3A_552 : vector<16xf32>
      %mul3A_554 = arith.mulf %get3A_262, %sub3A_553 : vector<16xf32>
      %add3A_555 = arith.addf %get3A_552, %mul3A_554 : vector<16xf32>
      %swap3A_556 = arith.index_cast %scan3A_257 : i32 to index
      %swap3A_557 = arith.constant 224 : index
      %swap3A_558 = tpu.vector_load %arg11[%swap3A_556, %swap3A_557] {strides = array<i32>} : memref<32x512xf32, #tpu.memory_space<vmem>>, vector<1x16xf32>,
      %swap3A_559 = vector.shape_cast %swap3A_558 : vector<1x16xf32> to vector<16xf32>
      %swap3A_560 = vector.shape_cast %add3A_555 : vector<16xf32> to vector<1x16xf32>
      tpu.vector_store %arg11[%swap3A_556, %swap3A_557], %swap3A_560 {strides = array<i32>} : memref<32x512xf32, #tpu.memory_space<vmem>>, vector<1x16xf32>,
      %get3A_561 = arith.constant 0 : i32
      %get3A_562 = arith.index_cast %get3A_561 : i32 to index
      %get3A_563 = arith.index_cast %scan3A_257 : i32 to index
      %get3A_564 = arith.constant 240 : index
      %get3A_565 = tpu.vector_load %arg9[%get3A_562, %get3A_563, %get3A_564] {strides = array<i32>} : memref<2x32x512xf32, #tpu.memory_space<vmem>>, vector<1x1x16xf32>,
      %get3A_566 = vector.shape_cast %get3A_565 : vector<1x1x16xf32> to vector<16xf32>
      %get3A_567 = arith.constant 0 : i32
      %get3A_568 = arith.index_cast %get3A_567 : i32 to index
      %get3A_569 = arith.index_cast %scan3A_257 : i32 to index
      %get3A_570 = arith.constant 240 : index
      %get3A_571 = tpu.vector_load %arg10[%get3A_568, %get3A_569, %get3A_570] {strides = array<i32>} : memref<2x32x512xf32, #tpu.memory_space<vmem>>, vector<1x1x16xf32>,
      %get3A_572 = vector.shape_cast %get3A_571 : vector<1x1x16xf32> to vector<16xf32>
      %sub3A_573 = arith.subf %get3A_566, %get3A_572 : vector<16xf32>
      %mul3A_574 = arith.mulf %get3A_262, %sub3A_573 : vector<16xf32>
      %add3A_575 = arith.addf %get3A_572, %mul3A_574 : vector<16xf32>
      %swap3A_576 = arith.index_cast %scan3A_257 : i32 to index
      %swap3A_577 = arith.constant 240 : index
      %swap3A_578 = tpu.vector_load %arg11[%swap3A_576, %swap3A_577] {strides = array<i32>} : memref<32x512xf32, #tpu.memory_space<vmem>>, vector<1x16xf32>,
      %swap3A_579 = vector.shape_cast %swap3A_578 : vector<1x16xf32> to vector<16xf32>
      %swap3A_580 = vector.shape_cast %add3A_575 : vector<16xf32> to vector<1x16xf32>
      tpu.vector_store %arg11[%swap3A_576, %swap3A_577], %swap3A_580 {strides = array<i32>} : memref<32x512xf32, #tpu.memory_space<vmem>>, vector<1x16xf32>,
      %get3A_581 = arith.constant 0 : i32
      %get3A_582 = arith.index_cast %get3A_581 : i32 to index
      %get3A_583 = arith.index_cast %scan3A_257 : i32 to index
      %get3A_584 = arith.constant 256 : index
      %get3A_585 = tpu.vector_load %arg9[%get3A_582, %get3A_583, %get3A_584] {strides = array<i32>} : memref<2x32x512xf32, #tpu.memory_space<vmem>>, vector<1x1x16xf32>,
      %get3A_586 = vector.shape_cast %get3A_585 : vector<1x1x16xf32> to vector<16xf32>
      %get3A_587 = arith.constant 0 : i32
      %get3A_588 = arith.index_cast %get3A_587 : i32 to index
      %get3A_589 = arith.index_cast %scan3A_257 : i32 to index
      %get3A_590 = arith.constant 256 : index
      %get3A_591 = tpu.vector_load %arg10[%get3A_588, %get3A_589, %get3A_590] {strides = array<i32>} : memref<2x32x512xf32, #tpu.memory_space<vmem>>, vector<1x1x16xf32>,
      %get3A_592 = vector.shape_cast %get3A_591 : vector<1x1x16xf32> to vector<16xf32>
      %sub3A_593 = arith.subf %get3A_586, %get3A_592 : vector<16xf32>
      %mul3A_594 = arith.mulf %get3A_262, %sub3A_593 : vector<16xf32>
      %add3A_595 = arith.addf %get3A_592, %mul3A_594 : vector<16xf32>
      %swap3A_596 = arith.index_cast %scan3A_257 : i32 to index
      %swap3A_597 = arith.constant 256 : index
      %swap3A_598 = tpu.vector_load %arg11[%swap3A_596, %swap3A_597] {strides = array<i32>} : memref<32x512xf32, #tpu.memory_space<vmem>>, vector<1x16xf32>,
      %swap3A_599 = vector.shape_cast %swap3A_598 : vector<1x16xf32> to vector<16xf32>
      %swap3A_600 = vector.shape_cast %add3A_595 : vector<16xf32> to vector<1x16xf32>
      tpu.vector_store %arg11[%swap3A_596, %swap3A_597], %swap3A_600 {strides = array<i32>} : memref<32x512xf32, #tpu.memory_space<vmem>>, vector<1x16xf32>,
      %get3A_601 = arith.constant 0 : i32
      %get3A_602 = arith.index_cast %get3A_601 : i32 to index
      %get3A_603 = arith.index_cast %scan3A_257 : i32 to index
      %get3A_604 = arith.constant 272 : index
      %get3A_605 = tpu.vector_load %arg9[%get3A_602, %get3A_603, %get3A_604] {strides = array<i32>} : memref<2x32x512xf32, #tpu.memory_space<vmem>>, vector<1x1x16xf32>,
      %get3A_606 = vector.shape_cast %get3A_605 : vector<1x1x16xf32> to vector<16xf32>
      %get3A_607 = arith.constant 0 : i32
      %get3A_608 = arith.index_cast %get3A_607 : i32 to index
      %get3A_609 = arith.index_cast %scan3A_257 : i32 to index
      %get3A_610 = arith.constant 272 : index
      %get3A_611 = tpu.vector_load %arg10[%get3A_608, %get3A_609, %get3A_610] {strides = array<i32>} : memref<2x32x512xf32, #tpu.memory_space<vmem>>, vector<1x1x16xf32>,
      %get3A_612 = vector.shape_cast %get3A_611 : vector<1x1x16xf32> to vector<16xf32>
      %sub3A_613 = arith.subf %get3A_606, %get3A_612 : vector<16xf32>
      %mul3A_614 = arith.mulf %get3A_262, %sub3A_613 : vector<16xf32>
      %add3A_615 = arith.addf %get3A_612, %mul3A_614 : vector<16xf32>
      %swap3A_616 = arith.index_cast %scan3A_257 : i32 to index
      %swap3A_617 = arith.constant 272 : index
      %swap3A_618 = tpu.vector_load %arg11[%swap3A_616, %swap3A_617] {strides = array<i32>} : memref<32x512xf32, #tpu.memory_space<vmem>>, vector<1x16xf32>,
      %swap3A_619 = vector.shape_cast %swap3A_618 : vector<1x16xf32> to vector<16xf32>
      %swap3A_620 = vector.shape_cast %add3A_615 : vector<16xf32> to vector<1x16xf32>
      tpu.vector_store %arg11[%swap3A_616, %swap3A_617], %swap3A_620 {strides = array<i32>} : memref<32x512xf32, #tpu.memory_space<vmem>>, vector<1x16xf32>,
      %get3A_621 = arith.constant 0 : i32
      %get3A_622 = arith.index_cast %get3A_621 : i32 to index
      %get3A_623 = arith.index_cast %scan3A_257 : i32 to index
      %get3A_624 = arith.constant 288 : index
      %get3A_625 = tpu.vector_load %arg9[%get3A_622, %get3A_623, %get3A_624] {strides = array<i32>} : memref<2x32x512xf32, #tpu.memory_space<vmem>>, vector<1x1x16xf32>,
      %get3A_626 = vector.shape_cast %get3A_625 : vector<1x1x16xf32> to vector<16xf32>
      %get3A_627 = arith.constant 0 : i32
      %get3A_628 = arith.index_cast %get3A_627 : i32 to index
      %get3A_629 = arith.index_cast %scan3A_257 : i32 to index
      %get3A_630 = arith.constant 288 : index
      %get3A_631 = tpu.vector_load %arg10[%get3A_628, %get3A_629, %get3A_630] {strides = array<i32>} : memref<2x32x512xf32, #tpu.memory_space<vmem>>, vector<1x1x16xf32>,
      %get3A_632 = vector.shape_cast %get3A_631 : vector<1x1x16xf32> to vector<16xf32>
      %sub3A_633 = arith.subf %get3A_626, %get3A_632 : vector<16xf32>
      %mul3A_634 = arith.mulf %get3A_262, %sub3A_633 : vector<16xf32>
      %add3A_635 = arith.addf %get3A_632, %mul3A_634 : vector<16xf32>
      %swap3A_636 = arith.index_cast %scan3A_257 : i32 to index
      %swap3A_637 = arith.constant 288 : index
      %swap3A_638 = tpu.vector_load %arg11[%swap3A_636, %swap3A_637] {strides = array<i32>} : memref<32x512xf32, #tpu.memory_space<vmem>>, vector<1x16xf32>,
      %swap3A_639 = vector.shape_cast %swap3A_638 : vector<1x16xf32> to vector<16xf32>
      %swap3A_640 = vector.shape_cast %add3A_635 : vector<16xf32> to vector<1x16xf32>
      tpu.vector_store %arg11[%swap3A_636, %swap3A_637], %swap3A_640 {strides = array<i32>} : memref<32x512xf32, #tpu.memory_space<vmem>>, vector<1x16xf32>,
      %get3A_641 = arith.constant 0 : i32
      %get3A_642 = arith.index_cast %get3A_641 : i32 to index
      %get3A_643 = arith.index_cast %scan3A_257 : i32 to index
      %get3A_644 = arith.constant 304 : index
      %get3A_645 = tpu.vector_load %arg9[%get3A_642, %get3A_643, %get3A_644] {strides = array<i32>} : memref<2x32x512xf32, #tpu.memory_space<vmem>>, vector<1x1x16xf32>,
      %get3A_646 = vector.shape_cast %get3A_645 : vector<1x1x16xf32> to vector<16xf32>
      %get3A_647 = arith.constant 0 : i32
      %get3A_648 = arith.index_cast %get3A_647 : i32 to index
      %get3A_649 = arith.index_cast %scan3A_257 : i32 to index
      %get3A_650 = arith.constant 304 : index
      %get3A_651 = tpu.vector_load %arg10[%get3A_648, %get3A_649, %get3A_650] {strides = array<i32>} : memref<2x32x512xf32, #tpu.memory_space<vmem>>, vector<1x1x16xf32>,
      %get3A_652 = vector.shape_cast %get3A_651 : vector<1x1x16xf32> to vector<16xf32>
      %sub3A_653 = arith.subf %get3A_646, %get3A_652 : vector<16xf32>
      %mul3A_654 = arith.mulf %get3A_262, %sub3A_653 : vector<16xf32>
      %add3A_655 = arith.addf %get3A_652, %mul3A_654 : vector<16xf32>
      %swap3A_656 = arith.index_cast %scan3A_257 : i32 to index
      %swap3A_657 = arith.constant 304 : index
      %swap3A_658 = tpu.vector_load %arg11[%swap3A_656, %swap3A_657] {strides = array<i32>} : memref<32x512xf32, #tpu.memory_space<vmem>>, vector<1x16xf32>,
      %swap3A_659 = vector.shape_cast %swap3A_658 : vector<1x16xf32> to vector<16xf32>
      %swap3A_660 = vector.shape_cast %add3A_655 : vector<16xf32> to vector<1x16xf32>
      tpu.vector_store %arg11[%swap3A_656, %swap3A_657], %swap3A_660 {strides = array<i32>} : memref<32x512xf32, #tpu.memory_space<vmem>>, vector<1x16xf32>,
      %get3A_661 = arith.constant 0 : i32
      %get3A_662 = arith.index_cast %get3A_661 : i32 to index
      %get3A_663 = arith.index_cast %scan3A_257 : i32 to index
      %get3A_664 = arith.constant 320 : index
      %get3A_665 = tpu.vector_load %arg9[%get3A_662, %get3A_663, %get3A_664] {strides = array<i32>} : memref<2x32x512xf32, #tpu.memory_space<vmem>>, vector<1x1x16xf32>,
      %get3A_666 = vector.shape_cast %get3A_665 : vector<1x1x16xf32> to vector<16xf32>
      %get3A_667 = arith.constant 0 : i32
      %get3A_668 = arith.index_cast %get3A_667 : i32 to index
      %get3A_669 = arith.index_cast %scan3A_257 : i32 to index
      %get3A_670 = arith.constant 320 : index
      %get3A_671 = tpu.vector_load %arg10[%get3A_668, %get3A_669, %get3A_670] {strides = array<i32>} : memref<2x32x512xf32, #tpu.memory_space<vmem>>, vector<1x1x16xf32>,
      %get3A_672 = vector.shape_cast %get3A_671 : vector<1x1x16xf32> to vector<16xf32>
      %sub3A_673 = arith.subf %get3A_666, %get3A_672 : vector<16xf32>
      %mul3A_674 = arith.mulf %get3A_262, %sub3A_673 : vector<16xf32>
      %add3A_675 = arith.addf %get3A_672, %mul3A_674 : vector<16xf32>
      %swap3A_676 = arith.index_cast %scan3A_257 : i32 to index
      %swap3A_677 = arith.constant 320 : index
      %swap3A_678 = tpu.vector_load %arg11[%swap3A_676, %swap3A_677] {strides = array<i32>} : memref<32x512xf32, #tpu.memory_space<vmem>>, vector<1x16xf32>,
      %swap3A_679 = vector.shape_cast %swap3A_678 : vector<1x16xf32> to vector<16xf32>
      %swap3A_680 = vector.shape_cast %add3A_675 : vector<16xf32> to vector<1x16xf32>
      tpu.vector_store %arg11[%swap3A_676, %swap3A_677], %swap3A_680 {strides = array<i32>} : memref<32x512xf32, #tpu.memory_space<vmem>>, vector<1x16xf32>,
      %get3A_681 = arith.constant 0 : i32
      %get3A_682 = arith.index_cast %get3A_681 : i32 to index
      %get3A_683 = arith.index_cast %scan3A_257 : i32 to index
      %get3A_684 = arith.constant 336 : index
      %get3A_685 = tpu.vector_load %arg9[%get3A_682, %get3A_683, %get3A_684] {strides = array<i32>} : memref<2x32x512xf32, #tpu.memory_space<vmem>>, vector<1x1x16xf32>,
      %get3A_686 = vector.shape_cast %get3A_685 : vector<1x1x16xf32> to vector<16xf32>
      %get3A_687 = arith.constant 0 : i32
      %get3A_688 = arith.index_cast %get3A_687 : i32 to index
      %get3A_689 = arith.index_cast %scan3A_257 : i32 to index
      %get3A_690 = arith.constant 336 : index
      %get3A_691 = tpu.vector_load %arg10[%get3A_688, %get3A_689, %get3A_690] {strides = array<i32>} : memref<2x32x512xf32, #tpu.memory_space<vmem>>, vector<1x1x16xf32>,
      %get3A_692 = vector.shape_cast %get3A_691 : vector<1x1x16xf32> to vector<16xf32>
      %sub3A_693 = arith.subf %get3A_686, %get3A_692 : vector<16xf32>
      %mul3A_694 = arith.mulf %get3A_262, %sub3A_693 : vector<16xf32>
      %add3A_695 = arith.addf %get3A_692, %mul3A_694 : vector<16xf32>
      %swap3A_696 = arith.index_cast %scan3A_257 : i32 to index
      %swap3A_697 = arith.constant 336 : index
      %swap3A_698 = tpu.vector_load %arg11[%swap3A_696, %swap3A_697] {strides = array<i32>} : memref<32x512xf32, #tpu.memory_space<vmem>>, vector<1x16xf32>,
      %swap3A_699 = vector.shape_cast %swap3A_698 : vector<1x16xf32> to vector<16xf32>
      %swap3A_700 = vector.shape_cast %add3A_695 : vector<16xf32> to vector<1x16xf32>
      tpu.vector_store %arg11[%swap3A_696, %swap3A_697], %swap3A_700 {strides = array<i32>} : memref<32x512xf32, #tpu.memory_space<vmem>>, vector<1x16xf32>,
      %get3A_701 = arith.constant 0 : i32
      %get3A_702 = arith.index_cast %get3A_701 : i32 to index
      %get3A_703 = arith.index_cast %scan3A_257 : i32 to index
      %get3A_704 = arith.constant 352 : index
      %get3A_705 = tpu.vector_load %arg9[%get3A_702, %get3A_703, %get3A_704] {strides = array<i32>} : memref<2x32x512xf32, #tpu.memory_space<vmem>>, vector<1x1x16xf32>,
      %get3A_706 = vector.shape_cast %get3A_705 : vector<1x1x16xf32> to vector<16xf32>
      %get3A_707 = arith.constant 0 : i32
      %get3A_708 = arith.index_cast %get3A_707 : i32 to index
      %get3A_709 = arith.index_cast %scan3A_257 : i32 to index
      %get3A_710 = arith.constant 352 : index
      %get3A_711 = tpu.vector_load %arg10[%get3A_708, %get3A_709, %get3A_710] {strides = array<i32>} : memref<2x32x512xf32, #tpu.memory_space<vmem>>, vector<1x1x16xf32>,
      %get3A_712 = vector.shape_cast %get3A_711 : vector<1x1x16xf32> to vector<16xf32>
      %sub3A_713 = arith.subf %get3A_706, %get3A_712 : vector<16xf32>
      %mul3A_714 = arith.mulf %get3A_262, %sub3A_713 : vector<16xf32>
      %add3A_715 = arith.addf %get3A_712, %mul3A_714 : vector<16xf32>
      %swap3A_716 = arith.index_cast %scan3A_257 : i32 to index
      %swap3A_717 = arith.constant 352 : index
      %swap3A_718 = tpu.vector_load %arg11[%swap3A_716, %swap3A_717] {strides = array<i32>} : memref<32x512xf32, #tpu.memory_space<vmem>>, vector<1x16xf32>,
      %swap3A_719 = vector.shape_cast %swap3A_718 : vector<1x16xf32> to vector<16xf32>
      %swap3A_720 = vector.shape_cast %add3A_715 : vector<16xf32> to vector<1x16xf32>
      tpu.vector_store %arg11[%swap3A_716, %swap3A_717], %swap3A_720 {strides = array<i32>} : memref<32x512xf32, #tpu.memory_space<vmem>>, vector<1x16xf32>,
      %get3A_721 = arith.constant 0 : i32
      %get3A_722 = arith.index_cast %get3A_721 : i32 to index
      %get3A_723 = arith.index_cast %scan3A_257 : i32 to index
      %get3A_724 = arith.constant 368 : index
      %get3A_725 = tpu.vector_load %arg9[%get3A_722, %get3A_723, %get3A_724] {strides = array<i32>} : memref<2x32x512xf32, #tpu.memory_space<vmem>>, vector<1x1x16xf32>,
      %get3A_726 = vector.shape_cast %get3A_725 : vector<1x1x16xf32> to vector<16xf32>
      %get3A_727 = arith.constant 0 : i32
      %get3A_728 = arith.index_cast %get3A_727 : i32 to index
      %get3A_729 = arith.index_cast %scan3A_257 : i32 to index
      %get3A_730 = arith.constant 368 : index
      %get3A_731 = tpu.vector_load %arg10[%get3A_728, %get3A_729, %get3A_730] {strides = array<i32>} : memref<2x32x512xf32, #tpu.memory_space<vmem>>, vector<1x1x16xf32>,
      %get3A_732 = vector.shape_cast %get3A_731 : vector<1x1x16xf32> to vector<16xf32>
      %sub3A_733 = arith.subf %get3A_726, %get3A_732 : vector<16xf32>
      %mul3A_734 = arith.mulf %get3A_262, %sub3A_733 : vector<16xf32>
      %add3A_735 = arith.addf %get3A_732, %mul3A_734 : vector<16xf32>
      %swap3A_736 = arith.index_cast %scan3A_257 : i32 to index
      %swap3A_737 = arith.constant 368 : index
      %swap3A_738 = tpu.vector_load %arg11[%swap3A_736, %swap3A_737] {strides = array<i32>} : memref<32x512xf32, #tpu.memory_space<vmem>>, vector<1x16xf32>,
      %swap3A_739 = vector.shape_cast %swap3A_738 : vector<1x16xf32> to vector<16xf32>
      %swap3A_740 = vector.shape_cast %add3A_735 : vector<16xf32> to vector<1x16xf32>
      tpu.vector_store %arg11[%swap3A_736, %swap3A_737], %swap3A_740 {strides = array<i32>} : memref<32x512xf32, #tpu.memory_space<vmem>>, vector<1x16xf32>,
      %get3A_741 = arith.constant 0 : i32
      %get3A_742 = arith.index_cast %get3A_741 : i32 to index
      %get3A_743 = arith.index_cast %scan3A_257 : i32 to index
      %get3A_744 = arith.constant 384 : index
      %get3A_745 = tpu.vector_load %arg9[%get3A_742, %get3A_743, %get3A_744] {strides = array<i32>} : memref<2x32x512xf32, #tpu.memory_space<vmem>>, vector<1x1x16xf32>,
      %get3A_746 = vector.shape_cast %get3A_745 : vector<1x1x16xf32> to vector<16xf32>
      %get3A_747 = arith.constant 0 : i32
      %get3A_748 = arith.index_cast %get3A_747 : i32 to index
      %get3A_749 = arith.index_cast %scan3A_257 : i32 to index
      %get3A_750 = arith.constant 384 : index
      %get3A_751 = tpu.vector_load %arg10[%get3A_748, %get3A_749, %get3A_750] {strides = array<i32>} : memref<2x32x512xf32, #tpu.memory_space<vmem>>, vector<1x1x16xf32>,
      %get3A_752 = vector.shape_cast %get3A_751 : vector<1x1x16xf32> to vector<16xf32>
      %sub3A_753 = arith.subf %get3A_746, %get3A_752 : vector<16xf32>
      %mul3A_754 = arith.mulf %get3A_262, %sub3A_753 : vector<16xf32>
      %add3A_755 = arith.addf %get3A_752, %mul3A_754 : vector<16xf32>
      %swap3A_756 = arith.index_cast %scan3A_257 : i32 to index
      %swap3A_757 = arith.constant 384 : index
      %swap3A_758 = tpu.vector_load %arg11[%swap3A_756, %swap3A_757] {strides = array<i32>} : memref<32x512xf32, #tpu.memory_space<vmem>>, vector<1x16xf32>,
      %swap3A_759 = vector.shape_cast %swap3A_758 : vector<1x16xf32> to vector<16xf32>
      %swap3A_760 = vector.shape_cast %add3A_755 : vector<16xf32> to vector<1x16xf32>
      tpu.vector_store %arg11[%swap3A_756, %swap3A_757], %swap3A_760 {strides = array<i32>} : memref<32x512xf32, #tpu.memory_space<vmem>>, vector<1x16xf32>,
      %get3A_761 = arith.constant 0 : i32
      %get3A_762 = arith.index_cast %get3A_761 : i32 to index
      %get3A_763 = arith.index_cast %scan3A_257 : i32 to index
      %get3A_764 = arith.constant 400 : index
      %get3A_765 = tpu.vector_load %arg9[%get3A_762, %get3A_763, %get3A_764] {strides = array<i32>} : memref<2x32x512xf32, #tpu.memory_space<vmem>>, vector<1x1x16xf32>,
      %get3A_766 = vector.shape_cast %get3A_765 : vector<1x1x16xf32> to vector<16xf32>
      %get3A_767 = arith.constant 0 : i32
      %get3A_768 = arith.index_cast %get3A_767 : i32 to index
      %get3A_769 = arith.index_cast %scan3A_257 : i32 to index
      %get3A_770 = arith.constant 400 : index
      %get3A_771 = tpu.vector_load %arg10[%get3A_768, %get3A_769, %get3A_770] {strides = array<i32>} : memref<2x32x512xf32, #tpu.memory_space<vmem>>, vector<1x1x16xf32>,
      %get3A_772 = vector.shape_cast %get3A_771 : vector<1x1x16xf32> to vector<16xf32>
      %sub3A_773 = arith.subf %get3A_766, %get3A_772 : vector<16xf32>
      %mul3A_774 = arith.mulf %get3A_262, %sub3A_773 : vector<16xf32>
      %add3A_775 = arith.addf %get3A_772, %mul3A_774 : vector<16xf32>
      %swap3A_776 = arith.index_cast %scan3A_257 : i32 to index
      %swap3A_777 = arith.constant 400 : index
      %swap3A_778 = tpu.vector_load %arg11[%swap3A_776, %swap3A_777] {strides = array<i32>} : memref<32x512xf32, #tpu.memory_space<vmem>>, vector<1x16xf32>,
      %swap3A_779 = vector.shape_cast %swap3A_778 : vector<1x16xf32> to vector<16xf32>
      %swap3A_780 = vector.shape_cast %add3A_775 : vector<16xf32> to vector<1x16xf32>
      tpu.vector_store %arg11[%swap3A_776, %swap3A_777], %swap3A_780 {strides = array<i32>} : memref<32x512xf32, #tpu.memory_space<vmem>>, vector<1x16xf32>,
      %get3A_781 = arith.constant 0 : i32
      %get3A_782 = arith.index_cast %get3A_781 : i32 to index
      %get3A_783 = arith.index_cast %scan3A_257 : i32 to index
      %get3A_784 = arith.constant 416 : index
      %get3A_785 = tpu.vector_load %arg9[%get3A_782, %get3A_783, %get3A_784] {strides = array<i32>} : memref<2x32x512xf32, #tpu.memory_space<vmem>>, vector<1x1x16xf32>,
      %get3A_786 = vector.shape_cast %get3A_785 : vector<1x1x16xf32> to vector<16xf32>
      %get3A_787 = arith.constant 0 : i32
      %get3A_788 = arith.index_cast %get3A_787 : i32 to index
      %get3A_789 = arith.index_cast %scan3A_257 : i32 to index
      %get3A_790 = arith.constant 416 : index
      %get3A_791 = tpu.vector_load %arg10[%get3A_788, %get3A_789, %get3A_790] {strides = array<i32>} : memref<2x32x512xf32, #tpu.memory_space<vmem>>, vector<1x1x16xf32>,
      %get3A_792 = vector.shape_cast %get3A_791 : vector<1x1x16xf32> to vector<16xf32>
      %sub3A_793 = arith.subf %get3A_786, %get3A_792 : vector<16xf32>
      %mul3A_794 = arith.mulf %get3A_262, %sub3A_793 : vector<16xf32>
      %add3A_795 = arith.addf %get3A_792, %mul3A_794 : vector<16xf32>
      %swap3A_796 = arith.index_cast %scan3A_257 : i32 to index
      %swap3A_797 = arith.constant 416 : index
      %swap3A_798 = tpu.vector_load %arg11[%swap3A_796, %swap3A_797] {strides = array<i32>} : memref<32x512xf32, #tpu.memory_space<vmem>>, vector<1x16xf32>,
      %swap3A_799 = vector.shape_cast %swap3A_798 : vector<1x16xf32> to vector<16xf32>
      %swap3A_800 = vector.shape_cast %add3A_795 : vector<16xf32> to vector<1x16xf32>
      tpu.vector_store %arg11[%swap3A_796, %swap3A_797], %swap3A_800 {strides = array<i32>} : memref<32x512xf32, #tpu.memory_space<vmem>>, vector<1x16xf32>,
      %get3A_801 = arith.constant 0 : i32
      %get3A_802 = arith.index_cast %get3A_801 : i32 to index
      %get3A_803 = arith.index_cast %scan3A_257 : i32 to index
      %get3A_804 = arith.constant 432 : index
      %get3A_805 = tpu.vector_load %arg9[%get3A_802, %get3A_803, %get3A_804] {strides = array<i32>} : memref<2x32x512xf32, #tpu.memory_space<vmem>>, vector<1x1x16xf32>,
      %get3A_806 = vector.shape_cast %get3A_805 : vector<1x1x16xf32> to vector<16xf32>
      %get3A_807 = arith.constant 0 : i32
      %get3A_808 = arith.index_cast %get3A_807 : i32 to index
      %get3A_809 = arith.index_cast %scan3A_257 : i32 to index
      %get3A_810 = arith.constant 432 : index
      %get3A_811 = tpu.vector_load %arg10[%get3A_808, %get3A_809, %get3A_810] {strides = array<i32>} : memref<2x32x512xf32, #tpu.memory_space<vmem>>, vector<1x1x16xf32>,
      %get3A_812 = vector.shape_cast %get3A_811 : vector<1x1x16xf32> to vector<16xf32>
      %sub3A_813 = arith.subf %get3A_806, %get3A_812 : vector<16xf32>
      %mul3A_814 = arith.mulf %get3A_262, %sub3A_813 : vector<16xf32>
      %add3A_815 = arith.addf %get3A_812, %mul3A_814 : vector<16xf32>
      %swap3A_816 = arith.index_cast %scan3A_257 : i32 to index
      %swap3A_817 = arith.constant 432 : index
      %swap3A_818 = tpu.vector_load %arg11[%swap3A_816, %swap3A_817] {strides = array<i32>} : memref<32x512xf32, #tpu.memory_space<vmem>>, vector<1x16xf32>,
      %swap3A_819 = vector.shape_cast %swap3A_818 : vector<1x16xf32> to vector<16xf32>
      %swap3A_820 = vector.shape_cast %add3A_815 : vector<16xf32> to vector<1x16xf32>
      tpu.vector_store %arg11[%swap3A_816, %swap3A_817], %swap3A_820 {strides = array<i32>} : memref<32x512xf32, #tpu.memory_space<vmem>>, vector<1x16xf32>,
      %get3A_821 = arith.constant 0 : i32
      %get3A_822 = arith.index_cast %get3A_821 : i32 to index
      %get3A_823 = arith.index_cast %scan3A_257 : i32 to index
      %get3A_824 = arith.constant 448 : index
      %get3A_825 = tpu.vector_load %arg9[%get3A_822, %get3A_823, %get3A_824] {strides = array<i32>} : memref<2x32x512xf32, #tpu.memory_space<vmem>>, vector<1x1x16xf32>,
      %get3A_826 = vector.shape_cast %get3A_825 : vector<1x1x16xf32> to vector<16xf32>
      %get3A_827 = arith.constant 0 : i32
      %get3A_828 = arith.index_cast %get3A_827 : i32 to index
      %get3A_829 = arith.index_cast %scan3A_257 : i32 to index
      %get3A_830 = arith.constant 448 : index
      %get3A_831 = tpu.vector_load %arg10[%get3A_828, %get3A_829, %get3A_830] {strides = array<i32>} : memref<2x32x512xf32, #tpu.memory_space<vmem>>, vector<1x1x16xf32>,
      %get3A_832 = vector.shape_cast %get3A_831 : vector<1x1x16xf32> to vector<16xf32>
      %sub3A_833 = arith.subf %get3A_826, %get3A_832 : vector<16xf32>
      %mul3A_834 = arith.mulf %get3A_262, %sub3A_833 : vector<16xf32>
      %add3A_835 = arith.addf %get3A_832, %mul3A_834 : vector<16xf32>
      %swap3A_836 = arith.index_cast %scan3A_257 : i32 to index
      %swap3A_837 = arith.constant 448 : index
      %swap3A_838 = tpu.vector_load %arg11[%swap3A_836, %swap3A_837] {strides = array<i32>} : memref<32x512xf32, #tpu.memory_space<vmem>>, vector<1x16xf32>,
      %swap3A_839 = vector.shape_cast %swap3A_838 : vector<1x16xf32> to vector<16xf32>
      %swap3A_840 = vector.shape_cast %add3A_835 : vector<16xf32> to vector<1x16xf32>
      tpu.vector_store %arg11[%swap3A_836, %swap3A_837], %swap3A_840 {strides = array<i32>} : memref<32x512xf32, #tpu.memory_space<vmem>>, vector<1x16xf32>,
      %get3A_841 = arith.constant 0 : i32
      %get3A_842 = arith.index_cast %get3A_841 : i32 to index
      %get3A_843 = arith.index_cast %scan3A_257 : i32 to index
      %get3A_844 = arith.constant 464 : index
      %get3A_845 = tpu.vector_load %arg9[%get3A_842, %get3A_843, %get3A_844] {strides = array<i32>} : memref<2x32x512xf32, #tpu.memory_space<vmem>>, vector<1x1x16xf32>,
      %get3A_846 = vector.shape_cast %get3A_845 : vector<1x1x16xf32> to vector<16xf32>
      %get3A_847 = arith.constant 0 : i32
      %get3A_848 = arith.index_cast %get3A_847 : i32 to index
      %get3A_849 = arith.index_cast %scan3A_257 : i32 to index
      %get3A_850 = arith.constant 464 : index
      %get3A_851 = tpu.vector_load %arg10[%get3A_848, %get3A_849, %get3A_850] {strides = array<i32>} : memref<2x32x512xf32, #tpu.memory_space<vmem>>, vector<1x1x16xf32>,
      %get3A_852 = vector.shape_cast %get3A_851 : vector<1x1x16xf32> to vector<16xf32>
      %sub3A_853 = arith.subf %get3A_846, %get3A_852 : vector<16xf32>
      %mul3A_854 = arith.mulf %get3A_262, %sub3A_853 : vector<16xf32>
      %add3A_855 = arith.addf %get3A_852, %mul3A_854 : vector<16xf32>
      %swap3A_856 = arith.index_cast %scan3A_257 : i32 to index
      %swap3A_857 = arith.constant 464 : index
      %swap3A_858 = tpu.vector_load %arg11[%swap3A_856, %swap3A_857] {strides = array<i32>} : memref<32x512xf32, #tpu.memory_space<vmem>>, vector<1x16xf32>,
      %swap3A_859 = vector.shape_cast %swap3A_858 : vector<1x16xf32> to vector<16xf32>
      %swap3A_860 = vector.shape_cast %add3A_855 : vector<16xf32> to vector<1x16xf32>
      tpu.vector_store %arg11[%swap3A_856, %swap3A_857], %swap3A_860 {strides = array<i32>} : memref<32x512xf32, #tpu.memory_space<vmem>>, vector<1x16xf32>,
      %get3A_861 = arith.constant 0 : i32
      %get3A_862 = arith.index_cast %get3A_861 : i32 to index
      %get3A_863 = arith.index_cast %scan3A_257 : i32 to index
      %get3A_864 = arith.constant 480 : index
      %get3A_865 = tpu.vector_load %arg9[%get3A_862, %get3A_863, %get3A_864] {strides = array<i32>} : memref<2x32x512xf32, #tpu.memory_space<vmem>>, vector<1x1x16xf32>,
      %get3A_866 = vector.shape_cast %get3A_865 : vector<1x1x16xf32> to vector<16xf32>
      %get3A_867 = arith.constant 0 : i32
      %get3A_868 = arith.index_cast %get3A_867 : i32 to index
      %get3A_869 = arith.index_cast %scan3A_257 : i32 to index
      %get3A_870 = arith.constant 480 : index
      %get3A_871 = tpu.vector_load %arg10[%get3A_868, %get3A_869, %get3A_870] {strides = array<i32>} : memref<2x32x512xf32, #tpu.memory_space<vmem>>, vector<1x1x16xf32>,
      %get3A_872 = vector.shape_cast %get3A_871 : vector<1x1x16xf32> to vector<16xf32>
      %sub3A_873 = arith.subf %get3A_866, %get3A_872 : vector<16xf32>
      %mul3A_874 = arith.mulf %get3A_262, %sub3A_873 : vector<16xf32>
      %add3A_875 = arith.addf %get3A_872, %mul3A_874 : vector<16xf32>
      %swap3A_876 = arith.index_cast %scan3A_257 : i32 to index
      %swap3A_877 = arith.constant 480 : index
      %swap3A_878 = tpu.vector_load %arg11[%swap3A_876, %swap3A_877] {strides = array<i32>} : memref<32x512xf32, #tpu.memory_space<vmem>>, vector<1x16xf32>,
      %swap3A_879 = vector.shape_cast %swap3A_878 : vector<1x16xf32> to vector<16xf32>
      %swap3A_880 = vector.shape_cast %add3A_875 : vector<16xf32> to vector<1x16xf32>
      tpu.vector_store %arg11[%swap3A_876, %swap3A_877], %swap3A_880 {strides = array<i32>} : memref<32x512xf32, #tpu.memory_space<vmem>>, vector<1x16xf32>,
      %get3A_881 = arith.constant 0 : i32
      %get3A_882 = arith.index_cast %get3A_881 : i32 to index
      %get3A_883 = arith.index_cast %scan3A_257 : i32 to index
      %get3A_884 = arith.constant 496 : index
      %get3A_885 = tpu.vector_load %arg9[%get3A_882, %get3A_883, %get3A_884] {strides = array<i32>} : memref<2x32x512xf32, #tpu.memory_space<vmem>>, vector<1x1x16xf32>,
      %get3A_886 = vector.shape_cast %get3A_885 : vector<1x1x16xf32> to vector<16xf32>
      %get3A_887 = arith.constant 0 : i32
      %get3A_888 = arith.index_cast %get3A_887 : i32 to index
      %get3A_889 = arith.index_cast %scan3A_257 : i32 to index
      %get3A_890 = arith.constant 496 : index
      %get3A_891 = tpu.vector_load %arg10[%get3A_888, %get3A_889, %get3A_890] {strides = array<i32>} : memref<2x32x512xf32, #tpu.memory_space<vmem>>, vector<1x1x16xf32>,
      %get3A_892 = vector.shape_cast %get3A_891 : vector<1x1x16xf32> to vector<16xf32>
      %sub3A_893 = arith.subf %get3A_886, %get3A_892 : vector<16xf32>
      %mul3A_894 = arith.mulf %get3A_262, %sub3A_893 : vector<16xf32>
      %add3A_895 = arith.addf %get3A_892, %mul3A_894 : vector<16xf32>
      %swap3A_896 = arith.index_cast %scan3A_257 : i32 to index
      %swap3A_897 = arith.constant 496 : index
      %swap3A_898 = tpu.vector_load %arg11[%swap3A_896, %swap3A_897] {strides = array<i32>} : memref<32x512xf32, #tpu.memory_space<vmem>>, vector<1x16xf32>,
      %swap3A_899 = vector.shape_cast %swap3A_898 : vector<1x16xf32> to vector<16xf32>
      %swap3A_900 = vector.shape_cast %add3A_895 : vector<16xf32> to vector<1x16xf32>
      tpu.vector_store %arg11[%swap3A_896, %swap3A_897], %swap3A_900 {strides = array<i32>} : memref<32x512xf32, #tpu.memory_space<vmem>>, vector<1x16xf32>,
    }
    %scan3A_78 = arith.constant 32 : i32
    %add3A_79 = arith.constant 0 : i32
    %add3A_80 = arith.addi %mul3A_2, %add3A_79 : i32
    %dma_start3A_81 = arith.constant 0 : i32
    %dma_start3A_82 = tpu.memref_slice %arg6[%add3A_80, %dma_start3A_81] : memref<4096x512xf32, #tpu.memory_space<hbm>> -> memref<32x512xf32, #tpu.memory_space<hbm>>
    %dma_start3A_83 = arith.constant 0 : i32
    %dma_start3A_84 = tpu.memref_slice %arg6[%add3A_80, %dma_start3A_83] : memref<4096x512xf32, #tpu.memory_space<hbm>> -> memref<32x512xf32, #tpu.memory_space<hbm>>
    tpu.enqueue_dma source(%arg11 : memref<32x512xf32, #tpu.memory_space<vmem>>) target(%dma_start3A_84 : memref<32x512xf32, #tpu.memory_space<hbm>>) target_semaphore(%arg13 : memref<!tpu.dma_semaphore, #tpu.memory_space<semaphore_mem>>)
    %dma_wait3A_85 = arith.constant 0 : i32
    %dma_wait3A_86 = arith.constant 1 : i32
    %dma_wait3A_87 = arith.constant 0 : i32
    %dma_wait3A_88 = arith.constant 0 : i32
    %dma_wait3A_89 = tpu.memref_slice %arg9[%dma_wait3A_86, %dma_wait3A_87, %dma_wait3A_88] : memref<2x32x512xf32, #tpu.memory_space<vmem>> -> memref<1x32x512xf32, #tpu.memory_space<vmem>>
    %dma_wait3A_90 = tpu.memref_squeeze %dma_wait3A_89 : memref<1x32x512xf32, #tpu.memory_space<vmem>> -> memref<32x512xf32, #tpu.memory_space<vmem>>
    %dma_wait3A_91 = arith.constant 32 : i32
    %dma_wait3A_92 = tpu.memref_slice %arg7[%dma_wait3A_85, %dma_wait3A_91] : memref<2x128xi32, #tpu.memory_space<vmem>> -> memref<1x32xi32, #tpu.memory_space<vmem>>
    %dma_wait3A_93 = tpu.memref_squeeze %dma_wait3A_92 : memref<1x32xi32, #tpu.memory_space<vmem>> -> memref<32xi32, #tpu.memory_space<vmem>>
    %dma_wait3A_94 = arith.constant 0 : i32
    %dma_wait3A_95 = arith.constant 0 : i32
    %dma_wait3A_96 = tpu.memref_slice %arg2[%dma_wait3A_94, %dma_wait3A_95] : memref<9216x512xf32, #tpu.memory_space<hbm>> -> memref<9216x512xf32, #tpu.memory_space<hbm>>
    tpu.wait_indirect_dma semaphore(%arg12 : memref<!tpu.dma_semaphore, #tpu.memory_space<semaphore_mem>>) src(%dma_wait3A_96 : memref<9216x512xf32, #tpu.memory_space<hbm>>) dst(%dma_wait3A_90 : memref<32x512xf32, #tpu.memory_space<vmem>>)
    %dma_wait3A_97 = arith.constant 1 : i32
    %dma_wait3A_98 = arith.constant 1 : i32
    %dma_wait3A_99 = arith.constant 0 : i32
    %dma_wait3A_100 = arith.constant 0 : i32
    %dma_wait3A_101 = tpu.memref_slice %arg10[%dma_wait3A_98, %dma_wait3A_99, %dma_wait3A_100] : memref<2x32x512xf32, #tpu.memory_space<vmem>> -> memref<1x32x512xf32, #tpu.memory_space<vmem>>
    %dma_wait3A_102 = tpu.memref_squeeze %dma_wait3A_101 : memref<1x32x512xf32, #tpu.memory_space<vmem>> -> memref<32x512xf32, #tpu.memory_space<vmem>>
    %dma_wait3A_103 = arith.constant 32 : i32
    %dma_wait3A_104 = tpu.memref_slice %arg7[%dma_wait3A_97, %dma_wait3A_103] : memref<2x128xi32, #tpu.memory_space<vmem>> -> memref<1x32xi32, #tpu.memory_space<vmem>>
    %dma_wait3A_105 = tpu.memref_squeeze %dma_wait3A_104 : memref<1x32xi32, #tpu.memory_space<vmem>> -> memref<32xi32, #tpu.memory_space<vmem>>
    %dma_wait3A_106 = arith.constant 0 : i32
    %dma_wait3A_107 = arith.constant 0 : i32
    %dma_wait3A_108 = tpu.memref_slice %arg2[%dma_wait3A_106, %dma_wait3A_107] : memref<9216x512xf32, #tpu.memory_space<hbm>> -> memref<9216x512xf32, #tpu.memory_space<hbm>>
    tpu.wait_indirect_dma semaphore(%arg12 : memref<!tpu.dma_semaphore, #tpu.memory_space<semaphore_mem>>) src(%dma_wait3A_108 : memref<9216x512xf32, #tpu.memory_space<hbm>>) dst(%dma_wait3A_102 : memref<32x512xf32, #tpu.memory_space<vmem>>)
    %dma_start3A_109 = arith.constant 0 : i32
    %dma_start3A_110 = arith.constant 0 : i32
    %dma_start3A_111 = arith.constant 0 : i32
    %dma_start3A_112 = arith.constant 0 : i32
    %dma_start3A_113 = tpu.memref_slice %arg9[%dma_start3A_110, %dma_start3A_111, %dma_start3A_112] : memref<2x32x512xf32, #tpu.memory_space<vmem>> -> memref<1x32x512xf32, #tpu.memory_space<vmem>>
    %dma_start3A_114 = tpu.memref_squeeze %dma_start3A_113 : memref<1x32x512xf32, #tpu.memory_space<vmem>> -> memref<32x512xf32, #tpu.memory_space<vmem>>
    %dma_start3A_115 = arith.constant 64 : i32
    %dma_start3A_116 = tpu.memref_slice %arg7[%dma_start3A_109, %dma_start3A_115] : memref<2x128xi32, #tpu.memory_space<vmem>> -> memref<1x32xi32, #tpu.memory_space<vmem>>
    %dma_start3A_117 = tpu.memref_squeeze %dma_start3A_116 : memref<1x32xi32, #tpu.memory_space<vmem>> -> memref<32xi32, #tpu.memory_space<vmem>>
    %dma_start3A_118 = arith.constant 0 : i32
    %dma_start3A_119 = arith.constant 0 : i32
    %dma_start3A_120 = tpu.memref_slice %arg2[%dma_start3A_118, %dma_start3A_119] : memref<9216x512xf32, #tpu.memory_space<hbm>> -> memref<9216x512xf32, #tpu.memory_space<hbm>>
    tpu.enqueue_indirect_dma source(%dma_start3A_120 : memref<9216x512xf32, #tpu.memory_space<hbm>>) target(%dma_start3A_114 : memref<32x512xf32, #tpu.memory_space<vmem>>) offsets(%dma_start3A_117 : memref<32xi32, #tpu.memory_space<vmem>>) semaphore(%arg12 : memref<!tpu.dma_semaphore, #tpu.memory_space<semaphore_mem>>)
    %dma_start3A_121 = arith.constant 1 : i32
    %dma_start3A_122 = arith.constant 0 : i32
    %dma_start3A_123 = arith.constant 0 : i32
    %dma_start3A_124 = arith.constant 0 : i32
    %dma_start3A_125 = tpu.memref_slice %arg10[%dma_start3A_122, %dma_start3A_123, %dma_start3A_124] : memref<2x32x512xf32, #tpu.memory_space<vmem>> -> memref<1x32x512xf32, #tpu.memory_space<vmem>>
    %dma_start3A_126 = tpu.memref_squeeze %dma_start3A_125 : memref<1x32x512xf32, #tpu.memory_space<vmem>> -> memref<32x512xf32, #tpu.memory_space<vmem>>
    %dma_start3A_127 = arith.constant 64 : i32
    %dma_start3A_128 = tpu.memref_slice %arg7[%dma_start3A_121, %dma_start3A_127] : memref<2x128xi32, #tpu.memory_space<vmem>> -> memref<1x32xi32, #tpu.memory_space<vmem>>
    %dma_start3A_129 = tpu.memref_squeeze %dma_start3A_128 : memref<1x32xi32, #tpu.memory_space<vmem>> -> memref<32xi32, #tpu.memory_space<vmem>>
    %dma_start3A_130 = arith.constant 0 : i32
    %dma_start3A_131 = arith.constant 0 : i32
    %dma_start3A_132 = tpu.memref_slice %arg2[%dma_start3A_130, %dma_start3A_131] : memref<9216x512xf32, #tpu.memory_space<hbm>> -> memref<9216x512xf32, #tpu.memory_space<hbm>>
    tpu.enqueue_indirect_dma source(%dma_start3A_132 : memref<9216x512xf32, #tpu.memory_space<hbm>>) target(%dma_start3A_126 : memref<32x512xf32, #tpu.memory_space<vmem>>) offsets(%dma_start3A_129 : memref<32xi32, #tpu.memory_space<vmem>>) semaphore(%arg12 : memref<!tpu.dma_semaphore, #tpu.memory_space<semaphore_mem>>)
    %dma_wait3A_133 = arith.constant 0 : i32
    %dma_wait3A_134 = tpu.memref_slice %arg6[%add3A_80, %dma_wait3A_133] : memref<4096x512xf32, #tpu.memory_space<hbm>> -> memref<32x512xf32, #tpu.memory_space<hbm>>
    %dma_wait3A_135 = arith.constant 0 : i32
    %dma_wait3A_136 = tpu.memref_slice %arg6[%add3A_80, %dma_wait3A_135] : memref<4096x512xf32, #tpu.memory_space<hbm>> -> memref<32x512xf32, #tpu.memory_space<hbm>>
    tpu.wait_dma2 semaphore(%arg13 : memref<!tpu.dma_semaphore, #tpu.memory_space<semaphore_mem>>) src(%arg11 : memref<32x512xf32, #tpu.memory_space<vmem>>) dst(%dma_wait3A_136 : memref<32x512xf32, #tpu.memory_space<hbm>>)
    %scan3A_137 = arith.constant 0 : i32
    %scan3A_138 = arith.constant 0 : i32
    %scan3A_139 = arith.constant 32 : i32
    %scan3A_140 = arith.addi %scan3A_138, %scan3A_139 : i32
    %scan3A_141 = arith.constant 1 : i32
    scf.for %scan3A_257 = %scan3A_138 to %scan3A_140 step %scan3A_141  : i32 {
      %add3A_258 = arith.constant 32 : i32
      %add3A_259 = arith.addi %add3A_258, %scan3A_257 : i32
      %get3A = arith.index_cast %add3A_259 : i32 to index
      %get3A_260 = arith.constant 0 : index
      %get3A_261 = tpu.vector_load %arg8[%get3A, %get3A_260] {strides = array<i32>} : memref<128x16xf32, #tpu.memory_space<vmem>>, vector<1x16xf32>,
      %get3A_262 = vector.shape_cast %get3A_261 : vector<1x16xf32> to vector<16xf32>
      %get3A_263 = arith.constant 1 : i32
      %get3A_264 = arith.index_cast %get3A_263 : i32 to index
      %get3A_265 = arith.index_cast %scan3A_257 : i32 to index
      %get3A_266 = arith.constant 0 : index
      %get3A_267 = tpu.vector_load %arg9[%get3A_264, %get3A_265, %get3A_266] {strides = array<i32>} : memref<2x32x512xf32, #tpu.memory_space<vmem>>, vector<1x1x16xf32>,
      %get3A_268 = vector.shape_cast %get3A_267 : vector<1x1x16xf32> to vector<16xf32>
      %get3A_269 = arith.constant 1 : i32
      %get3A_270 = arith.index_cast %get3A_269 : i32 to index
      %get3A_271 = arith.index_cast %scan3A_257 : i32 to index
      %get3A_272 = arith.constant 0 : index
      %get3A_273 = tpu.vector_load %arg10[%get3A_270, %get3A_271, %get3A_272] {strides = array<i32>} : memref<2x32x512xf32, #tpu.memory_space<vmem>>, vector<1x1x16xf32>,
      %get3A_274 = vector.shape_cast %get3A_273 : vector<1x1x16xf32> to vector<16xf32>
      %sub3A = arith.subf %get3A_268, %get3A_274 : vector<16xf32>
      %mul3A_275 = arith.mulf %get3A_262, %sub3A : vector<16xf32>
      %add3A_276 = arith.addf %get3A_274, %mul3A_275 : vector<16xf32>
      %swap3A = arith.index_cast %scan3A_257 : i32 to index
      %swap3A_277 = arith.constant 0 : index
      %swap3A_278 = tpu.vector_load %arg11[%swap3A, %swap3A_277] {strides = array<i32>} : memref<32x512xf32, #tpu.memory_space<vmem>>, vector<1x16xf32>,
      %swap3A_279 = vector.shape_cast %swap3A_278 : vector<1x16xf32> to vector<16xf32>
      %swap3A_280 = vector.shape_cast %add3A_276 : vector<16xf32> to vector<1x16xf32>
      tpu.vector_store %arg11[%swap3A, %swap3A_277], %swap3A_280 {strides = array<i32>} : memref<32x512xf32, #tpu.memory_space<vmem>>, vector<1x16xf32>,
      %get3A_281 = arith.constant 1 : i32
      %get3A_282 = arith.index_cast %get3A_281 : i32 to index
      %get3A_283 = arith.index_cast %scan3A_257 : i32 to index
      %get3A_284 = arith.constant 16 : index
      %get3A_285 = tpu.vector_load %arg9[%get3A_282, %get3A_283, %get3A_284] {strides = array<i32>} : memref<2x32x512xf32, #tpu.memory_space<vmem>>, vector<1x1x16xf32>,
      %get3A_286 = vector.shape_cast %get3A_285 : vector<1x1x16xf32> to vector<16xf32>
      %get3A_287 = arith.constant 1 : i32
      %get3A_288 = arith.index_cast %get3A_287 : i32 to index
      %get3A_289 = arith.index_cast %scan3A_257 : i32 to index
      %get3A_290 = arith.constant 16 : index
      %get3A_291 = tpu.vector_load %arg10[%get3A_288, %get3A_289, %get3A_290] {strides = array<i32>} : memref<2x32x512xf32, #tpu.memory_space<vmem>>, vector<1x1x16xf32>,
      %get3A_292 = vector.shape_cast %get3A_291 : vector<1x1x16xf32> to vector<16xf32>
      %sub3A_293 = arith.subf %get3A_286, %get3A_292 : vector<16xf32>
      %mul3A_294 = arith.mulf %get3A_262, %sub3A_293 : vector<16xf32>
      %add3A_295 = arith.addf %get3A_292, %mul3A_294 : vector<16xf32>
      %swap3A_296 = arith.index_cast %scan3A_257 : i32 to index
      %swap3A_297 = arith.constant 16 : index
      %swap3A_298 = tpu.vector_load %arg11[%swap3A_296, %swap3A_297] {strides = array<i32>} : memref<32x512xf32, #tpu.memory_space<vmem>>, vector<1x16xf32>,
      %swap3A_299 = vector.shape_cast %swap3A_298 : vector<1x16xf32> to vector<16xf32>
      %swap3A_300 = vector.shape_cast %add3A_295 : vector<16xf32> to vector<1x16xf32>
      tpu.vector_store %arg11[%swap3A_296, %swap3A_297], %swap3A_300 {strides = array<i32>} : memref<32x512xf32, #tpu.memory_space<vmem>>, vector<1x16xf32>,
      %get3A_301 = arith.constant 1 : i32
      %get3A_302 = arith.index_cast %get3A_301 : i32 to index
      %get3A_303 = arith.index_cast %scan3A_257 : i32 to index
      %get3A_304 = arith.constant 32 : index
      %get3A_305 = tpu.vector_load %arg9[%get3A_302, %get3A_303, %get3A_304] {strides = array<i32>} : memref<2x32x512xf32, #tpu.memory_space<vmem>>, vector<1x1x16xf32>,
      %get3A_306 = vector.shape_cast %get3A_305 : vector<1x1x16xf32> to vector<16xf32>
      %get3A_307 = arith.constant 1 : i32
      %get3A_308 = arith.index_cast %get3A_307 : i32 to index
      %get3A_309 = arith.index_cast %scan3A_257 : i32 to index
      %get3A_310 = arith.constant 32 : index
      %get3A_311 = tpu.vector_load %arg10[%get3A_308, %get3A_309, %get3A_310] {strides = array<i32>} : memref<2x32x512xf32, #tpu.memory_space<vmem>>, vector<1x1x16xf32>,
      %get3A_312 = vector.shape_cast %get3A_311 : vector<1x1x16xf32> to vector<16xf32>
      %sub3A_313 = arith.subf %get3A_306, %get3A_312 : vector<16xf32>
      %mul3A_314 = arith.mulf %get3A_262, %sub3A_313 : vector<16xf32>
      %add3A_315 = arith.addf %get3A_312, %mul3A_314 : vector<16xf32>
      %swap3A_316 = arith.index_cast %scan3A_257 : i32 to index
      %swap3A_317 = arith.constant 32 : index
      %swap3A_318 = tpu.vector_load %arg11[%swap3A_316, %swap3A_317] {strides = array<i32>} : memref<32x512xf32, #tpu.memory_space<vmem>>, vector<1x16xf32>,
      %swap3A_319 = vector.shape_cast %swap3A_318 : vector<1x16xf32> to vector<16xf32>
      %swap3A_320 = vector.shape_cast %add3A_315 : vector<16xf32> to vector<1x16xf32>
      tpu.vector_store %arg11[%swap3A_316, %swap3A_317], %swap3A_320 {strides = array<i32>} : memref<32x512xf32, #tpu.memory_space<vmem>>, vector<1x16xf32>,
      %get3A_321 = arith.constant 1 : i32
      %get3A_322 = arith.index_cast %get3A_321 : i32 to index
      %get3A_323 = arith.index_cast %scan3A_257 : i32 to index
      %get3A_324 = arith.constant 48 : index
      %get3A_325 = tpu.vector_load %arg9[%get3A_322, %get3A_323, %get3A_324] {strides = array<i32>} : memref<2x32x512xf32, #tpu.memory_space<vmem>>, vector<1x1x16xf32>,
      %get3A_326 = vector.shape_cast %get3A_325 : vector<1x1x16xf32> to vector<16xf32>
      %get3A_327 = arith.constant 1 : i32
      %get3A_328 = arith.index_cast %get3A_327 : i32 to index
      %get3A_329 = arith.index_cast %scan3A_257 : i32 to index
      %get3A_330 = arith.constant 48 : index
      %get3A_331 = tpu.vector_load %arg10[%get3A_328, %get3A_329, %get3A_330] {strides = array<i32>} : memref<2x32x512xf32, #tpu.memory_space<vmem>>, vector<1x1x16xf32>,
      %get3A_332 = vector.shape_cast %get3A_331 : vector<1x1x16xf32> to vector<16xf32>
      %sub3A_333 = arith.subf %get3A_326, %get3A_332 : vector<16xf32>
      %mul3A_334 = arith.mulf %get3A_262, %sub3A_333 : vector<16xf32>
      %add3A_335 = arith.addf %get3A_332, %mul3A_334 : vector<16xf32>
      %swap3A_336 = arith.index_cast %scan3A_257 : i32 to index
      %swap3A_337 = arith.constant 48 : index
      %swap3A_338 = tpu.vector_load %arg11[%swap3A_336, %swap3A_337] {strides = array<i32>} : memref<32x512xf32, #tpu.memory_space<vmem>>, vector<1x16xf32>,
      %swap3A_339 = vector.shape_cast %swap3A_338 : vector<1x16xf32> to vector<16xf32>
      %swap3A_340 = vector.shape_cast %add3A_335 : vector<16xf32> to vector<1x16xf32>
      tpu.vector_store %arg11[%swap3A_336, %swap3A_337], %swap3A_340 {strides = array<i32>} : memref<32x512xf32, #tpu.memory_space<vmem>>, vector<1x16xf32>,
      %get3A_341 = arith.constant 1 : i32
      %get3A_342 = arith.index_cast %get3A_341 : i32 to index
      %get3A_343 = arith.index_cast %scan3A_257 : i32 to index
      %get3A_344 = arith.constant 64 : index
      %get3A_345 = tpu.vector_load %arg9[%get3A_342, %get3A_343, %get3A_344] {strides = array<i32>} : memref<2x32x512xf32, #tpu.memory_space<vmem>>, vector<1x1x16xf32>,
      %get3A_346 = vector.shape_cast %get3A_345 : vector<1x1x16xf32> to vector<16xf32>
      %get3A_347 = arith.constant 1 : i32
      %get3A_348 = arith.index_cast %get3A_347 : i32 to index
      %get3A_349 = arith.index_cast %scan3A_257 : i32 to index
      %get3A_350 = arith.constant 64 : index
      %get3A_351 = tpu.vector_load %arg10[%get3A_348, %get3A_349, %get3A_350] {strides = array<i32>} : memref<2x32x512xf32, #tpu.memory_space<vmem>>, vector<1x1x16xf32>,
      %get3A_352 = vector.shape_cast %get3A_351 : vector<1x1x16xf32> to vector<16xf32>
      %sub3A_353 = arith.subf %get3A_346, %get3A_352 : vector<16xf32>
      %mul3A_354 = arith.mulf %get3A_262, %sub3A_353 : vector<16xf32>
      %add3A_355 = arith.addf %get3A_352, %mul3A_354 : vector<16xf32>
      %swap3A_356 = arith.index_cast %scan3A_257 : i32 to index
      %swap3A_357 = arith.constant 64 : index
      %swap3A_358 = tpu.vector_load %arg11[%swap3A_356, %swap3A_357] {strides = array<i32>} : memref<32x512xf32, #tpu.memory_space<vmem>>, vector<1x16xf32>,
      %swap3A_359 = vector.shape_cast %swap3A_358 : vector<1x16xf32> to vector<16xf32>
      %swap3A_360 = vector.shape_cast %add3A_355 : vector<16xf32> to vector<1x16xf32>
      tpu.vector_store %arg11[%swap3A_356, %swap3A_357], %swap3A_360 {strides = array<i32>} : memref<32x512xf32, #tpu.memory_space<vmem>>, vector<1x16xf32>,
      %get3A_361 = arith.constant 1 : i32
      %get3A_362 = arith.index_cast %get3A_361 : i32 to index
      %get3A_363 = arith.index_cast %scan3A_257 : i32 to index
      %get3A_364 = arith.constant 80 : index
      %get3A_365 = tpu.vector_load %arg9[%get3A_362, %get3A_363, %get3A_364] {strides = array<i32>} : memref<2x32x512xf32, #tpu.memory_space<vmem>>, vector<1x1x16xf32>,
      %get3A_366 = vector.shape_cast %get3A_365 : vector<1x1x16xf32> to vector<16xf32>
      %get3A_367 = arith.constant 1 : i32
      %get3A_368 = arith.index_cast %get3A_367 : i32 to index
      %get3A_369 = arith.index_cast %scan3A_257 : i32 to index
      %get3A_370 = arith.constant 80 : index
      %get3A_371 = tpu.vector_load %arg10[%get3A_368, %get3A_369, %get3A_370] {strides = array<i32>} : memref<2x32x512xf32, #tpu.memory_space<vmem>>, vector<1x1x16xf32>,
      %get3A_372 = vector.shape_cast %get3A_371 : vector<1x1x16xf32> to vector<16xf32>
      %sub3A_373 = arith.subf %get3A_366, %get3A_372 : vector<16xf32>
      %mul3A_374 = arith.mulf %get3A_262, %sub3A_373 : vector<16xf32>
      %add3A_375 = arith.addf %get3A_372, %mul3A_374 : vector<16xf32>
      %swap3A_376 = arith.index_cast %scan3A_257 : i32 to index
      %swap3A_377 = arith.constant 80 : index
      %swap3A_378 = tpu.vector_load %arg11[%swap3A_376, %swap3A_377] {strides = array<i32>} : memref<32x512xf32, #tpu.memory_space<vmem>>, vector<1x16xf32>,
      %swap3A_379 = vector.shape_cast %swap3A_378 : vector<1x16xf32> to vector<16xf32>
      %swap3A_380 = vector.shape_cast %add3A_375 : vector<16xf32> to vector<1x16xf32>
      tpu.vector_store %arg11[%swap3A_376, %swap3A_377], %swap3A_380 {strides = array<i32>} : memref<32x512xf32, #tpu.memory_space<vmem>>, vector<1x16xf32>,
      %get3A_381 = arith.constant 1 : i32
      %get3A_382 = arith.index_cast %get3A_381 : i32 to index
      %get3A_383 = arith.index_cast %scan3A_257 : i32 to index
      %get3A_384 = arith.constant 96 : index
      %get3A_385 = tpu.vector_load %arg9[%get3A_382, %get3A_383, %get3A_384] {strides = array<i32>} : memref<2x32x512xf32, #tpu.memory_space<vmem>>, vector<1x1x16xf32>,
      %get3A_386 = vector.shape_cast %get3A_385 : vector<1x1x16xf32> to vector<16xf32>
      %get3A_387 = arith.constant 1 : i32
      %get3A_388 = arith.index_cast %get3A_387 : i32 to index
      %get3A_389 = arith.index_cast %scan3A_257 : i32 to index
      %get3A_390 = arith.constant 96 : index
      %get3A_391 = tpu.vector_load %arg10[%get3A_388, %get3A_389, %get3A_390] {strides = array<i32>} : memref<2x32x512xf32, #tpu.memory_space<vmem>>, vector<1x1x16xf32>,
      %get3A_392 = vector.shape_cast %get3A_391 : vector<1x1x16xf32> to vector<16xf32>
      %sub3A_393 = arith.subf %get3A_386, %get3A_392 : vector<16xf32>
      %mul3A_394 = arith.mulf %get3A_262, %sub3A_393 : vector<16xf32>
      %add3A_395 = arith.addf %get3A_392, %mul3A_394 : vector<16xf32>
      %swap3A_396 = arith.index_cast %scan3A_257 : i32 to index
      %swap3A_397 = arith.constant 96 : index
      %swap3A_398 = tpu.vector_load %arg11[%swap3A_396, %swap3A_397] {strides = array<i32>} : memref<32x512xf32, #tpu.memory_space<vmem>>, vector<1x16xf32>,
      %swap3A_399 = vector.shape_cast %swap3A_398 : vector<1x16xf32> to vector<16xf32>
      %swap3A_400 = vector.shape_cast %add3A_395 : vector<16xf32> to vector<1x16xf32>
      tpu.vector_store %arg11[%swap3A_396, %swap3A_397], %swap3A_400 {strides = array<i32>} : memref<32x512xf32, #tpu.memory_space<vmem>>, vector<1x16xf32>,
      %get3A_401 = arith.constant 1 : i32
      %get3A_402 = arith.index_cast %get3A_401 : i32 to index
      %get3A_403 = arith.index_cast %scan3A_257 : i32 to index
      %get3A_404 = arith.constant 112 : index
      %get3A_405 = tpu.vector_load %arg9[%get3A_402, %get3A_403, %get3A_404] {strides = array<i32>} : memref<2x32x512xf32, #tpu.memory_space<vmem>>, vector<1x1x16xf32>,
      %get3A_406 = vector.shape_cast %get3A_405 : vector<1x1x16xf32> to vector<16xf32>
      %get3A_407 = arith.constant 1 : i32
      %get3A_408 = arith.index_cast %get3A_407 : i32 to index
      %get3A_409 = arith.index_cast %scan3A_257 : i32 to index
      %get3A_410 = arith.constant 112 : index
      %get3A_411 = tpu.vector_load %arg10[%get3A_408, %get3A_409, %get3A_410] {strides = array<i32>} : memref<2x32x512xf32, #tpu.memory_space<vmem>>, vector<1x1x16xf32>,
      %get3A_412 = vector.shape_cast %get3A_411 : vector<1x1x16xf32> to vector<16xf32>
      %sub3A_413 = arith.subf %get3A_406, %get3A_412 : vector<16xf32>
      %mul3A_414 = arith.mulf %get3A_262, %sub3A_413 : vector<16xf32>
      %add3A_415 = arith.addf %get3A_412, %mul3A_414 : vector<16xf32>
      %swap3A_416 = arith.index_cast %scan3A_257 : i32 to index
      %swap3A_417 = arith.constant 112 : index
      %swap3A_418 = tpu.vector_load %arg11[%swap3A_416, %swap3A_417] {strides = array<i32>} : memref<32x512xf32, #tpu.memory_space<vmem>>, vector<1x16xf32>,
      %swap3A_419 = vector.shape_cast %swap3A_418 : vector<1x16xf32> to vector<16xf32>
      %swap3A_420 = vector.shape_cast %add3A_415 : vector<16xf32> to vector<1x16xf32>
      tpu.vector_store %arg11[%swap3A_416, %swap3A_417], %swap3A_420 {strides = array<i32>} : memref<32x512xf32, #tpu.memory_space<vmem>>, vector<1x16xf32>,
      %get3A_421 = arith.constant 1 : i32
      %get3A_422 = arith.index_cast %get3A_421 : i32 to index
      %get3A_423 = arith.index_cast %scan3A_257 : i32 to index
      %get3A_424 = arith.constant 128 : index
      %get3A_425 = tpu.vector_load %arg9[%get3A_422, %get3A_423, %get3A_424] {strides = array<i32>} : memref<2x32x512xf32, #tpu.memory_space<vmem>>, vector<1x1x16xf32>,
      %get3A_426 = vector.shape_cast %get3A_425 : vector<1x1x16xf32> to vector<16xf32>
      %get3A_427 = arith.constant 1 : i32
      %get3A_428 = arith.index_cast %get3A_427 : i32 to index
      %get3A_429 = arith.index_cast %scan3A_257 : i32 to index
      %get3A_430 = arith.constant 128 : index
      %get3A_431 = tpu.vector_load %arg10[%get3A_428, %get3A_429, %get3A_430] {strides = array<i32>} : memref<2x32x512xf32, #tpu.memory_space<vmem>>, vector<1x1x16xf32>,
      %get3A_432 = vector.shape_cast %get3A_431 : vector<1x1x16xf32> to vector<16xf32>
      %sub3A_433 = arith.subf %get3A_426, %get3A_432 : vector<16xf32>
      %mul3A_434 = arith.mulf %get3A_262, %sub3A_433 : vector<16xf32>
      %add3A_435 = arith.addf %get3A_432, %mul3A_434 : vector<16xf32>
      %swap3A_436 = arith.index_cast %scan3A_257 : i32 to index
      %swap3A_437 = arith.constant 128 : index
      %swap3A_438 = tpu.vector_load %arg11[%swap3A_436, %swap3A_437] {strides = array<i32>} : memref<32x512xf32, #tpu.memory_space<vmem>>, vector<1x16xf32>,
      %swap3A_439 = vector.shape_cast %swap3A_438 : vector<1x16xf32> to vector<16xf32>
      %swap3A_440 = vector.shape_cast %add3A_435 : vector<16xf32> to vector<1x16xf32>
      tpu.vector_store %arg11[%swap3A_436, %swap3A_437], %swap3A_440 {strides = array<i32>} : memref<32x512xf32, #tpu.memory_space<vmem>>, vector<1x16xf32>,
      %get3A_441 = arith.constant 1 : i32
      %get3A_442 = arith.index_cast %get3A_441 : i32 to index
      %get3A_443 = arith.index_cast %scan3A_257 : i32 to index
      %get3A_444 = arith.constant 144 : index
      %get3A_445 = tpu.vector_load %arg9[%get3A_442, %get3A_443, %get3A_444] {strides = array<i32>} : memref<2x32x512xf32, #tpu.memory_space<vmem>>, vector<1x1x16xf32>,
      %get3A_446 = vector.shape_cast %get3A_445 : vector<1x1x16xf32> to vector<16xf32>
      %get3A_447 = arith.constant 1 : i32
      %get3A_448 = arith.index_cast %get3A_447 : i32 to index
      %get3A_449 = arith.index_cast %scan3A_257 : i32 to index
      %get3A_450 = arith.constant 144 : index
      %get3A_451 = tpu.vector_load %arg10[%get3A_448, %get3A_449, %get3A_450] {strides = array<i32>} : memref<2x32x512xf32, #tpu.memory_space<vmem>>, vector<1x1x16xf32>,
      %get3A_452 = vector.shape_cast %get3A_451 : vector<1x1x16xf32> to vector<16xf32>
      %sub3A_453 = arith.subf %get3A_446, %get3A_452 : vector<16xf32>
      %mul3A_454 = arith.mulf %get3A_262, %sub3A_453 : vector<16xf32>
      %add3A_455 = arith.addf %get3A_452, %mul3A_454 : vector<16xf32>
      %swap3A_456 = arith.index_cast %scan3A_257 : i32 to index
      %swap3A_457 = arith.constant 144 : index
      %swap3A_458 = tpu.vector_load %arg11[%swap3A_456, %swap3A_457] {strides = array<i32>} : memref<32x512xf32, #tpu.memory_space<vmem>>, vector<1x16xf32>,
      %swap3A_459 = vector.shape_cast %swap3A_458 : vector<1x16xf32> to vector<16xf32>
      %swap3A_460 = vector.shape_cast %add3A_455 : vector<16xf32> to vector<1x16xf32>
      tpu.vector_store %arg11[%swap3A_456, %swap3A_457], %swap3A_460 {strides = array<i32>} : memref<32x512xf32, #tpu.memory_space<vmem>>, vector<1x16xf32>,
      %get3A_461 = arith.constant 1 : i32
      %get3A_462 = arith.index_cast %get3A_461 : i32 to index
      %get3A_463 = arith.index_cast %scan3A_257 : i32 to index
      %get3A_464 = arith.constant 160 : index
      %get3A_465 = tpu.vector_load %arg9[%get3A_462, %get3A_463, %get3A_464] {strides = array<i32>} : memref<2x32x512xf32, #tpu.memory_space<vmem>>, vector<1x1x16xf32>,
      %get3A_466 = vector.shape_cast %get3A_465 : vector<1x1x16xf32> to vector<16xf32>
      %get3A_467 = arith.constant 1 : i32
      %get3A_468 = arith.index_cast %get3A_467 : i32 to index
      %get3A_469 = arith.index_cast %scan3A_257 : i32 to index
      %get3A_470 = arith.constant 160 : index
      %get3A_471 = tpu.vector_load %arg10[%get3A_468, %get3A_469, %get3A_470] {strides = array<i32>} : memref<2x32x512xf32, #tpu.memory_space<vmem>>, vector<1x1x16xf32>,
      %get3A_472 = vector.shape_cast %get3A_471 : vector<1x1x16xf32> to vector<16xf32>
      %sub3A_473 = arith.subf %get3A_466, %get3A_472 : vector<16xf32>
      %mul3A_474 = arith.mulf %get3A_262, %sub3A_473 : vector<16xf32>
      %add3A_475 = arith.addf %get3A_472, %mul3A_474 : vector<16xf32>
      %swap3A_476 = arith.index_cast %scan3A_257 : i32 to index
      %swap3A_477 = arith.constant 160 : index
      %swap3A_478 = tpu.vector_load %arg11[%swap3A_476, %swap3A_477] {strides = array<i32>} : memref<32x512xf32, #tpu.memory_space<vmem>>, vector<1x16xf32>,
      %swap3A_479 = vector.shape_cast %swap3A_478 : vector<1x16xf32> to vector<16xf32>
      %swap3A_480 = vector.shape_cast %add3A_475 : vector<16xf32> to vector<1x16xf32>
      tpu.vector_store %arg11[%swap3A_476, %swap3A_477], %swap3A_480 {strides = array<i32>} : memref<32x512xf32, #tpu.memory_space<vmem>>, vector<1x16xf32>,
      %get3A_481 = arith.constant 1 : i32
      %get3A_482 = arith.index_cast %get3A_481 : i32 to index
      %get3A_483 = arith.index_cast %scan3A_257 : i32 to index
      %get3A_484 = arith.constant 176 : index
      %get3A_485 = tpu.vector_load %arg9[%get3A_482, %get3A_483, %get3A_484] {strides = array<i32>} : memref<2x32x512xf32, #tpu.memory_space<vmem>>, vector<1x1x16xf32>,
      %get3A_486 = vector.shape_cast %get3A_485 : vector<1x1x16xf32> to vector<16xf32>
      %get3A_487 = arith.constant 1 : i32
      %get3A_488 = arith.index_cast %get3A_487 : i32 to index
      %get3A_489 = arith.index_cast %scan3A_257 : i32 to index
      %get3A_490 = arith.constant 176 : index
      %get3A_491 = tpu.vector_load %arg10[%get3A_488, %get3A_489, %get3A_490] {strides = array<i32>} : memref<2x32x512xf32, #tpu.memory_space<vmem>>, vector<1x1x16xf32>,
      %get3A_492 = vector.shape_cast %get3A_491 : vector<1x1x16xf32> to vector<16xf32>
      %sub3A_493 = arith.subf %get3A_486, %get3A_492 : vector<16xf32>
      %mul3A_494 = arith.mulf %get3A_262, %sub3A_493 : vector<16xf32>
      %add3A_495 = arith.addf %get3A_492, %mul3A_494 : vector<16xf32>
      %swap3A_496 = arith.index_cast %scan3A_257 : i32 to index
      %swap3A_497 = arith.constant 176 : index
      %swap3A_498 = tpu.vector_load %arg11[%swap3A_496, %swap3A_497] {strides = array<i32>} : memref<32x512xf32, #tpu.memory_space<vmem>>, vector<1x16xf32>,
      %swap3A_499 = vector.shape_cast %swap3A_498 : vector<1x16xf32> to vector<16xf32>
      %swap3A_500 = vector.shape_cast %add3A_495 : vector<16xf32> to vector<1x16xf32>
      tpu.vector_store %arg11[%swap3A_496, %swap3A_497], %swap3A_500 {strides = array<i32>} : memref<32x512xf32, #tpu.memory_space<vmem>>, vector<1x16xf32>,
      %get3A_501 = arith.constant 1 : i32
      %get3A_502 = arith.index_cast %get3A_501 : i32 to index
      %get3A_503 = arith.index_cast %scan3A_257 : i32 to index
      %get3A_504 = arith.constant 192 : index
      %get3A_505 = tpu.vector_load %arg9[%get3A_502, %get3A_503, %get3A_504] {strides = array<i32>} : memref<2x32x512xf32, #tpu.memory_space<vmem>>, vector<1x1x16xf32>,
      %get3A_506 = vector.shape_cast %get3A_505 : vector<1x1x16xf32> to vector<16xf32>
      %get3A_507 = arith.constant 1 : i32
      %get3A_508 = arith.index_cast %get3A_507 : i32 to index
      %get3A_509 = arith.index_cast %scan3A_257 : i32 to index
      %get3A_510 = arith.constant 192 : index
      %get3A_511 = tpu.vector_load %arg10[%get3A_508, %get3A_509, %get3A_510] {strides = array<i32>} : memref<2x32x512xf32, #tpu.memory_space<vmem>>, vector<1x1x16xf32>,
      %get3A_512 = vector.shape_cast %get3A_511 : vector<1x1x16xf32> to vector<16xf32>
      %sub3A_513 = arith.subf %get3A_506, %get3A_512 : vector<16xf32>
      %mul3A_514 = arith.mulf %get3A_262, %sub3A_513 : vector<16xf32>
      %add3A_515 = arith.addf %get3A_512, %mul3A_514 : vector<16xf32>
      %swap3A_516 = arith.index_cast %scan3A_257 : i32 to index
      %swap3A_517 = arith.constant 192 : index
      %swap3A_518 = tpu.vector_load %arg11[%swap3A_516, %swap3A_517] {strides = array<i32>} : memref<32x512xf32, #tpu.memory_space<vmem>>, vector<1x16xf32>,
      %swap3A_519 = vector.shape_cast %swap3A_518 : vector<1x16xf32> to vector<16xf32>
      %swap3A_520 = vector.shape_cast %add3A_515 : vector<16xf32> to vector<1x16xf32>
      tpu.vector_store %arg11[%swap3A_516, %swap3A_517], %swap3A_520 {strides = array<i32>} : memref<32x512xf32, #tpu.memory_space<vmem>>, vector<1x16xf32>,
      %get3A_521 = arith.constant 1 : i32
      %get3A_522 = arith.index_cast %get3A_521 : i32 to index
      %get3A_523 = arith.index_cast %scan3A_257 : i32 to index
      %get3A_524 = arith.constant 208 : index
      %get3A_525 = tpu.vector_load %arg9[%get3A_522, %get3A_523, %get3A_524] {strides = array<i32>} : memref<2x32x512xf32, #tpu.memory_space<vmem>>, vector<1x1x16xf32>,
      %get3A_526 = vector.shape_cast %get3A_525 : vector<1x1x16xf32> to vector<16xf32>
      %get3A_527 = arith.constant 1 : i32
      %get3A_528 = arith.index_cast %get3A_527 : i32 to index
      %get3A_529 = arith.index_cast %scan3A_257 : i32 to index
      %get3A_530 = arith.constant 208 : index
      %get3A_531 = tpu.vector_load %arg10[%get3A_528, %get3A_529, %get3A_530] {strides = array<i32>} : memref<2x32x512xf32, #tpu.memory_space<vmem>>, vector<1x1x16xf32>,
      %get3A_532 = vector.shape_cast %get3A_531 : vector<1x1x16xf32> to vector<16xf32>
      %sub3A_533 = arith.subf %get3A_526, %get3A_532 : vector<16xf32>
      %mul3A_534 = arith.mulf %get3A_262, %sub3A_533 : vector<16xf32>
      %add3A_535 = arith.addf %get3A_532, %mul3A_534 : vector<16xf32>
      %swap3A_536 = arith.index_cast %scan3A_257 : i32 to index
      %swap3A_537 = arith.constant 208 : index
      %swap3A_538 = tpu.vector_load %arg11[%swap3A_536, %swap3A_537] {strides = array<i32>} : memref<32x512xf32, #tpu.memory_space<vmem>>, vector<1x16xf32>,
      %swap3A_539 = vector.shape_cast %swap3A_538 : vector<1x16xf32> to vector<16xf32>
      %swap3A_540 = vector.shape_cast %add3A_535 : vector<16xf32> to vector<1x16xf32>
      tpu.vector_store %arg11[%swap3A_536, %swap3A_537], %swap3A_540 {strides = array<i32>} : memref<32x512xf32, #tpu.memory_space<vmem>>, vector<1x16xf32>,
      %get3A_541 = arith.constant 1 : i32
      %get3A_542 = arith.index_cast %get3A_541 : i32 to index
      %get3A_543 = arith.index_cast %scan3A_257 : i32 to index
      %get3A_544 = arith.constant 224 : index
      %get3A_545 = tpu.vector_load %arg9[%get3A_542, %get3A_543, %get3A_544] {strides = array<i32>} : memref<2x32x512xf32, #tpu.memory_space<vmem>>, vector<1x1x16xf32>,
      %get3A_546 = vector.shape_cast %get3A_545 : vector<1x1x16xf32> to vector<16xf32>
      %get3A_547 = arith.constant 1 : i32
      %get3A_548 = arith.index_cast %get3A_547 : i32 to index
      %get3A_549 = arith.index_cast %scan3A_257 : i32 to index
      %get3A_550 = arith.constant 224 : index
      %get3A_551 = tpu.vector_load %arg10[%get3A_548, %get3A_549, %get3A_550] {strides = array<i32>} : memref<2x32x512xf32, #tpu.memory_space<vmem>>, vector<1x1x16xf32>,
      %get3A_552 = vector.shape_cast %get3A_551 : vector<1x1x16xf32> to vector<16xf32>
      %sub3A_553 = arith.subf %get3A_546, %get3A_552 : vector<16xf32>
      %mul3A_554 = arith.mulf %get3A_262, %sub3A_553 : vector<16xf32>
      %add3A_555 = arith.addf %get3A_552, %mul3A_554 : vector<16xf32>
      %swap3A_556 = arith.index_cast %scan3A_257 : i32 to index
      %swap3A_557 = arith.constant 224 : index
      %swap3A_558 = tpu.vector_load %arg11[%swap3A_556, %swap3A_557] {strides = array<i32>} : memref<32x512xf32, #tpu.memory_space<vmem>>, vector<1x16xf32>,
      %swap3A_559 = vector.shape_cast %swap3A_558 : vector<1x16xf32> to vector<16xf32>
      %swap3A_560 = vector.shape_cast %add3A_555 : vector<16xf32> to vector<1x16xf32>
      tpu.vector_store %arg11[%swap3A_556, %swap3A_557], %swap3A_560 {strides = array<i32>} : memref<32x512xf32, #tpu.memory_space<vmem>>, vector<1x16xf32>,
      %get3A_561 = arith.constant 1 : i32
      %get3A_562 = arith.index_cast %get3A_561 : i32 to index
      %get3A_563 = arith.index_cast %scan3A_257 : i32 to index
      %get3A_564 = arith.constant 240 : index
      %get3A_565 = tpu.vector_load %arg9[%get3A_562, %get3A_563, %get3A_564] {strides = array<i32>} : memref<2x32x512xf32, #tpu.memory_space<vmem>>, vector<1x1x16xf32>,
      %get3A_566 = vector.shape_cast %get3A_565 : vector<1x1x16xf32> to vector<16xf32>
      %get3A_567 = arith.constant 1 : i32
      %get3A_568 = arith.index_cast %get3A_567 : i32 to index
      %get3A_569 = arith.index_cast %scan3A_257 : i32 to index
      %get3A_570 = arith.constant 240 : index
      %get3A_571 = tpu.vector_load %arg10[%get3A_568, %get3A_569, %get3A_570] {strides = array<i32>} : memref<2x32x512xf32, #tpu.memory_space<vmem>>, vector<1x1x16xf32>,
      %get3A_572 = vector.shape_cast %get3A_571 : vector<1x1x16xf32> to vector<16xf32>
      %sub3A_573 = arith.subf %get3A_566, %get3A_572 : vector<16xf32>
      %mul3A_574 = arith.mulf %get3A_262, %sub3A_573 : vector<16xf32>
      %add3A_575 = arith.addf %get3A_572, %mul3A_574 : vector<16xf32>
      %swap3A_576 = arith.index_cast %scan3A_257 : i32 to index
      %swap3A_577 = arith.constant 240 : index
      %swap3A_578 = tpu.vector_load %arg11[%swap3A_576, %swap3A_577] {strides = array<i32>} : memref<32x512xf32, #tpu.memory_space<vmem>>, vector<1x16xf32>,
      %swap3A_579 = vector.shape_cast %swap3A_578 : vector<1x16xf32> to vector<16xf32>
      %swap3A_580 = vector.shape_cast %add3A_575 : vector<16xf32> to vector<1x16xf32>
      tpu.vector_store %arg11[%swap3A_576, %swap3A_577], %swap3A_580 {strides = array<i32>} : memref<32x512xf32, #tpu.memory_space<vmem>>, vector<1x16xf32>,
      %get3A_581 = arith.constant 1 : i32
      %get3A_582 = arith.index_cast %get3A_581 : i32 to index
      %get3A_583 = arith.index_cast %scan3A_257 : i32 to index
      %get3A_584 = arith.constant 256 : index
      %get3A_585 = tpu.vector_load %arg9[%get3A_582, %get3A_583, %get3A_584] {strides = array<i32>} : memref<2x32x512xf32, #tpu.memory_space<vmem>>, vector<1x1x16xf32>,
      %get3A_586 = vector.shape_cast %get3A_585 : vector<1x1x16xf32> to vector<16xf32>
      %get3A_587 = arith.constant 1 : i32
      %get3A_588 = arith.index_cast %get3A_587 : i32 to index
      %get3A_589 = arith.index_cast %scan3A_257 : i32 to index
      %get3A_590 = arith.constant 256 : index
      %get3A_591 = tpu.vector_load %arg10[%get3A_588, %get3A_589, %get3A_590] {strides = array<i32>} : memref<2x32x512xf32, #tpu.memory_space<vmem>>, vector<1x1x16xf32>,
      %get3A_592 = vector.shape_cast %get3A_591 : vector<1x1x16xf32> to vector<16xf32>
      %sub3A_593 = arith.subf %get3A_586, %get3A_592 : vector<16xf32>
      %mul3A_594 = arith.mulf %get3A_262, %sub3A_593 : vector<16xf32>
      %add3A_595 = arith.addf %get3A_592, %mul3A_594 : vector<16xf32>
      %swap3A_596 = arith.index_cast %scan3A_257 : i32 to index
      %swap3A_597 = arith.constant 256 : index
      %swap3A_598 = tpu.vector_load %arg11[%swap3A_596, %swap3A_597] {strides = array<i32>} : memref<32x512xf32, #tpu.memory_space<vmem>>, vector<1x16xf32>,
      %swap3A_599 = vector.shape_cast %swap3A_598 : vector<1x16xf32> to vector<16xf32>
      %swap3A_600 = vector.shape_cast %add3A_595 : vector<16xf32> to vector<1x16xf32>
      tpu.vector_store %arg11[%swap3A_596, %swap3A_597], %swap3A_600 {strides = array<i32>} : memref<32x512xf32, #tpu.memory_space<vmem>>, vector<1x16xf32>,
      %get3A_601 = arith.constant 1 : i32
      %get3A_602 = arith.index_cast %get3A_601 : i32 to index
      %get3A_603 = arith.index_cast %scan3A_257 : i32 to index
      %get3A_604 = arith.constant 272 : index
      %get3A_605 = tpu.vector_load %arg9[%get3A_602, %get3A_603, %get3A_604] {strides = array<i32>} : memref<2x32x512xf32, #tpu.memory_space<vmem>>, vector<1x1x16xf32>,
      %get3A_606 = vector.shape_cast %get3A_605 : vector<1x1x16xf32> to vector<16xf32>
      %get3A_607 = arith.constant 1 : i32
      %get3A_608 = arith.index_cast %get3A_607 : i32 to index
      %get3A_609 = arith.index_cast %scan3A_257 : i32 to index
      %get3A_610 = arith.constant 272 : index
      %get3A_611 = tpu.vector_load %arg10[%get3A_608, %get3A_609, %get3A_610] {strides = array<i32>} : memref<2x32x512xf32, #tpu.memory_space<vmem>>, vector<1x1x16xf32>,
      %get3A_612 = vector.shape_cast %get3A_611 : vector<1x1x16xf32> to vector<16xf32>
      %sub3A_613 = arith.subf %get3A_606, %get3A_612 : vector<16xf32>
      %mul3A_614 = arith.mulf %get3A_262, %sub3A_613 : vector<16xf32>
      %add3A_615 = arith.addf %get3A_612, %mul3A_614 : vector<16xf32>
      %swap3A_616 = arith.index_cast %scan3A_257 : i32 to index
      %swap3A_617 = arith.constant 272 : index
      %swap3A_618 = tpu.vector_load %arg11[%swap3A_616, %swap3A_617] {strides = array<i32>} : memref<32x512xf32, #tpu.memory_space<vmem>>, vector<1x16xf32>,
      %swap3A_619 = vector.shape_cast %swap3A_618 : vector<1x16xf32> to vector<16xf32>
      %swap3A_620 = vector.shape_cast %add3A_615 : vector<16xf32> to vector<1x16xf32>
      tpu.vector_store %arg11[%swap3A_616, %swap3A_617], %swap3A_620 {strides = array<i32>} : memref<32x512xf32, #tpu.memory_space<vmem>>, vector<1x16xf32>,
      %get3A_621 = arith.constant 1 : i32
      %get3A_622 = arith.index_cast %get3A_621 : i32 to index
      %get3A_623 = arith.index_cast %scan3A_257 : i32 to index
      %get3A_624 = arith.constant 288 : index
      %get3A_625 = tpu.vector_load %arg9[%get3A_622, %get3A_623, %get3A_624] {strides = array<i32>} : memref<2x32x512xf32, #tpu.memory_space<vmem>>, vector<1x1x16xf32>,
      %get3A_626 = vector.shape_cast %get3A_625 : vector<1x1x16xf32> to vector<16xf32>
      %get3A_627 = arith.constant 1 : i32
      %get3A_628 = arith.index_cast %get3A_627 : i32 to index
      %get3A_629 = arith.index_cast %scan3A_257 : i32 to index
      %get3A_630 = arith.constant 288 : index
      %get3A_631 = tpu.vector_load %arg10[%get3A_628, %get3A_629, %get3A_630] {strides = array<i32>} : memref<2x32x512xf32, #tpu.memory_space<vmem>>, vector<1x1x16xf32>,
      %get3A_632 = vector.shape_cast %get3A_631 : vector<1x1x16xf32> to vector<16xf32>
      %sub3A_633 = arith.subf %get3A_626, %get3A_632 : vector<16xf32>
      %mul3A_634 = arith.mulf %get3A_262, %sub3A_633 : vector<16xf32>
      %add3A_635 = arith.addf %get3A_632, %mul3A_634 : vector<16xf32>
      %swap3A_636 = arith.index_cast %scan3A_257 : i32 to index
      %swap3A_637 = arith.constant 288 : index
      %swap3A_638 = tpu.vector_load %arg11[%swap3A_636, %swap3A_637] {strides = array<i32>} : memref<32x512xf32, #tpu.memory_space<vmem>>, vector<1x16xf32>,
      %swap3A_639 = vector.shape_cast %swap3A_638 : vector<1x16xf32> to vector<16xf32>
      %swap3A_640 = vector.shape_cast %add3A_635 : vector<16xf32> to vector<1x16xf32>
      tpu.vector_store %arg11[%swap3A_636, %swap3A_637], %swap3A_640 {strides = array<i32>} : memref<32x512xf32, #tpu.memory_space<vmem>>, vector<1x16xf32>,
      %get3A_641 = arith.constant 1 : i32
      %get3A_642 = arith.index_cast %get3A_641 : i32 to index
      %get3A_643 = arith.index_cast %scan3A_257 : i32 to index
      %get3A_644 = arith.constant 304 : index
      %get3A_645 = tpu.vector_load %arg9[%get3A_642, %get3A_643, %get3A_644] {strides = array<i32>} : memref<2x32x512xf32, #tpu.memory_space<vmem>>, vector<1x1x16xf32>,
      %get3A_646 = vector.shape_cast %get3A_645 : vector<1x1x16xf32> to vector<16xf32>
      %get3A_647 = arith.constant 1 : i32
      %get3A_648 = arith.index_cast %get3A_647 : i32 to index
      %get3A_649 = arith.index_cast %scan3A_257 : i32 to index
      %get3A_650 = arith.constant 304 : index
      %get3A_651 = tpu.vector_load %arg10[%get3A_648, %get3A_649, %get3A_650] {strides = array<i32>} : memref<2x32x512xf32, #tpu.memory_space<vmem>>, vector<1x1x16xf32>,
      %get3A_652 = vector.shape_cast %get3A_651 : vector<1x1x16xf32> to vector<16xf32>
      %sub3A_653 = arith.subf %get3A_646, %get3A_652 : vector<16xf32>
      %mul3A_654 = arith.mulf %get3A_262, %sub3A_653 : vector<16xf32>
      %add3A_655 = arith.addf %get3A_652, %mul3A_654 : vector<16xf32>
      %swap3A_656 = arith.index_cast %scan3A_257 : i32 to index
      %swap3A_657 = arith.constant 304 : index
      %swap3A_658 = tpu.vector_load %arg11[%swap3A_656, %swap3A_657] {strides = array<i32>} : memref<32x512xf32, #tpu.memory_space<vmem>>, vector<1x16xf32>,
      %swap3A_659 = vector.shape_cast %swap3A_658 : vector<1x16xf32> to vector<16xf32>
      %swap3A_660 = vector.shape_cast %add3A_655 : vector<16xf32> to vector<1x16xf32>
      tpu.vector_store %arg11[%swap3A_656, %swap3A_657], %swap3A_660 {strides = array<i32>} : memref<32x512xf32, #tpu.memory_space<vmem>>, vector<1x16xf32>,
      %get3A_661 = arith.constant 1 : i32
      %get3A_662 = arith.index_cast %get3A_661 : i32 to index
      %get3A_663 = arith.index_cast %scan3A_257 : i32 to index
      %get3A_664 = arith.constant 320 : index
      %get3A_665 = tpu.vector_load %arg9[%get3A_662, %get3A_663, %get3A_664] {strides = array<i32>} : memref<2x32x512xf32, #tpu.memory_space<vmem>>, vector<1x1x16xf32>,
      %get3A_666 = vector.shape_cast %get3A_665 : vector<1x1x16xf32> to vector<16xf32>
      %get3A_667 = arith.constant 1 : i32
      %get3A_668 = arith.index_cast %get3A_667 : i32 to index
      %get3A_669 = arith.index_cast %scan3A_257 : i32 to index
      %get3A_670 = arith.constant 320 : index
      %get3A_671 = tpu.vector_load %arg10[%get3A_668, %get3A_669, %get3A_670] {strides = array<i32>} : memref<2x32x512xf32, #tpu.memory_space<vmem>>, vector<1x1x16xf32>,
      %get3A_672 = vector.shape_cast %get3A_671 : vector<1x1x16xf32> to vector<16xf32>
      %sub3A_673 = arith.subf %get3A_666, %get3A_672 : vector<16xf32>
      %mul3A_674 = arith.mulf %get3A_262, %sub3A_673 : vector<16xf32>
      %add3A_675 = arith.addf %get3A_672, %mul3A_674 : vector<16xf32>
      %swap3A_676 = arith.index_cast %scan3A_257 : i32 to index
      %swap3A_677 = arith.constant 320 : index
      %swap3A_678 = tpu.vector_load %arg11[%swap3A_676, %swap3A_677] {strides = array<i32>} : memref<32x512xf32, #tpu.memory_space<vmem>>, vector<1x16xf32>,
      %swap3A_679 = vector.shape_cast %swap3A_678 : vector<1x16xf32> to vector<16xf32>
      %swap3A_680 = vector.shape_cast %add3A_675 : vector<16xf32> to vector<1x16xf32>
      tpu.vector_store %arg11[%swap3A_676, %swap3A_677], %swap3A_680 {strides = array<i32>} : memref<32x512xf32, #tpu.memory_space<vmem>>, vector<1x16xf32>,
      %get3A_681 = arith.constant 1 : i32
      %get3A_682 = arith.index_cast %get3A_681 : i32 to index
      %get3A_683 = arith.index_cast %scan3A_257 : i32 to index
      %get3A_684 = arith.constant 336 : index
      %get3A_685 = tpu.vector_load %arg9[%get3A_682, %get3A_683, %get3A_684] {strides = array<i32>} : memref<2x32x512xf32, #tpu.memory_space<vmem>>, vector<1x1x16xf32>,
      %get3A_686 = vector.shape_cast %get3A_685 : vector<1x1x16xf32> to vector<16xf32>
      %get3A_687 = arith.constant 1 : i32
      %get3A_688 = arith.index_cast %get3A_687 : i32 to index
      %get3A_689 = arith.index_cast %scan3A_257 : i32 to index
      %get3A_690 = arith.constant 336 : index
      %get3A_691 = tpu.vector_load %arg10[%get3A_688, %get3A_689, %get3A_690] {strides = array<i32>} : memref<2x32x512xf32, #tpu.memory_space<vmem>>, vector<1x1x16xf32>,
      %get3A_692 = vector.shape_cast %get3A_691 : vector<1x1x16xf32> to vector<16xf32>
      %sub3A_693 = arith.subf %get3A_686, %get3A_692 : vector<16xf32>
      %mul3A_694 = arith.mulf %get3A_262, %sub3A_693 : vector<16xf32>
      %add3A_695 = arith.addf %get3A_692, %mul3A_694 : vector<16xf32>
      %swap3A_696 = arith.index_cast %scan3A_257 : i32 to index
      %swap3A_697 = arith.constant 336 : index
      %swap3A_698 = tpu.vector_load %arg11[%swap3A_696, %swap3A_697] {strides = array<i32>} : memref<32x512xf32, #tpu.memory_space<vmem>>, vector<1x16xf32>,
      %swap3A_699 = vector.shape_cast %swap3A_698 : vector<1x16xf32> to vector<16xf32>
      %swap3A_700 = vector.shape_cast %add3A_695 : vector<16xf32> to vector<1x16xf32>
      tpu.vector_store %arg11[%swap3A_696, %swap3A_697], %swap3A_700 {strides = array<i32>} : memref<32x512xf32, #tpu.memory_space<vmem>>, vector<1x16xf32>,
      %get3A_701 = arith.constant 1 : i32
      %get3A_702 = arith.index_cast %get3A_701 : i32 to index
      %get3A_703 = arith.index_cast %scan3A_257 : i32 to index
      %get3A_704 = arith.constant 352 : index
      %get3A_705 = tpu.vector_load %arg9[%get3A_702, %get3A_703, %get3A_704] {strides = array<i32>} : memref<2x32x512xf32, #tpu.memory_space<vmem>>, vector<1x1x16xf32>,
      %get3A_706 = vector.shape_cast %get3A_705 : vector<1x1x16xf32> to vector<16xf32>
      %get3A_707 = arith.constant 1 : i32
      %get3A_708 = arith.index_cast %get3A_707 : i32 to index
      %get3A_709 = arith.index_cast %scan3A_257 : i32 to index
      %get3A_710 = arith.constant 352 : index
      %get3A_711 = tpu.vector_load %arg10[%get3A_708, %get3A_709, %get3A_710] {strides = array<i32>} : memref<2x32x512xf32, #tpu.memory_space<vmem>>, vector<1x1x16xf32>,
      %get3A_712 = vector.shape_cast %get3A_711 : vector<1x1x16xf32> to vector<16xf32>
      %sub3A_713 = arith.subf %get3A_706, %get3A_712 : vector<16xf32>
      %mul3A_714 = arith.mulf %get3A_262, %sub3A_713 : vector<16xf32>
      %add3A_715 = arith.addf %get3A_712, %mul3A_714 : vector<16xf32>
      %swap3A_716 = arith.index_cast %scan3A_257 : i32 to index
      %swap3A_717 = arith.constant 352 : index
      %swap3A_718 = tpu.vector_load %arg11[%swap3A_716, %swap3A_717] {strides = array<i32>} : memref<32x512xf32, #tpu.memory_space<vmem>>, vector<1x16xf32>,
      %swap3A_719 = vector.shape_cast %swap3A_718 : vector<1x16xf32> to vector<16xf32>
      %swap3A_720 = vector.shape_cast %add3A_715 : vector<16xf32> to vector<1x16xf32>
      tpu.vector_store %arg11[%swap3A_716, %swap3A_717], %swap3A_720 {strides = array<i32>} : memref<32x512xf32, #tpu.memory_space<vmem>>, vector<1x16xf32>,
      %get3A_721 = arith.constant 1 : i32
      %get3A_722 = arith.index_cast %get3A_721 : i32 to index
      %get3A_723 = arith.index_cast %scan3A_257 : i32 to index
      %get3A_724 = arith.constant 368 : index
      %get3A_725 = tpu.vector_load %arg9[%get3A_722, %get3A_723, %get3A_724] {strides = array<i32>} : memref<2x32x512xf32, #tpu.memory_space<vmem>>, vector<1x1x16xf32>,
      %get3A_726 = vector.shape_cast %get3A_725 : vector<1x1x16xf32> to vector<16xf32>
      %get3A_727 = arith.constant 1 : i32
      %get3A_728 = arith.index_cast %get3A_727 : i32 to index
      %get3A_729 = arith.index_cast %scan3A_257 : i32 to index
      %get3A_730 = arith.constant 368 : index
      %get3A_731 = tpu.vector_load %arg10[%get3A_728, %get3A_729, %get3A_730] {strides = array<i32>} : memref<2x32x512xf32, #tpu.memory_space<vmem>>, vector<1x1x16xf32>,
      %get3A_732 = vector.shape_cast %get3A_731 : vector<1x1x16xf32> to vector<16xf32>
      %sub3A_733 = arith.subf %get3A_726, %get3A_732 : vector<16xf32>
      %mul3A_734 = arith.mulf %get3A_262, %sub3A_733 : vector<16xf32>
      %add3A_735 = arith.addf %get3A_732, %mul3A_734 : vector<16xf32>
      %swap3A_736 = arith.index_cast %scan3A_257 : i32 to index
      %swap3A_737 = arith.constant 368 : index
      %swap3A_738 = tpu.vector_load %arg11[%swap3A_736, %swap3A_737] {strides = array<i32>} : memref<32x512xf32, #tpu.memory_space<vmem>>, vector<1x16xf32>,
      %swap3A_739 = vector.shape_cast %swap3A_738 : vector<1x16xf32> to vector<16xf32>
      %swap3A_740 = vector.shape_cast %add3A_735 : vector<16xf32> to vector<1x16xf32>
      tpu.vector_store %arg11[%swap3A_736, %swap3A_737], %swap3A_740 {strides = array<i32>} : memref<32x512xf32, #tpu.memory_space<vmem>>, vector<1x16xf32>,
      %get3A_741 = arith.constant 1 : i32
      %get3A_742 = arith.index_cast %get3A_741 : i32 to index
      %get3A_743 = arith.index_cast %scan3A_257 : i32 to index
      %get3A_744 = arith.constant 384 : index
      %get3A_745 = tpu.vector_load %arg9[%get3A_742, %get3A_743, %get3A_744] {strides = array<i32>} : memref<2x32x512xf32, #tpu.memory_space<vmem>>, vector<1x1x16xf32>,
      %get3A_746 = vector.shape_cast %get3A_745 : vector<1x1x16xf32> to vector<16xf32>
      %get3A_747 = arith.constant 1 : i32
      %get3A_748 = arith.index_cast %get3A_747 : i32 to index
      %get3A_749 = arith.index_cast %scan3A_257 : i32 to index
      %get3A_750 = arith.constant 384 : index
      %get3A_751 = tpu.vector_load %arg10[%get3A_748, %get3A_749, %get3A_750] {strides = array<i32>} : memref<2x32x512xf32, #tpu.memory_space<vmem>>, vector<1x1x16xf32>,
      %get3A_752 = vector.shape_cast %get3A_751 : vector<1x1x16xf32> to vector<16xf32>
      %sub3A_753 = arith.subf %get3A_746, %get3A_752 : vector<16xf32>
      %mul3A_754 = arith.mulf %get3A_262, %sub3A_753 : vector<16xf32>
      %add3A_755 = arith.addf %get3A_752, %mul3A_754 : vector<16xf32>
      %swap3A_756 = arith.index_cast %scan3A_257 : i32 to index
      %swap3A_757 = arith.constant 384 : index
      %swap3A_758 = tpu.vector_load %arg11[%swap3A_756, %swap3A_757] {strides = array<i32>} : memref<32x512xf32, #tpu.memory_space<vmem>>, vector<1x16xf32>,
      %swap3A_759 = vector.shape_cast %swap3A_758 : vector<1x16xf32> to vector<16xf32>
      %swap3A_760 = vector.shape_cast %add3A_755 : vector<16xf32> to vector<1x16xf32>
      tpu.vector_store %arg11[%swap3A_756, %swap3A_757], %swap3A_760 {strides = array<i32>} : memref<32x512xf32, #tpu.memory_space<vmem>>, vector<1x16xf32>,
      %get3A_761 = arith.constant 1 : i32
      %get3A_762 = arith.index_cast %get3A_761 : i32 to index
      %get3A_763 = arith.index_cast %scan3A_257 : i32 to index
      %get3A_764 = arith.constant 400 : index
      %get3A_765 = tpu.vector_load %arg9[%get3A_762, %get3A_763, %get3A_764] {strides = array<i32>} : memref<2x32x512xf32, #tpu.memory_space<vmem>>, vector<1x1x16xf32>,
      %get3A_766 = vector.shape_cast %get3A_765 : vector<1x1x16xf32> to vector<16xf32>
      %get3A_767 = arith.constant 1 : i32
      %get3A_768 = arith.index_cast %get3A_767 : i32 to index
      %get3A_769 = arith.index_cast %scan3A_257 : i32 to index
      %get3A_770 = arith.constant 400 : index
      %get3A_771 = tpu.vector_load %arg10[%get3A_768, %get3A_769, %get3A_770] {strides = array<i32>} : memref<2x32x512xf32, #tpu.memory_space<vmem>>, vector<1x1x16xf32>,
      %get3A_772 = vector.shape_cast %get3A_771 : vector<1x1x16xf32> to vector<16xf32>
      %sub3A_773 = arith.subf %get3A_766, %get3A_772 : vector<16xf32>
      %mul3A_774 = arith.mulf %get3A_262, %sub3A_773 : vector<16xf32>
      %add3A_775 = arith.addf %get3A_772, %mul3A_774 : vector<16xf32>
      %swap3A_776 = arith.index_cast %scan3A_257 : i32 to index
      %swap3A_777 = arith.constant 400 : index
      %swap3A_778 = tpu.vector_load %arg11[%swap3A_776, %swap3A_777] {strides = array<i32>} : memref<32x512xf32, #tpu.memory_space<vmem>>, vector<1x16xf32>,
      %swap3A_779 = vector.shape_cast %swap3A_778 : vector<1x16xf32> to vector<16xf32>
      %swap3A_780 = vector.shape_cast %add3A_775 : vector<16xf32> to vector<1x16xf32>
      tpu.vector_store %arg11[%swap3A_776, %swap3A_777], %swap3A_780 {strides = array<i32>} : memref<32x512xf32, #tpu.memory_space<vmem>>, vector<1x16xf32>,
      %get3A_781 = arith.constant 1 : i32
      %get3A_782 = arith.index_cast %get3A_781 : i32 to index
      %get3A_783 = arith.index_cast %scan3A_257 : i32 to index
      %get3A_784 = arith.constant 416 : index
      %get3A_785 = tpu.vector_load %arg9[%get3A_782, %get3A_783, %get3A_784] {strides = array<i32>} : memref<2x32x512xf32, #tpu.memory_space<vmem>>, vector<1x1x16xf32>,
      %get3A_786 = vector.shape_cast %get3A_785 : vector<1x1x16xf32> to vector<16xf32>
      %get3A_787 = arith.constant 1 : i32
      %get3A_788 = arith.index_cast %get3A_787 : i32 to index
      %get3A_789 = arith.index_cast %scan3A_257 : i32 to index
      %get3A_790 = arith.constant 416 : index
      %get3A_791 = tpu.vector_load %arg10[%get3A_788, %get3A_789, %get3A_790] {strides = array<i32>} : memref<2x32x512xf32, #tpu.memory_space<vmem>>, vector<1x1x16xf32>,
      %get3A_792 = vector.shape_cast %get3A_791 : vector<1x1x16xf32> to vector<16xf32>
      %sub3A_793 = arith.subf %get3A_786, %get3A_792 : vector<16xf32>
      %mul3A_794 = arith.mulf %get3A_262, %sub3A_793 : vector<16xf32>
      %add3A_795 = arith.addf %get3A_792, %mul3A_794 : vector<16xf32>
      %swap3A_796 = arith.index_cast %scan3A_257 : i32 to index
      %swap3A_797 = arith.constant 416 : index
      %swap3A_798 = tpu.vector_load %arg11[%swap3A_796, %swap3A_797] {strides = array<i32>} : memref<32x512xf32, #tpu.memory_space<vmem>>, vector<1x16xf32>,
      %swap3A_799 = vector.shape_cast %swap3A_798 : vector<1x16xf32> to vector<16xf32>
      %swap3A_800 = vector.shape_cast %add3A_795 : vector<16xf32> to vector<1x16xf32>
      tpu.vector_store %arg11[%swap3A_796, %swap3A_797], %swap3A_800 {strides = array<i32>} : memref<32x512xf32, #tpu.memory_space<vmem>>, vector<1x16xf32>,
      %get3A_801 = arith.constant 1 : i32
      %get3A_802 = arith.index_cast %get3A_801 : i32 to index
      %get3A_803 = arith.index_cast %scan3A_257 : i32 to index
      %get3A_804 = arith.constant 432 : index
      %get3A_805 = tpu.vector_load %arg9[%get3A_802, %get3A_803, %get3A_804] {strides = array<i32>} : memref<2x32x512xf32, #tpu.memory_space<vmem>>, vector<1x1x16xf32>,
      %get3A_806 = vector.shape_cast %get3A_805 : vector<1x1x16xf32> to vector<16xf32>
      %get3A_807 = arith.constant 1 : i32
      %get3A_808 = arith.index_cast %get3A_807 : i32 to index
      %get3A_809 = arith.index_cast %scan3A_257 : i32 to index
      %get3A_810 = arith.constant 432 : index
      %get3A_811 = tpu.vector_load %arg10[%get3A_808, %get3A_809, %get3A_810] {strides = array<i32>} : memref<2x32x512xf32, #tpu.memory_space<vmem>>, vector<1x1x16xf32>,
      %get3A_812 = vector.shape_cast %get3A_811 : vector<1x1x16xf32> to vector<16xf32>
      %sub3A_813 = arith.subf %get3A_806, %get3A_812 : vector<16xf32>
      %mul3A_814 = arith.mulf %get3A_262, %sub3A_813 : vector<16xf32>
      %add3A_815 = arith.addf %get3A_812, %mul3A_814 : vector<16xf32>
      %swap3A_816 = arith.index_cast %scan3A_257 : i32 to index
      %swap3A_817 = arith.constant 432 : index
      %swap3A_818 = tpu.vector_load %arg11[%swap3A_816, %swap3A_817] {strides = array<i32>} : memref<32x512xf32, #tpu.memory_space<vmem>>, vector<1x16xf32>,
      %swap3A_819 = vector.shape_cast %swap3A_818 : vector<1x16xf32> to vector<16xf32>
      %swap3A_820 = vector.shape_cast %add3A_815 : vector<16xf32> to vector<1x16xf32>
      tpu.vector_store %arg11[%swap3A_816, %swap3A_817], %swap3A_820 {strides = array<i32>} : memref<32x512xf32, #tpu.memory_space<vmem>>, vector<1x16xf32>,
      %get3A_821 = arith.constant 1 : i32
      %get3A_822 = arith.index_cast %get3A_821 : i32 to index
      %get3A_823 = arith.index_cast %scan3A_257 : i32 to index
      %get3A_824 = arith.constant 448 : index
      %get3A_825 = tpu.vector_load %arg9[%get3A_822, %get3A_823, %get3A_824] {strides = array<i32>} : memref<2x32x512xf32, #tpu.memory_space<vmem>>, vector<1x1x16xf32>,
      %get3A_826 = vector.shape_cast %get3A_825 : vector<1x1x16xf32> to vector<16xf32>
      %get3A_827 = arith.constant 1 : i32
      %get3A_828 = arith.index_cast %get3A_827 : i32 to index
      %get3A_829 = arith.index_cast %scan3A_257 : i32 to index
      %get3A_830 = arith.constant 448 : index
      %get3A_831 = tpu.vector_load %arg10[%get3A_828, %get3A_829, %get3A_830] {strides = array<i32>} : memref<2x32x512xf32, #tpu.memory_space<vmem>>, vector<1x1x16xf32>,
      %get3A_832 = vector.shape_cast %get3A_831 : vector<1x1x16xf32> to vector<16xf32>
      %sub3A_833 = arith.subf %get3A_826, %get3A_832 : vector<16xf32>
      %mul3A_834 = arith.mulf %get3A_262, %sub3A_833 : vector<16xf32>
      %add3A_835 = arith.addf %get3A_832, %mul3A_834 : vector<16xf32>
      %swap3A_836 = arith.index_cast %scan3A_257 : i32 to index
      %swap3A_837 = arith.constant 448 : index
      %swap3A_838 = tpu.vector_load %arg11[%swap3A_836, %swap3A_837] {strides = array<i32>} : memref<32x512xf32, #tpu.memory_space<vmem>>, vector<1x16xf32>,
      %swap3A_839 = vector.shape_cast %swap3A_838 : vector<1x16xf32> to vector<16xf32>
      %swap3A_840 = vector.shape_cast %add3A_835 : vector<16xf32> to vector<1x16xf32>
      tpu.vector_store %arg11[%swap3A_836, %swap3A_837], %swap3A_840 {strides = array<i32>} : memref<32x512xf32, #tpu.memory_space<vmem>>, vector<1x16xf32>,
      %get3A_841 = arith.constant 1 : i32
      %get3A_842 = arith.index_cast %get3A_841 : i32 to index
      %get3A_843 = arith.index_cast %scan3A_257 : i32 to index
      %get3A_844 = arith.constant 464 : index
      %get3A_845 = tpu.vector_load %arg9[%get3A_842, %get3A_843, %get3A_844] {strides = array<i32>} : memref<2x32x512xf32, #tpu.memory_space<vmem>>, vector<1x1x16xf32>,
      %get3A_846 = vector.shape_cast %get3A_845 : vector<1x1x16xf32> to vector<16xf32>
      %get3A_847 = arith.constant 1 : i32
      %get3A_848 = arith.index_cast %get3A_847 : i32 to index
      %get3A_849 = arith.index_cast %scan3A_257 : i32 to index
      %get3A_850 = arith.constant 464 : index
      %get3A_851 = tpu.vector_load %arg10[%get3A_848, %get3A_849, %get3A_850] {strides = array<i32>} : memref<2x32x512xf32, #tpu.memory_space<vmem>>, vector<1x1x16xf32>,
      %get3A_852 = vector.shape_cast %get3A_851 : vector<1x1x16xf32> to vector<16xf32>
      %sub3A_853 = arith.subf %get3A_846, %get3A_852 : vector<16xf32>
      %mul3A_854 = arith.mulf %get3A_262, %sub3A_853 : vector<16xf32>
      %add3A_855 = arith.addf %get3A_852, %mul3A_854 : vector<16xf32>
      %swap3A_856 = arith.index_cast %scan3A_257 : i32 to index
      %swap3A_857 = arith.constant 464 : index
      %swap3A_858 = tpu.vector_load %arg11[%swap3A_856, %swap3A_857] {strides = array<i32>} : memref<32x512xf32, #tpu.memory_space<vmem>>, vector<1x16xf32>,
      %swap3A_859 = vector.shape_cast %swap3A_858 : vector<1x16xf32> to vector<16xf32>
      %swap3A_860 = vector.shape_cast %add3A_855 : vector<16xf32> to vector<1x16xf32>
      tpu.vector_store %arg11[%swap3A_856, %swap3A_857], %swap3A_860 {strides = array<i32>} : memref<32x512xf32, #tpu.memory_space<vmem>>, vector<1x16xf32>,
      %get3A_861 = arith.constant 1 : i32
      %get3A_862 = arith.index_cast %get3A_861 : i32 to index
      %get3A_863 = arith.index_cast %scan3A_257 : i32 to index
      %get3A_864 = arith.constant 480 : index
      %get3A_865 = tpu.vector_load %arg9[%get3A_862, %get3A_863, %get3A_864] {strides = array<i32>} : memref<2x32x512xf32, #tpu.memory_space<vmem>>, vector<1x1x16xf32>,
      %get3A_866 = vector.shape_cast %get3A_865 : vector<1x1x16xf32> to vector<16xf32>
      %get3A_867 = arith.constant 1 : i32
      %get3A_868 = arith.index_cast %get3A_867 : i32 to index
      %get3A_869 = arith.index_cast %scan3A_257 : i32 to index
      %get3A_870 = arith.constant 480 : index
      %get3A_871 = tpu.vector_load %arg10[%get3A_868, %get3A_869, %get3A_870] {strides = array<i32>} : memref<2x32x512xf32, #tpu.memory_space<vmem>>, vector<1x1x16xf32>,
      %get3A_872 = vector.shape_cast %get3A_871 : vector<1x1x16xf32> to vector<16xf32>
      %sub3A_873 = arith.subf %get3A_866, %get3A_872 : vector<16xf32>
      %mul3A_874 = arith.mulf %get3A_262, %sub3A_873 : vector<16xf32>
      %add3A_875 = arith.addf %get3A_872, %mul3A_874 : vector<16xf32>
      %swap3A_876 = arith.index_cast %scan3A_257 : i32 to index
      %swap3A_877 = arith.constant 480 : index
      %swap3A_878 = tpu.vector_load %arg11[%swap3A_876, %swap3A_877] {strides = array<i32>} : memref<32x512xf32, #tpu.memory_space<vmem>>, vector<1x16xf32>,
      %swap3A_879 = vector.shape_cast %swap3A_878 : vector<1x16xf32> to vector<16xf32>
      %swap3A_880 = vector.shape_cast %add3A_875 : vector<16xf32> to vector<1x16xf32>
      tpu.vector_store %arg11[%swap3A_876, %swap3A_877], %swap3A_880 {strides = array<i32>} : memref<32x512xf32, #tpu.memory_space<vmem>>, vector<1x16xf32>,
      %get3A_881 = arith.constant 1 : i32
      %get3A_882 = arith.index_cast %get3A_881 : i32 to index
      %get3A_883 = arith.index_cast %scan3A_257 : i32 to index
      %get3A_884 = arith.constant 496 : index
      %get3A_885 = tpu.vector_load %arg9[%get3A_882, %get3A_883, %get3A_884] {strides = array<i32>} : memref<2x32x512xf32, #tpu.memory_space<vmem>>, vector<1x1x16xf32>,
      %get3A_886 = vector.shape_cast %get3A_885 : vector<1x1x16xf32> to vector<16xf32>
      %get3A_887 = arith.constant 1 : i32
      %get3A_888 = arith.index_cast %get3A_887 : i32 to index
      %get3A_889 = arith.index_cast %scan3A_257 : i32 to index
      %get3A_890 = arith.constant 496 : index
      %get3A_891 = tpu.vector_load %arg10[%get3A_888, %get3A_889, %get3A_890] {strides = array<i32>} : memref<2x32x512xf32, #tpu.memory_space<vmem>>, vector<1x1x16xf32>,
      %get3A_892 = vector.shape_cast %get3A_891 : vector<1x1x16xf32> to vector<16xf32>
      %sub3A_893 = arith.subf %get3A_886, %get3A_892 : vector<16xf32>
      %mul3A_894 = arith.mulf %get3A_262, %sub3A_893 : vector<16xf32>
      %add3A_895 = arith.addf %get3A_892, %mul3A_894 : vector<16xf32>
      %swap3A_896 = arith.index_cast %scan3A_257 : i32 to index
      %swap3A_897 = arith.constant 496 : index
      %swap3A_898 = tpu.vector_load %arg11[%swap3A_896, %swap3A_897] {strides = array<i32>} : memref<32x512xf32, #tpu.memory_space<vmem>>, vector<1x16xf32>,
      %swap3A_899 = vector.shape_cast %swap3A_898 : vector<1x16xf32> to vector<16xf32>
      %swap3A_900 = vector.shape_cast %add3A_895 : vector<16xf32> to vector<1x16xf32>
      tpu.vector_store %arg11[%swap3A_896, %swap3A_897], %swap3A_900 {strides = array<i32>} : memref<32x512xf32, #tpu.memory_space<vmem>>, vector<1x16xf32>,
    }
    %scan3A_142 = arith.constant 32 : i32
    %add3A_143 = arith.constant 32 : i32
    %add3A_144 = arith.addi %mul3A_2, %add3A_143 : i32
    %dma_start3A_145 = arith.constant 0 : i32
    %dma_start3A_146 = tpu.memref_slice %arg6[%add3A_144, %dma_start3A_145] : memref<4096x512xf32, #tpu.memory_space<hbm>> -> memref<32x512xf32, #tpu.memory_space<hbm>>
    %dma_start3A_147 = arith.constant 0 : i32
    %dma_start3A_148 = tpu.memref_slice %arg6[%add3A_144, %dma_start3A_147] : memref<4096x512xf32, #tpu.memory_space<hbm>> -> memref<32x512xf32, #tpu.memory_space<hbm>>
    tpu.enqueue_dma source(%arg11 : memref<32x512xf32, #tpu.memory_space<vmem>>) target(%dma_start3A_148 : memref<32x512xf32, #tpu.memory_space<hbm>>) target_semaphore(%arg13 : memref<!tpu.dma_semaphore, #tpu.memory_space<semaphore_mem>>)
    %dma_wait3A_149 = arith.constant 0 : i32
    %dma_wait3A_150 = arith.constant 0 : i32
    %dma_wait3A_151 = arith.constant 0 : i32
    %dma_wait3A_152 = arith.constant 0 : i32
    %dma_wait3A_153 = tpu.memref_slice %arg9[%dma_wait3A_150, %dma_wait3A_151, %dma_wait3A_152] : memref<2x32x512xf32, #tpu.memory_space<vmem>> -> memref<1x32x512xf32, #tpu.memory_space<vmem>>
    %dma_wait3A_154 = tpu.memref_squeeze %dma_wait3A_153 : memref<1x32x512xf32, #tpu.memory_space<vmem>> -> memref<32x512xf32, #tpu.memory_space<vmem>>
    %dma_wait3A_155 = arith.constant 64 : i32
    %dma_wait3A_156 = tpu.memref_slice %arg7[%dma_wait3A_149, %dma_wait3A_155] : memref<2x128xi32, #tpu.memory_space<vmem>> -> memref<1x32xi32, #tpu.memory_space<vmem>>
    %dma_wait3A_157 = tpu.memref_squeeze %dma_wait3A_156 : memref<1x32xi32, #tpu.memory_space<vmem>> -> memref<32xi32, #tpu.memory_space<vmem>>
    %dma_wait3A_158 = arith.constant 0 : i32
    %dma_wait3A_159 = arith.constant 0 : i32
    %dma_wait3A_160 = tpu.memref_slice %arg2[%dma_wait3A_158, %dma_wait3A_159] : memref<9216x512xf32, #tpu.memory_space<hbm>> -> memref<9216x512xf32, #tpu.memory_space<hbm>>
    tpu.wait_indirect_dma semaphore(%arg12 : memref<!tpu.dma_semaphore, #tpu.memory_space<semaphore_mem>>) src(%dma_wait3A_160 : memref<9216x512xf32, #tpu.memory_space<hbm>>) dst(%dma_wait3A_154 : memref<32x512xf32, #tpu.memory_space<vmem>>)
    %dma_wait3A_161 = arith.constant 1 : i32
    %dma_wait3A_162 = arith.constant 0 : i32
    %dma_wait3A_163 = arith.constant 0 : i32
    %dma_wait3A_164 = arith.constant 0 : i32
    %dma_wait3A_165 = tpu.memref_slice %arg10[%dma_wait3A_162, %dma_wait3A_163, %dma_wait3A_164] : memref<2x32x512xf32, #tpu.memory_space<vmem>> -> memref<1x32x512xf32, #tpu.memory_space<vmem>>
    %dma_wait3A_166 = tpu.memref_squeeze %dma_wait3A_165 : memref<1x32x512xf32, #tpu.memory_space<vmem>> -> memref<32x512xf32, #tpu.memory_space<vmem>>
    %dma_wait3A_167 = arith.constant 64 : i32
    %dma_wait3A_168 = tpu.memref_slice %arg7[%dma_wait3A_161, %dma_wait3A_167] : memref<2x128xi32, #tpu.memory_space<vmem>> -> memref<1x32xi32, #tpu.memory_space<vmem>>
    %dma_wait3A_169 = tpu.memref_squeeze %dma_wait3A_168 : memref<1x32xi32, #tpu.memory_space<vmem>> -> memref<32xi32, #tpu.memory_space<vmem>>
    %dma_wait3A_170 = arith.constant 0 : i32
    %dma_wait3A_171 = arith.constant 0 : i32
    %dma_wait3A_172 = tpu.memref_slice %arg2[%dma_wait3A_170, %dma_wait3A_171] : memref<9216x512xf32, #tpu.memory_space<hbm>> -> memref<9216x512xf32, #tpu.memory_space<hbm>>
    tpu.wait_indirect_dma semaphore(%arg12 : memref<!tpu.dma_semaphore, #tpu.memory_space<semaphore_mem>>) src(%dma_wait3A_172 : memref<9216x512xf32, #tpu.memory_space<hbm>>) dst(%dma_wait3A_166 : memref<32x512xf32, #tpu.memory_space<vmem>>)
    %dma_start3A_173 = arith.constant 0 : i32
    %dma_start3A_174 = arith.constant 1 : i32
    %dma_start3A_175 = arith.constant 0 : i32
    %dma_start3A_176 = arith.constant 0 : i32
    %dma_start3A_177 = tpu.memref_slice %arg9[%dma_start3A_174, %dma_start3A_175, %dma_start3A_176] : memref<2x32x512xf32, #tpu.memory_space<vmem>> -> memref<1x32x512xf32, #tpu.memory_space<vmem>>
    %dma_start3A_178 = tpu.memref_squeeze %dma_start3A_177 : memref<1x32x512xf32, #tpu.memory_space<vmem>> -> memref<32x512xf32, #tpu.memory_space<vmem>>
    %dma_start3A_179 = arith.constant 96 : i32
    %dma_start3A_180 = tpu.memref_slice %arg7[%dma_start3A_173, %dma_start3A_179] : memref<2x128xi32, #tpu.memory_space<vmem>> -> memref<1x32xi32, #tpu.memory_space<vmem>>
    %dma_start3A_181 = tpu.memref_squeeze %dma_start3A_180 : memref<1x32xi32, #tpu.memory_space<vmem>> -> memref<32xi32, #tpu.memory_space<vmem>>
    %dma_start3A_182 = arith.constant 0 : i32
    %dma_start3A_183 = arith.constant 0 : i32
    %dma_start3A_184 = tpu.memref_slice %arg2[%dma_start3A_182, %dma_start3A_183] : memref<9216x512xf32, #tpu.memory_space<hbm>> -> memref<9216x512xf32, #tpu.memory_space<hbm>>
    tpu.enqueue_indirect_dma source(%dma_start3A_184 : memref<9216x512xf32, #tpu.memory_space<hbm>>) target(%dma_start3A_178 : memref<32x512xf32, #tpu.memory_space<vmem>>) offsets(%dma_start3A_181 : memref<32xi32, #tpu.memory_space<vmem>>) semaphore(%arg12 : memref<!tpu.dma_semaphore, #tpu.memory_space<semaphore_mem>>)
    %dma_start3A_185 = arith.constant 1 : i32
    %dma_start3A_186 = arith.constant 1 : i32
    %dma_start3A_187 = arith.constant 0 : i32
    %dma_start3A_188 = arith.constant 0 : i32
    %dma_start3A_189 = tpu.memref_slice %arg10[%dma_start3A_186, %dma_start3A_187, %dma_start3A_188] : memref<2x32x512xf32, #tpu.memory_space<vmem>> -> memref<1x32x512xf32, #tpu.memory_space<vmem>>
    %dma_start3A_190 = tpu.memref_squeeze %dma_start3A_189 : memref<1x32x512xf32, #tpu.memory_space<vmem>> -> memref<32x512xf32, #tpu.memory_space<vmem>>
    %dma_start3A_191 = arith.constant 96 : i32
    %dma_start3A_192 = tpu.memref_slice %arg7[%dma_start3A_185, %dma_start3A_191] : memref<2x128xi32, #tpu.memory_space<vmem>> -> memref<1x32xi32, #tpu.memory_space<vmem>>
    %dma_start3A_193 = tpu.memref_squeeze %dma_start3A_192 : memref<1x32xi32, #tpu.memory_space<vmem>> -> memref<32xi32, #tpu.memory_space<vmem>>
    %dma_start3A_194 = arith.constant 0 : i32
    %dma_start3A_195 = arith.constant 0 : i32
    %dma_start3A_196 = tpu.memref_slice %arg2[%dma_start3A_194, %dma_start3A_195] : memref<9216x512xf32, #tpu.memory_space<hbm>> -> memref<9216x512xf32, #tpu.memory_space<hbm>>
    tpu.enqueue_indirect_dma source(%dma_start3A_196 : memref<9216x512xf32, #tpu.memory_space<hbm>>) target(%dma_start3A_190 : memref<32x512xf32, #tpu.memory_space<vmem>>) offsets(%dma_start3A_193 : memref<32xi32, #tpu.memory_space<vmem>>) semaphore(%arg12 : memref<!tpu.dma_semaphore, #tpu.memory_space<semaphore_mem>>)
    %dma_wait3A_197 = arith.constant 0 : i32
    %dma_wait3A_198 = tpu.memref_slice %arg6[%add3A_144, %dma_wait3A_197] : memref<4096x512xf32, #tpu.memory_space<hbm>> -> memref<32x512xf32, #tpu.memory_space<hbm>>
    %dma_wait3A_199 = arith.constant 0 : i32
    %dma_wait3A_200 = tpu.memref_slice %arg6[%add3A_144, %dma_wait3A_199] : memref<4096x512xf32, #tpu.memory_space<hbm>> -> memref<32x512xf32, #tpu.memory_space<hbm>>
    tpu.wait_dma2 semaphore(%arg13 : memref<!tpu.dma_semaphore, #tpu.memory_space<semaphore_mem>>) src(%arg11 : memref<32x512xf32, #tpu.memory_space<vmem>>) dst(%dma_wait3A_200 : memref<32x512xf32, #tpu.memory_space<hbm>>)
    %scan3A_201 = arith.constant 0 : i32
    %scan3A_202 = arith.constant 0 : i32
    %scan3A_203 = arith.constant 32 : i32
    %scan3A_204 = arith.addi %scan3A_202, %scan3A_203 : i32
    %scan3A_205 = arith.constant 1 : i32
    scf.for %scan3A_257 = %scan3A_202 to %scan3A_204 step %scan3A_205  : i32 {
      %add3A_258 = arith.constant 64 : i32
      %add3A_259 = arith.addi %add3A_258, %scan3A_257 : i32
      %get3A = arith.index_cast %add3A_259 : i32 to index
      %get3A_260 = arith.constant 0 : index
      %get3A_261 = tpu.vector_load %arg8[%get3A, %get3A_260] {strides = array<i32>} : memref<128x16xf32, #tpu.memory_space<vmem>>, vector<1x16xf32>,
      %get3A_262 = vector.shape_cast %get3A_261 : vector<1x16xf32> to vector<16xf32>
      %get3A_263 = arith.constant 0 : i32
      %get3A_264 = arith.index_cast %get3A_263 : i32 to index
      %get3A_265 = arith.index_cast %scan3A_257 : i32 to index
      %get3A_266 = arith.constant 0 : index
      %get3A_267 = tpu.vector_load %arg9[%get3A_264, %get3A_265, %get3A_266] {strides = array<i32>} : memref<2x32x512xf32, #tpu.memory_space<vmem>>, vector<1x1x16xf32>,
      %get3A_268 = vector.shape_cast %get3A_267 : vector<1x1x16xf32> to vector<16xf32>
      %get3A_269 = arith.constant 0 : i32
      %get3A_270 = arith.index_cast %get3A_269 : i32 to index
      %get3A_271 = arith.index_cast %scan3A_257 : i32 to index
      %get3A_272 = arith.constant 0 : index
      %get3A_273 = tpu.vector_load %arg10[%get3A_270, %get3A_271, %get3A_272] {strides = array<i32>} : memref<2x32x512xf32, #tpu.memory_space<vmem>>, vector<1x1x16xf32>,
      %get3A_274 = vector.shape_cast %get3A_273 : vector<1x1x16xf32> to vector<16xf32>
      %sub3A = arith.subf %get3A_268, %get3A_274 : vector<16xf32>
      %mul3A_275 = arith.mulf %get3A_262, %sub3A : vector<16xf32>
      %add3A_276 = arith.addf %get3A_274, %mul3A_275 : vector<16xf32>
      %swap3A = arith.index_cast %scan3A_257 : i32 to index
      %swap3A_277 = arith.constant 0 : index
      %swap3A_278 = tpu.vector_load %arg11[%swap3A, %swap3A_277] {strides = array<i32>} : memref<32x512xf32, #tpu.memory_space<vmem>>, vector<1x16xf32>,
      %swap3A_279 = vector.shape_cast %swap3A_278 : vector<1x16xf32> to vector<16xf32>
      %swap3A_280 = vector.shape_cast %add3A_276 : vector<16xf32> to vector<1x16xf32>
      tpu.vector_store %arg11[%swap3A, %swap3A_277], %swap3A_280 {strides = array<i32>} : memref<32x512xf32, #tpu.memory_space<vmem>>, vector<1x16xf32>,
      %get3A_281 = arith.constant 0 : i32
      %get3A_282 = arith.index_cast %get3A_281 : i32 to index
      %get3A_283 = arith.index_cast %scan3A_257 : i32 to index
      %get3A_284 = arith.constant 16 : index
      %get3A_285 = tpu.vector_load %arg9[%get3A_282, %get3A_283, %get3A_284] {strides = array<i32>} : memref<2x32x512xf32, #tpu.memory_space<vmem>>, vector<1x1x16xf32>,
      %get3A_286 = vector.shape_cast %get3A_285 : vector<1x1x16xf32> to vector<16xf32>
      %get3A_287 = arith.constant 0 : i32
      %get3A_288 = arith.index_cast %get3A_287 : i32 to index
      %get3A_289 = arith.index_cast %scan3A_257 : i32 to index
      %get3A_290 = arith.constant 16 : index
      %get3A_291 = tpu.vector_load %arg10[%get3A_288, %get3A_289, %get3A_290] {strides = array<i32>} : memref<2x32x512xf32, #tpu.memory_space<vmem>>, vector<1x1x16xf32>,
      %get3A_292 = vector.shape_cast %get3A_291 : vector<1x1x16xf32> to vector<16xf32>
      %sub3A_293 = arith.subf %get3A_286, %get3A_292 : vector<16xf32>
      %mul3A_294 = arith.mulf %get3A_262, %sub3A_293 : vector<16xf32>
      %add3A_295 = arith.addf %get3A_292, %mul3A_294 : vector<16xf32>
      %swap3A_296 = arith.index_cast %scan3A_257 : i32 to index
      %swap3A_297 = arith.constant 16 : index
      %swap3A_298 = tpu.vector_load %arg11[%swap3A_296, %swap3A_297] {strides = array<i32>} : memref<32x512xf32, #tpu.memory_space<vmem>>, vector<1x16xf32>,
      %swap3A_299 = vector.shape_cast %swap3A_298 : vector<1x16xf32> to vector<16xf32>
      %swap3A_300 = vector.shape_cast %add3A_295 : vector<16xf32> to vector<1x16xf32>
      tpu.vector_store %arg11[%swap3A_296, %swap3A_297], %swap3A_300 {strides = array<i32>} : memref<32x512xf32, #tpu.memory_space<vmem>>, vector<1x16xf32>,
      %get3A_301 = arith.constant 0 : i32
      %get3A_302 = arith.index_cast %get3A_301 : i32 to index
      %get3A_303 = arith.index_cast %scan3A_257 : i32 to index
      %get3A_304 = arith.constant 32 : index
      %get3A_305 = tpu.vector_load %arg9[%get3A_302, %get3A_303, %get3A_304] {strides = array<i32>} : memref<2x32x512xf32, #tpu.memory_space<vmem>>, vector<1x1x16xf32>,
      %get3A_306 = vector.shape_cast %get3A_305 : vector<1x1x16xf32> to vector<16xf32>
      %get3A_307 = arith.constant 0 : i32
      %get3A_308 = arith.index_cast %get3A_307 : i32 to index
      %get3A_309 = arith.index_cast %scan3A_257 : i32 to index
      %get3A_310 = arith.constant 32 : index
      %get3A_311 = tpu.vector_load %arg10[%get3A_308, %get3A_309, %get3A_310] {strides = array<i32>} : memref<2x32x512xf32, #tpu.memory_space<vmem>>, vector<1x1x16xf32>,
      %get3A_312 = vector.shape_cast %get3A_311 : vector<1x1x16xf32> to vector<16xf32>
      %sub3A_313 = arith.subf %get3A_306, %get3A_312 : vector<16xf32>
      %mul3A_314 = arith.mulf %get3A_262, %sub3A_313 : vector<16xf32>
      %add3A_315 = arith.addf %get3A_312, %mul3A_314 : vector<16xf32>
      %swap3A_316 = arith.index_cast %scan3A_257 : i32 to index
      %swap3A_317 = arith.constant 32 : index
      %swap3A_318 = tpu.vector_load %arg11[%swap3A_316, %swap3A_317] {strides = array<i32>} : memref<32x512xf32, #tpu.memory_space<vmem>>, vector<1x16xf32>,
      %swap3A_319 = vector.shape_cast %swap3A_318 : vector<1x16xf32> to vector<16xf32>
      %swap3A_320 = vector.shape_cast %add3A_315 : vector<16xf32> to vector<1x16xf32>
      tpu.vector_store %arg11[%swap3A_316, %swap3A_317], %swap3A_320 {strides = array<i32>} : memref<32x512xf32, #tpu.memory_space<vmem>>, vector<1x16xf32>,
      %get3A_321 = arith.constant 0 : i32
      %get3A_322 = arith.index_cast %get3A_321 : i32 to index
      %get3A_323 = arith.index_cast %scan3A_257 : i32 to index
      %get3A_324 = arith.constant 48 : index
      %get3A_325 = tpu.vector_load %arg9[%get3A_322, %get3A_323, %get3A_324] {strides = array<i32>} : memref<2x32x512xf32, #tpu.memory_space<vmem>>, vector<1x1x16xf32>,
      %get3A_326 = vector.shape_cast %get3A_325 : vector<1x1x16xf32> to vector<16xf32>
      %get3A_327 = arith.constant 0 : i32
      %get3A_328 = arith.index_cast %get3A_327 : i32 to index
      %get3A_329 = arith.index_cast %scan3A_257 : i32 to index
      %get3A_330 = arith.constant 48 : index
      %get3A_331 = tpu.vector_load %arg10[%get3A_328, %get3A_329, %get3A_330] {strides = array<i32>} : memref<2x32x512xf32, #tpu.memory_space<vmem>>, vector<1x1x16xf32>,
      %get3A_332 = vector.shape_cast %get3A_331 : vector<1x1x16xf32> to vector<16xf32>
      %sub3A_333 = arith.subf %get3A_326, %get3A_332 : vector<16xf32>
      %mul3A_334 = arith.mulf %get3A_262, %sub3A_333 : vector<16xf32>
      %add3A_335 = arith.addf %get3A_332, %mul3A_334 : vector<16xf32>
      %swap3A_336 = arith.index_cast %scan3A_257 : i32 to index
      %swap3A_337 = arith.constant 48 : index
      %swap3A_338 = tpu.vector_load %arg11[%swap3A_336, %swap3A_337] {strides = array<i32>} : memref<32x512xf32, #tpu.memory_space<vmem>>, vector<1x16xf32>,
      %swap3A_339 = vector.shape_cast %swap3A_338 : vector<1x16xf32> to vector<16xf32>
      %swap3A_340 = vector.shape_cast %add3A_335 : vector<16xf32> to vector<1x16xf32>
      tpu.vector_store %arg11[%swap3A_336, %swap3A_337], %swap3A_340 {strides = array<i32>} : memref<32x512xf32, #tpu.memory_space<vmem>>, vector<1x16xf32>,
      %get3A_341 = arith.constant 0 : i32
      %get3A_342 = arith.index_cast %get3A_341 : i32 to index
      %get3A_343 = arith.index_cast %scan3A_257 : i32 to index
      %get3A_344 = arith.constant 64 : index
      %get3A_345 = tpu.vector_load %arg9[%get3A_342, %get3A_343, %get3A_344] {strides = array<i32>} : memref<2x32x512xf32, #tpu.memory_space<vmem>>, vector<1x1x16xf32>,
      %get3A_346 = vector.shape_cast %get3A_345 : vector<1x1x16xf32> to vector<16xf32>
      %get3A_347 = arith.constant 0 : i32
      %get3A_348 = arith.index_cast %get3A_347 : i32 to index
      %get3A_349 = arith.index_cast %scan3A_257 : i32 to index
      %get3A_350 = arith.constant 64 : index
      %get3A_351 = tpu.vector_load %arg10[%get3A_348, %get3A_349, %get3A_350] {strides = array<i32>} : memref<2x32x512xf32, #tpu.memory_space<vmem>>, vector<1x1x16xf32>,
      %get3A_352 = vector.shape_cast %get3A_351 : vector<1x1x16xf32> to vector<16xf32>
      %sub3A_353 = arith.subf %get3A_346, %get3A_352 : vector<16xf32>
      %mul3A_354 = arith.mulf %get3A_262, %sub3A_353 : vector<16xf32>
      %add3A_355 = arith.addf %get3A_352, %mul3A_354 : vector<16xf32>
      %swap3A_356 = arith.index_cast %scan3A_257 : i32 to index
      %swap3A_357 = arith.constant 64 : index
      %swap3A_358 = tpu.vector_load %arg11[%swap3A_356, %swap3A_357] {strides = array<i32>} : memref<32x512xf32, #tpu.memory_space<vmem>>, vector<1x16xf32>,
      %swap3A_359 = vector.shape_cast %swap3A_358 : vector<1x16xf32> to vector<16xf32>
      %swap3A_360 = vector.shape_cast %add3A_355 : vector<16xf32> to vector<1x16xf32>
      tpu.vector_store %arg11[%swap3A_356, %swap3A_357], %swap3A_360 {strides = array<i32>} : memref<32x512xf32, #tpu.memory_space<vmem>>, vector<1x16xf32>,
      %get3A_361 = arith.constant 0 : i32
      %get3A_362 = arith.index_cast %get3A_361 : i32 to index
      %get3A_363 = arith.index_cast %scan3A_257 : i32 to index
      %get3A_364 = arith.constant 80 : index
      %get3A_365 = tpu.vector_load %arg9[%get3A_362, %get3A_363, %get3A_364] {strides = array<i32>} : memref<2x32x512xf32, #tpu.memory_space<vmem>>, vector<1x1x16xf32>,
      %get3A_366 = vector.shape_cast %get3A_365 : vector<1x1x16xf32> to vector<16xf32>
      %get3A_367 = arith.constant 0 : i32
      %get3A_368 = arith.index_cast %get3A_367 : i32 to index
      %get3A_369 = arith.index_cast %scan3A_257 : i32 to index
      %get3A_370 = arith.constant 80 : index
      %get3A_371 = tpu.vector_load %arg10[%get3A_368, %get3A_369, %get3A_370] {strides = array<i32>} : memref<2x32x512xf32, #tpu.memory_space<vmem>>, vector<1x1x16xf32>,
      %get3A_372 = vector.shape_cast %get3A_371 : vector<1x1x16xf32> to vector<16xf32>
      %sub3A_373 = arith.subf %get3A_366, %get3A_372 : vector<16xf32>
      %mul3A_374 = arith.mulf %get3A_262, %sub3A_373 : vector<16xf32>
      %add3A_375 = arith.addf %get3A_372, %mul3A_374 : vector<16xf32>
      %swap3A_376 = arith.index_cast %scan3A_257 : i32 to index
      %swap3A_377 = arith.constant 80 : index
      %swap3A_378 = tpu.vector_load %arg11[%swap3A_376, %swap3A_377] {strides = array<i32>} : memref<32x512xf32, #tpu.memory_space<vmem>>, vector<1x16xf32>,
      %swap3A_379 = vector.shape_cast %swap3A_378 : vector<1x16xf32> to vector<16xf32>
      %swap3A_380 = vector.shape_cast %add3A_375 : vector<16xf32> to vector<1x16xf32>
      tpu.vector_store %arg11[%swap3A_376, %swap3A_377], %swap3A_380 {strides = array<i32>} : memref<32x512xf32, #tpu.memory_space<vmem>>, vector<1x16xf32>,
      %get3A_381 = arith.constant 0 : i32
      %get3A_382 = arith.index_cast %get3A_381 : i32 to index
      %get3A_383 = arith.index_cast %scan3A_257 : i32 to index
      %get3A_384 = arith.constant 96 : index
      %get3A_385 = tpu.vector_load %arg9[%get3A_382, %get3A_383, %get3A_384] {strides = array<i32>} : memref<2x32x512xf32, #tpu.memory_space<vmem>>, vector<1x1x16xf32>,
      %get3A_386 = vector.shape_cast %get3A_385 : vector<1x1x16xf32> to vector<16xf32>
      %get3A_387 = arith.constant 0 : i32
      %get3A_388 = arith.index_cast %get3A_387 : i32 to index
      %get3A_389 = arith.index_cast %scan3A_257 : i32 to index
      %get3A_390 = arith.constant 96 : index
      %get3A_391 = tpu.vector_load %arg10[%get3A_388, %get3A_389, %get3A_390] {strides = array<i32>} : memref<2x32x512xf32, #tpu.memory_space<vmem>>, vector<1x1x16xf32>,
      %get3A_392 = vector.shape_cast %get3A_391 : vector<1x1x16xf32> to vector<16xf32>
      %sub3A_393 = arith.subf %get3A_386, %get3A_392 : vector<16xf32>
      %mul3A_394 = arith.mulf %get3A_262, %sub3A_393 : vector<16xf32>
      %add3A_395 = arith.addf %get3A_392, %mul3A_394 : vector<16xf32>
      %swap3A_396 = arith.index_cast %scan3A_257 : i32 to index
      %swap3A_397 = arith.constant 96 : index
      %swap3A_398 = tpu.vector_load %arg11[%swap3A_396, %swap3A_397] {strides = array<i32>} : memref<32x512xf32, #tpu.memory_space<vmem>>, vector<1x16xf32>,
      %swap3A_399 = vector.shape_cast %swap3A_398 : vector<1x16xf32> to vector<16xf32>
      %swap3A_400 = vector.shape_cast %add3A_395 : vector<16xf32> to vector<1x16xf32>
      tpu.vector_store %arg11[%swap3A_396, %swap3A_397], %swap3A_400 {strides = array<i32>} : memref<32x512xf32, #tpu.memory_space<vmem>>, vector<1x16xf32>,
      %get3A_401 = arith.constant 0 : i32
      %get3A_402 = arith.index_cast %get3A_401 : i32 to index
      %get3A_403 = arith.index_cast %scan3A_257 : i32 to index
      %get3A_404 = arith.constant 112 : index
      %get3A_405 = tpu.vector_load %arg9[%get3A_402, %get3A_403, %get3A_404] {strides = array<i32>} : memref<2x32x512xf32, #tpu.memory_space<vmem>>, vector<1x1x16xf32>,
      %get3A_406 = vector.shape_cast %get3A_405 : vector<1x1x16xf32> to vector<16xf32>
      %get3A_407 = arith.constant 0 : i32
      %get3A_408 = arith.index_cast %get3A_407 : i32 to index
      %get3A_409 = arith.index_cast %scan3A_257 : i32 to index
      %get3A_410 = arith.constant 112 : index
      %get3A_411 = tpu.vector_load %arg10[%get3A_408, %get3A_409, %get3A_410] {strides = array<i32>} : memref<2x32x512xf32, #tpu.memory_space<vmem>>, vector<1x1x16xf32>,
      %get3A_412 = vector.shape_cast %get3A_411 : vector<1x1x16xf32> to vector<16xf32>
      %sub3A_413 = arith.subf %get3A_406, %get3A_412 : vector<16xf32>
      %mul3A_414 = arith.mulf %get3A_262, %sub3A_413 : vector<16xf32>
      %add3A_415 = arith.addf %get3A_412, %mul3A_414 : vector<16xf32>
      %swap3A_416 = arith.index_cast %scan3A_257 : i32 to index
      %swap3A_417 = arith.constant 112 : index
      %swap3A_418 = tpu.vector_load %arg11[%swap3A_416, %swap3A_417] {strides = array<i32>} : memref<32x512xf32, #tpu.memory_space<vmem>>, vector<1x16xf32>,
      %swap3A_419 = vector.shape_cast %swap3A_418 : vector<1x16xf32> to vector<16xf32>
      %swap3A_420 = vector.shape_cast %add3A_415 : vector<16xf32> to vector<1x16xf32>
      tpu.vector_store %arg11[%swap3A_416, %swap3A_417], %swap3A_420 {strides = array<i32>} : memref<32x512xf32, #tpu.memory_space<vmem>>, vector<1x16xf32>,
      %get3A_421 = arith.constant 0 : i32
      %get3A_422 = arith.index_cast %get3A_421 : i32 to index
      %get3A_423 = arith.index_cast %scan3A_257 : i32 to index
      %get3A_424 = arith.constant 128 : index
      %get3A_425 = tpu.vector_load %arg9[%get3A_422, %get3A_423, %get3A_424] {strides = array<i32>} : memref<2x32x512xf32, #tpu.memory_space<vmem>>, vector<1x1x16xf32>,
      %get3A_426 = vector.shape_cast %get3A_425 : vector<1x1x16xf32> to vector<16xf32>
      %get3A_427 = arith.constant 0 : i32
      %get3A_428 = arith.index_cast %get3A_427 : i32 to index
      %get3A_429 = arith.index_cast %scan3A_257 : i32 to index
      %get3A_430 = arith.constant 128 : index
      %get3A_431 = tpu.vector_load %arg10[%get3A_428, %get3A_429, %get3A_430] {strides = array<i32>} : memref<2x32x512xf32, #tpu.memory_space<vmem>>, vector<1x1x16xf32>,
      %get3A_432 = vector.shape_cast %get3A_431 : vector<1x1x16xf32> to vector<16xf32>
      %sub3A_433 = arith.subf %get3A_426, %get3A_432 : vector<16xf32>
      %mul3A_434 = arith.mulf %get3A_262, %sub3A_433 : vector<16xf32>
      %add3A_435 = arith.addf %get3A_432, %mul3A_434 : vector<16xf32>
      %swap3A_436 = arith.index_cast %scan3A_257 : i32 to index
      %swap3A_437 = arith.constant 128 : index
      %swap3A_438 = tpu.vector_load %arg11[%swap3A_436, %swap3A_437] {strides = array<i32>} : memref<32x512xf32, #tpu.memory_space<vmem>>, vector<1x16xf32>,
      %swap3A_439 = vector.shape_cast %swap3A_438 : vector<1x16xf32> to vector<16xf32>
      %swap3A_440 = vector.shape_cast %add3A_435 : vector<16xf32> to vector<1x16xf32>
      tpu.vector_store %arg11[%swap3A_436, %swap3A_437], %swap3A_440 {strides = array<i32>} : memref<32x512xf32, #tpu.memory_space<vmem>>, vector<1x16xf32>,
      %get3A_441 = arith.constant 0 : i32
      %get3A_442 = arith.index_cast %get3A_441 : i32 to index
      %get3A_443 = arith.index_cast %scan3A_257 : i32 to index
      %get3A_444 = arith.constant 144 : index
      %get3A_445 = tpu.vector_load %arg9[%get3A_442, %get3A_443, %get3A_444] {strides = array<i32>} : memref<2x32x512xf32, #tpu.memory_space<vmem>>, vector<1x1x16xf32>,
      %get3A_446 = vector.shape_cast %get3A_445 : vector<1x1x16xf32> to vector<16xf32>
      %get3A_447 = arith.constant 0 : i32
      %get3A_448 = arith.index_cast %get3A_447 : i32 to index
      %get3A_449 = arith.index_cast %scan3A_257 : i32 to index
      %get3A_450 = arith.constant 144 : index
      %get3A_451 = tpu.vector_load %arg10[%get3A_448, %get3A_449, %get3A_450] {strides = array<i32>} : memref<2x32x512xf32, #tpu.memory_space<vmem>>, vector<1x1x16xf32>,
      %get3A_452 = vector.shape_cast %get3A_451 : vector<1x1x16xf32> to vector<16xf32>
      %sub3A_453 = arith.subf %get3A_446, %get3A_452 : vector<16xf32>
      %mul3A_454 = arith.mulf %get3A_262, %sub3A_453 : vector<16xf32>
      %add3A_455 = arith.addf %get3A_452, %mul3A_454 : vector<16xf32>
      %swap3A_456 = arith.index_cast %scan3A_257 : i32 to index
      %swap3A_457 = arith.constant 144 : index
      %swap3A_458 = tpu.vector_load %arg11[%swap3A_456, %swap3A_457] {strides = array<i32>} : memref<32x512xf32, #tpu.memory_space<vmem>>, vector<1x16xf32>,
      %swap3A_459 = vector.shape_cast %swap3A_458 : vector<1x16xf32> to vector<16xf32>
      %swap3A_460 = vector.shape_cast %add3A_455 : vector<16xf32> to vector<1x16xf32>
      tpu.vector_store %arg11[%swap3A_456, %swap3A_457], %swap3A_460 {strides = array<i32>} : memref<32x512xf32, #tpu.memory_space<vmem>>, vector<1x16xf32>,
      %get3A_461 = arith.constant 0 : i32
      %get3A_462 = arith.index_cast %get3A_461 : i32 to index
      %get3A_463 = arith.index_cast %scan3A_257 : i32 to index
      %get3A_464 = arith.constant 160 : index
      %get3A_465 = tpu.vector_load %arg9[%get3A_462, %get3A_463, %get3A_464] {strides = array<i32>} : memref<2x32x512xf32, #tpu.memory_space<vmem>>, vector<1x1x16xf32>,
      %get3A_466 = vector.shape_cast %get3A_465 : vector<1x1x16xf32> to vector<16xf32>
      %get3A_467 = arith.constant 0 : i32
      %get3A_468 = arith.index_cast %get3A_467 : i32 to index
      %get3A_469 = arith.index_cast %scan3A_257 : i32 to index
      %get3A_470 = arith.constant 160 : index
      %get3A_471 = tpu.vector_load %arg10[%get3A_468, %get3A_469, %get3A_470] {strides = array<i32>} : memref<2x32x512xf32, #tpu.memory_space<vmem>>, vector<1x1x16xf32>,
      %get3A_472 = vector.shape_cast %get3A_471 : vector<1x1x16xf32> to vector<16xf32>
      %sub3A_473 = arith.subf %get3A_466, %get3A_472 : vector<16xf32>
      %mul3A_474 = arith.mulf %get3A_262, %sub3A_473 : vector<16xf32>
      %add3A_475 = arith.addf %get3A_472, %mul3A_474 : vector<16xf32>
      %swap3A_476 = arith.index_cast %scan3A_257 : i32 to index
      %swap3A_477 = arith.constant 160 : index
      %swap3A_478 = tpu.vector_load %arg11[%swap3A_476, %swap3A_477] {strides = array<i32>} : memref<32x512xf32, #tpu.memory_space<vmem>>, vector<1x16xf32>,
      %swap3A_479 = vector.shape_cast %swap3A_478 : vector<1x16xf32> to vector<16xf32>
      %swap3A_480 = vector.shape_cast %add3A_475 : vector<16xf32> to vector<1x16xf32>
      tpu.vector_store %arg11[%swap3A_476, %swap3A_477], %swap3A_480 {strides = array<i32>} : memref<32x512xf32, #tpu.memory_space<vmem>>, vector<1x16xf32>,
      %get3A_481 = arith.constant 0 : i32
      %get3A_482 = arith.index_cast %get3A_481 : i32 to index
      %get3A_483 = arith.index_cast %scan3A_257 : i32 to index
      %get3A_484 = arith.constant 176 : index
      %get3A_485 = tpu.vector_load %arg9[%get3A_482, %get3A_483, %get3A_484] {strides = array<i32>} : memref<2x32x512xf32, #tpu.memory_space<vmem>>, vector<1x1x16xf32>,
      %get3A_486 = vector.shape_cast %get3A_485 : vector<1x1x16xf32> to vector<16xf32>
      %get3A_487 = arith.constant 0 : i32
      %get3A_488 = arith.index_cast %get3A_487 : i32 to index
      %get3A_489 = arith.index_cast %scan3A_257 : i32 to index
      %get3A_490 = arith.constant 176 : index
      %get3A_491 = tpu.vector_load %arg10[%get3A_488, %get3A_489, %get3A_490] {strides = array<i32>} : memref<2x32x512xf32, #tpu.memory_space<vmem>>, vector<1x1x16xf32>,
      %get3A_492 = vector.shape_cast %get3A_491 : vector<1x1x16xf32> to vector<16xf32>
      %sub3A_493 = arith.subf %get3A_486, %get3A_492 : vector<16xf32>
      %mul3A_494 = arith.mulf %get3A_262, %sub3A_493 : vector<16xf32>
      %add3A_495 = arith.addf %get3A_492, %mul3A_494 : vector<16xf32>
      %swap3A_496 = arith.index_cast %scan3A_257 : i32 to index
      %swap3A_497 = arith.constant 176 : index
      %swap3A_498 = tpu.vector_load %arg11[%swap3A_496, %swap3A_497] {strides = array<i32>} : memref<32x512xf32, #tpu.memory_space<vmem>>, vector<1x16xf32>,
      %swap3A_499 = vector.shape_cast %swap3A_498 : vector<1x16xf32> to vector<16xf32>
      %swap3A_500 = vector.shape_cast %add3A_495 : vector<16xf32> to vector<1x16xf32>
      tpu.vector_store %arg11[%swap3A_496, %swap3A_497], %swap3A_500 {strides = array<i32>} : memref<32x512xf32, #tpu.memory_space<vmem>>, vector<1x16xf32>,
      %get3A_501 = arith.constant 0 : i32
      %get3A_502 = arith.index_cast %get3A_501 : i32 to index
      %get3A_503 = arith.index_cast %scan3A_257 : i32 to index
      %get3A_504 = arith.constant 192 : index
      %get3A_505 = tpu.vector_load %arg9[%get3A_502, %get3A_503, %get3A_504] {strides = array<i32>} : memref<2x32x512xf32, #tpu.memory_space<vmem>>, vector<1x1x16xf32>,
      %get3A_506 = vector.shape_cast %get3A_505 : vector<1x1x16xf32> to vector<16xf32>
      %get3A_507 = arith.constant 0 : i32
      %get3A_508 = arith.index_cast %get3A_507 : i32 to index
      %get3A_509 = arith.index_cast %scan3A_257 : i32 to index
      %get3A_510 = arith.constant 192 : index
      %get3A_511 = tpu.vector_load %arg10[%get3A_508, %get3A_509, %get3A_510] {strides = array<i32>} : memref<2x32x512xf32, #tpu.memory_space<vmem>>, vector<1x1x16xf32>,
      %get3A_512 = vector.shape_cast %get3A_511 : vector<1x1x16xf32> to vector<16xf32>
      %sub3A_513 = arith.subf %get3A_506, %get3A_512 : vector<16xf32>
      %mul3A_514 = arith.mulf %get3A_262, %sub3A_513 : vector<16xf32>
      %add3A_515 = arith.addf %get3A_512, %mul3A_514 : vector<16xf32>
      %swap3A_516 = arith.index_cast %scan3A_257 : i32 to index
      %swap3A_517 = arith.constant 192 : index
      %swap3A_518 = tpu.vector_load %arg11[%swap3A_516, %swap3A_517] {strides = array<i32>} : memref<32x512xf32, #tpu.memory_space<vmem>>, vector<1x16xf32>,
      %swap3A_519 = vector.shape_cast %swap3A_518 : vector<1x16xf32> to vector<16xf32>
      %swap3A_520 = vector.shape_cast %add3A_515 : vector<16xf32> to vector<1x16xf32>
      tpu.vector_store %arg11[%swap3A_516, %swap3A_517], %swap3A_520 {strides = array<i32>} : memref<32x512xf32, #tpu.memory_space<vmem>>, vector<1x16xf32>,
      %get3A_521 = arith.constant 0 : i32
      %get3A_522 = arith.index_cast %get3A_521 : i32 to index
      %get3A_523 = arith.index_cast %scan3A_257 : i32 to index
      %get3A_524 = arith.constant 208 : index
      %get3A_525 = tpu.vector_load %arg9[%get3A_522, %get3A_523, %get3A_524] {strides = array<i32>} : memref<2x32x512xf32, #tpu.memory_space<vmem>>, vector<1x1x16xf32>,
      %get3A_526 = vector.shape_cast %get3A_525 : vector<1x1x16xf32> to vector<16xf32>
      %get3A_527 = arith.constant 0 : i32
      %get3A_528 = arith.index_cast %get3A_527 : i32 to index
      %get3A_529 = arith.index_cast %scan3A_257 : i32 to index
      %get3A_530 = arith.constant 208 : index
      %get3A_531 = tpu.vector_load %arg10[%get3A_528, %get3A_529, %get3A_530] {strides = array<i32>} : memref<2x32x512xf32, #tpu.memory_space<vmem>>, vector<1x1x16xf32>,
      %get3A_532 = vector.shape_cast %get3A_531 : vector<1x1x16xf32> to vector<16xf32>
      %sub3A_533 = arith.subf %get3A_526, %get3A_532 : vector<16xf32>
      %mul3A_534 = arith.mulf %get3A_262, %sub3A_533 : vector<16xf32>
      %add3A_535 = arith.addf %get3A_532, %mul3A_534 : vector<16xf32>
      %swap3A_536 = arith.index_cast %scan3A_257 : i32 to index
      %swap3A_537 = arith.constant 208 : index
      %swap3A_538 = tpu.vector_load %arg11[%swap3A_536, %swap3A_537] {strides = array<i32>} : memref<32x512xf32, #tpu.memory_space<vmem>>, vector<1x16xf32>,
      %swap3A_539 = vector.shape_cast %swap3A_538 : vector<1x16xf32> to vector<16xf32>
      %swap3A_540 = vector.shape_cast %add3A_535 : vector<16xf32> to vector<1x16xf32>
      tpu.vector_store %arg11[%swap3A_536, %swap3A_537], %swap3A_540 {strides = array<i32>} : memref<32x512xf32, #tpu.memory_space<vmem>>, vector<1x16xf32>,
      %get3A_541 = arith.constant 0 : i32
      %get3A_542 = arith.index_cast %get3A_541 : i32 to index
      %get3A_543 = arith.index_cast %scan3A_257 : i32 to index
      %get3A_544 = arith.constant 224 : index
      %get3A_545 = tpu.vector_load %arg9[%get3A_542, %get3A_543, %get3A_544] {strides = array<i32>} : memref<2x32x512xf32, #tpu.memory_space<vmem>>, vector<1x1x16xf32>,
      %get3A_546 = vector.shape_cast %get3A_545 : vector<1x1x16xf32> to vector<16xf32>
      %get3A_547 = arith.constant 0 : i32
      %get3A_548 = arith.index_cast %get3A_547 : i32 to index
      %get3A_549 = arith.index_cast %scan3A_257 : i32 to index
      %get3A_550 = arith.constant 224 : index
      %get3A_551 = tpu.vector_load %arg10[%get3A_548, %get3A_549, %get3A_550] {strides = array<i32>} : memref<2x32x512xf32, #tpu.memory_space<vmem>>, vector<1x1x16xf32>,
      %get3A_552 = vector.shape_cast %get3A_551 : vector<1x1x16xf32> to vector<16xf32>
      %sub3A_553 = arith.subf %get3A_546, %get3A_552 : vector<16xf32>
      %mul3A_554 = arith.mulf %get3A_262, %sub3A_553 : vector<16xf32>
      %add3A_555 = arith.addf %get3A_552, %mul3A_554 : vector<16xf32>
      %swap3A_556 = arith.index_cast %scan3A_257 : i32 to index
      %swap3A_557 = arith.constant 224 : index
      %swap3A_558 = tpu.vector_load %arg11[%swap3A_556, %swap3A_557] {strides = array<i32>} : memref<32x512xf32, #tpu.memory_space<vmem>>, vector<1x16xf32>,
      %swap3A_559 = vector.shape_cast %swap3A_558 : vector<1x16xf32> to vector<16xf32>
      %swap3A_560 = vector.shape_cast %add3A_555 : vector<16xf32> to vector<1x16xf32>
      tpu.vector_store %arg11[%swap3A_556, %swap3A_557], %swap3A_560 {strides = array<i32>} : memref<32x512xf32, #tpu.memory_space<vmem>>, vector<1x16xf32>,
      %get3A_561 = arith.constant 0 : i32
      %get3A_562 = arith.index_cast %get3A_561 : i32 to index
      %get3A_563 = arith.index_cast %scan3A_257 : i32 to index
      %get3A_564 = arith.constant 240 : index
      %get3A_565 = tpu.vector_load %arg9[%get3A_562, %get3A_563, %get3A_564] {strides = array<i32>} : memref<2x32x512xf32, #tpu.memory_space<vmem>>, vector<1x1x16xf32>,
      %get3A_566 = vector.shape_cast %get3A_565 : vector<1x1x16xf32> to vector<16xf32>
      %get3A_567 = arith.constant 0 : i32
      %get3A_568 = arith.index_cast %get3A_567 : i32 to index
      %get3A_569 = arith.index_cast %scan3A_257 : i32 to index
      %get3A_570 = arith.constant 240 : index
      %get3A_571 = tpu.vector_load %arg10[%get3A_568, %get3A_569, %get3A_570] {strides = array<i32>} : memref<2x32x512xf32, #tpu.memory_space<vmem>>, vector<1x1x16xf32>,
      %get3A_572 = vector.shape_cast %get3A_571 : vector<1x1x16xf32> to vector<16xf32>
      %sub3A_573 = arith.subf %get3A_566, %get3A_572 : vector<16xf32>
      %mul3A_574 = arith.mulf %get3A_262, %sub3A_573 : vector<16xf32>
      %add3A_575 = arith.addf %get3A_572, %mul3A_574 : vector<16xf32>
      %swap3A_576 = arith.index_cast %scan3A_257 : i32 to index
      %swap3A_577 = arith.constant 240 : index
      %swap3A_578 = tpu.vector_load %arg11[%swap3A_576, %swap3A_577] {strides = array<i32>} : memref<32x512xf32, #tpu.memory_space<vmem>>, vector<1x16xf32>,
      %swap3A_579 = vector.shape_cast %swap3A_578 : vector<1x16xf32> to vector<16xf32>
      %swap3A_580 = vector.shape_cast %add3A_575 : vector<16xf32> to vector<1x16xf32>
      tpu.vector_store %arg11[%swap3A_576, %swap3A_577], %swap3A_580 {strides = array<i32>} : memref<32x512xf32, #tpu.memory_space<vmem>>, vector<1x16xf32>,
      %get3A_581 = arith.constant 0 : i32
      %get3A_582 = arith.index_cast %get3A_581 : i32 to index
      %get3A_583 = arith.index_cast %scan3A_257 : i32 to index
      %get3A_584 = arith.constant 256 : index
      %get3A_585 = tpu.vector_load %arg9[%get3A_582, %get3A_583, %get3A_584] {strides = array<i32>} : memref<2x32x512xf32, #tpu.memory_space<vmem>>, vector<1x1x16xf32>,
      %get3A_586 = vector.shape_cast %get3A_585 : vector<1x1x16xf32> to vector<16xf32>
      %get3A_587 = arith.constant 0 : i32
      %get3A_588 = arith.index_cast %get3A_587 : i32 to index
      %get3A_589 = arith.index_cast %scan3A_257 : i32 to index
      %get3A_590 = arith.constant 256 : index
      %get3A_591 = tpu.vector_load %arg10[%get3A_588, %get3A_589, %get3A_590] {strides = array<i32>} : memref<2x32x512xf32, #tpu.memory_space<vmem>>, vector<1x1x16xf32>,
      %get3A_592 = vector.shape_cast %get3A_591 : vector<1x1x16xf32> to vector<16xf32>
      %sub3A_593 = arith.subf %get3A_586, %get3A_592 : vector<16xf32>
      %mul3A_594 = arith.mulf %get3A_262, %sub3A_593 : vector<16xf32>
      %add3A_595 = arith.addf %get3A_592, %mul3A_594 : vector<16xf32>
      %swap3A_596 = arith.index_cast %scan3A_257 : i32 to index
      %swap3A_597 = arith.constant 256 : index
      %swap3A_598 = tpu.vector_load %arg11[%swap3A_596, %swap3A_597] {strides = array<i32>} : memref<32x512xf32, #tpu.memory_space<vmem>>, vector<1x16xf32>,
      %swap3A_599 = vector.shape_cast %swap3A_598 : vector<1x16xf32> to vector<16xf32>
      %swap3A_600 = vector.shape_cast %add3A_595 : vector<16xf32> to vector<1x16xf32>
      tpu.vector_store %arg11[%swap3A_596, %swap3A_597], %swap3A_600 {strides = array<i32>} : memref<32x512xf32, #tpu.memory_space<vmem>>, vector<1x16xf32>,
      %get3A_601 = arith.constant 0 : i32
      %get3A_602 = arith.index_cast %get3A_601 : i32 to index
      %get3A_603 = arith.index_cast %scan3A_257 : i32 to index
      %get3A_604 = arith.constant 272 : index
      %get3A_605 = tpu.vector_load %arg9[%get3A_602, %get3A_603, %get3A_604] {strides = array<i32>} : memref<2x32x512xf32, #tpu.memory_space<vmem>>, vector<1x1x16xf32>,
      %get3A_606 = vector.shape_cast %get3A_605 : vector<1x1x16xf32> to vector<16xf32>
      %get3A_607 = arith.constant 0 : i32
      %get3A_608 = arith.index_cast %get3A_607 : i32 to index
      %get3A_609 = arith.index_cast %scan3A_257 : i32 to index
      %get3A_610 = arith.constant 272 : index
      %get3A_611 = tpu.vector_load %arg10[%get3A_608, %get3A_609, %get3A_610] {strides = array<i32>} : memref<2x32x512xf32, #tpu.memory_space<vmem>>, vector<1x1x16xf32>,
      %get3A_612 = vector.shape_cast %get3A_611 : vector<1x1x16xf32> to vector<16xf32>
      %sub3A_613 = arith.subf %get3A_606, %get3A_612 : vector<16xf32>
      %mul3A_614 = arith.mulf %get3A_262, %sub3A_613 : vector<16xf32>
      %add3A_615 = arith.addf %get3A_612, %mul3A_614 : vector<16xf32>
      %swap3A_616 = arith.index_cast %scan3A_257 : i32 to index
      %swap3A_617 = arith.constant 272 : index
      %swap3A_618 = tpu.vector_load %arg11[%swap3A_616, %swap3A_617] {strides = array<i32>} : memref<32x512xf32, #tpu.memory_space<vmem>>, vector<1x16xf32>,
      %swap3A_619 = vector.shape_cast %swap3A_618 : vector<1x16xf32> to vector<16xf32>
      %swap3A_620 = vector.shape_cast %add3A_615 : vector<16xf32> to vector<1x16xf32>
      tpu.vector_store %arg11[%swap3A_616, %swap3A_617], %swap3A_620 {strides = array<i32>} : memref<32x512xf32, #tpu.memory_space<vmem>>, vector<1x16xf32>,
      %get3A_621 = arith.constant 0 : i32
      %get3A_622 = arith.index_cast %get3A_621 : i32 to index
      %get3A_623 = arith.index_cast %scan3A_257 : i32 to index
      %get3A_624 = arith.constant 288 : index
      %get3A_625 = tpu.vector_load %arg9[%get3A_622, %get3A_623, %get3A_624] {strides = array<i32>} : memref<2x32x512xf32, #tpu.memory_space<vmem>>, vector<1x1x16xf32>,
      %get3A_626 = vector.shape_cast %get3A_625 : vector<1x1x16xf32> to vector<16xf32>
      %get3A_627 = arith.constant 0 : i32
      %get3A_628 = arith.index_cast %get3A_627 : i32 to index
      %get3A_629 = arith.index_cast %scan3A_257 : i32 to index
      %get3A_630 = arith.constant 288 : index
      %get3A_631 = tpu.vector_load %arg10[%get3A_628, %get3A_629, %get3A_630] {strides = array<i32>} : memref<2x32x512xf32, #tpu.memory_space<vmem>>, vector<1x1x16xf32>,
      %get3A_632 = vector.shape_cast %get3A_631 : vector<1x1x16xf32> to vector<16xf32>
      %sub3A_633 = arith.subf %get3A_626, %get3A_632 : vector<16xf32>
      %mul3A_634 = arith.mulf %get3A_262, %sub3A_633 : vector<16xf32>
      %add3A_635 = arith.addf %get3A_632, %mul3A_634 : vector<16xf32>
      %swap3A_636 = arith.index_cast %scan3A_257 : i32 to index
      %swap3A_637 = arith.constant 288 : index
      %swap3A_638 = tpu.vector_load %arg11[%swap3A_636, %swap3A_637] {strides = array<i32>} : memref<32x512xf32, #tpu.memory_space<vmem>>, vector<1x16xf32>,
      %swap3A_639 = vector.shape_cast %swap3A_638 : vector<1x16xf32> to vector<16xf32>
      %swap3A_640 = vector.shape_cast %add3A_635 : vector<16xf32> to vector<1x16xf32>
      tpu.vector_store %arg11[%swap3A_636, %swap3A_637], %swap3A_640 {strides = array<i32>} : memref<32x512xf32, #tpu.memory_space<vmem>>, vector<1x16xf32>,
      %get3A_641 = arith.constant 0 : i32
      %get3A_642 = arith.index_cast %get3A_641 : i32 to index
      %get3A_643 = arith.index_cast %scan3A_257 : i32 to index
      %get3A_644 = arith.constant 304 : index
      %get3A_645 = tpu.vector_load %arg9[%get3A_642, %get3A_643, %get3A_644] {strides = array<i32>} : memref<2x32x512xf32, #tpu.memory_space<vmem>>, vector<1x1x16xf32>,
      %get3A_646 = vector.shape_cast %get3A_645 : vector<1x1x16xf32> to vector<16xf32>
      %get3A_647 = arith.constant 0 : i32
      %get3A_648 = arith.index_cast %get3A_647 : i32 to index
      %get3A_649 = arith.index_cast %scan3A_257 : i32 to index
      %get3A_650 = arith.constant 304 : index
      %get3A_651 = tpu.vector_load %arg10[%get3A_648, %get3A_649, %get3A_650] {strides = array<i32>} : memref<2x32x512xf32, #tpu.memory_space<vmem>>, vector<1x1x16xf32>,
      %get3A_652 = vector.shape_cast %get3A_651 : vector<1x1x16xf32> to vector<16xf32>
      %sub3A_653 = arith.subf %get3A_646, %get3A_652 : vector<16xf32>
      %mul3A_654 = arith.mulf %get3A_262, %sub3A_653 : vector<16xf32>
      %add3A_655 = arith.addf %get3A_652, %mul3A_654 : vector<16xf32>
      %swap3A_656 = arith.index_cast %scan3A_257 : i32 to index
      %swap3A_657 = arith.constant 304 : index
      %swap3A_658 = tpu.vector_load %arg11[%swap3A_656, %swap3A_657] {strides = array<i32>} : memref<32x512xf32, #tpu.memory_space<vmem>>, vector<1x16xf32>,
      %swap3A_659 = vector.shape_cast %swap3A_658 : vector<1x16xf32> to vector<16xf32>
      %swap3A_660 = vector.shape_cast %add3A_655 : vector<16xf32> to vector<1x16xf32>
      tpu.vector_store %arg11[%swap3A_656, %swap3A_657], %swap3A_660 {strides = array<i32>} : memref<32x512xf32, #tpu.memory_space<vmem>>, vector<1x16xf32>,
      %get3A_661 = arith.constant 0 : i32
      %get3A_662 = arith.index_cast %get3A_661 : i32 to index
      %get3A_663 = arith.index_cast %scan3A_257 : i32 to index
      %get3A_664 = arith.constant 320 : index
      %get3A_665 = tpu.vector_load %arg9[%get3A_662, %get3A_663, %get3A_664] {strides = array<i32>} : memref<2x32x512xf32, #tpu.memory_space<vmem>>, vector<1x1x16xf32>,
      %get3A_666 = vector.shape_cast %get3A_665 : vector<1x1x16xf32> to vector<16xf32>
      %get3A_667 = arith.constant 0 : i32
      %get3A_668 = arith.index_cast %get3A_667 : i32 to index
      %get3A_669 = arith.index_cast %scan3A_257 : i32 to index
      %get3A_670 = arith.constant 320 : index
      %get3A_671 = tpu.vector_load %arg10[%get3A_668, %get3A_669, %get3A_670] {strides = array<i32>} : memref<2x32x512xf32, #tpu.memory_space<vmem>>, vector<1x1x16xf32>,
      %get3A_672 = vector.shape_cast %get3A_671 : vector<1x1x16xf32> to vector<16xf32>
      %sub3A_673 = arith.subf %get3A_666, %get3A_672 : vector<16xf32>
      %mul3A_674 = arith.mulf %get3A_262, %sub3A_673 : vector<16xf32>
      %add3A_675 = arith.addf %get3A_672, %mul3A_674 : vector<16xf32>
      %swap3A_676 = arith.index_cast %scan3A_257 : i32 to index
      %swap3A_677 = arith.constant 320 : index
      %swap3A_678 = tpu.vector_load %arg11[%swap3A_676, %swap3A_677] {strides = array<i32>} : memref<32x512xf32, #tpu.memory_space<vmem>>, vector<1x16xf32>,
      %swap3A_679 = vector.shape_cast %swap3A_678 : vector<1x16xf32> to vector<16xf32>
      %swap3A_680 = vector.shape_cast %add3A_675 : vector<16xf32> to vector<1x16xf32>
      tpu.vector_store %arg11[%swap3A_676, %swap3A_677], %swap3A_680 {strides = array<i32>} : memref<32x512xf32, #tpu.memory_space<vmem>>, vector<1x16xf32>,
      %get3A_681 = arith.constant 0 : i32
      %get3A_682 = arith.index_cast %get3A_681 : i32 to index
      %get3A_683 = arith.index_cast %scan3A_257 : i32 to index
      %get3A_684 = arith.constant 336 : index
      %get3A_685 = tpu.vector_load %arg9[%get3A_682, %get3A_683, %get3A_684] {strides = array<i32>} : memref<2x32x512xf32, #tpu.memory_space<vmem>>, vector<1x1x16xf32>,
      %get3A_686 = vector.shape_cast %get3A_685 : vector<1x1x16xf32> to vector<16xf32>
      %get3A_687 = arith.constant 0 : i32
      %get3A_688 = arith.index_cast %get3A_687 : i32 to index
      %get3A_689 = arith.index_cast %scan3A_257 : i32 to index
      %get3A_690 = arith.constant 336 : index
      %get3A_691 = tpu.vector_load %arg10[%get3A_688, %get3A_689, %get3A_690] {strides = array<i32>} : memref<2x32x512xf32, #tpu.memory_space<vmem>>, vector<1x1x16xf32>,
      %get3A_692 = vector.shape_cast %get3A_691 : vector<1x1x16xf32> to vector<16xf32>
      %sub3A_693 = arith.subf %get3A_686, %get3A_692 : vector<16xf32>
      %mul3A_694 = arith.mulf %get3A_262, %sub3A_693 : vector<16xf32>
      %add3A_695 = arith.addf %get3A_692, %mul3A_694 : vector<16xf32>
      %swap3A_696 = arith.index_cast %scan3A_257 : i32 to index
      %swap3A_697 = arith.constant 336 : index
      %swap3A_698 = tpu.vector_load %arg11[%swap3A_696, %swap3A_697] {strides = array<i32>} : memref<32x512xf32, #tpu.memory_space<vmem>>, vector<1x16xf32>,
      %swap3A_699 = vector.shape_cast %swap3A_698 : vector<1x16xf32> to vector<16xf32>
      %swap3A_700 = vector.shape_cast %add3A_695 : vector<16xf32> to vector<1x16xf32>
      tpu.vector_store %arg11[%swap3A_696, %swap3A_697], %swap3A_700 {strides = array<i32>} : memref<32x512xf32, #tpu.memory_space<vmem>>, vector<1x16xf32>,
      %get3A_701 = arith.constant 0 : i32
      %get3A_702 = arith.index_cast %get3A_701 : i32 to index
      %get3A_703 = arith.index_cast %scan3A_257 : i32 to index
      %get3A_704 = arith.constant 352 : index
      %get3A_705 = tpu.vector_load %arg9[%get3A_702, %get3A_703, %get3A_704] {strides = array<i32>} : memref<2x32x512xf32, #tpu.memory_space<vmem>>, vector<1x1x16xf32>,
      %get3A_706 = vector.shape_cast %get3A_705 : vector<1x1x16xf32> to vector<16xf32>
      %get3A_707 = arith.constant 0 : i32
      %get3A_708 = arith.index_cast %get3A_707 : i32 to index
      %get3A_709 = arith.index_cast %scan3A_257 : i32 to index
      %get3A_710 = arith.constant 352 : index
      %get3A_711 = tpu.vector_load %arg10[%get3A_708, %get3A_709, %get3A_710] {strides = array<i32>} : memref<2x32x512xf32, #tpu.memory_space<vmem>>, vector<1x1x16xf32>,
      %get3A_712 = vector.shape_cast %get3A_711 : vector<1x1x16xf32> to vector<16xf32>
      %sub3A_713 = arith.subf %get3A_706, %get3A_712 : vector<16xf32>
      %mul3A_714 = arith.mulf %get3A_262, %sub3A_713 : vector<16xf32>
      %add3A_715 = arith.addf %get3A_712, %mul3A_714 : vector<16xf32>
      %swap3A_716 = arith.index_cast %scan3A_257 : i32 to index
      %swap3A_717 = arith.constant 352 : index
      %swap3A_718 = tpu.vector_load %arg11[%swap3A_716, %swap3A_717] {strides = array<i32>} : memref<32x512xf32, #tpu.memory_space<vmem>>, vector<1x16xf32>,
      %swap3A_719 = vector.shape_cast %swap3A_718 : vector<1x16xf32> to vector<16xf32>
      %swap3A_720 = vector.shape_cast %add3A_715 : vector<16xf32> to vector<1x16xf32>
      tpu.vector_store %arg11[%swap3A_716, %swap3A_717], %swap3A_720 {strides = array<i32>} : memref<32x512xf32, #tpu.memory_space<vmem>>, vector<1x16xf32>,
      %get3A_721 = arith.constant 0 : i32
      %get3A_722 = arith.index_cast %get3A_721 : i32 to index
      %get3A_723 = arith.index_cast %scan3A_257 : i32 to index
      %get3A_724 = arith.constant 368 : index
      %get3A_725 = tpu.vector_load %arg9[%get3A_722, %get3A_723, %get3A_724] {strides = array<i32>} : memref<2x32x512xf32, #tpu.memory_space<vmem>>, vector<1x1x16xf32>,
      %get3A_726 = vector.shape_cast %get3A_725 : vector<1x1x16xf32> to vector<16xf32>
      %get3A_727 = arith.constant 0 : i32
      %get3A_728 = arith.index_cast %get3A_727 : i32 to index
      %get3A_729 = arith.index_cast %scan3A_257 : i32 to index
      %get3A_730 = arith.constant 368 : index
      %get3A_731 = tpu.vector_load %arg10[%get3A_728, %get3A_729, %get3A_730] {strides = array<i32>} : memref<2x32x512xf32, #tpu.memory_space<vmem>>, vector<1x1x16xf32>,
      %get3A_732 = vector.shape_cast %get3A_731 : vector<1x1x16xf32> to vector<16xf32>
      %sub3A_733 = arith.subf %get3A_726, %get3A_732 : vector<16xf32>
      %mul3A_734 = arith.mulf %get3A_262, %sub3A_733 : vector<16xf32>
      %add3A_735 = arith.addf %get3A_732, %mul3A_734 : vector<16xf32>
      %swap3A_736 = arith.index_cast %scan3A_257 : i32 to index
      %swap3A_737 = arith.constant 368 : index
      %swap3A_738 = tpu.vector_load %arg11[%swap3A_736, %swap3A_737] {strides = array<i32>} : memref<32x512xf32, #tpu.memory_space<vmem>>, vector<1x16xf32>,
      %swap3A_739 = vector.shape_cast %swap3A_738 : vector<1x16xf32> to vector<16xf32>
      %swap3A_740 = vector.shape_cast %add3A_735 : vector<16xf32> to vector<1x16xf32>
      tpu.vector_store %arg11[%swap3A_736, %swap3A_737], %swap3A_740 {strides = array<i32>} : memref<32x512xf32, #tpu.memory_space<vmem>>, vector<1x16xf32>,
      %get3A_741 = arith.constant 0 : i32
      %get3A_742 = arith.index_cast %get3A_741 : i32 to index
      %get3A_743 = arith.index_cast %scan3A_257 : i32 to index
      %get3A_744 = arith.constant 384 : index
      %get3A_745 = tpu.vector_load %arg9[%get3A_742, %get3A_743, %get3A_744] {strides = array<i32>} : memref<2x32x512xf32, #tpu.memory_space<vmem>>, vector<1x1x16xf32>,
      %get3A_746 = vector.shape_cast %get3A_745 : vector<1x1x16xf32> to vector<16xf32>
      %get3A_747 = arith.constant 0 : i32
      %get3A_748 = arith.index_cast %get3A_747 : i32 to index
      %get3A_749 = arith.index_cast %scan3A_257 : i32 to index
      %get3A_750 = arith.constant 384 : index
      %get3A_751 = tpu.vector_load %arg10[%get3A_748, %get3A_749, %get3A_750] {strides = array<i32>} : memref<2x32x512xf32, #tpu.memory_space<vmem>>, vector<1x1x16xf32>,
      %get3A_752 = vector.shape_cast %get3A_751 : vector<1x1x16xf32> to vector<16xf32>
      %sub3A_753 = arith.subf %get3A_746, %get3A_752 : vector<16xf32>
      %mul3A_754 = arith.mulf %get3A_262, %sub3A_753 : vector<16xf32>
      %add3A_755 = arith.addf %get3A_752, %mul3A_754 : vector<16xf32>
      %swap3A_756 = arith.index_cast %scan3A_257 : i32 to index
      %swap3A_757 = arith.constant 384 : index
      %swap3A_758 = tpu.vector_load %arg11[%swap3A_756, %swap3A_757] {strides = array<i32>} : memref<32x512xf32, #tpu.memory_space<vmem>>, vector<1x16xf32>,
      %swap3A_759 = vector.shape_cast %swap3A_758 : vector<1x16xf32> to vector<16xf32>
      %swap3A_760 = vector.shape_cast %add3A_755 : vector<16xf32> to vector<1x16xf32>
      tpu.vector_store %arg11[%swap3A_756, %swap3A_757], %swap3A_760 {strides = array<i32>} : memref<32x512xf32, #tpu.memory_space<vmem>>, vector<1x16xf32>,
      %get3A_761 = arith.constant 0 : i32
      %get3A_762 = arith.index_cast %get3A_761 : i32 to index
      %get3A_763 = arith.index_cast %scan3A_257 : i32 to index
      %get3A_764 = arith.constant 400 : index
      %get3A_765 = tpu.vector_load %arg9[%get3A_762, %get3A_763, %get3A_764] {strides = array<i32>} : memref<2x32x512xf32, #tpu.memory_space<vmem>>, vector<1x1x16xf32>,
      %get3A_766 = vector.shape_cast %get3A_765 : vector<1x1x16xf32> to vector<16xf32>
      %get3A_767 = arith.constant 0 : i32
      %get3A_768 = arith.index_cast %get3A_767 : i32 to index
      %get3A_769 = arith.index_cast %scan3A_257 : i32 to index
      %get3A_770 = arith.constant 400 : index
      %get3A_771 = tpu.vector_load %arg10[%get3A_768, %get3A_769, %get3A_770] {strides = array<i32>} : memref<2x32x512xf32, #tpu.memory_space<vmem>>, vector<1x1x16xf32>,
      %get3A_772 = vector.shape_cast %get3A_771 : vector<1x1x16xf32> to vector<16xf32>
      %sub3A_773 = arith.subf %get3A_766, %get3A_772 : vector<16xf32>
      %mul3A_774 = arith.mulf %get3A_262, %sub3A_773 : vector<16xf32>
      %add3A_775 = arith.addf %get3A_772, %mul3A_774 : vector<16xf32>
      %swap3A_776 = arith.index_cast %scan3A_257 : i32 to index
      %swap3A_777 = arith.constant 400 : index
      %swap3A_778 = tpu.vector_load %arg11[%swap3A_776, %swap3A_777] {strides = array<i32>} : memref<32x512xf32, #tpu.memory_space<vmem>>, vector<1x16xf32>,
      %swap3A_779 = vector.shape_cast %swap3A_778 : vector<1x16xf32> to vector<16xf32>
      %swap3A_780 = vector.shape_cast %add3A_775 : vector<16xf32> to vector<1x16xf32>
      tpu.vector_store %arg11[%swap3A_776, %swap3A_777], %swap3A_780 {strides = array<i32>} : memref<32x512xf32, #tpu.memory_space<vmem>>, vector<1x16xf32>,
      %get3A_781 = arith.constant 0 : i32
      %get3A_782 = arith.index_cast %get3A_781 : i32 to index
      %get3A_783 = arith.index_cast %scan3A_257 : i32 to index
      %get3A_784 = arith.constant 416 : index
      %get3A_785 = tpu.vector_load %arg9[%get3A_782, %get3A_783, %get3A_784] {strides = array<i32>} : memref<2x32x512xf32, #tpu.memory_space<vmem>>, vector<1x1x16xf32>,
      %get3A_786 = vector.shape_cast %get3A_785 : vector<1x1x16xf32> to vector<16xf32>
      %get3A_787 = arith.constant 0 : i32
      %get3A_788 = arith.index_cast %get3A_787 : i32 to index
      %get3A_789 = arith.index_cast %scan3A_257 : i32 to index
      %get3A_790 = arith.constant 416 : index
      %get3A_791 = tpu.vector_load %arg10[%get3A_788, %get3A_789, %get3A_790] {strides = array<i32>} : memref<2x32x512xf32, #tpu.memory_space<vmem>>, vector<1x1x16xf32>,
      %get3A_792 = vector.shape_cast %get3A_791 : vector<1x1x16xf32> to vector<16xf32>
      %sub3A_793 = arith.subf %get3A_786, %get3A_792 : vector<16xf32>
      %mul3A_794 = arith.mulf %get3A_262, %sub3A_793 : vector<16xf32>
      %add3A_795 = arith.addf %get3A_792, %mul3A_794 : vector<16xf32>
      %swap3A_796 = arith.index_cast %scan3A_257 : i32 to index
      %swap3A_797 = arith.constant 416 : index
      %swap3A_798 = tpu.vector_load %arg11[%swap3A_796, %swap3A_797] {strides = array<i32>} : memref<32x512xf32, #tpu.memory_space<vmem>>, vector<1x16xf32>,
      %swap3A_799 = vector.shape_cast %swap3A_798 : vector<1x16xf32> to vector<16xf32>
      %swap3A_800 = vector.shape_cast %add3A_795 : vector<16xf32> to vector<1x16xf32>
      tpu.vector_store %arg11[%swap3A_796, %swap3A_797], %swap3A_800 {strides = array<i32>} : memref<32x512xf32, #tpu.memory_space<vmem>>, vector<1x16xf32>,
      %get3A_801 = arith.constant 0 : i32
      %get3A_802 = arith.index_cast %get3A_801 : i32 to index
      %get3A_803 = arith.index_cast %scan3A_257 : i32 to index
      %get3A_804 = arith.constant 432 : index
      %get3A_805 = tpu.vector_load %arg9[%get3A_802, %get3A_803, %get3A_804] {strides = array<i32>} : memref<2x32x512xf32, #tpu.memory_space<vmem>>, vector<1x1x16xf32>,
      %get3A_806 = vector.shape_cast %get3A_805 : vector<1x1x16xf32> to vector<16xf32>
      %get3A_807 = arith.constant 0 : i32
      %get3A_808 = arith.index_cast %get3A_807 : i32 to index
      %get3A_809 = arith.index_cast %scan3A_257 : i32 to index
      %get3A_810 = arith.constant 432 : index
      %get3A_811 = tpu.vector_load %arg10[%get3A_808, %get3A_809, %get3A_810] {strides = array<i32>} : memref<2x32x512xf32, #tpu.memory_space<vmem>>, vector<1x1x16xf32>,
      %get3A_812 = vector.shape_cast %get3A_811 : vector<1x1x16xf32> to vector<16xf32>
      %sub3A_813 = arith.subf %get3A_806, %get3A_812 : vector<16xf32>
      %mul3A_814 = arith.mulf %get3A_262, %sub3A_813 : vector<16xf32>
      %add3A_815 = arith.addf %get3A_812, %mul3A_814 : vector<16xf32>
      %swap3A_816 = arith.index_cast %scan3A_257 : i32 to index
      %swap3A_817 = arith.constant 432 : index
      %swap3A_818 = tpu.vector_load %arg11[%swap3A_816, %swap3A_817] {strides = array<i32>} : memref<32x512xf32, #tpu.memory_space<vmem>>, vector<1x16xf32>,
      %swap3A_819 = vector.shape_cast %swap3A_818 : vector<1x16xf32> to vector<16xf32>
      %swap3A_820 = vector.shape_cast %add3A_815 : vector<16xf32> to vector<1x16xf32>
      tpu.vector_store %arg11[%swap3A_816, %swap3A_817], %swap3A_820 {strides = array<i32>} : memref<32x512xf32, #tpu.memory_space<vmem>>, vector<1x16xf32>,
      %get3A_821 = arith.constant 0 : i32
      %get3A_822 = arith.index_cast %get3A_821 : i32 to index
      %get3A_823 = arith.index_cast %scan3A_257 : i32 to index
      %get3A_824 = arith.constant 448 : index
      %get3A_825 = tpu.vector_load %arg9[%get3A_822, %get3A_823, %get3A_824] {strides = array<i32>} : memref<2x32x512xf32, #tpu.memory_space<vmem>>, vector<1x1x16xf32>,
      %get3A_826 = vector.shape_cast %get3A_825 : vector<1x1x16xf32> to vector<16xf32>
      %get3A_827 = arith.constant 0 : i32
      %get3A_828 = arith.index_cast %get3A_827 : i32 to index
      %get3A_829 = arith.index_cast %scan3A_257 : i32 to index
      %get3A_830 = arith.constant 448 : index
      %get3A_831 = tpu.vector_load %arg10[%get3A_828, %get3A_829, %get3A_830] {strides = array<i32>} : memref<2x32x512xf32, #tpu.memory_space<vmem>>, vector<1x1x16xf32>,
      %get3A_832 = vector.shape_cast %get3A_831 : vector<1x1x16xf32> to vector<16xf32>
      %sub3A_833 = arith.subf %get3A_826, %get3A_832 : vector<16xf32>
      %mul3A_834 = arith.mulf %get3A_262, %sub3A_833 : vector<16xf32>
      %add3A_835 = arith.addf %get3A_832, %mul3A_834 : vector<16xf32>
      %swap3A_836 = arith.index_cast %scan3A_257 : i32 to index
      %swap3A_837 = arith.constant 448 : index
      %swap3A_838 = tpu.vector_load %arg11[%swap3A_836, %swap3A_837] {strides = array<i32>} : memref<32x512xf32, #tpu.memory_space<vmem>>, vector<1x16xf32>,
      %swap3A_839 = vector.shape_cast %swap3A_838 : vector<1x16xf32> to vector<16xf32>
      %swap3A_840 = vector.shape_cast %add3A_835 : vector<16xf32> to vector<1x16xf32>
      tpu.vector_store %arg11[%swap3A_836, %swap3A_837], %swap3A_840 {strides = array<i32>} : memref<32x512xf32, #tpu.memory_space<vmem>>, vector<1x16xf32>,
      %get3A_841 = arith.constant 0 : i32
      %get3A_842 = arith.index_cast %get3A_841 : i32 to index
      %get3A_843 = arith.index_cast %scan3A_257 : i32 to index
      %get3A_844 = arith.constant 464 : index
      %get3A_845 = tpu.vector_load %arg9[%get3A_842, %get3A_843, %get3A_844] {strides = array<i32>} : memref<2x32x512xf32, #tpu.memory_space<vmem>>, vector<1x1x16xf32>,
      %get3A_846 = vector.shape_cast %get3A_845 : vector<1x1x16xf32> to vector<16xf32>
      %get3A_847 = arith.constant 0 : i32
      %get3A_848 = arith.index_cast %get3A_847 : i32 to index
      %get3A_849 = arith.index_cast %scan3A_257 : i32 to index
      %get3A_850 = arith.constant 464 : index
      %get3A_851 = tpu.vector_load %arg10[%get3A_848, %get3A_849, %get3A_850] {strides = array<i32>} : memref<2x32x512xf32, #tpu.memory_space<vmem>>, vector<1x1x16xf32>,
      %get3A_852 = vector.shape_cast %get3A_851 : vector<1x1x16xf32> to vector<16xf32>
      %sub3A_853 = arith.subf %get3A_846, %get3A_852 : vector<16xf32>
      %mul3A_854 = arith.mulf %get3A_262, %sub3A_853 : vector<16xf32>
      %add3A_855 = arith.addf %get3A_852, %mul3A_854 : vector<16xf32>
      %swap3A_856 = arith.index_cast %scan3A_257 : i32 to index
      %swap3A_857 = arith.constant 464 : index
      %swap3A_858 = tpu.vector_load %arg11[%swap3A_856, %swap3A_857] {strides = array<i32>} : memref<32x512xf32, #tpu.memory_space<vmem>>, vector<1x16xf32>,
      %swap3A_859 = vector.shape_cast %swap3A_858 : vector<1x16xf32> to vector<16xf32>
      %swap3A_860 = vector.shape_cast %add3A_855 : vector<16xf32> to vector<1x16xf32>
      tpu.vector_store %arg11[%swap3A_856, %swap3A_857], %swap3A_860 {strides = array<i32>} : memref<32x512xf32, #tpu.memory_space<vmem>>, vector<1x16xf32>,
      %get3A_861 = arith.constant 0 : i32
      %get3A_862 = arith.index_cast %get3A_861 : i32 to index
      %get3A_863 = arith.index_cast %scan3A_257 : i32 to index
      %get3A_864 = arith.constant 480 : index
      %get3A_865 = tpu.vector_load %arg9[%get3A_862, %get3A_863, %get3A_864] {strides = array<i32>} : memref<2x32x512xf32, #tpu.memory_space<vmem>>, vector<1x1x16xf32>,
      %get3A_866 = vector.shape_cast %get3A_865 : vector<1x1x16xf32> to vector<16xf32>
      %get3A_867 = arith.constant 0 : i32
      %get3A_868 = arith.index_cast %get3A_867 : i32 to index
      %get3A_869 = arith.index_cast %scan3A_257 : i32 to index
      %get3A_870 = arith.constant 480 : index
      %get3A_871 = tpu.vector_load %arg10[%get3A_868, %get3A_869, %get3A_870] {strides = array<i32>} : memref<2x32x512xf32, #tpu.memory_space<vmem>>, vector<1x1x16xf32>,
      %get3A_872 = vector.shape_cast %get3A_871 : vector<1x1x16xf32> to vector<16xf32>
      %sub3A_873 = arith.subf %get3A_866, %get3A_872 : vector<16xf32>
      %mul3A_874 = arith.mulf %get3A_262, %sub3A_873 : vector<16xf32>
      %add3A_875 = arith.addf %get3A_872, %mul3A_874 : vector<16xf32>
      %swap3A_876 = arith.index_cast %scan3A_257 : i32 to index
      %swap3A_877 = arith.constant 480 : index
      %swap3A_878 = tpu.vector_load %arg11[%swap3A_876, %swap3A_877] {strides = array<i32>} : memref<32x512xf32, #tpu.memory_space<vmem>>, vector<1x16xf32>,
      %swap3A_879 = vector.shape_cast %swap3A_878 : vector<1x16xf32> to vector<16xf32>
      %swap3A_880 = vector.shape_cast %add3A_875 : vector<16xf32> to vector<1x16xf32>
      tpu.vector_store %arg11[%swap3A_876, %swap3A_877], %swap3A_880 {strides = array<i32>} : memref<32x512xf32, #tpu.memory_space<vmem>>, vector<1x16xf32>,
      %get3A_881 = arith.constant 0 : i32
      %get3A_882 = arith.index_cast %get3A_881 : i32 to index
      %get3A_883 = arith.index_cast %scan3A_257 : i32 to index
      %get3A_884 = arith.constant 496 : index
      %get3A_885 = tpu.vector_load %arg9[%get3A_882, %get3A_883, %get3A_884] {strides = array<i32>} : memref<2x32x512xf32, #tpu.memory_space<vmem>>, vector<1x1x16xf32>,
      %get3A_886 = vector.shape_cast %get3A_885 : vector<1x1x16xf32> to vector<16xf32>
      %get3A_887 = arith.constant 0 : i32
      %get3A_888 = arith.index_cast %get3A_887 : i32 to index
      %get3A_889 = arith.index_cast %scan3A_257 : i32 to index
      %get3A_890 = arith.constant 496 : index
      %get3A_891 = tpu.vector_load %arg10[%get3A_888, %get3A_889, %get3A_890] {strides = array<i32>} : memref<2x32x512xf32, #tpu.memory_space<vmem>>, vector<1x1x16xf32>,
      %get3A_892 = vector.shape_cast %get3A_891 : vector<1x1x16xf32> to vector<16xf32>
      %sub3A_893 = arith.subf %get3A_886, %get3A_892 : vector<16xf32>
      %mul3A_894 = arith.mulf %get3A_262, %sub3A_893 : vector<16xf32>
      %add3A_895 = arith.addf %get3A_892, %mul3A_894 : vector<16xf32>
      %swap3A_896 = arith.index_cast %scan3A_257 : i32 to index
      %swap3A_897 = arith.constant 496 : index
      %swap3A_898 = tpu.vector_load %arg11[%swap3A_896, %swap3A_897] {strides = array<i32>} : memref<32x512xf32, #tpu.memory_space<vmem>>, vector<1x16xf32>,
      %swap3A_899 = vector.shape_cast %swap3A_898 : vector<1x16xf32> to vector<16xf32>
      %swap3A_900 = vector.shape_cast %add3A_895 : vector<16xf32> to vector<1x16xf32>
      tpu.vector_store %arg11[%swap3A_896, %swap3A_897], %swap3A_900 {strides = array<i32>} : memref<32x512xf32, #tpu.memory_space<vmem>>, vector<1x16xf32>,
    }
    %scan3A_206 = arith.constant 32 : i32
    %add3A_207 = arith.constant 64 : i32
    %add3A_208 = arith.addi %mul3A_2, %add3A_207 : i32
    %dma_start3A_209 = arith.constant 0 : i32
    %dma_start3A_210 = tpu.memref_slice %arg6[%add3A_208, %dma_start3A_209] : memref<4096x512xf32, #tpu.memory_space<hbm>> -> memref<32x512xf32, #tpu.memory_space<hbm>>
    %dma_start3A_211 = arith.constant 0 : i32
    %dma_start3A_212 = tpu.memref_slice %arg6[%add3A_208, %dma_start3A_211] : memref<4096x512xf32, #tpu.memory_space<hbm>> -> memref<32x512xf32, #tpu.memory_space<hbm>>
    tpu.enqueue_dma source(%arg11 : memref<32x512xf32, #tpu.memory_space<vmem>>) target(%dma_start3A_212 : memref<32x512xf32, #tpu.memory_space<hbm>>) target_semaphore(%arg13 : memref<!tpu.dma_semaphore, #tpu.memory_space<semaphore_mem>>)
    %dma_wait3A_213 = arith.constant 0 : i32
    %dma_wait3A_214 = arith.constant 1 : i32
    %dma_wait3A_215 = arith.constant 0 : i32
    %dma_wait3A_216 = arith.constant 0 : i32
    %dma_wait3A_217 = tpu.memref_slice %arg9[%dma_wait3A_214, %dma_wait3A_215, %dma_wait3A_216] : memref<2x32x512xf32, #tpu.memory_space<vmem>> -> memref<1x32x512xf32, #tpu.memory_space<vmem>>
    %dma_wait3A_218 = tpu.memref_squeeze %dma_wait3A_217 : memref<1x32x512xf32, #tpu.memory_space<vmem>> -> memref<32x512xf32, #tpu.memory_space<vmem>>
    %dma_wait3A_219 = arith.constant 96 : i32
    %dma_wait3A_220 = tpu.memref_slice %arg7[%dma_wait3A_213, %dma_wait3A_219] : memref<2x128xi32, #tpu.memory_space<vmem>> -> memref<1x32xi32, #tpu.memory_space<vmem>>
    %dma_wait3A_221 = tpu.memref_squeeze %dma_wait3A_220 : memref<1x32xi32, #tpu.memory_space<vmem>> -> memref<32xi32, #tpu.memory_space<vmem>>
    %dma_wait3A_222 = arith.constant 0 : i32
    %dma_wait3A_223 = arith.constant 0 : i32
    %dma_wait3A_224 = tpu.memref_slice %arg2[%dma_wait3A_222, %dma_wait3A_223] : memref<9216x512xf32, #tpu.memory_space<hbm>> -> memref<9216x512xf32, #tpu.memory_space<hbm>>
    tpu.wait_indirect_dma semaphore(%arg12 : memref<!tpu.dma_semaphore, #tpu.memory_space<semaphore_mem>>) src(%dma_wait3A_224 : memref<9216x512xf32, #tpu.memory_space<hbm>>) dst(%dma_wait3A_218 : memref<32x512xf32, #tpu.memory_space<vmem>>)
    %dma_wait3A_225 = arith.constant 1 : i32
    %dma_wait3A_226 = arith.constant 1 : i32
    %dma_wait3A_227 = arith.constant 0 : i32
    %dma_wait3A_228 = arith.constant 0 : i32
    %dma_wait3A_229 = tpu.memref_slice %arg10[%dma_wait3A_226, %dma_wait3A_227, %dma_wait3A_228] : memref<2x32x512xf32, #tpu.memory_space<vmem>> -> memref<1x32x512xf32, #tpu.memory_space<vmem>>
    %dma_wait3A_230 = tpu.memref_squeeze %dma_wait3A_229 : memref<1x32x512xf32, #tpu.memory_space<vmem>> -> memref<32x512xf32, #tpu.memory_space<vmem>>
    %dma_wait3A_231 = arith.constant 96 : i32
    %dma_wait3A_232 = tpu.memref_slice %arg7[%dma_wait3A_225, %dma_wait3A_231] : memref<2x128xi32, #tpu.memory_space<vmem>> -> memref<1x32xi32, #tpu.memory_space<vmem>>
    %dma_wait3A_233 = tpu.memref_squeeze %dma_wait3A_232 : memref<1x32xi32, #tpu.memory_space<vmem>> -> memref<32xi32, #tpu.memory_space<vmem>>
    %dma_wait3A_234 = arith.constant 0 : i32
    %dma_wait3A_235 = arith.constant 0 : i32
    %dma_wait3A_236 = tpu.memref_slice %arg2[%dma_wait3A_234, %dma_wait3A_235] : memref<9216x512xf32, #tpu.memory_space<hbm>> -> memref<9216x512xf32, #tpu.memory_space<hbm>>
    tpu.wait_indirect_dma semaphore(%arg12 : memref<!tpu.dma_semaphore, #tpu.memory_space<semaphore_mem>>) src(%dma_wait3A_236 : memref<9216x512xf32, #tpu.memory_space<hbm>>) dst(%dma_wait3A_230 : memref<32x512xf32, #tpu.memory_space<vmem>>)
    %dma_wait3A_237 = arith.constant 0 : i32
    %dma_wait3A_238 = tpu.memref_slice %arg6[%add3A_208, %dma_wait3A_237] : memref<4096x512xf32, #tpu.memory_space<hbm>> -> memref<32x512xf32, #tpu.memory_space<hbm>>
    %dma_wait3A_239 = arith.constant 0 : i32
    %dma_wait3A_240 = tpu.memref_slice %arg6[%add3A_208, %dma_wait3A_239] : memref<4096x512xf32, #tpu.memory_space<hbm>> -> memref<32x512xf32, #tpu.memory_space<hbm>>
    tpu.wait_dma2 semaphore(%arg13 : memref<!tpu.dma_semaphore, #tpu.memory_space<semaphore_mem>>) src(%arg11 : memref<32x512xf32, #tpu.memory_space<vmem>>) dst(%dma_wait3A_240 : memref<32x512xf32, #tpu.memory_space<hbm>>)
    %scan3A_241 = arith.constant 0 : i32
    %scan3A_242 = arith.constant 0 : i32
    %scan3A_243 = arith.constant 32 : i32
    %scan3A_244 = arith.addi %scan3A_242, %scan3A_243 : i32
    %scan3A_245 = arith.constant 1 : i32
    scf.for %scan3A_257 = %scan3A_242 to %scan3A_244 step %scan3A_245  : i32 {
      %add3A_258 = arith.constant 96 : i32
      %add3A_259 = arith.addi %add3A_258, %scan3A_257 : i32
      %get3A = arith.index_cast %add3A_259 : i32 to index
      %get3A_260 = arith.constant 0 : index
      %get3A_261 = tpu.vector_load %arg8[%get3A, %get3A_260] {strides = array<i32>} : memref<128x16xf32, #tpu.memory_space<vmem>>, vector<1x16xf32>,
      %get3A_262 = vector.shape_cast %get3A_261 : vector<1x16xf32> to vector<16xf32>
      %get3A_263 = arith.constant 1 : i32
      %get3A_264 = arith.index_cast %get3A_263 : i32 to index
      %get3A_265 = arith.index_cast %scan3A_257 : i32 to index
      %get3A_266 = arith.constant 0 : index
      %get3A_267 = tpu.vector_load %arg9[%get3A_264, %get3A_265, %get3A_266] {strides = array<i32>} : memref<2x32x512xf32, #tpu.memory_space<vmem>>, vector<1x1x16xf32>,
      %get3A_268 = vector.shape_cast %get3A_267 : vector<1x1x16xf32> to vector<16xf32>
      %get3A_269 = arith.constant 1 : i32
      %get3A_270 = arith.index_cast %get3A_269 : i32 to index
      %get3A_271 = arith.index_cast %scan3A_257 : i32 to index
      %get3A_272 = arith.constant 0 : index
      %get3A_273 = tpu.vector_load %arg10[%get3A_270, %get3A_271, %get3A_272] {strides = array<i32>} : memref<2x32x512xf32, #tpu.memory_space<vmem>>, vector<1x1x16xf32>,
      %get3A_274 = vector.shape_cast %get3A_273 : vector<1x1x16xf32> to vector<16xf32>
      %sub3A = arith.subf %get3A_268, %get3A_274 : vector<16xf32>
      %mul3A_275 = arith.mulf %get3A_262, %sub3A : vector<16xf32>
      %add3A_276 = arith.addf %get3A_274, %mul3A_275 : vector<16xf32>
      %swap3A = arith.index_cast %scan3A_257 : i32 to index
      %swap3A_277 = arith.constant 0 : index
      %swap3A_278 = tpu.vector_load %arg11[%swap3A, %swap3A_277] {strides = array<i32>} : memref<32x512xf32, #tpu.memory_space<vmem>>, vector<1x16xf32>,
      %swap3A_279 = vector.shape_cast %swap3A_278 : vector<1x16xf32> to vector<16xf32>
      %swap3A_280 = vector.shape_cast %add3A_276 : vector<16xf32> to vector<1x16xf32>
      tpu.vector_store %arg11[%swap3A, %swap3A_277], %swap3A_280 {strides = array<i32>} : memref<32x512xf32, #tpu.memory_space<vmem>>, vector<1x16xf32>,
      %get3A_281 = arith.constant 1 : i32
      %get3A_282 = arith.index_cast %get3A_281 : i32 to index
      %get3A_283 = arith.index_cast %scan3A_257 : i32 to index
      %get3A_284 = arith.constant 16 : index
      %get3A_285 = tpu.vector_load %arg9[%get3A_282, %get3A_283, %get3A_284] {strides = array<i32>} : memref<2x32x512xf32, #tpu.memory_space<vmem>>, vector<1x1x16xf32>,
      %get3A_286 = vector.shape_cast %get3A_285 : vector<1x1x16xf32> to vector<16xf32>
      %get3A_287 = arith.constant 1 : i32
      %get3A_288 = arith.index_cast %get3A_287 : i32 to index
      %get3A_289 = arith.index_cast %scan3A_257 : i32 to index
      %get3A_290 = arith.constant 16 : index
      %get3A_291 = tpu.vector_load %arg10[%get3A_288, %get3A_289, %get3A_290] {strides = array<i32>} : memref<2x32x512xf32, #tpu.memory_space<vmem>>, vector<1x1x16xf32>,
      %get3A_292 = vector.shape_cast %get3A_291 : vector<1x1x16xf32> to vector<16xf32>
      %sub3A_293 = arith.subf %get3A_286, %get3A_292 : vector<16xf32>
      %mul3A_294 = arith.mulf %get3A_262, %sub3A_293 : vector<16xf32>
      %add3A_295 = arith.addf %get3A_292, %mul3A_294 : vector<16xf32>
      %swap3A_296 = arith.index_cast %scan3A_257 : i32 to index
      %swap3A_297 = arith.constant 16 : index
      %swap3A_298 = tpu.vector_load %arg11[%swap3A_296, %swap3A_297] {strides = array<i32>} : memref<32x512xf32, #tpu.memory_space<vmem>>, vector<1x16xf32>,
      %swap3A_299 = vector.shape_cast %swap3A_298 : vector<1x16xf32> to vector<16xf32>
      %swap3A_300 = vector.shape_cast %add3A_295 : vector<16xf32> to vector<1x16xf32>
      tpu.vector_store %arg11[%swap3A_296, %swap3A_297], %swap3A_300 {strides = array<i32>} : memref<32x512xf32, #tpu.memory_space<vmem>>, vector<1x16xf32>,
      %get3A_301 = arith.constant 1 : i32
      %get3A_302 = arith.index_cast %get3A_301 : i32 to index
      %get3A_303 = arith.index_cast %scan3A_257 : i32 to index
      %get3A_304 = arith.constant 32 : index
      %get3A_305 = tpu.vector_load %arg9[%get3A_302, %get3A_303, %get3A_304] {strides = array<i32>} : memref<2x32x512xf32, #tpu.memory_space<vmem>>, vector<1x1x16xf32>,
      %get3A_306 = vector.shape_cast %get3A_305 : vector<1x1x16xf32> to vector<16xf32>
      %get3A_307 = arith.constant 1 : i32
      %get3A_308 = arith.index_cast %get3A_307 : i32 to index
      %get3A_309 = arith.index_cast %scan3A_257 : i32 to index
      %get3A_310 = arith.constant 32 : index
      %get3A_311 = tpu.vector_load %arg10[%get3A_308, %get3A_309, %get3A_310] {strides = array<i32>} : memref<2x32x512xf32, #tpu.memory_space<vmem>>, vector<1x1x16xf32>,
      %get3A_312 = vector.shape_cast %get3A_311 : vector<1x1x16xf32> to vector<16xf32>
      %sub3A_313 = arith.subf %get3A_306, %get3A_312 : vector<16xf32>
      %mul3A_314 = arith.mulf %get3A_262, %sub3A_313 : vector<16xf32>
      %add3A_315 = arith.addf %get3A_312, %mul3A_314 : vector<16xf32>
      %swap3A_316 = arith.index_cast %scan3A_257 : i32 to index
      %swap3A_317 = arith.constant 32 : index
      %swap3A_318 = tpu.vector_load %arg11[%swap3A_316, %swap3A_317] {strides = array<i32>} : memref<32x512xf32, #tpu.memory_space<vmem>>, vector<1x16xf32>,
      %swap3A_319 = vector.shape_cast %swap3A_318 : vector<1x16xf32> to vector<16xf32>
      %swap3A_320 = vector.shape_cast %add3A_315 : vector<16xf32> to vector<1x16xf32>
      tpu.vector_store %arg11[%swap3A_316, %swap3A_317], %swap3A_320 {strides = array<i32>} : memref<32x512xf32, #tpu.memory_space<vmem>>, vector<1x16xf32>,
      %get3A_321 = arith.constant 1 : i32
      %get3A_322 = arith.index_cast %get3A_321 : i32 to index
      %get3A_323 = arith.index_cast %scan3A_257 : i32 to index
      %get3A_324 = arith.constant 48 : index
      %get3A_325 = tpu.vector_load %arg9[%get3A_322, %get3A_323, %get3A_324] {strides = array<i32>} : memref<2x32x512xf32, #tpu.memory_space<vmem>>, vector<1x1x16xf32>,
      %get3A_326 = vector.shape_cast %get3A_325 : vector<1x1x16xf32> to vector<16xf32>
      %get3A_327 = arith.constant 1 : i32
      %get3A_328 = arith.index_cast %get3A_327 : i32 to index
      %get3A_329 = arith.index_cast %scan3A_257 : i32 to index
      %get3A_330 = arith.constant 48 : index
      %get3A_331 = tpu.vector_load %arg10[%get3A_328, %get3A_329, %get3A_330] {strides = array<i32>} : memref<2x32x512xf32, #tpu.memory_space<vmem>>, vector<1x1x16xf32>,
      %get3A_332 = vector.shape_cast %get3A_331 : vector<1x1x16xf32> to vector<16xf32>
      %sub3A_333 = arith.subf %get3A_326, %get3A_332 : vector<16xf32>
      %mul3A_334 = arith.mulf %get3A_262, %sub3A_333 : vector<16xf32>
      %add3A_335 = arith.addf %get3A_332, %mul3A_334 : vector<16xf32>
      %swap3A_336 = arith.index_cast %scan3A_257 : i32 to index
      %swap3A_337 = arith.constant 48 : index
      %swap3A_338 = tpu.vector_load %arg11[%swap3A_336, %swap3A_337] {strides = array<i32>} : memref<32x512xf32, #tpu.memory_space<vmem>>, vector<1x16xf32>,
      %swap3A_339 = vector.shape_cast %swap3A_338 : vector<1x16xf32> to vector<16xf32>
      %swap3A_340 = vector.shape_cast %add3A_335 : vector<16xf32> to vector<1x16xf32>
      tpu.vector_store %arg11[%swap3A_336, %swap3A_337], %swap3A_340 {strides = array<i32>} : memref<32x512xf32, #tpu.memory_space<vmem>>, vector<1x16xf32>,
      %get3A_341 = arith.constant 1 : i32
      %get3A_342 = arith.index_cast %get3A_341 : i32 to index
      %get3A_343 = arith.index_cast %scan3A_257 : i32 to index
      %get3A_344 = arith.constant 64 : index
      %get3A_345 = tpu.vector_load %arg9[%get3A_342, %get3A_343, %get3A_344] {strides = array<i32>} : memref<2x32x512xf32, #tpu.memory_space<vmem>>, vector<1x1x16xf32>,
      %get3A_346 = vector.shape_cast %get3A_345 : vector<1x1x16xf32> to vector<16xf32>
      %get3A_347 = arith.constant 1 : i32
      %get3A_348 = arith.index_cast %get3A_347 : i32 to index
      %get3A_349 = arith.index_cast %scan3A_257 : i32 to index
      %get3A_350 = arith.constant 64 : index
      %get3A_351 = tpu.vector_load %arg10[%get3A_348, %get3A_349, %get3A_350] {strides = array<i32>} : memref<2x32x512xf32, #tpu.memory_space<vmem>>, vector<1x1x16xf32>,
      %get3A_352 = vector.shape_cast %get3A_351 : vector<1x1x16xf32> to vector<16xf32>
      %sub3A_353 = arith.subf %get3A_346, %get3A_352 : vector<16xf32>
      %mul3A_354 = arith.mulf %get3A_262, %sub3A_353 : vector<16xf32>
      %add3A_355 = arith.addf %get3A_352, %mul3A_354 : vector<16xf32>
      %swap3A_356 = arith.index_cast %scan3A_257 : i32 to index
      %swap3A_357 = arith.constant 64 : index
      %swap3A_358 = tpu.vector_load %arg11[%swap3A_356, %swap3A_357] {strides = array<i32>} : memref<32x512xf32, #tpu.memory_space<vmem>>, vector<1x16xf32>,
      %swap3A_359 = vector.shape_cast %swap3A_358 : vector<1x16xf32> to vector<16xf32>
      %swap3A_360 = vector.shape_cast %add3A_355 : vector<16xf32> to vector<1x16xf32>
      tpu.vector_store %arg11[%swap3A_356, %swap3A_357], %swap3A_360 {strides = array<i32>} : memref<32x512xf32, #tpu.memory_space<vmem>>, vector<1x16xf32>,
      %get3A_361 = arith.constant 1 : i32
      %get3A_362 = arith.index_cast %get3A_361 : i32 to index
      %get3A_363 = arith.index_cast %scan3A_257 : i32 to index
      %get3A_364 = arith.constant 80 : index
      %get3A_365 = tpu.vector_load %arg9[%get3A_362, %get3A_363, %get3A_364] {strides = array<i32>} : memref<2x32x512xf32, #tpu.memory_space<vmem>>, vector<1x1x16xf32>,
      %get3A_366 = vector.shape_cast %get3A_365 : vector<1x1x16xf32> to vector<16xf32>
      %get3A_367 = arith.constant 1 : i32
      %get3A_368 = arith.index_cast %get3A_367 : i32 to index
      %get3A_369 = arith.index_cast %scan3A_257 : i32 to index
      %get3A_370 = arith.constant 80 : index
      %get3A_371 = tpu.vector_load %arg10[%get3A_368, %get3A_369, %get3A_370] {strides = array<i32>} : memref<2x32x512xf32, #tpu.memory_space<vmem>>, vector<1x1x16xf32>,
      %get3A_372 = vector.shape_cast %get3A_371 : vector<1x1x16xf32> to vector<16xf32>
      %sub3A_373 = arith.subf %get3A_366, %get3A_372 : vector<16xf32>
      %mul3A_374 = arith.mulf %get3A_262, %sub3A_373 : vector<16xf32>
      %add3A_375 = arith.addf %get3A_372, %mul3A_374 : vector<16xf32>
      %swap3A_376 = arith.index_cast %scan3A_257 : i32 to index
      %swap3A_377 = arith.constant 80 : index
      %swap3A_378 = tpu.vector_load %arg11[%swap3A_376, %swap3A_377] {strides = array<i32>} : memref<32x512xf32, #tpu.memory_space<vmem>>, vector<1x16xf32>,
      %swap3A_379 = vector.shape_cast %swap3A_378 : vector<1x16xf32> to vector<16xf32>
      %swap3A_380 = vector.shape_cast %add3A_375 : vector<16xf32> to vector<1x16xf32>
      tpu.vector_store %arg11[%swap3A_376, %swap3A_377], %swap3A_380 {strides = array<i32>} : memref<32x512xf32, #tpu.memory_space<vmem>>, vector<1x16xf32>,
      %get3A_381 = arith.constant 1 : i32
      %get3A_382 = arith.index_cast %get3A_381 : i32 to index
      %get3A_383 = arith.index_cast %scan3A_257 : i32 to index
      %get3A_384 = arith.constant 96 : index
      %get3A_385 = tpu.vector_load %arg9[%get3A_382, %get3A_383, %get3A_384] {strides = array<i32>} : memref<2x32x512xf32, #tpu.memory_space<vmem>>, vector<1x1x16xf32>,
      %get3A_386 = vector.shape_cast %get3A_385 : vector<1x1x16xf32> to vector<16xf32>
      %get3A_387 = arith.constant 1 : i32
      %get3A_388 = arith.index_cast %get3A_387 : i32 to index
      %get3A_389 = arith.index_cast %scan3A_257 : i32 to index
      %get3A_390 = arith.constant 96 : index
      %get3A_391 = tpu.vector_load %arg10[%get3A_388, %get3A_389, %get3A_390] {strides = array<i32>} : memref<2x32x512xf32, #tpu.memory_space<vmem>>, vector<1x1x16xf32>,
      %get3A_392 = vector.shape_cast %get3A_391 : vector<1x1x16xf32> to vector<16xf32>
      %sub3A_393 = arith.subf %get3A_386, %get3A_392 : vector<16xf32>
      %mul3A_394 = arith.mulf %get3A_262, %sub3A_393 : vector<16xf32>
      %add3A_395 = arith.addf %get3A_392, %mul3A_394 : vector<16xf32>
      %swap3A_396 = arith.index_cast %scan3A_257 : i32 to index
      %swap3A_397 = arith.constant 96 : index
      %swap3A_398 = tpu.vector_load %arg11[%swap3A_396, %swap3A_397] {strides = array<i32>} : memref<32x512xf32, #tpu.memory_space<vmem>>, vector<1x16xf32>,
      %swap3A_399 = vector.shape_cast %swap3A_398 : vector<1x16xf32> to vector<16xf32>
      %swap3A_400 = vector.shape_cast %add3A_395 : vector<16xf32> to vector<1x16xf32>
      tpu.vector_store %arg11[%swap3A_396, %swap3A_397], %swap3A_400 {strides = array<i32>} : memref<32x512xf32, #tpu.memory_space<vmem>>, vector<1x16xf32>,
      %get3A_401 = arith.constant 1 : i32
      %get3A_402 = arith.index_cast %get3A_401 : i32 to index
      %get3A_403 = arith.index_cast %scan3A_257 : i32 to index
      %get3A_404 = arith.constant 112 : index
      %get3A_405 = tpu.vector_load %arg9[%get3A_402, %get3A_403, %get3A_404] {strides = array<i32>} : memref<2x32x512xf32, #tpu.memory_space<vmem>>, vector<1x1x16xf32>,
      %get3A_406 = vector.shape_cast %get3A_405 : vector<1x1x16xf32> to vector<16xf32>
      %get3A_407 = arith.constant 1 : i32
      %get3A_408 = arith.index_cast %get3A_407 : i32 to index
      %get3A_409 = arith.index_cast %scan3A_257 : i32 to index
      %get3A_410 = arith.constant 112 : index
      %get3A_411 = tpu.vector_load %arg10[%get3A_408, %get3A_409, %get3A_410] {strides = array<i32>} : memref<2x32x512xf32, #tpu.memory_space<vmem>>, vector<1x1x16xf32>,
      %get3A_412 = vector.shape_cast %get3A_411 : vector<1x1x16xf32> to vector<16xf32>
      %sub3A_413 = arith.subf %get3A_406, %get3A_412 : vector<16xf32>
      %mul3A_414 = arith.mulf %get3A_262, %sub3A_413 : vector<16xf32>
      %add3A_415 = arith.addf %get3A_412, %mul3A_414 : vector<16xf32>
      %swap3A_416 = arith.index_cast %scan3A_257 : i32 to index
      %swap3A_417 = arith.constant 112 : index
      %swap3A_418 = tpu.vector_load %arg11[%swap3A_416, %swap3A_417] {strides = array<i32>} : memref<32x512xf32, #tpu.memory_space<vmem>>, vector<1x16xf32>,
      %swap3A_419 = vector.shape_cast %swap3A_418 : vector<1x16xf32> to vector<16xf32>
      %swap3A_420 = vector.shape_cast %add3A_415 : vector<16xf32> to vector<1x16xf32>
      tpu.vector_store %arg11[%swap3A_416, %swap3A_417], %swap3A_420 {strides = array<i32>} : memref<32x512xf32, #tpu.memory_space<vmem>>, vector<1x16xf32>,
      %get3A_421 = arith.constant 1 : i32
      %get3A_422 = arith.index_cast %get3A_421 : i32 to index
      %get3A_423 = arith.index_cast %scan3A_257 : i32 to index
      %get3A_424 = arith.constant 128 : index
      %get3A_425 = tpu.vector_load %arg9[%get3A_422, %get3A_423, %get3A_424] {strides = array<i32>} : memref<2x32x512xf32, #tpu.memory_space<vmem>>, vector<1x1x16xf32>,
      %get3A_426 = vector.shape_cast %get3A_425 : vector<1x1x16xf32> to vector<16xf32>
      %get3A_427 = arith.constant 1 : i32
      %get3A_428 = arith.index_cast %get3A_427 : i32 to index
      %get3A_429 = arith.index_cast %scan3A_257 : i32 to index
      %get3A_430 = arith.constant 128 : index
      %get3A_431 = tpu.vector_load %arg10[%get3A_428, %get3A_429, %get3A_430] {strides = array<i32>} : memref<2x32x512xf32, #tpu.memory_space<vmem>>, vector<1x1x16xf32>,
      %get3A_432 = vector.shape_cast %get3A_431 : vector<1x1x16xf32> to vector<16xf32>
      %sub3A_433 = arith.subf %get3A_426, %get3A_432 : vector<16xf32>
      %mul3A_434 = arith.mulf %get3A_262, %sub3A_433 : vector<16xf32>
      %add3A_435 = arith.addf %get3A_432, %mul3A_434 : vector<16xf32>
      %swap3A_436 = arith.index_cast %scan3A_257 : i32 to index
      %swap3A_437 = arith.constant 128 : index
      %swap3A_438 = tpu.vector_load %arg11[%swap3A_436, %swap3A_437] {strides = array<i32>} : memref<32x512xf32, #tpu.memory_space<vmem>>, vector<1x16xf32>,
      %swap3A_439 = vector.shape_cast %swap3A_438 : vector<1x16xf32> to vector<16xf32>
      %swap3A_440 = vector.shape_cast %add3A_435 : vector<16xf32> to vector<1x16xf32>
      tpu.vector_store %arg11[%swap3A_436, %swap3A_437], %swap3A_440 {strides = array<i32>} : memref<32x512xf32, #tpu.memory_space<vmem>>, vector<1x16xf32>,
      %get3A_441 = arith.constant 1 : i32
      %get3A_442 = arith.index_cast %get3A_441 : i32 to index
      %get3A_443 = arith.index_cast %scan3A_257 : i32 to index
      %get3A_444 = arith.constant 144 : index
      %get3A_445 = tpu.vector_load %arg9[%get3A_442, %get3A_443, %get3A_444] {strides = array<i32>} : memref<2x32x512xf32, #tpu.memory_space<vmem>>, vector<1x1x16xf32>,
      %get3A_446 = vector.shape_cast %get3A_445 : vector<1x1x16xf32> to vector<16xf32>
      %get3A_447 = arith.constant 1 : i32
      %get3A_448 = arith.index_cast %get3A_447 : i32 to index
      %get3A_449 = arith.index_cast %scan3A_257 : i32 to index
      %get3A_450 = arith.constant 144 : index
      %get3A_451 = tpu.vector_load %arg10[%get3A_448, %get3A_449, %get3A_450] {strides = array<i32>} : memref<2x32x512xf32, #tpu.memory_space<vmem>>, vector<1x1x16xf32>,
      %get3A_452 = vector.shape_cast %get3A_451 : vector<1x1x16xf32> to vector<16xf32>
      %sub3A_453 = arith.subf %get3A_446, %get3A_452 : vector<16xf32>
      %mul3A_454 = arith.mulf %get3A_262, %sub3A_453 : vector<16xf32>
      %add3A_455 = arith.addf %get3A_452, %mul3A_454 : vector<16xf32>
      %swap3A_456 = arith.index_cast %scan3A_257 : i32 to index
      %swap3A_457 = arith.constant 144 : index
      %swap3A_458 = tpu.vector_load %arg11[%swap3A_456, %swap3A_457] {strides = array<i32>} : memref<32x512xf32, #tpu.memory_space<vmem>>, vector<1x16xf32>,
      %swap3A_459 = vector.shape_cast %swap3A_458 : vector<1x16xf32> to vector<16xf32>
      %swap3A_460 = vector.shape_cast %add3A_455 : vector<16xf32> to vector<1x16xf32>
      tpu.vector_store %arg11[%swap3A_456, %swap3A_457], %swap3A_460 {strides = array<i32>} : memref<32x512xf32, #tpu.memory_space<vmem>>, vector<1x16xf32>,
      %get3A_461 = arith.constant 1 : i32
      %get3A_462 = arith.index_cast %get3A_461 : i32 to index
      %get3A_463 = arith.index_cast %scan3A_257 : i32 to index
      %get3A_464 = arith.constant 160 : index
      %get3A_465 = tpu.vector_load %arg9[%get3A_462, %get3A_463, %get3A_464] {strides = array<i32>} : memref<2x32x512xf32, #tpu.memory_space<vmem>>, vector<1x1x16xf32>,
      %get3A_466 = vector.shape_cast %get3A_465 : vector<1x1x16xf32> to vector<16xf32>
      %get3A_467 = arith.constant 1 : i32
      %get3A_468 = arith.index_cast %get3A_467 : i32 to index
      %get3A_469 = arith.index_cast %scan3A_257 : i32 to index
      %get3A_470 = arith.constant 160 : index
      %get3A_471 = tpu.vector_load %arg10[%get3A_468, %get3A_469, %get3A_470] {strides = array<i32>} : memref<2x32x512xf32, #tpu.memory_space<vmem>>, vector<1x1x16xf32>,
      %get3A_472 = vector.shape_cast %get3A_471 : vector<1x1x16xf32> to vector<16xf32>
      %sub3A_473 = arith.subf %get3A_466, %get3A_472 : vector<16xf32>
      %mul3A_474 = arith.mulf %get3A_262, %sub3A_473 : vector<16xf32>
      %add3A_475 = arith.addf %get3A_472, %mul3A_474 : vector<16xf32>
      %swap3A_476 = arith.index_cast %scan3A_257 : i32 to index
      %swap3A_477 = arith.constant 160 : index
      %swap3A_478 = tpu.vector_load %arg11[%swap3A_476, %swap3A_477] {strides = array<i32>} : memref<32x512xf32, #tpu.memory_space<vmem>>, vector<1x16xf32>,
      %swap3A_479 = vector.shape_cast %swap3A_478 : vector<1x16xf32> to vector<16xf32>
      %swap3A_480 = vector.shape_cast %add3A_475 : vector<16xf32> to vector<1x16xf32>
      tpu.vector_store %arg11[%swap3A_476, %swap3A_477], %swap3A_480 {strides = array<i32>} : memref<32x512xf32, #tpu.memory_space<vmem>>, vector<1x16xf32>,
      %get3A_481 = arith.constant 1 : i32
      %get3A_482 = arith.index_cast %get3A_481 : i32 to index
      %get3A_483 = arith.index_cast %scan3A_257 : i32 to index
      %get3A_484 = arith.constant 176 : index
      %get3A_485 = tpu.vector_load %arg9[%get3A_482, %get3A_483, %get3A_484] {strides = array<i32>} : memref<2x32x512xf32, #tpu.memory_space<vmem>>, vector<1x1x16xf32>,
      %get3A_486 = vector.shape_cast %get3A_485 : vector<1x1x16xf32> to vector<16xf32>
      %get3A_487 = arith.constant 1 : i32
      %get3A_488 = arith.index_cast %get3A_487 : i32 to index
      %get3A_489 = arith.index_cast %scan3A_257 : i32 to index
      %get3A_490 = arith.constant 176 : index
      %get3A_491 = tpu.vector_load %arg10[%get3A_488, %get3A_489, %get3A_490] {strides = array<i32>} : memref<2x32x512xf32, #tpu.memory_space<vmem>>, vector<1x1x16xf32>,
      %get3A_492 = vector.shape_cast %get3A_491 : vector<1x1x16xf32> to vector<16xf32>
      %sub3A_493 = arith.subf %get3A_486, %get3A_492 : vector<16xf32>
      %mul3A_494 = arith.mulf %get3A_262, %sub3A_493 : vector<16xf32>
      %add3A_495 = arith.addf %get3A_492, %mul3A_494 : vector<16xf32>
      %swap3A_496 = arith.index_cast %scan3A_257 : i32 to index
      %swap3A_497 = arith.constant 176 : index
      %swap3A_498 = tpu.vector_load %arg11[%swap3A_496, %swap3A_497] {strides = array<i32>} : memref<32x512xf32, #tpu.memory_space<vmem>>, vector<1x16xf32>,
      %swap3A_499 = vector.shape_cast %swap3A_498 : vector<1x16xf32> to vector<16xf32>
      %swap3A_500 = vector.shape_cast %add3A_495 : vector<16xf32> to vector<1x16xf32>
      tpu.vector_store %arg11[%swap3A_496, %swap3A_497], %swap3A_500 {strides = array<i32>} : memref<32x512xf32, #tpu.memory_space<vmem>>, vector<1x16xf32>,
      %get3A_501 = arith.constant 1 : i32
      %get3A_502 = arith.index_cast %get3A_501 : i32 to index
      %get3A_503 = arith.index_cast %scan3A_257 : i32 to index
      %get3A_504 = arith.constant 192 : index
      %get3A_505 = tpu.vector_load %arg9[%get3A_502, %get3A_503, %get3A_504] {strides = array<i32>} : memref<2x32x512xf32, #tpu.memory_space<vmem>>, vector<1x1x16xf32>,
      %get3A_506 = vector.shape_cast %get3A_505 : vector<1x1x16xf32> to vector<16xf32>
      %get3A_507 = arith.constant 1 : i32
      %get3A_508 = arith.index_cast %get3A_507 : i32 to index
      %get3A_509 = arith.index_cast %scan3A_257 : i32 to index
      %get3A_510 = arith.constant 192 : index
      %get3A_511 = tpu.vector_load %arg10[%get3A_508, %get3A_509, %get3A_510] {strides = array<i32>} : memref<2x32x512xf32, #tpu.memory_space<vmem>>, vector<1x1x16xf32>,
      %get3A_512 = vector.shape_cast %get3A_511 : vector<1x1x16xf32> to vector<16xf32>
      %sub3A_513 = arith.subf %get3A_506, %get3A_512 : vector<16xf32>
      %mul3A_514 = arith.mulf %get3A_262, %sub3A_513 : vector<16xf32>
      %add3A_515 = arith.addf %get3A_512, %mul3A_514 : vector<16xf32>
      %swap3A_516 = arith.index_cast %scan3A_257 : i32 to index
      %swap3A_517 = arith.constant 192 : index
      %swap3A_518 = tpu.vector_load %arg11[%swap3A_516, %swap3A_517] {strides = array<i32>} : memref<32x512xf32, #tpu.memory_space<vmem>>, vector<1x16xf32>,
      %swap3A_519 = vector.shape_cast %swap3A_518 : vector<1x16xf32> to vector<16xf32>
      %swap3A_520 = vector.shape_cast %add3A_515 : vector<16xf32> to vector<1x16xf32>
      tpu.vector_store %arg11[%swap3A_516, %swap3A_517], %swap3A_520 {strides = array<i32>} : memref<32x512xf32, #tpu.memory_space<vmem>>, vector<1x16xf32>,
      %get3A_521 = arith.constant 1 : i32
      %get3A_522 = arith.index_cast %get3A_521 : i32 to index
      %get3A_523 = arith.index_cast %scan3A_257 : i32 to index
      %get3A_524 = arith.constant 208 : index
      %get3A_525 = tpu.vector_load %arg9[%get3A_522, %get3A_523, %get3A_524] {strides = array<i32>} : memref<2x32x512xf32, #tpu.memory_space<vmem>>, vector<1x1x16xf32>,
      %get3A_526 = vector.shape_cast %get3A_525 : vector<1x1x16xf32> to vector<16xf32>
      %get3A_527 = arith.constant 1 : i32
      %get3A_528 = arith.index_cast %get3A_527 : i32 to index
      %get3A_529 = arith.index_cast %scan3A_257 : i32 to index
      %get3A_530 = arith.constant 208 : index
      %get3A_531 = tpu.vector_load %arg10[%get3A_528, %get3A_529, %get3A_530] {strides = array<i32>} : memref<2x32x512xf32, #tpu.memory_space<vmem>>, vector<1x1x16xf32>,
      %get3A_532 = vector.shape_cast %get3A_531 : vector<1x1x16xf32> to vector<16xf32>
      %sub3A_533 = arith.subf %get3A_526, %get3A_532 : vector<16xf32>
      %mul3A_534 = arith.mulf %get3A_262, %sub3A_533 : vector<16xf32>
      %add3A_535 = arith.addf %get3A_532, %mul3A_534 : vector<16xf32>
      %swap3A_536 = arith.index_cast %scan3A_257 : i32 to index
      %swap3A_537 = arith.constant 208 : index
      %swap3A_538 = tpu.vector_load %arg11[%swap3A_536, %swap3A_537] {strides = array<i32>} : memref<32x512xf32, #tpu.memory_space<vmem>>, vector<1x16xf32>,
      %swap3A_539 = vector.shape_cast %swap3A_538 : vector<1x16xf32> to vector<16xf32>
      %swap3A_540 = vector.shape_cast %add3A_535 : vector<16xf32> to vector<1x16xf32>
      tpu.vector_store %arg11[%swap3A_536, %swap3A_537], %swap3A_540 {strides = array<i32>} : memref<32x512xf32, #tpu.memory_space<vmem>>, vector<1x16xf32>,
      %get3A_541 = arith.constant 1 : i32
      %get3A_542 = arith.index_cast %get3A_541 : i32 to index
      %get3A_543 = arith.index_cast %scan3A_257 : i32 to index
      %get3A_544 = arith.constant 224 : index
      %get3A_545 = tpu.vector_load %arg9[%get3A_542, %get3A_543, %get3A_544] {strides = array<i32>} : memref<2x32x512xf32, #tpu.memory_space<vmem>>, vector<1x1x16xf32>,
      %get3A_546 = vector.shape_cast %get3A_545 : vector<1x1x16xf32> to vector<16xf32>
      %get3A_547 = arith.constant 1 : i32
      %get3A_548 = arith.index_cast %get3A_547 : i32 to index
      %get3A_549 = arith.index_cast %scan3A_257 : i32 to index
      %get3A_550 = arith.constant 224 : index
      %get3A_551 = tpu.vector_load %arg10[%get3A_548, %get3A_549, %get3A_550] {strides = array<i32>} : memref<2x32x512xf32, #tpu.memory_space<vmem>>, vector<1x1x16xf32>,
      %get3A_552 = vector.shape_cast %get3A_551 : vector<1x1x16xf32> to vector<16xf32>
      %sub3A_553 = arith.subf %get3A_546, %get3A_552 : vector<16xf32>
      %mul3A_554 = arith.mulf %get3A_262, %sub3A_553 : vector<16xf32>
      %add3A_555 = arith.addf %get3A_552, %mul3A_554 : vector<16xf32>
      %swap3A_556 = arith.index_cast %scan3A_257 : i32 to index
      %swap3A_557 = arith.constant 224 : index
      %swap3A_558 = tpu.vector_load %arg11[%swap3A_556, %swap3A_557] {strides = array<i32>} : memref<32x512xf32, #tpu.memory_space<vmem>>, vector<1x16xf32>,
      %swap3A_559 = vector.shape_cast %swap3A_558 : vector<1x16xf32> to vector<16xf32>
      %swap3A_560 = vector.shape_cast %add3A_555 : vector<16xf32> to vector<1x16xf32>
      tpu.vector_store %arg11[%swap3A_556, %swap3A_557], %swap3A_560 {strides = array<i32>} : memref<32x512xf32, #tpu.memory_space<vmem>>, vector<1x16xf32>,
      %get3A_561 = arith.constant 1 : i32
      %get3A_562 = arith.index_cast %get3A_561 : i32 to index
      %get3A_563 = arith.index_cast %scan3A_257 : i32 to index
      %get3A_564 = arith.constant 240 : index
      %get3A_565 = tpu.vector_load %arg9[%get3A_562, %get3A_563, %get3A_564] {strides = array<i32>} : memref<2x32x512xf32, #tpu.memory_space<vmem>>, vector<1x1x16xf32>,
      %get3A_566 = vector.shape_cast %get3A_565 : vector<1x1x16xf32> to vector<16xf32>
      %get3A_567 = arith.constant 1 : i32
      %get3A_568 = arith.index_cast %get3A_567 : i32 to index
      %get3A_569 = arith.index_cast %scan3A_257 : i32 to index
      %get3A_570 = arith.constant 240 : index
      %get3A_571 = tpu.vector_load %arg10[%get3A_568, %get3A_569, %get3A_570] {strides = array<i32>} : memref<2x32x512xf32, #tpu.memory_space<vmem>>, vector<1x1x16xf32>,
      %get3A_572 = vector.shape_cast %get3A_571 : vector<1x1x16xf32> to vector<16xf32>
      %sub3A_573 = arith.subf %get3A_566, %get3A_572 : vector<16xf32>
      %mul3A_574 = arith.mulf %get3A_262, %sub3A_573 : vector<16xf32>
      %add3A_575 = arith.addf %get3A_572, %mul3A_574 : vector<16xf32>
      %swap3A_576 = arith.index_cast %scan3A_257 : i32 to index
      %swap3A_577 = arith.constant 240 : index
      %swap3A_578 = tpu.vector_load %arg11[%swap3A_576, %swap3A_577] {strides = array<i32>} : memref<32x512xf32, #tpu.memory_space<vmem>>, vector<1x16xf32>,
      %swap3A_579 = vector.shape_cast %swap3A_578 : vector<1x16xf32> to vector<16xf32>
      %swap3A_580 = vector.shape_cast %add3A_575 : vector<16xf32> to vector<1x16xf32>
      tpu.vector_store %arg11[%swap3A_576, %swap3A_577], %swap3A_580 {strides = array<i32>} : memref<32x512xf32, #tpu.memory_space<vmem>>, vector<1x16xf32>,
      %get3A_581 = arith.constant 1 : i32
      %get3A_582 = arith.index_cast %get3A_581 : i32 to index
      %get3A_583 = arith.index_cast %scan3A_257 : i32 to index
      %get3A_584 = arith.constant 256 : index
      %get3A_585 = tpu.vector_load %arg9[%get3A_582, %get3A_583, %get3A_584] {strides = array<i32>} : memref<2x32x512xf32, #tpu.memory_space<vmem>>, vector<1x1x16xf32>,
      %get3A_586 = vector.shape_cast %get3A_585 : vector<1x1x16xf32> to vector<16xf32>
      %get3A_587 = arith.constant 1 : i32
      %get3A_588 = arith.index_cast %get3A_587 : i32 to index
      %get3A_589 = arith.index_cast %scan3A_257 : i32 to index
      %get3A_590 = arith.constant 256 : index
      %get3A_591 = tpu.vector_load %arg10[%get3A_588, %get3A_589, %get3A_590] {strides = array<i32>} : memref<2x32x512xf32, #tpu.memory_space<vmem>>, vector<1x1x16xf32>,
      %get3A_592 = vector.shape_cast %get3A_591 : vector<1x1x16xf32> to vector<16xf32>
      %sub3A_593 = arith.subf %get3A_586, %get3A_592 : vector<16xf32>
      %mul3A_594 = arith.mulf %get3A_262, %sub3A_593 : vector<16xf32>
      %add3A_595 = arith.addf %get3A_592, %mul3A_594 : vector<16xf32>
      %swap3A_596 = arith.index_cast %scan3A_257 : i32 to index
      %swap3A_597 = arith.constant 256 : index
      %swap3A_598 = tpu.vector_load %arg11[%swap3A_596, %swap3A_597] {strides = array<i32>} : memref<32x512xf32, #tpu.memory_space<vmem>>, vector<1x16xf32>,
      %swap3A_599 = vector.shape_cast %swap3A_598 : vector<1x16xf32> to vector<16xf32>
      %swap3A_600 = vector.shape_cast %add3A_595 : vector<16xf32> to vector<1x16xf32>
      tpu.vector_store %arg11[%swap3A_596, %swap3A_597], %swap3A_600 {strides = array<i32>} : memref<32x512xf32, #tpu.memory_space<vmem>>, vector<1x16xf32>,
      %get3A_601 = arith.constant 1 : i32
      %get3A_602 = arith.index_cast %get3A_601 : i32 to index
      %get3A_603 = arith.index_cast %scan3A_257 : i32 to index
      %get3A_604 = arith.constant 272 : index
      %get3A_605 = tpu.vector_load %arg9[%get3A_602, %get3A_603, %get3A_604] {strides = array<i32>} : memref<2x32x512xf32, #tpu.memory_space<vmem>>, vector<1x1x16xf32>,
      %get3A_606 = vector.shape_cast %get3A_605 : vector<1x1x16xf32> to vector<16xf32>
      %get3A_607 = arith.constant 1 : i32
      %get3A_608 = arith.index_cast %get3A_607 : i32 to index
      %get3A_609 = arith.index_cast %scan3A_257 : i32 to index
      %get3A_610 = arith.constant 272 : index
      %get3A_611 = tpu.vector_load %arg10[%get3A_608, %get3A_609, %get3A_610] {strides = array<i32>} : memref<2x32x512xf32, #tpu.memory_space<vmem>>, vector<1x1x16xf32>,
      %get3A_612 = vector.shape_cast %get3A_611 : vector<1x1x16xf32> to vector<16xf32>
      %sub3A_613 = arith.subf %get3A_606, %get3A_612 : vector<16xf32>
      %mul3A_614 = arith.mulf %get3A_262, %sub3A_613 : vector<16xf32>
      %add3A_615 = arith.addf %get3A_612, %mul3A_614 : vector<16xf32>
      %swap3A_616 = arith.index_cast %scan3A_257 : i32 to index
      %swap3A_617 = arith.constant 272 : index
      %swap3A_618 = tpu.vector_load %arg11[%swap3A_616, %swap3A_617] {strides = array<i32>} : memref<32x512xf32, #tpu.memory_space<vmem>>, vector<1x16xf32>,
      %swap3A_619 = vector.shape_cast %swap3A_618 : vector<1x16xf32> to vector<16xf32>
      %swap3A_620 = vector.shape_cast %add3A_615 : vector<16xf32> to vector<1x16xf32>
      tpu.vector_store %arg11[%swap3A_616, %swap3A_617], %swap3A_620 {strides = array<i32>} : memref<32x512xf32, #tpu.memory_space<vmem>>, vector<1x16xf32>,
      %get3A_621 = arith.constant 1 : i32
      %get3A_622 = arith.index_cast %get3A_621 : i32 to index
      %get3A_623 = arith.index_cast %scan3A_257 : i32 to index
      %get3A_624 = arith.constant 288 : index
      %get3A_625 = tpu.vector_load %arg9[%get3A_622, %get3A_623, %get3A_624] {strides = array<i32>} : memref<2x32x512xf32, #tpu.memory_space<vmem>>, vector<1x1x16xf32>,
      %get3A_626 = vector.shape_cast %get3A_625 : vector<1x1x16xf32> to vector<16xf32>
      %get3A_627 = arith.constant 1 : i32
      %get3A_628 = arith.index_cast %get3A_627 : i32 to index
      %get3A_629 = arith.index_cast %scan3A_257 : i32 to index
      %get3A_630 = arith.constant 288 : index
      %get3A_631 = tpu.vector_load %arg10[%get3A_628, %get3A_629, %get3A_630] {strides = array<i32>} : memref<2x32x512xf32, #tpu.memory_space<vmem>>, vector<1x1x16xf32>,
      %get3A_632 = vector.shape_cast %get3A_631 : vector<1x1x16xf32> to vector<16xf32>
      %sub3A_633 = arith.subf %get3A_626, %get3A_632 : vector<16xf32>
      %mul3A_634 = arith.mulf %get3A_262, %sub3A_633 : vector<16xf32>
      %add3A_635 = arith.addf %get3A_632, %mul3A_634 : vector<16xf32>
      %swap3A_636 = arith.index_cast %scan3A_257 : i32 to index
      %swap3A_637 = arith.constant 288 : index
      %swap3A_638 = tpu.vector_load %arg11[%swap3A_636, %swap3A_637] {strides = array<i32>} : memref<32x512xf32, #tpu.memory_space<vmem>>, vector<1x16xf32>,
      %swap3A_639 = vector.shape_cast %swap3A_638 : vector<1x16xf32> to vector<16xf32>
      %swap3A_640 = vector.shape_cast %add3A_635 : vector<16xf32> to vector<1x16xf32>
      tpu.vector_store %arg11[%swap3A_636, %swap3A_637], %swap3A_640 {strides = array<i32>} : memref<32x512xf32, #tpu.memory_space<vmem>>, vector<1x16xf32>,
      %get3A_641 = arith.constant 1 : i32
      %get3A_642 = arith.index_cast %get3A_641 : i32 to index
      %get3A_643 = arith.index_cast %scan3A_257 : i32 to index
      %get3A_644 = arith.constant 304 : index
      %get3A_645 = tpu.vector_load %arg9[%get3A_642, %get3A_643, %get3A_644] {strides = array<i32>} : memref<2x32x512xf32, #tpu.memory_space<vmem>>, vector<1x1x16xf32>,
      %get3A_646 = vector.shape_cast %get3A_645 : vector<1x1x16xf32> to vector<16xf32>
      %get3A_647 = arith.constant 1 : i32
      %get3A_648 = arith.index_cast %get3A_647 : i32 to index
      %get3A_649 = arith.index_cast %scan3A_257 : i32 to index
      %get3A_650 = arith.constant 304 : index
      %get3A_651 = tpu.vector_load %arg10[%get3A_648, %get3A_649, %get3A_650] {strides = array<i32>} : memref<2x32x512xf32, #tpu.memory_space<vmem>>, vector<1x1x16xf32>,
      %get3A_652 = vector.shape_cast %get3A_651 : vector<1x1x16xf32> to vector<16xf32>
      %sub3A_653 = arith.subf %get3A_646, %get3A_652 : vector<16xf32>
      %mul3A_654 = arith.mulf %get3A_262, %sub3A_653 : vector<16xf32>
      %add3A_655 = arith.addf %get3A_652, %mul3A_654 : vector<16xf32>
      %swap3A_656 = arith.index_cast %scan3A_257 : i32 to index
      %swap3A_657 = arith.constant 304 : index
      %swap3A_658 = tpu.vector_load %arg11[%swap3A_656, %swap3A_657] {strides = array<i32>} : memref<32x512xf32, #tpu.memory_space<vmem>>, vector<1x16xf32>,
      %swap3A_659 = vector.shape_cast %swap3A_658 : vector<1x16xf32> to vector<16xf32>
      %swap3A_660 = vector.shape_cast %add3A_655 : vector<16xf32> to vector<1x16xf32>
      tpu.vector_store %arg11[%swap3A_656, %swap3A_657], %swap3A_660 {strides = array<i32>} : memref<32x512xf32, #tpu.memory_space<vmem>>, vector<1x16xf32>,
      %get3A_661 = arith.constant 1 : i32
      %get3A_662 = arith.index_cast %get3A_661 : i32 to index
      %get3A_663 = arith.index_cast %scan3A_257 : i32 to index
      %get3A_664 = arith.constant 320 : index
      %get3A_665 = tpu.vector_load %arg9[%get3A_662, %get3A_663, %get3A_664] {strides = array<i32>} : memref<2x32x512xf32, #tpu.memory_space<vmem>>, vector<1x1x16xf32>,
      %get3A_666 = vector.shape_cast %get3A_665 : vector<1x1x16xf32> to vector<16xf32>
      %get3A_667 = arith.constant 1 : i32
      %get3A_668 = arith.index_cast %get3A_667 : i32 to index
      %get3A_669 = arith.index_cast %scan3A_257 : i32 to index
      %get3A_670 = arith.constant 320 : index
      %get3A_671 = tpu.vector_load %arg10[%get3A_668, %get3A_669, %get3A_670] {strides = array<i32>} : memref<2x32x512xf32, #tpu.memory_space<vmem>>, vector<1x1x16xf32>,
      %get3A_672 = vector.shape_cast %get3A_671 : vector<1x1x16xf32> to vector<16xf32>
      %sub3A_673 = arith.subf %get3A_666, %get3A_672 : vector<16xf32>
      %mul3A_674 = arith.mulf %get3A_262, %sub3A_673 : vector<16xf32>
      %add3A_675 = arith.addf %get3A_672, %mul3A_674 : vector<16xf32>
      %swap3A_676 = arith.index_cast %scan3A_257 : i32 to index
      %swap3A_677 = arith.constant 320 : index
      %swap3A_678 = tpu.vector_load %arg11[%swap3A_676, %swap3A_677] {strides = array<i32>} : memref<32x512xf32, #tpu.memory_space<vmem>>, vector<1x16xf32>,
      %swap3A_679 = vector.shape_cast %swap3A_678 : vector<1x16xf32> to vector<16xf32>
      %swap3A_680 = vector.shape_cast %add3A_675 : vector<16xf32> to vector<1x16xf32>
      tpu.vector_store %arg11[%swap3A_676, %swap3A_677], %swap3A_680 {strides = array<i32>} : memref<32x512xf32, #tpu.memory_space<vmem>>, vector<1x16xf32>,
      %get3A_681 = arith.constant 1 : i32
      %get3A_682 = arith.index_cast %get3A_681 : i32 to index
      %get3A_683 = arith.index_cast %scan3A_257 : i32 to index
      %get3A_684 = arith.constant 336 : index
      %get3A_685 = tpu.vector_load %arg9[%get3A_682, %get3A_683, %get3A_684] {strides = array<i32>} : memref<2x32x512xf32, #tpu.memory_space<vmem>>, vector<1x1x16xf32>,
      %get3A_686 = vector.shape_cast %get3A_685 : vector<1x1x16xf32> to vector<16xf32>
      %get3A_687 = arith.constant 1 : i32
      %get3A_688 = arith.index_cast %get3A_687 : i32 to index
      %get3A_689 = arith.index_cast %scan3A_257 : i32 to index
      %get3A_690 = arith.constant 336 : index
      %get3A_691 = tpu.vector_load %arg10[%get3A_688, %get3A_689, %get3A_690] {strides = array<i32>} : memref<2x32x512xf32, #tpu.memory_space<vmem>>, vector<1x1x16xf32>,
      %get3A_692 = vector.shape_cast %get3A_691 : vector<1x1x16xf32> to vector<16xf32>
      %sub3A_693 = arith.subf %get3A_686, %get3A_692 : vector<16xf32>
      %mul3A_694 = arith.mulf %get3A_262, %sub3A_693 : vector<16xf32>
      %add3A_695 = arith.addf %get3A_692, %mul3A_694 : vector<16xf32>
      %swap3A_696 = arith.index_cast %scan3A_257 : i32 to index
      %swap3A_697 = arith.constant 336 : index
      %swap3A_698 = tpu.vector_load %arg11[%swap3A_696, %swap3A_697] {strides = array<i32>} : memref<32x512xf32, #tpu.memory_space<vmem>>, vector<1x16xf32>,
      %swap3A_699 = vector.shape_cast %swap3A_698 : vector<1x16xf32> to vector<16xf32>
      %swap3A_700 = vector.shape_cast %add3A_695 : vector<16xf32> to vector<1x16xf32>
      tpu.vector_store %arg11[%swap3A_696, %swap3A_697], %swap3A_700 {strides = array<i32>} : memref<32x512xf32, #tpu.memory_space<vmem>>, vector<1x16xf32>,
      %get3A_701 = arith.constant 1 : i32
      %get3A_702 = arith.index_cast %get3A_701 : i32 to index
      %get3A_703 = arith.index_cast %scan3A_257 : i32 to index
      %get3A_704 = arith.constant 352 : index
      %get3A_705 = tpu.vector_load %arg9[%get3A_702, %get3A_703, %get3A_704] {strides = array<i32>} : memref<2x32x512xf32, #tpu.memory_space<vmem>>, vector<1x1x16xf32>,
      %get3A_706 = vector.shape_cast %get3A_705 : vector<1x1x16xf32> to vector<16xf32>
      %get3A_707 = arith.constant 1 : i32
      %get3A_708 = arith.index_cast %get3A_707 : i32 to index
      %get3A_709 = arith.index_cast %scan3A_257 : i32 to index
      %get3A_710 = arith.constant 352 : index
      %get3A_711 = tpu.vector_load %arg10[%get3A_708, %get3A_709, %get3A_710] {strides = array<i32>} : memref<2x32x512xf32, #tpu.memory_space<vmem>>, vector<1x1x16xf32>,
      %get3A_712 = vector.shape_cast %get3A_711 : vector<1x1x16xf32> to vector<16xf32>
      %sub3A_713 = arith.subf %get3A_706, %get3A_712 : vector<16xf32>
      %mul3A_714 = arith.mulf %get3A_262, %sub3A_713 : vector<16xf32>
      %add3A_715 = arith.addf %get3A_712, %mul3A_714 : vector<16xf32>
      %swap3A_716 = arith.index_cast %scan3A_257 : i32 to index
      %swap3A_717 = arith.constant 352 : index
      %swap3A_718 = tpu.vector_load %arg11[%swap3A_716, %swap3A_717] {strides = array<i32>} : memref<32x512xf32, #tpu.memory_space<vmem>>, vector<1x16xf32>,
      %swap3A_719 = vector.shape_cast %swap3A_718 : vector<1x16xf32> to vector<16xf32>
      %swap3A_720 = vector.shape_cast %add3A_715 : vector<16xf32> to vector<1x16xf32>
      tpu.vector_store %arg11[%swap3A_716, %swap3A_717], %swap3A_720 {strides = array<i32>} : memref<32x512xf32, #tpu.memory_space<vmem>>, vector<1x16xf32>,
      %get3A_721 = arith.constant 1 : i32
      %get3A_722 = arith.index_cast %get3A_721 : i32 to index
      %get3A_723 = arith.index_cast %scan3A_257 : i32 to index
      %get3A_724 = arith.constant 368 : index
      %get3A_725 = tpu.vector_load %arg9[%get3A_722, %get3A_723, %get3A_724] {strides = array<i32>} : memref<2x32x512xf32, #tpu.memory_space<vmem>>, vector<1x1x16xf32>,
      %get3A_726 = vector.shape_cast %get3A_725 : vector<1x1x16xf32> to vector<16xf32>
      %get3A_727 = arith.constant 1 : i32
      %get3A_728 = arith.index_cast %get3A_727 : i32 to index
      %get3A_729 = arith.index_cast %scan3A_257 : i32 to index
      %get3A_730 = arith.constant 368 : index
      %get3A_731 = tpu.vector_load %arg10[%get3A_728, %get3A_729, %get3A_730] {strides = array<i32>} : memref<2x32x512xf32, #tpu.memory_space<vmem>>, vector<1x1x16xf32>,
      %get3A_732 = vector.shape_cast %get3A_731 : vector<1x1x16xf32> to vector<16xf32>
      %sub3A_733 = arith.subf %get3A_726, %get3A_732 : vector<16xf32>
      %mul3A_734 = arith.mulf %get3A_262, %sub3A_733 : vector<16xf32>
      %add3A_735 = arith.addf %get3A_732, %mul3A_734 : vector<16xf32>
      %swap3A_736 = arith.index_cast %scan3A_257 : i32 to index
      %swap3A_737 = arith.constant 368 : index
      %swap3A_738 = tpu.vector_load %arg11[%swap3A_736, %swap3A_737] {strides = array<i32>} : memref<32x512xf32, #tpu.memory_space<vmem>>, vector<1x16xf32>,
      %swap3A_739 = vector.shape_cast %swap3A_738 : vector<1x16xf32> to vector<16xf32>
      %swap3A_740 = vector.shape_cast %add3A_735 : vector<16xf32> to vector<1x16xf32>
      tpu.vector_store %arg11[%swap3A_736, %swap3A_737], %swap3A_740 {strides = array<i32>} : memref<32x512xf32, #tpu.memory_space<vmem>>, vector<1x16xf32>,
      %get3A_741 = arith.constant 1 : i32
      %get3A_742 = arith.index_cast %get3A_741 : i32 to index
      %get3A_743 = arith.index_cast %scan3A_257 : i32 to index
      %get3A_744 = arith.constant 384 : index
      %get3A_745 = tpu.vector_load %arg9[%get3A_742, %get3A_743, %get3A_744] {strides = array<i32>} : memref<2x32x512xf32, #tpu.memory_space<vmem>>, vector<1x1x16xf32>,
      %get3A_746 = vector.shape_cast %get3A_745 : vector<1x1x16xf32> to vector<16xf32>
      %get3A_747 = arith.constant 1 : i32
      %get3A_748 = arith.index_cast %get3A_747 : i32 to index
      %get3A_749 = arith.index_cast %scan3A_257 : i32 to index
      %get3A_750 = arith.constant 384 : index
      %get3A_751 = tpu.vector_load %arg10[%get3A_748, %get3A_749, %get3A_750] {strides = array<i32>} : memref<2x32x512xf32, #tpu.memory_space<vmem>>, vector<1x1x16xf32>,
      %get3A_752 = vector.shape_cast %get3A_751 : vector<1x1x16xf32> to vector<16xf32>
      %sub3A_753 = arith.subf %get3A_746, %get3A_752 : vector<16xf32>
      %mul3A_754 = arith.mulf %get3A_262, %sub3A_753 : vector<16xf32>
      %add3A_755 = arith.addf %get3A_752, %mul3A_754 : vector<16xf32>
      %swap3A_756 = arith.index_cast %scan3A_257 : i32 to index
      %swap3A_757 = arith.constant 384 : index
      %swap3A_758 = tpu.vector_load %arg11[%swap3A_756, %swap3A_757] {strides = array<i32>} : memref<32x512xf32, #tpu.memory_space<vmem>>, vector<1x16xf32>,
      %swap3A_759 = vector.shape_cast %swap3A_758 : vector<1x16xf32> to vector<16xf32>
      %swap3A_760 = vector.shape_cast %add3A_755 : vector<16xf32> to vector<1x16xf32>
      tpu.vector_store %arg11[%swap3A_756, %swap3A_757], %swap3A_760 {strides = array<i32>} : memref<32x512xf32, #tpu.memory_space<vmem>>, vector<1x16xf32>,
      %get3A_761 = arith.constant 1 : i32
      %get3A_762 = arith.index_cast %get3A_761 : i32 to index
      %get3A_763 = arith.index_cast %scan3A_257 : i32 to index
      %get3A_764 = arith.constant 400 : index
      %get3A_765 = tpu.vector_load %arg9[%get3A_762, %get3A_763, %get3A_764] {strides = array<i32>} : memref<2x32x512xf32, #tpu.memory_space<vmem>>, vector<1x1x16xf32>,
      %get3A_766 = vector.shape_cast %get3A_765 : vector<1x1x16xf32> to vector<16xf32>
      %get3A_767 = arith.constant 1 : i32
      %get3A_768 = arith.index_cast %get3A_767 : i32 to index
      %get3A_769 = arith.index_cast %scan3A_257 : i32 to index
      %get3A_770 = arith.constant 400 : index
      %get3A_771 = tpu.vector_load %arg10[%get3A_768, %get3A_769, %get3A_770] {strides = array<i32>} : memref<2x32x512xf32, #tpu.memory_space<vmem>>, vector<1x1x16xf32>,
      %get3A_772 = vector.shape_cast %get3A_771 : vector<1x1x16xf32> to vector<16xf32>
      %sub3A_773 = arith.subf %get3A_766, %get3A_772 : vector<16xf32>
      %mul3A_774 = arith.mulf %get3A_262, %sub3A_773 : vector<16xf32>
      %add3A_775 = arith.addf %get3A_772, %mul3A_774 : vector<16xf32>
      %swap3A_776 = arith.index_cast %scan3A_257 : i32 to index
      %swap3A_777 = arith.constant 400 : index
      %swap3A_778 = tpu.vector_load %arg11[%swap3A_776, %swap3A_777] {strides = array<i32>} : memref<32x512xf32, #tpu.memory_space<vmem>>, vector<1x16xf32>,
      %swap3A_779 = vector.shape_cast %swap3A_778 : vector<1x16xf32> to vector<16xf32>
      %swap3A_780 = vector.shape_cast %add3A_775 : vector<16xf32> to vector<1x16xf32>
      tpu.vector_store %arg11[%swap3A_776, %swap3A_777], %swap3A_780 {strides = array<i32>} : memref<32x512xf32, #tpu.memory_space<vmem>>, vector<1x16xf32>,
      %get3A_781 = arith.constant 1 : i32
      %get3A_782 = arith.index_cast %get3A_781 : i32 to index
      %get3A_783 = arith.index_cast %scan3A_257 : i32 to index
      %get3A_784 = arith.constant 416 : index
      %get3A_785 = tpu.vector_load %arg9[%get3A_782, %get3A_783, %get3A_784] {strides = array<i32>} : memref<2x32x512xf32, #tpu.memory_space<vmem>>, vector<1x1x16xf32>,
      %get3A_786 = vector.shape_cast %get3A_785 : vector<1x1x16xf32> to vector<16xf32>
      %get3A_787 = arith.constant 1 : i32
      %get3A_788 = arith.index_cast %get3A_787 : i32 to index
      %get3A_789 = arith.index_cast %scan3A_257 : i32 to index
      %get3A_790 = arith.constant 416 : index
      %get3A_791 = tpu.vector_load %arg10[%get3A_788, %get3A_789, %get3A_790] {strides = array<i32>} : memref<2x32x512xf32, #tpu.memory_space<vmem>>, vector<1x1x16xf32>,
      %get3A_792 = vector.shape_cast %get3A_791 : vector<1x1x16xf32> to vector<16xf32>
      %sub3A_793 = arith.subf %get3A_786, %get3A_792 : vector<16xf32>
      %mul3A_794 = arith.mulf %get3A_262, %sub3A_793 : vector<16xf32>
      %add3A_795 = arith.addf %get3A_792, %mul3A_794 : vector<16xf32>
      %swap3A_796 = arith.index_cast %scan3A_257 : i32 to index
      %swap3A_797 = arith.constant 416 : index
      %swap3A_798 = tpu.vector_load %arg11[%swap3A_796, %swap3A_797] {strides = array<i32>} : memref<32x512xf32, #tpu.memory_space<vmem>>, vector<1x16xf32>,
      %swap3A_799 = vector.shape_cast %swap3A_798 : vector<1x16xf32> to vector<16xf32>
      %swap3A_800 = vector.shape_cast %add3A_795 : vector<16xf32> to vector<1x16xf32>
      tpu.vector_store %arg11[%swap3A_796, %swap3A_797], %swap3A_800 {strides = array<i32>} : memref<32x512xf32, #tpu.memory_space<vmem>>, vector<1x16xf32>,
      %get3A_801 = arith.constant 1 : i32
      %get3A_802 = arith.index_cast %get3A_801 : i32 to index
      %get3A_803 = arith.index_cast %scan3A_257 : i32 to index
      %get3A_804 = arith.constant 432 : index
      %get3A_805 = tpu.vector_load %arg9[%get3A_802, %get3A_803, %get3A_804] {strides = array<i32>} : memref<2x32x512xf32, #tpu.memory_space<vmem>>, vector<1x1x16xf32>,
      %get3A_806 = vector.shape_cast %get3A_805 : vector<1x1x16xf32> to vector<16xf32>
      %get3A_807 = arith.constant 1 : i32
      %get3A_808 = arith.index_cast %get3A_807 : i32 to index
      %get3A_809 = arith.index_cast %scan3A_257 : i32 to index
      %get3A_810 = arith.constant 432 : index
      %get3A_811 = tpu.vector_load %arg10[%get3A_808, %get3A_809, %get3A_810] {strides = array<i32>} : memref<2x32x512xf32, #tpu.memory_space<vmem>>, vector<1x1x16xf32>,
      %get3A_812 = vector.shape_cast %get3A_811 : vector<1x1x16xf32> to vector<16xf32>
      %sub3A_813 = arith.subf %get3A_806, %get3A_812 : vector<16xf32>
      %mul3A_814 = arith.mulf %get3A_262, %sub3A_813 : vector<16xf32>
      %add3A_815 = arith.addf %get3A_812, %mul3A_814 : vector<16xf32>
      %swap3A_816 = arith.index_cast %scan3A_257 : i32 to index
      %swap3A_817 = arith.constant 432 : index
      %swap3A_818 = tpu.vector_load %arg11[%swap3A_816, %swap3A_817] {strides = array<i32>} : memref<32x512xf32, #tpu.memory_space<vmem>>, vector<1x16xf32>,
      %swap3A_819 = vector.shape_cast %swap3A_818 : vector<1x16xf32> to vector<16xf32>
      %swap3A_820 = vector.shape_cast %add3A_815 : vector<16xf32> to vector<1x16xf32>
      tpu.vector_store %arg11[%swap3A_816, %swap3A_817], %swap3A_820 {strides = array<i32>} : memref<32x512xf32, #tpu.memory_space<vmem>>, vector<1x16xf32>,
      %get3A_821 = arith.constant 1 : i32
      %get3A_822 = arith.index_cast %get3A_821 : i32 to index
      %get3A_823 = arith.index_cast %scan3A_257 : i32 to index
      %get3A_824 = arith.constant 448 : index
      %get3A_825 = tpu.vector_load %arg9[%get3A_822, %get3A_823, %get3A_824] {strides = array<i32>} : memref<2x32x512xf32, #tpu.memory_space<vmem>>, vector<1x1x16xf32>,
      %get3A_826 = vector.shape_cast %get3A_825 : vector<1x1x16xf32> to vector<16xf32>
      %get3A_827 = arith.constant 1 : i32
      %get3A_828 = arith.index_cast %get3A_827 : i32 to index
      %get3A_829 = arith.index_cast %scan3A_257 : i32 to index
      %get3A_830 = arith.constant 448 : index
      %get3A_831 = tpu.vector_load %arg10[%get3A_828, %get3A_829, %get3A_830] {strides = array<i32>} : memref<2x32x512xf32, #tpu.memory_space<vmem>>, vector<1x1x16xf32>,
      %get3A_832 = vector.shape_cast %get3A_831 : vector<1x1x16xf32> to vector<16xf32>
      %sub3A_833 = arith.subf %get3A_826, %get3A_832 : vector<16xf32>
      %mul3A_834 = arith.mulf %get3A_262, %sub3A_833 : vector<16xf32>
      %add3A_835 = arith.addf %get3A_832, %mul3A_834 : vector<16xf32>
      %swap3A_836 = arith.index_cast %scan3A_257 : i32 to index
      %swap3A_837 = arith.constant 448 : index
      %swap3A_838 = tpu.vector_load %arg11[%swap3A_836, %swap3A_837] {strides = array<i32>} : memref<32x512xf32, #tpu.memory_space<vmem>>, vector<1x16xf32>,
      %swap3A_839 = vector.shape_cast %swap3A_838 : vector<1x16xf32> to vector<16xf32>
      %swap3A_840 = vector.shape_cast %add3A_835 : vector<16xf32> to vector<1x16xf32>
      tpu.vector_store %arg11[%swap3A_836, %swap3A_837], %swap3A_840 {strides = array<i32>} : memref<32x512xf32, #tpu.memory_space<vmem>>, vector<1x16xf32>,
      %get3A_841 = arith.constant 1 : i32
      %get3A_842 = arith.index_cast %get3A_841 : i32 to index
      %get3A_843 = arith.index_cast %scan3A_257 : i32 to index
      %get3A_844 = arith.constant 464 : index
      %get3A_845 = tpu.vector_load %arg9[%get3A_842, %get3A_843, %get3A_844] {strides = array<i32>} : memref<2x32x512xf32, #tpu.memory_space<vmem>>, vector<1x1x16xf32>,
      %get3A_846 = vector.shape_cast %get3A_845 : vector<1x1x16xf32> to vector<16xf32>
      %get3A_847 = arith.constant 1 : i32
      %get3A_848 = arith.index_cast %get3A_847 : i32 to index
      %get3A_849 = arith.index_cast %scan3A_257 : i32 to index
      %get3A_850 = arith.constant 464 : index
      %get3A_851 = tpu.vector_load %arg10[%get3A_848, %get3A_849, %get3A_850] {strides = array<i32>} : memref<2x32x512xf32, #tpu.memory_space<vmem>>, vector<1x1x16xf32>,
      %get3A_852 = vector.shape_cast %get3A_851 : vector<1x1x16xf32> to vector<16xf32>
      %sub3A_853 = arith.subf %get3A_846, %get3A_852 : vector<16xf32>
      %mul3A_854 = arith.mulf %get3A_262, %sub3A_853 : vector<16xf32>
      %add3A_855 = arith.addf %get3A_852, %mul3A_854 : vector<16xf32>
      %swap3A_856 = arith.index_cast %scan3A_257 : i32 to index
      %swap3A_857 = arith.constant 464 : index
      %swap3A_858 = tpu.vector_load %arg11[%swap3A_856, %swap3A_857] {strides = array<i32>} : memref<32x512xf32, #tpu.memory_space<vmem>>, vector<1x16xf32>,
      %swap3A_859 = vector.shape_cast %swap3A_858 : vector<1x16xf32> to vector<16xf32>
      %swap3A_860 = vector.shape_cast %add3A_855 : vector<16xf32> to vector<1x16xf32>
      tpu.vector_store %arg11[%swap3A_856, %swap3A_857], %swap3A_860 {strides = array<i32>} : memref<32x512xf32, #tpu.memory_space<vmem>>, vector<1x16xf32>,
      %get3A_861 = arith.constant 1 : i32
      %get3A_862 = arith.index_cast %get3A_861 : i32 to index
      %get3A_863 = arith.index_cast %scan3A_257 : i32 to index
      %get3A_864 = arith.constant 480 : index
      %get3A_865 = tpu.vector_load %arg9[%get3A_862, %get3A_863, %get3A_864] {strides = array<i32>} : memref<2x32x512xf32, #tpu.memory_space<vmem>>, vector<1x1x16xf32>,
      %get3A_866 = vector.shape_cast %get3A_865 : vector<1x1x16xf32> to vector<16xf32>
      %get3A_867 = arith.constant 1 : i32
      %get3A_868 = arith.index_cast %get3A_867 : i32 to index
      %get3A_869 = arith.index_cast %scan3A_257 : i32 to index
      %get3A_870 = arith.constant 480 : index
      %get3A_871 = tpu.vector_load %arg10[%get3A_868, %get3A_869, %get3A_870] {strides = array<i32>} : memref<2x32x512xf32, #tpu.memory_space<vmem>>, vector<1x1x16xf32>,
      %get3A_872 = vector.shape_cast %get3A_871 : vector<1x1x16xf32> to vector<16xf32>
      %sub3A_873 = arith.subf %get3A_866, %get3A_872 : vector<16xf32>
      %mul3A_874 = arith.mulf %get3A_262, %sub3A_873 : vector<16xf32>
      %add3A_875 = arith.addf %get3A_872, %mul3A_874 : vector<16xf32>
      %swap3A_876 = arith.index_cast %scan3A_257 : i32 to index
      %swap3A_877 = arith.constant 480 : index
      %swap3A_878 = tpu.vector_load %arg11[%swap3A_876, %swap3A_877] {strides = array<i32>} : memref<32x512xf32, #tpu.memory_space<vmem>>, vector<1x16xf32>,
      %swap3A_879 = vector.shape_cast %swap3A_878 : vector<1x16xf32> to vector<16xf32>
      %swap3A_880 = vector.shape_cast %add3A_875 : vector<16xf32> to vector<1x16xf32>
      tpu.vector_store %arg11[%swap3A_876, %swap3A_877], %swap3A_880 {strides = array<i32>} : memref<32x512xf32, #tpu.memory_space<vmem>>, vector<1x16xf32>,
      %get3A_881 = arith.constant 1 : i32
      %get3A_882 = arith.index_cast %get3A_881 : i32 to index
      %get3A_883 = arith.index_cast %scan3A_257 : i32 to index
      %get3A_884 = arith.constant 496 : index
      %get3A_885 = tpu.vector_load %arg9[%get3A_882, %get3A_883, %get3A_884] {strides = array<i32>} : memref<2x32x512xf32, #tpu.memory_space<vmem>>, vector<1x1x16xf32>,
      %get3A_886 = vector.shape_cast %get3A_885 : vector<1x1x16xf32> to vector<16xf32>
      %get3A_887 = arith.constant 1 : i32
      %get3A_888 = arith.index_cast %get3A_887 : i32 to index
      %get3A_889 = arith.index_cast %scan3A_257 : i32 to index
      %get3A_890 = arith.constant 496 : index
      %get3A_891 = tpu.vector_load %arg10[%get3A_888, %get3A_889, %get3A_890] {strides = array<i32>} : memref<2x32x512xf32, #tpu.memory_space<vmem>>, vector<1x1x16xf32>,
      %get3A_892 = vector.shape_cast %get3A_891 : vector<1x1x16xf32> to vector<16xf32>
      %sub3A_893 = arith.subf %get3A_886, %get3A_892 : vector<16xf32>
      %mul3A_894 = arith.mulf %get3A_262, %sub3A_893 : vector<16xf32>
      %add3A_895 = arith.addf %get3A_892, %mul3A_894 : vector<16xf32>
      %swap3A_896 = arith.index_cast %scan3A_257 : i32 to index
      %swap3A_897 = arith.constant 496 : index
      %swap3A_898 = tpu.vector_load %arg11[%swap3A_896, %swap3A_897] {strides = array<i32>} : memref<32x512xf32, #tpu.memory_space<vmem>>, vector<1x16xf32>,
      %swap3A_899 = vector.shape_cast %swap3A_898 : vector<1x16xf32> to vector<16xf32>
      %swap3A_900 = vector.shape_cast %add3A_895 : vector<16xf32> to vector<1x16xf32>
      tpu.vector_store %arg11[%swap3A_896, %swap3A_897], %swap3A_900 {strides = array<i32>} : memref<32x512xf32, #tpu.memory_space<vmem>>, vector<1x16xf32>,
    }
    %scan3A_246 = arith.constant 32 : i32
    %add3A_247 = arith.constant 96 : i32
    %add3A_248 = arith.addi %mul3A_2, %add3A_247 : i32
    %dma_start3A_249 = arith.constant 0 : i32
    %dma_start3A_250 = tpu.memref_slice %arg6[%add3A_248, %dma_start3A_249] : memref<4096x512xf32, #tpu.memory_space<hbm>> -> memref<32x512xf32, #tpu.memory_space<hbm>>
    %dma_start3A_251 = arith.constant 0 : i32
    %dma_start3A_252 = tpu.memref_slice %arg6[%add3A_248, %dma_start3A_251] : memref<4096x512xf32, #tpu.memory_space<hbm>> -> memref<32x512xf32, #tpu.memory_space<hbm>>
    tpu.enqueue_dma source(%arg11 : memref<32x512xf32, #tpu.memory_space<vmem>>) target(%dma_start3A_252 : memref<32x512xf32, #tpu.memory_space<hbm>>) target_semaphore(%arg13 : memref<!tpu.dma_semaphore, #tpu.memory_space<semaphore_mem>>)
    %dma_wait3A_253 = arith.constant 0 : i32
    %dma_wait3A_254 = tpu.memref_slice %arg6[%add3A_248, %dma_wait3A_253] : memref<4096x512xf32, #tpu.memory_space<hbm>> -> memref<32x512xf32, #tpu.memory_space<hbm>>
    %dma_wait3A_255 = arith.constant 0 : i32
    %dma_wait3A_256 = tpu.memref_slice %arg6[%add3A_248, %dma_wait3A_255] : memref<4096x512xf32, #tpu.memory_space<hbm>> -> memref<32x512xf32, #tpu.memory_space<hbm>>
    tpu.wait_dma2 semaphore(%arg13 : memref<!tpu.dma_semaphore, #tpu.memory_space<semaphore_mem>>) src(%arg11 : memref<32x512xf32, #tpu.memory_space<vmem>>) dst(%dma_wait3A_256 : memref<32x512xf32, #tpu.memory_space<hbm>>)
    return
  }
}

module attributes {stable_mosaic.version = 14 : i64} {
  func.func @_topk_body(%arg0: i32, %arg1: memref<1x4096xf32, #tpu.memory_space<vmem>>, %arg2: memref<1024x1xf32, #tpu.memory_space<vmem>>, %arg3: memref<2x1x4096xf32, #tpu.memory_space<vmem>>, %arg4: memref<1x4096xi32, #tpu.memory_space<vmem>>, %arg5: memref<1x1xf32, #tpu.memory_space<vmem>>, %arg6: memref<1x1xf32, #tpu.memory_space<vmem>>) attributes {dimension_semantics = [#tpu.dimension_semantics<arbitrary>], iteration_bounds = array<i64: 8>, scalar_prefetch = 0 : i64, scratch_operands = 0 : i64, tpu.core_type = #tpu.core_type<tc>, window_params = [{pipeline_mode = #tpu.pipeline_mode<synchronous>, transform_indices = @transform_0, window_bounds = array<i64: 1, 4096>}, {transform_indices = @transform_1, window_bounds = array<i64: 1024, 1>}, {transform_indices = @transform_2, window_bounds = array<i64: 2, 1, 4096>}, {pipeline_mode = #tpu.pipeline_mode<synchronous>, transform_indices = @transform_3, window_bounds = array<i64: 1, 4096>}, {pipeline_mode = #tpu.pipeline_mode<synchronous>, transform_indices = @transform_4, window_bounds = array<i64: 1, 1>}, {pipeline_mode = #tpu.pipeline_mode<synchronous>, transform_indices = @transform_5, window_bounds = array<i64: 1, 1>}]} {
    %get3A = arith.constant 0 : index
    %get3A_0 = arith.constant 0 : index
    %get3A_1 = vector.load %arg1[%get3A, %get3A_0] : memref<1x4096xf32, #tpu.memory_space<vmem>>, vector<1x4096xf32>
    %get3A_2 = arith.constant 0 : index
    %get3A_3 = arith.constant 0 : index
    %get3A_4 = vector.load %arg2[%get3A_2, %get3A_3] : memref<1024x1xf32, #tpu.memory_space<vmem>>, vector<1024x1xf32>
    %sub3A = vector.broadcast %get3A_4 : vector<1024x1xf32> to vector<1024x4096xf32>
    %sub3A_5 = vector.broadcast %get3A_1 : vector<1x4096xf32> to vector<1024x4096xf32>
    %sub3A_6 = arith.subf %sub3A, %sub3A_5 : vector<1024x4096xf32>
    %integer_pow3A = arith.mulf %sub3A_6, %sub3A_6 : vector<1024x4096xf32>
    %mul3A = arith.constant 1024 : i32
    %mul3A_7 = arith.muli %arg0, %mul3A : i32
    %iota3A = tpu.iota {dimensions = array<i32: 0>} : vector<1024x4096xi32>
    %add3A = vector.broadcast %mul3A_7 : i32 to vector<1024x4096xi32>
    %add3A_8 = arith.addi %add3A, %iota3A : vector<1024x4096xi32>
    %reduce_min3A = arith.constant dense<0x7F800000> : vector<1024xf32>
    %reduce_min3A_9 = vector.multi_reduction <minimumf>, %integer_pow3A, %reduce_min3A [1] : vector<1024x4096xf32> to vector<1024xf32>
    %broadcast_in_dim3A = vector.shape_cast %reduce_min3A_9 : vector<1024xf32> to vector<1024x1xf32>
    %eq3A = vector.broadcast %broadcast_in_dim3A : vector<1024x1xf32> to vector<1024x4096xf32>
    %eq3A_10 = arith.cmpf oeq, %integer_pow3A, %eq3A : vector<1024x4096xf32>
    %jit3A = arith.constant -1 : i32
    %broadcast_in_dim3A_11 = vector.broadcast %jit3A : i32 to vector<1024x4096xi32>
    %select_n3A = arith.select %eq3A_10, %add3A_8, %broadcast_in_dim3A_11 : vector<1024x4096xi1>, vector<1024x4096xi32>
    %reduce_max3A = arith.constant dense<-2147483648> : vector<4096xi32>
    %reduce_max3A_12 = vector.multi_reduction <maxsi>, %select_n3A, %reduce_max3A [0] : vector<1024x4096xi32> to vector<4096xi32>
    %broadcast_in_dim3A_13 = vector.shape_cast %reduce_max3A_12 : vector<4096xi32> to vector<1x4096xi32>
    %slice3A = vector.extract_strided_slice %integer_pow3A {offsets = [0, 0], sizes = [512, 4096], strides = [1, 1]} : vector<1024x4096xf32> to vector<512x4096xf32>
    %reduce_min3A_14 = arith.constant dense<0x7F800000> : vector<4096xf32>
    %reduce_min3A_15 = vector.multi_reduction <minimumf>, %slice3A, %reduce_min3A_14 [0] : vector<512x4096xf32> to vector<4096xf32>
    %broadcast_in_dim3A_16 = vector.shape_cast %reduce_min3A_15 : vector<4096xf32> to vector<1x4096xf32>
    %slice3A_17 = vector.extract_strided_slice %integer_pow3A {offsets = [512, 0], sizes = [512, 4096], strides = [1, 1]} : vector<1024x4096xf32> to vector<512x4096xf32>
    %reduce_min3A_18 = arith.constant dense<0x7F800000> : vector<4096xf32>
    %reduce_min3A_19 = vector.multi_reduction <minimumf>, %slice3A_17, %reduce_min3A_18 [0] : vector<512x4096xf32> to vector<4096xf32>
    %broadcast_in_dim3A_20 = vector.shape_cast %reduce_min3A_19 : vector<4096xf32> to vector<1x4096xf32>
    %stack3A = vector.shape_cast %broadcast_in_dim3A_16 : vector<1x4096xf32> to vector<1x1x4096xf32>
    %stack3A_21 = vector.shape_cast %broadcast_in_dim3A_20 : vector<1x4096xf32> to vector<1x1x4096xf32>
    %stack3A_22 = tpu.concatenate %stack3A, %stack3A_21 in 0 : vector<1x1x4096xf32>, vector<1x1x4096xf32> -> vector<2x1x4096xf32>
    %swap3A = arith.constant 0 : index
    %swap3A_23 = arith.constant 0 : index
    %swap3A_24 = arith.constant 0 : index
    %swap3A_25 = vector.load %arg3[%swap3A, %swap3A_23, %swap3A_24] : memref<2x1x4096xf32, #tpu.memory_space<vmem>>, vector<2x1x4096xf32>
    tpu.vector_store %arg3[%swap3A, %swap3A_23, %swap3A_24], %stack3A_22 {strides = array<i32>} : memref<2x1x4096xf32, #tpu.memory_space<vmem>>, vector<2x1x4096xf32>,
    %reduce_min3A_26 = vector.shape_cast %get3A_4 : vector<1024x1xf32> to vector<1x1024x1xf32>
    %reduce_min3A_27 = arith.constant dense<0x7F800000> : vector<1xf32>
    %reduce_min3A_28 = vector.multi_reduction <minimumf>, %reduce_min3A_26, %reduce_min3A_27 [1, 2] : vector<1x1024x1xf32> to vector<1xf32>
    %reduce_min3A_29 = vector.shape_cast %reduce_min3A_28 : vector<1xf32> to vector<1x1x1xf32>
    %reduce_min3A_30 = vector.extract %reduce_min3A_29[0, 0, 0] : f32 from vector<1x1x1xf32>
    %reshape3A = vector.broadcast %reduce_min3A_30 : f32 to vector<1x1xf32>
    %reduce_max3A_31 = vector.shape_cast %get3A_4 : vector<1024x1xf32> to vector<1x1024x1xf32>
    %reduce_max3A_32 = arith.constant dense<0xFF800000> : vector<1xf32>
    %reduce_max3A_33 = vector.multi_reduction <maximumf>, %reduce_max3A_31, %reduce_max3A_32 [1, 2] : vector<1x1024x1xf32> to vector<1xf32>
    %reduce_max3A_34 = vector.shape_cast %reduce_max3A_33 : vector<1xf32> to vector<1x1x1xf32>
    %reduce_max3A_35 = vector.extract %reduce_max3A_34[0, 0, 0] : f32 from vector<1x1x1xf32>
    %reshape3A_36 = vector.broadcast %reduce_max3A_35 : f32 to vector<1x1xf32>
    %eq3A_37 = arith.constant 0 : i32
    %eq3A_38 = arith.cmpi eq, %arg0, %eq3A_37 : i32
    %convert_element_type3A = arith.extui %eq3A_38 : i1 to i32
    %cond3A = arith.constant 0 : i32
    %cond3A_39 = arith.cmpi ne, %convert_element_type3A, %cond3A : i32
    scf.if %cond3A_39 {
      %swap3A_44 = arith.constant 0 : index
      %swap3A_45 = arith.constant 0 : index
      %swap3A_46 = vector.load %arg4[%swap3A_44, %swap3A_45] : memref<1x4096xi32, #tpu.memory_space<vmem>>, vector<1x4096xi32>
      tpu.vector_store %arg4[%swap3A_44, %swap3A_45], %broadcast_in_dim3A_13 {strides = array<i32>} : memref<1x4096xi32, #tpu.memory_space<vmem>>, vector<1x4096xi32>,
      %swap3A_47 = arith.constant 0 : index
      %swap3A_48 = arith.constant 0 : index
      %swap3A_49 = vector.load %arg5[%swap3A_47, %swap3A_48] : memref<1x1xf32, #tpu.memory_space<vmem>>, vector<1x1xf32>
      tpu.vector_store %arg5[%swap3A_47, %swap3A_48], %reshape3A {strides = array<i32>} : memref<1x1xf32, #tpu.memory_space<vmem>>, vector<1x1xf32>,
      %swap3A_50 = arith.constant 0 : index
      %swap3A_51 = arith.constant 0 : index
      %swap3A_52 = vector.load %arg6[%swap3A_50, %swap3A_51] : memref<1x1xf32, #tpu.memory_space<vmem>>, vector<1x1xf32>
      tpu.vector_store %arg6[%swap3A_50, %swap3A_51], %reshape3A_36 {strides = array<i32>} : memref<1x1xf32, #tpu.memory_space<vmem>>, vector<1x1xf32>,
    } else {
    }
    %gt3A = arith.constant 0 : i32
    %gt3A_40 = arith.cmpi sgt, %arg0, %gt3A : i32
    %convert_element_type3A_41 = arith.extui %gt3A_40 : i1 to i32
    %cond3A_42 = arith.constant 0 : i32
    %cond3A_43 = arith.cmpi ne, %convert_element_type3A_41, %cond3A_42 : i32
    scf.if %cond3A_43 {
      %get3A_44 = arith.constant 0 : index
      %get3A_45 = arith.constant 0 : index
      %get3A_46 = vector.load %arg4[%get3A_44, %get3A_45] : memref<1x4096xi32, #tpu.memory_space<vmem>>, vector<1x4096xi32>
      %max3A = arith.maxsi %get3A_46, %broadcast_in_dim3A_13 : vector<1x4096xi32>
      %swap3A_47 = arith.constant 0 : index
      %swap3A_48 = arith.constant 0 : index
      %swap3A_49 = vector.load %arg4[%swap3A_47, %swap3A_48] : memref<1x4096xi32, #tpu.memory_space<vmem>>, vector<1x4096xi32>
      tpu.vector_store %arg4[%swap3A_47, %swap3A_48], %max3A {strides = array<i32>} : memref<1x4096xi32, #tpu.memory_space<vmem>>, vector<1x4096xi32>,
      %get3A_50 = arith.constant 0 : index
      %get3A_51 = arith.constant 0 : index
      %get3A_52 = vector.load %arg5[%get3A_50, %get3A_51] : memref<1x1xf32, #tpu.memory_space<vmem>>, vector<1x1xf32>
      %min3A = arith.minimumf %get3A_52, %reshape3A : vector<1x1xf32>
      %swap3A_53 = arith.constant 0 : index
      %swap3A_54 = arith.constant 0 : index
      %swap3A_55 = vector.load %arg5[%swap3A_53, %swap3A_54] : memref<1x1xf32, #tpu.memory_space<vmem>>, vector<1x1xf32>
      tpu.vector_store %arg5[%swap3A_53, %swap3A_54], %min3A {strides = array<i32>} : memref<1x1xf32, #tpu.memory_space<vmem>>, vector<1x1xf32>,
      %get3A_56 = arith.constant 0 : index
      %get3A_57 = arith.constant 0 : index
      %get3A_58 = vector.load %arg6[%get3A_56, %get3A_57] : memref<1x1xf32, #tpu.memory_space<vmem>>, vector<1x1xf32>
      %max3A_59 = arith.maximumf %get3A_58, %reshape3A_36 : vector<1x1xf32>
      %swap3A_60 = arith.constant 0 : index
      %swap3A_61 = arith.constant 0 : index
      %swap3A_62 = vector.load %arg6[%swap3A_60, %swap3A_61] : memref<1x1xf32, #tpu.memory_space<vmem>>, vector<1x1xf32>
      tpu.vector_store %arg6[%swap3A_60, %swap3A_61], %max3A_59 {strides = array<i32>} : memref<1x1xf32, #tpu.memory_space<vmem>>, vector<1x1xf32>,
    } else {
    }
    return
  }
  func.func @transform_0(%arg0: i32) -> (i32, i32) {
    %c0_i32 = arith.constant 0 : i32
    %c0_i32_0 = arith.constant 0 : i32
    %c0_i32_1 = arith.constant 0 : i32
    return %c0_i32, %c0_i32_0 : i32, i32
  }
  func.func @transform_1(%arg0: i32) -> (i32, i32) {
    %c0_i32 = arith.constant 0 : i32
    %c0_i32_0 = arith.constant 0 : i32
    return %arg0, %c0_i32 : i32, i32
  }
  func.func @transform_2(%arg0: i32) -> (i32, i32, i32) {
    %c0_i32 = arith.constant 0 : i32
    %c0_i32_0 = arith.constant 0 : i32
    %c0_i32_1 = arith.constant 0 : i32
    return %arg0, %c0_i32, %c0_i32_0 : i32, i32, i32
  }
  func.func @transform_3(%arg0: i32) -> (i32, i32) {
    %c0_i32 = arith.constant 0 : i32
    %c0_i32_0 = arith.constant 0 : i32
    %c0_i32_1 = arith.constant 0 : i32
    return %c0_i32, %c0_i32_0 : i32, i32
  }
  func.func @transform_4(%arg0: i32) -> (i32, i32) {
    %c0_i32 = arith.constant 0 : i32
    %c0_i32_0 = arith.constant 0 : i32
    %c0_i32_1 = arith.constant 0 : i32
    return %c0_i32, %c0_i32_0 : i32, i32
  }
  func.func @transform_5(%arg0: i32) -> (i32, i32) {
    %c0_i32 = arith.constant 0 : i32
    %c0_i32_0 = arith.constant 0 : i32
    %c0_i32_1 = arith.constant 0 : i32
    return %c0_i32, %c0_i32_0 : i32, i32
  }
}

module attributes {stable_mosaic.version = 14 : i64} {
  func.func @_plan_body(%arg0: i32, %arg1: memref<16x1x512xf32, #tpu.memory_space<vmem>>, %arg2: memref<1x512xf32, #tpu.memory_space<vmem>>, %arg3: memref<4096x1xf32, #tpu.memory_space<vmem>>, %arg4: memref<512x16xf32, #tpu.memory_space<vmem>>, %arg5: memref<1x512xi32, #tpu.memory_space<vmem>>, %arg6: memref<1x1xf32, #tpu.memory_space<vmem>>, %arg7: memref<1x1xf32, #tpu.memory_space<vmem>>, %arg8: memref<1024x512xf32, #tpu.memory_space<vmem>>, %arg9: memref<1024x512xf32, #tpu.memory_space<vmem>>, %arg10: memref<1024x512xf32, #tpu.memory_space<vmem>>, %arg11: memref<1x512xi32, #tpu.memory_space<vmem>>, %arg12: memref<1x512xi32, #tpu.memory_space<vmem>>, %arg13: memref<1x512xf32, #tpu.memory_space<vmem>>, %arg14: memref<1024x512xf32, #tpu.memory_space<vmem>>) attributes {dimension_semantics = [#tpu.dimension_semantics<arbitrary>], iteration_bounds = array<i64: 9>, scalar_prefetch = 0 : i64, scratch_operands = 0 : i64, tpu.core_type = #tpu.core_type<tc>, window_params = [{transform_indices = @transform_0, window_bounds = array<i64: 16, 1, 512>}, {transform_indices = @transform_1, window_bounds = array<i64: 1, 512>}, {pipeline_mode = #tpu.pipeline_mode<synchronous>, transform_indices = @transform_2, window_bounds = array<i64: 4096, 1>}, {pipeline_mode = #tpu.pipeline_mode<synchronous>, transform_indices = @transform_3, window_bounds = array<i64: 512, 16>}, {transform_indices = @transform_4, window_bounds = array<i64: 1, 512>}, {pipeline_mode = #tpu.pipeline_mode<synchronous>, transform_indices = @transform_5, window_bounds = array<i64: 1, 1>}, {pipeline_mode = #tpu.pipeline_mode<synchronous>, transform_indices = @transform_6, window_bounds = array<i64: 1, 1>}, {transform_indices = @transform_7, window_bounds = array<i64: 1024, 512>}, {transform_indices = @transform_8, window_bounds = array<i64: 1024, 512>}, {transform_indices = @transform_9, window_bounds = array<i64: 1024, 512>}, {transform_indices = @transform_10, window_bounds = array<i64: 1, 512>}, {transform_indices = @transform_11, window_bounds = array<i64: 1, 512>}, {transform_indices = @transform_12, window_bounds = array<i64: 1, 512>}, {transform_indices = @transform_13, window_bounds = array<i64: 1024, 512>}]} {
    %get3A = arith.constant 0 : index
    %get3A_0 = arith.constant 0 : index
    %get3A_1 = vector.load %arg8[%get3A, %get3A_0] : memref<1024x512xf32, #tpu.memory_space<vmem>>, vector<1024x512xf32>
    %eq3A = arith.constant 0 : i32
    %eq3A_2 = arith.cmpi eq, %arg0, %eq3A : i32
    %convert_element_type3A = arith.extui %eq3A_2 : i1 to i32
    %cond3A = arith.constant 0 : i32
    %cond3A_3 = arith.cmpi ne, %convert_element_type3A, %cond3A : i32
    scf.if %cond3A_3 {
      %slice3A = vector.extract_strided_slice %get3A_1 {offsets = [0, 0], sizes = [1, 512], strides = [1, 1]} : vector<1024x512xf32> to vector<1x512xf32>
      %slice3A_24 = vector.extract_strided_slice %get3A_1 {offsets = [0, 0], sizes = [1023, 512], strides = [1, 1]} : vector<1024x512xf32> to vector<1023x512xf32>
      %concatenate3A = tpu.concatenate %slice3A, %slice3A_24 in 0 : vector<1x512xf32>, vector<1023x512xf32> -> vector<1024x512xf32>
      %slice3A_25 = vector.extract_strided_slice %get3A_1 {offsets = [1, 0], sizes = [1023, 512], strides = [1, 1]} : vector<1024x512xf32> to vector<1023x512xf32>
      %get3A_26 = arith.constant 0 : index
      %get3A_27 = arith.constant 0 : index
      %get3A_28 = vector.load %arg10[%get3A_26, %get3A_27] : memref<1024x512xf32, #tpu.memory_space<vmem>>, vector<1x512xf32>
      %concatenate3A_29 = tpu.concatenate %slice3A_25, %get3A_28 in 0 : vector<1023x512xf32>, vector<1x512xf32> -> vector<1024x512xf32>
      %add3A = arith.addf %concatenate3A, %get3A_1 : vector<1024x512xf32>
      %add3A_30 = arith.addf %add3A, %concatenate3A_29 : vector<1024x512xf32>
      %div3A = arith.constant 3.000000e+00 : f32
      %div3A_31 = vector.broadcast %div3A : f32 to vector<1024x512xf32>
      %div3A_32 = arith.divf %add3A_30, %div3A_31 : vector<1024x512xf32>
      %swap3A = arith.constant 0 : index
      %swap3A_33 = arith.constant 0 : index
      %swap3A_34 = vector.load %arg14[%swap3A, %swap3A_33] : memref<1024x512xf32, #tpu.memory_space<vmem>>, vector<1024x512xf32>
      tpu.vector_store %arg14[%swap3A, %swap3A_33], %div3A_32 {strides = array<i32>} : memref<1024x512xf32, #tpu.memory_space<vmem>>, vector<1024x512xf32>,
    } else {
    }
    %gt3A = arith.constant 0 : i32
    %gt3A_4 = arith.cmpi sgt, %arg0, %gt3A : i32
    %lt3A = arith.constant 7 : i32
    %lt3A_5 = arith.cmpi slt, %arg0, %lt3A : i32
    %and3A = arith.andi %gt3A_4, %lt3A_5 : i1
    %convert_element_type3A_6 = arith.extui %and3A : i1 to i32
    %cond3A_7 = arith.constant 0 : i32
    %cond3A_8 = arith.cmpi ne, %convert_element_type3A_6, %cond3A_7 : i32
    scf.if %cond3A_8 {
      %get3A_24 = arith.constant 1023 : index
      %get3A_25 = arith.constant 0 : index
      %get3A_26 = vector.load %arg9[%get3A_24, %get3A_25] : memref<1024x512xf32, #tpu.memory_space<vmem>>, vector<1x512xf32>
      %slice3A = vector.extract_strided_slice %get3A_1 {offsets = [0, 0], sizes = [1023, 512], strides = [1, 1]} : vector<1024x512xf32> to vector<1023x512xf32>
      %concatenate3A = tpu.concatenate %get3A_26, %slice3A in 0 : vector<1x512xf32>, vector<1023x512xf32> -> vector<1024x512xf32>
      %slice3A_27 = vector.extract_strided_slice %get3A_1 {offsets = [1, 0], sizes = [1023, 512], strides = [1, 1]} : vector<1024x512xf32> to vector<1023x512xf32>
      %get3A_28 = arith.constant 0 : index
      %get3A_29 = arith.constant 0 : index
      %get3A_30 = vector.load %arg10[%get3A_28, %get3A_29] : memref<1024x512xf32, #tpu.memory_space<vmem>>, vector<1x512xf32>
      %concatenate3A_31 = tpu.concatenate %slice3A_27, %get3A_30 in 0 : vector<1023x512xf32>, vector<1x512xf32> -> vector<1024x512xf32>
      %add3A = arith.addf %concatenate3A, %get3A_1 : vector<1024x512xf32>
      %add3A_32 = arith.addf %add3A, %concatenate3A_31 : vector<1024x512xf32>
      %div3A = arith.constant 3.000000e+00 : f32
      %div3A_33 = vector.broadcast %div3A : f32 to vector<1024x512xf32>
      %div3A_34 = arith.divf %add3A_32, %div3A_33 : vector<1024x512xf32>
      %swap3A = arith.constant 0 : index
      %swap3A_35 = arith.constant 0 : index
      %swap3A_36 = vector.load %arg14[%swap3A, %swap3A_35] : memref<1024x512xf32, #tpu.memory_space<vmem>>, vector<1024x512xf32>
      tpu.vector_store %arg14[%swap3A, %swap3A_35], %div3A_34 {strides = array<i32>} : memref<1024x512xf32, #tpu.memory_space<vmem>>, vector<1024x512xf32>,
    } else {
    }
    %eq3A_9 = arith.constant 7 : i32
    %eq3A_10 = arith.cmpi eq, %arg0, %eq3A_9 : i32
    %convert_element_type3A_11 = arith.extui %eq3A_10 : i1 to i32
    %cond3A_12 = arith.constant 0 : i32
    %cond3A_13 = arith.cmpi ne, %convert_element_type3A_11, %cond3A_12 : i32
    scf.if %cond3A_13 {
      %get3A_24 = arith.constant 1023 : index
      %get3A_25 = arith.constant 0 : index
      %get3A_26 = vector.load %arg9[%get3A_24, %get3A_25] : memref<1024x512xf32, #tpu.memory_space<vmem>>, vector<1x512xf32>
      %slice3A = vector.extract_strided_slice %get3A_1 {offsets = [0, 0], sizes = [1023, 512], strides = [1, 1]} : vector<1024x512xf32> to vector<1023x512xf32>
      %concatenate3A = tpu.concatenate %get3A_26, %slice3A in 0 : vector<1x512xf32>, vector<1023x512xf32> -> vector<1024x512xf32>
      %slice3A_27 = vector.extract_strided_slice %get3A_1 {offsets = [1, 0], sizes = [1023, 512], strides = [1, 1]} : vector<1024x512xf32> to vector<1023x512xf32>
      %slice3A_28 = vector.extract_strided_slice %get3A_1 {offsets = [1023, 0], sizes = [1, 512], strides = [1, 1]} : vector<1024x512xf32> to vector<1x512xf32>
      %concatenate3A_29 = tpu.concatenate %slice3A_27, %slice3A_28 in 0 : vector<1023x512xf32>, vector<1x512xf32> -> vector<1024x512xf32>
      %add3A = arith.addf %concatenate3A, %get3A_1 : vector<1024x512xf32>
      %add3A_30 = arith.addf %add3A, %concatenate3A_29 : vector<1024x512xf32>
      %div3A = arith.constant 3.000000e+00 : f32
      %div3A_31 = vector.broadcast %div3A : f32 to vector<1024x512xf32>
      %div3A_32 = arith.divf %add3A_30, %div3A_31 : vector<1024x512xf32>
      %swap3A = arith.constant 0 : index
      %swap3A_33 = arith.constant 0 : index
      %swap3A_34 = vector.load %arg14[%swap3A, %swap3A_33] : memref<1024x512xf32, #tpu.memory_space<vmem>>, vector<1024x512xf32>
      tpu.vector_store %arg14[%swap3A, %swap3A_33], %div3A_32 {strides = array<i32>} : memref<1024x512xf32, #tpu.memory_space<vmem>>, vector<1024x512xf32>,
    } else {
    }
    %eq3A_14 = arith.constant 8 : i32
    %eq3A_15 = arith.cmpi eq, %arg0, %eq3A_14 : i32
    %convert_element_type3A_16 = arith.extui %eq3A_15 : i1 to i32
    %cond3A_17 = arith.constant 0 : i32
    %cond3A_18 = arith.cmpi ne, %convert_element_type3A_16, %cond3A_17 : i32
    scf.if %cond3A_18 {
      %get3A_24 = arith.constant 0 : index
      %get3A_25 = arith.constant 0 : index
      %get3A_26 = vector.load %arg9[%get3A_24, %get3A_25] : memref<1024x512xf32, #tpu.memory_space<vmem>>, vector<1x512xf32>
      %swap3A = arith.constant 0 : index
      %swap3A_27 = arith.constant 0 : index
      %swap3A_28 = vector.load %arg14[%swap3A, %swap3A_27] : memref<1024x512xf32, #tpu.memory_space<vmem>>, vector<1x512xf32>
      tpu.vector_store %arg14[%swap3A, %swap3A_27], %get3A_26 {strides = array<i32>} : memref<1024x512xf32, #tpu.memory_space<vmem>>, vector<1x512xf32>,
      %slice3A = vector.extract_strided_slice %get3A_1 {offsets = [1023, 0], sizes = [1, 512], strides = [1, 1]} : vector<1024x512xf32> to vector<1x512xf32>
      %swap3A_29 = arith.constant 1 : index
      %swap3A_30 = arith.constant 0 : index
      %swap3A_31 = vector.load %arg14[%swap3A_29, %swap3A_30] : memref<1024x512xf32, #tpu.memory_space<vmem>>, vector<1x512xf32>
      tpu.vector_store %arg14[%swap3A_29, %swap3A_30], %slice3A {strides = array<i32>} : memref<1024x512xf32, #tpu.memory_space<vmem>>, vector<1x512xf32>,
    } else {
    }
    %lt3A_19 = arith.constant 8 : i32
    %lt3A_20 = arith.cmpi slt, %arg0, %lt3A_19 : i32
    %convert_element_type3A_21 = arith.extui %lt3A_20 : i1 to i32
    %cond3A_22 = arith.constant 0 : i32
    %cond3A_23 = arith.cmpi ne, %convert_element_type3A_21, %cond3A_22 : i32
    scf.if %cond3A_23 {
      %get3A_24 = arith.constant 0 : index
      %get3A_25 = arith.constant 0 : index
      %get3A_26 = arith.constant 0 : index
      %get3A_27 = vector.load %arg1[%get3A_24, %get3A_25, %get3A_26] : memref<16x1x512xf32, #tpu.memory_space<vmem>>, vector<16x1x512xf32>
      %reshape3A = vector.shape_cast %get3A_27 : vector<16x1x512xf32> to vector<16x512xf32>
      %get3A_28 = arith.constant 0 : index
      %get3A_29 = arith.constant 0 : index
      %get3A_30 = vector.load %arg2[%get3A_28, %get3A_29] : memref<1x512xf32, #tpu.memory_space<vmem>>, vector<1x512xf32>
      %iota3A = tpu.iota {dimensions = array<i32: 0>} : vector<16x512xi32>
      %reduce_min3A = arith.constant dense<0x7F800000> : vector<512xf32>
      %reduce_min3A_31 = vector.multi_reduction <minimumf>, %reshape3A, %reduce_min3A [0] : vector<16x512xf32> to vector<512xf32>
      %broadcast_in_dim3A = vector.shape_cast %reduce_min3A_31 : vector<512xf32> to vector<1x512xf32>
      %eq3A_32 = vector.broadcast %broadcast_in_dim3A : vector<1x512xf32> to vector<16x512xf32>
      %eq3A_33 = arith.cmpf oeq, %reshape3A, %eq3A_32 : vector<16x512xf32>
      %jit3A = arith.constant 1073741824 : i32
      %broadcast_in_dim3A_34 = vector.broadcast %jit3A : i32 to vector<16x512xi32>
      %select_n3A = arith.select %eq3A_33, %iota3A, %broadcast_in_dim3A_34 : vector<16x512xi1>, vector<16x512xi32>
      %reduce_min3A_35 = arith.constant dense<2147483647> : vector<512xi32>
      %reduce_min3A_36 = vector.multi_reduction <minsi>, %select_n3A, %reduce_min3A_35 [0] : vector<16x512xi32> to vector<512xi32>
      %broadcast_in_dim3A_37 = vector.shape_cast %reduce_min3A_36 : vector<512xi32> to vector<1x512xi32>
      %eq3A_38 = vector.broadcast %broadcast_in_dim3A_37 : vector<1x512xi32> to vector<16x512xi32>
      %eq3A_39 = arith.cmpi eq, %iota3A, %eq3A_38 : vector<16x512xi32>
      %jit3A_40 = arith.constant 0x7F800000 : f32
      %broadcast_in_dim3A_41 = vector.broadcast %jit3A_40 : f32 to vector<16x512xf32>
      %select_n3A_42 = arith.select %eq3A_39, %broadcast_in_dim3A_41, %reshape3A : vector<16x512xi1>, vector<16x512xf32>
      %reduce_min3A_43 = arith.constant dense<0x7F800000> : vector<512xf32>
      %reduce_min3A_44 = vector.multi_reduction <minimumf>, %select_n3A_42, %reduce_min3A_43 [0] : vector<16x512xf32> to vector<512xf32>
      %broadcast_in_dim3A_45 = vector.shape_cast %reduce_min3A_44 : vector<512xf32> to vector<1x512xf32>
      %eq3A_46 = vector.broadcast %broadcast_in_dim3A_45 : vector<1x512xf32> to vector<16x512xf32>
      %eq3A_47 = arith.cmpf oeq, %select_n3A_42, %eq3A_46 : vector<16x512xf32>
      %jit3A_48 = arith.constant 1073741824 : i32
      %broadcast_in_dim3A_49 = vector.broadcast %jit3A_48 : i32 to vector<16x512xi32>
      %select_n3A_50 = arith.select %eq3A_47, %iota3A, %broadcast_in_dim3A_49 : vector<16x512xi1>, vector<16x512xi32>
      %reduce_min3A_51 = arith.constant dense<2147483647> : vector<512xi32>
      %reduce_min3A_52 = vector.multi_reduction <minsi>, %select_n3A_50, %reduce_min3A_51 [0] : vector<16x512xi32> to vector<512xi32>
      %broadcast_in_dim3A_53 = vector.shape_cast %reduce_min3A_52 : vector<512xi32> to vector<1x512xi32>
      %get3A_54 = arith.constant 0 : index
      %get3A_55 = arith.constant 0 : index
      %get3A_56 = vector.load %arg4[%get3A_54, %get3A_55] : memref<512x16xf32, #tpu.memory_space<vmem>>, vector<512x1xf32>
      %broadcast_in_dim3A_57 = vector.shape_cast %get3A_56 : vector<512x1xf32> to vector<512x1xf32>
      %broadcast_in_dim3A_58 = vector.broadcast %broadcast_in_dim3A_57 : vector<512x1xf32> to vector<512x512xf32>
      %get3A_59 = arith.constant 0 : index
      %get3A_60 = arith.constant 1 : index
      %get3A_61 = vector.load %arg4[%get3A_59, %get3A_60] : memref<512x16xf32, #tpu.memory_space<vmem>>, vector<512x1xf32>
      %eq3A_62 = arith.constant 1 : i32
      %eq3A_63 = vector.broadcast %eq3A_62 : i32 to vector<1x512xi32>
      %eq3A_64 = arith.cmpi eq, %broadcast_in_dim3A_37, %eq3A_63 : vector<1x512xi32>
      %broadcast_in_dim3A_65 = vector.shape_cast %eq3A_64 : vector<1x512xi1> to vector<1x512xi1>
      %broadcast_in_dim3A_66 = vector.broadcast %broadcast_in_dim3A_65 : vector<1x512xi1> to vector<512x512xi1>
      %broadcast_in_dim3A_67 = vector.shape_cast %get3A_61 : vector<512x1xf32> to vector<512x1xf32>
      %broadcast_in_dim3A_68 = vector.broadcast %broadcast_in_dim3A_67 : vector<512x1xf32> to vector<512x512xf32>
      %select_n3A_69 = arith.select %broadcast_in_dim3A_66, %broadcast_in_dim3A_68, %broadcast_in_dim3A_58 : vector<512x512xi1>, vector<512x512xf32>
      %eq3A_70 = arith.constant 1 : i32
      %eq3A_71 = vector.broadcast %eq3A_70 : i32 to vector<1x512xi32>
      %eq3A_72 = arith.cmpi eq, %broadcast_in_dim3A_53, %eq3A_71 : vector<1x512xi32>
      %broadcast_in_dim3A_73 = vector.shape_cast %eq3A_72 : vector<1x512xi1> to vector<1x512xi1>
      %broadcast_in_dim3A_74 = vector.broadcast %broadcast_in_dim3A_73 : vector<1x512xi1> to vector<512x512xi1>
      %broadcast_in_dim3A_75 = vector.shape_cast %get3A_61 : vector<512x1xf32> to vector<512x1xf32>
      %broadcast_in_dim3A_76 = vector.broadcast %broadcast_in_dim3A_75 : vector<512x1xf32> to vector<512x512xf32>
      %select_n3A_77 = arith.select %broadcast_in_dim3A_74, %broadcast_in_dim3A_76, %broadcast_in_dim3A_58 : vector<512x512xi1>, vector<512x512xf32>
      %get3A_78 = arith.constant 0 : index
      %get3A_79 = arith.constant 2 : index
      %get3A_80 = vector.load %arg4[%get3A_78, %get3A_79] : memref<512x16xf32, #tpu.memory_space<vmem>>, vector<512x1xf32>
      %eq3A_81 = arith.constant 2 : i32
      %eq3A_82 = vector.broadcast %eq3A_81 : i32 to vector<1x512xi32>
      %eq3A_83 = arith.cmpi eq, %broadcast_in_dim3A_37, %eq3A_82 : vector<1x512xi32>
      %broadcast_in_dim3A_84 = vector.shape_cast %eq3A_83 : vector<1x512xi1> to vector<1x512xi1>
      %broadcast_in_dim3A_85 = vector.broadcast %broadcast_in_dim3A_84 : vector<1x512xi1> to vector<512x512xi1>
      %broadcast_in_dim3A_86 = vector.shape_cast %get3A_80 : vector<512x1xf32> to vector<512x1xf32>
      %broadcast_in_dim3A_87 = vector.broadcast %broadcast_in_dim3A_86 : vector<512x1xf32> to vector<512x512xf32>
      %select_n3A_88 = arith.select %broadcast_in_dim3A_85, %broadcast_in_dim3A_87, %select_n3A_69 : vector<512x512xi1>, vector<512x512xf32>
      %eq3A_89 = arith.constant 2 : i32
      %eq3A_90 = vector.broadcast %eq3A_89 : i32 to vector<1x512xi32>
      %eq3A_91 = arith.cmpi eq, %broadcast_in_dim3A_53, %eq3A_90 : vector<1x512xi32>
      %broadcast_in_dim3A_92 = vector.shape_cast %eq3A_91 : vector<1x512xi1> to vector<1x512xi1>
      %broadcast_in_dim3A_93 = vector.broadcast %broadcast_in_dim3A_92 : vector<1x512xi1> to vector<512x512xi1>
      %broadcast_in_dim3A_94 = vector.shape_cast %get3A_80 : vector<512x1xf32> to vector<512x1xf32>
      %broadcast_in_dim3A_95 = vector.broadcast %broadcast_in_dim3A_94 : vector<512x1xf32> to vector<512x512xf32>
      %select_n3A_96 = arith.select %broadcast_in_dim3A_93, %broadcast_in_dim3A_95, %select_n3A_77 : vector<512x512xi1>, vector<512x512xf32>
      %get3A_97 = arith.constant 0 : index
      %get3A_98 = arith.constant 3 : index
      %get3A_99 = vector.load %arg4[%get3A_97, %get3A_98] : memref<512x16xf32, #tpu.memory_space<vmem>>, vector<512x1xf32>
      %eq3A_100 = arith.constant 3 : i32
      %eq3A_101 = vector.broadcast %eq3A_100 : i32 to vector<1x512xi32>
      %eq3A_102 = arith.cmpi eq, %broadcast_in_dim3A_37, %eq3A_101 : vector<1x512xi32>
      %broadcast_in_dim3A_103 = vector.shape_cast %eq3A_102 : vector<1x512xi1> to vector<1x512xi1>
      %broadcast_in_dim3A_104 = vector.broadcast %broadcast_in_dim3A_103 : vector<1x512xi1> to vector<512x512xi1>
      %broadcast_in_dim3A_105 = vector.shape_cast %get3A_99 : vector<512x1xf32> to vector<512x1xf32>
      %broadcast_in_dim3A_106 = vector.broadcast %broadcast_in_dim3A_105 : vector<512x1xf32> to vector<512x512xf32>
      %select_n3A_107 = arith.select %broadcast_in_dim3A_104, %broadcast_in_dim3A_106, %select_n3A_88 : vector<512x512xi1>, vector<512x512xf32>
      %eq3A_108 = arith.constant 3 : i32
      %eq3A_109 = vector.broadcast %eq3A_108 : i32 to vector<1x512xi32>
      %eq3A_110 = arith.cmpi eq, %broadcast_in_dim3A_53, %eq3A_109 : vector<1x512xi32>
      %broadcast_in_dim3A_111 = vector.shape_cast %eq3A_110 : vector<1x512xi1> to vector<1x512xi1>
      %broadcast_in_dim3A_112 = vector.broadcast %broadcast_in_dim3A_111 : vector<1x512xi1> to vector<512x512xi1>
      %broadcast_in_dim3A_113 = vector.shape_cast %get3A_99 : vector<512x1xf32> to vector<512x1xf32>
      %broadcast_in_dim3A_114 = vector.broadcast %broadcast_in_dim3A_113 : vector<512x1xf32> to vector<512x512xf32>
      %select_n3A_115 = arith.select %broadcast_in_dim3A_112, %broadcast_in_dim3A_114, %select_n3A_96 : vector<512x512xi1>, vector<512x512xf32>
      %get3A_116 = arith.constant 0 : index
      %get3A_117 = arith.constant 4 : index
      %get3A_118 = vector.load %arg4[%get3A_116, %get3A_117] : memref<512x16xf32, #tpu.memory_space<vmem>>, vector<512x1xf32>
      %eq3A_119 = arith.constant 4 : i32
      %eq3A_120 = vector.broadcast %eq3A_119 : i32 to vector<1x512xi32>
      %eq3A_121 = arith.cmpi eq, %broadcast_in_dim3A_37, %eq3A_120 : vector<1x512xi32>
      %broadcast_in_dim3A_122 = vector.shape_cast %eq3A_121 : vector<1x512xi1> to vector<1x512xi1>
      %broadcast_in_dim3A_123 = vector.broadcast %broadcast_in_dim3A_122 : vector<1x512xi1> to vector<512x512xi1>
      %broadcast_in_dim3A_124 = vector.shape_cast %get3A_118 : vector<512x1xf32> to vector<512x1xf32>
      %broadcast_in_dim3A_125 = vector.broadcast %broadcast_in_dim3A_124 : vector<512x1xf32> to vector<512x512xf32>
      %select_n3A_126 = arith.select %broadcast_in_dim3A_123, %broadcast_in_dim3A_125, %select_n3A_107 : vector<512x512xi1>, vector<512x512xf32>
      %eq3A_127 = arith.constant 4 : i32
      %eq3A_128 = vector.broadcast %eq3A_127 : i32 to vector<1x512xi32>
      %eq3A_129 = arith.cmpi eq, %broadcast_in_dim3A_53, %eq3A_128 : vector<1x512xi32>
      %broadcast_in_dim3A_130 = vector.shape_cast %eq3A_129 : vector<1x512xi1> to vector<1x512xi1>
      %broadcast_in_dim3A_131 = vector.broadcast %broadcast_in_dim3A_130 : vector<1x512xi1> to vector<512x512xi1>
      %broadcast_in_dim3A_132 = vector.shape_cast %get3A_118 : vector<512x1xf32> to vector<512x1xf32>
      %broadcast_in_dim3A_133 = vector.broadcast %broadcast_in_dim3A_132 : vector<512x1xf32> to vector<512x512xf32>
      %select_n3A_134 = arith.select %broadcast_in_dim3A_131, %broadcast_in_dim3A_133, %select_n3A_115 : vector<512x512xi1>, vector<512x512xf32>
      %get3A_135 = arith.constant 0 : index
      %get3A_136 = arith.constant 5 : index
      %get3A_137 = vector.load %arg4[%get3A_135, %get3A_136] : memref<512x16xf32, #tpu.memory_space<vmem>>, vector<512x1xf32>
      %eq3A_138 = arith.constant 5 : i32
      %eq3A_139 = vector.broadcast %eq3A_138 : i32 to vector<1x512xi32>
      %eq3A_140 = arith.cmpi eq, %broadcast_in_dim3A_37, %eq3A_139 : vector<1x512xi32>
      %broadcast_in_dim3A_141 = vector.shape_cast %eq3A_140 : vector<1x512xi1> to vector<1x512xi1>
      %broadcast_in_dim3A_142 = vector.broadcast %broadcast_in_dim3A_141 : vector<1x512xi1> to vector<512x512xi1>
      %broadcast_in_dim3A_143 = vector.shape_cast %get3A_137 : vector<512x1xf32> to vector<512x1xf32>
      %broadcast_in_dim3A_144 = vector.broadcast %broadcast_in_dim3A_143 : vector<512x1xf32> to vector<512x512xf32>
      %select_n3A_145 = arith.select %broadcast_in_dim3A_142, %broadcast_in_dim3A_144, %select_n3A_126 : vector<512x512xi1>, vector<512x512xf32>
      %eq3A_146 = arith.constant 5 : i32
      %eq3A_147 = vector.broadcast %eq3A_146 : i32 to vector<1x512xi32>
      %eq3A_148 = arith.cmpi eq, %broadcast_in_dim3A_53, %eq3A_147 : vector<1x512xi32>
      %broadcast_in_dim3A_149 = vector.shape_cast %eq3A_148 : vector<1x512xi1> to vector<1x512xi1>
      %broadcast_in_dim3A_150 = vector.broadcast %broadcast_in_dim3A_149 : vector<1x512xi1> to vector<512x512xi1>
      %broadcast_in_dim3A_151 = vector.shape_cast %get3A_137 : vector<512x1xf32> to vector<512x1xf32>
      %broadcast_in_dim3A_152 = vector.broadcast %broadcast_in_dim3A_151 : vector<512x1xf32> to vector<512x512xf32>
      %select_n3A_153 = arith.select %broadcast_in_dim3A_150, %broadcast_in_dim3A_152, %select_n3A_134 : vector<512x512xi1>, vector<512x512xf32>
      %get3A_154 = arith.constant 0 : index
      %get3A_155 = arith.constant 6 : index
      %get3A_156 = vector.load %arg4[%get3A_154, %get3A_155] : memref<512x16xf32, #tpu.memory_space<vmem>>, vector<512x1xf32>
      %eq3A_157 = arith.constant 6 : i32
      %eq3A_158 = vector.broadcast %eq3A_157 : i32 to vector<1x512xi32>
      %eq3A_159 = arith.cmpi eq, %broadcast_in_dim3A_37, %eq3A_158 : vector<1x512xi32>
      %broadcast_in_dim3A_160 = vector.shape_cast %eq3A_159 : vector<1x512xi1> to vector<1x512xi1>
      %broadcast_in_dim3A_161 = vector.broadcast %broadcast_in_dim3A_160 : vector<1x512xi1> to vector<512x512xi1>
      %broadcast_in_dim3A_162 = vector.shape_cast %get3A_156 : vector<512x1xf32> to vector<512x1xf32>
      %broadcast_in_dim3A_163 = vector.broadcast %broadcast_in_dim3A_162 : vector<512x1xf32> to vector<512x512xf32>
      %select_n3A_164 = arith.select %broadcast_in_dim3A_161, %broadcast_in_dim3A_163, %select_n3A_145 : vector<512x512xi1>, vector<512x512xf32>
      %eq3A_165 = arith.constant 6 : i32
      %eq3A_166 = vector.broadcast %eq3A_165 : i32 to vector<1x512xi32>
      %eq3A_167 = arith.cmpi eq, %broadcast_in_dim3A_53, %eq3A_166 : vector<1x512xi32>
      %broadcast_in_dim3A_168 = vector.shape_cast %eq3A_167 : vector<1x512xi1> to vector<1x512xi1>
      %broadcast_in_dim3A_169 = vector.broadcast %broadcast_in_dim3A_168 : vector<1x512xi1> to vector<512x512xi1>
      %broadcast_in_dim3A_170 = vector.shape_cast %get3A_156 : vector<512x1xf32> to vector<512x1xf32>
      %broadcast_in_dim3A_171 = vector.broadcast %broadcast_in_dim3A_170 : vector<512x1xf32> to vector<512x512xf32>
      %select_n3A_172 = arith.select %broadcast_in_dim3A_169, %broadcast_in_dim3A_171, %select_n3A_153 : vector<512x512xi1>, vector<512x512xf32>
      %get3A_173 = arith.constant 0 : index
      %get3A_174 = arith.constant 7 : index
      %get3A_175 = vector.load %arg4[%get3A_173, %get3A_174] : memref<512x16xf32, #tpu.memory_space<vmem>>, vector<512x1xf32>
      %eq3A_176 = arith.constant 7 : i32
      %eq3A_177 = vector.broadcast %eq3A_176 : i32 to vector<1x512xi32>
      %eq3A_178 = arith.cmpi eq, %broadcast_in_dim3A_37, %eq3A_177 : vector<1x512xi32>
      %broadcast_in_dim3A_179 = vector.shape_cast %eq3A_178 : vector<1x512xi1> to vector<1x512xi1>
      %broadcast_in_dim3A_180 = vector.broadcast %broadcast_in_dim3A_179 : vector<1x512xi1> to vector<512x512xi1>
      %broadcast_in_dim3A_181 = vector.shape_cast %get3A_175 : vector<512x1xf32> to vector<512x1xf32>
      %broadcast_in_dim3A_182 = vector.broadcast %broadcast_in_dim3A_181 : vector<512x1xf32> to vector<512x512xf32>
      %select_n3A_183 = arith.select %broadcast_in_dim3A_180, %broadcast_in_dim3A_182, %select_n3A_164 : vector<512x512xi1>, vector<512x512xf32>
      %eq3A_184 = arith.constant 7 : i32
      %eq3A_185 = vector.broadcast %eq3A_184 : i32 to vector<1x512xi32>
      %eq3A_186 = arith.cmpi eq, %broadcast_in_dim3A_53, %eq3A_185 : vector<1x512xi32>
      %broadcast_in_dim3A_187 = vector.shape_cast %eq3A_186 : vector<1x512xi1> to vector<1x512xi1>
      %broadcast_in_dim3A_188 = vector.broadcast %broadcast_in_dim3A_187 : vector<1x512xi1> to vector<512x512xi1>
      %broadcast_in_dim3A_189 = vector.shape_cast %get3A_175 : vector<512x1xf32> to vector<512x1xf32>
      %broadcast_in_dim3A_190 = vector.broadcast %broadcast_in_dim3A_189 : vector<512x1xf32> to vector<512x512xf32>
      %select_n3A_191 = arith.select %broadcast_in_dim3A_188, %broadcast_in_dim3A_190, %select_n3A_172 : vector<512x512xi1>, vector<512x512xf32>
      %get3A_192 = arith.constant 0 : index
      %get3A_193 = arith.constant 8 : index
      %get3A_194 = vector.load %arg4[%get3A_192, %get3A_193] : memref<512x16xf32, #tpu.memory_space<vmem>>, vector<512x1xf32>
      %eq3A_195 = arith.constant 8 : i32
      %eq3A_196 = vector.broadcast %eq3A_195 : i32 to vector<1x512xi32>
      %eq3A_197 = arith.cmpi eq, %broadcast_in_dim3A_37, %eq3A_196 : vector<1x512xi32>
      %broadcast_in_dim3A_198 = vector.shape_cast %eq3A_197 : vector<1x512xi1> to vector<1x512xi1>
      %broadcast_in_dim3A_199 = vector.broadcast %broadcast_in_dim3A_198 : vector<1x512xi1> to vector<512x512xi1>
      %broadcast_in_dim3A_200 = vector.shape_cast %get3A_194 : vector<512x1xf32> to vector<512x1xf32>
      %broadcast_in_dim3A_201 = vector.broadcast %broadcast_in_dim3A_200 : vector<512x1xf32> to vector<512x512xf32>
      %select_n3A_202 = arith.select %broadcast_in_dim3A_199, %broadcast_in_dim3A_201, %select_n3A_183 : vector<512x512xi1>, vector<512x512xf32>
      %eq3A_203 = arith.constant 8 : i32
      %eq3A_204 = vector.broadcast %eq3A_203 : i32 to vector<1x512xi32>
      %eq3A_205 = arith.cmpi eq, %broadcast_in_dim3A_53, %eq3A_204 : vector<1x512xi32>
      %broadcast_in_dim3A_206 = vector.shape_cast %eq3A_205 : vector<1x512xi1> to vector<1x512xi1>
      %broadcast_in_dim3A_207 = vector.broadcast %broadcast_in_dim3A_206 : vector<1x512xi1> to vector<512x512xi1>
      %broadcast_in_dim3A_208 = vector.shape_cast %get3A_194 : vector<512x1xf32> to vector<512x1xf32>
      %broadcast_in_dim3A_209 = vector.broadcast %broadcast_in_dim3A_208 : vector<512x1xf32> to vector<512x512xf32>
      %select_n3A_210 = arith.select %broadcast_in_dim3A_207, %broadcast_in_dim3A_209, %select_n3A_191 : vector<512x512xi1>, vector<512x512xf32>
      %get3A_211 = arith.constant 0 : index
      %get3A_212 = arith.constant 9 : index
      %get3A_213 = vector.load %arg4[%get3A_211, %get3A_212] : memref<512x16xf32, #tpu.memory_space<vmem>>, vector<512x1xf32>
      %eq3A_214 = arith.constant 9 : i32
      %eq3A_215 = vector.broadcast %eq3A_214 : i32 to vector<1x512xi32>
      %eq3A_216 = arith.cmpi eq, %broadcast_in_dim3A_37, %eq3A_215 : vector<1x512xi32>
      %broadcast_in_dim3A_217 = vector.shape_cast %eq3A_216 : vector<1x512xi1> to vector<1x512xi1>
      %broadcast_in_dim3A_218 = vector.broadcast %broadcast_in_dim3A_217 : vector<1x512xi1> to vector<512x512xi1>
      %broadcast_in_dim3A_219 = vector.shape_cast %get3A_213 : vector<512x1xf32> to vector<512x1xf32>
      %broadcast_in_dim3A_220 = vector.broadcast %broadcast_in_dim3A_219 : vector<512x1xf32> to vector<512x512xf32>
      %select_n3A_221 = arith.select %broadcast_in_dim3A_218, %broadcast_in_dim3A_220, %select_n3A_202 : vector<512x512xi1>, vector<512x512xf32>
      %eq3A_222 = arith.constant 9 : i32
      %eq3A_223 = vector.broadcast %eq3A_222 : i32 to vector<1x512xi32>
      %eq3A_224 = arith.cmpi eq, %broadcast_in_dim3A_53, %eq3A_223 : vector<1x512xi32>
      %broadcast_in_dim3A_225 = vector.shape_cast %eq3A_224 : vector<1x512xi1> to vector<1x512xi1>
      %broadcast_in_dim3A_226 = vector.broadcast %broadcast_in_dim3A_225 : vector<1x512xi1> to vector<512x512xi1>
      %broadcast_in_dim3A_227 = vector.shape_cast %get3A_213 : vector<512x1xf32> to vector<512x1xf32>
      %broadcast_in_dim3A_228 = vector.broadcast %broadcast_in_dim3A_227 : vector<512x1xf32> to vector<512x512xf32>
      %select_n3A_229 = arith.select %broadcast_in_dim3A_226, %broadcast_in_dim3A_228, %select_n3A_210 : vector<512x512xi1>, vector<512x512xf32>
      %get3A_230 = arith.constant 0 : index
      %get3A_231 = arith.constant 10 : index
      %get3A_232 = vector.load %arg4[%get3A_230, %get3A_231] : memref<512x16xf32, #tpu.memory_space<vmem>>, vector<512x1xf32>
      %eq3A_233 = arith.constant 10 : i32
      %eq3A_234 = vector.broadcast %eq3A_233 : i32 to vector<1x512xi32>
      %eq3A_235 = arith.cmpi eq, %broadcast_in_dim3A_37, %eq3A_234 : vector<1x512xi32>
      %broadcast_in_dim3A_236 = vector.shape_cast %eq3A_235 : vector<1x512xi1> to vector<1x512xi1>
      %broadcast_in_dim3A_237 = vector.broadcast %broadcast_in_dim3A_236 : vector<1x512xi1> to vector<512x512xi1>
      %broadcast_in_dim3A_238 = vector.shape_cast %get3A_232 : vector<512x1xf32> to vector<512x1xf32>
      %broadcast_in_dim3A_239 = vector.broadcast %broadcast_in_dim3A_238 : vector<512x1xf32> to vector<512x512xf32>
      %select_n3A_240 = arith.select %broadcast_in_dim3A_237, %broadcast_in_dim3A_239, %select_n3A_221 : vector<512x512xi1>, vector<512x512xf32>
      %eq3A_241 = arith.constant 10 : i32
      %eq3A_242 = vector.broadcast %eq3A_241 : i32 to vector<1x512xi32>
      %eq3A_243 = arith.cmpi eq, %broadcast_in_dim3A_53, %eq3A_242 : vector<1x512xi32>
      %broadcast_in_dim3A_244 = vector.shape_cast %eq3A_243 : vector<1x512xi1> to vector<1x512xi1>
      %broadcast_in_dim3A_245 = vector.broadcast %broadcast_in_dim3A_244 : vector<1x512xi1> to vector<512x512xi1>
      %broadcast_in_dim3A_246 = vector.shape_cast %get3A_232 : vector<512x1xf32> to vector<512x1xf32>
      %broadcast_in_dim3A_247 = vector.broadcast %broadcast_in_dim3A_246 : vector<512x1xf32> to vector<512x512xf32>
      %select_n3A_248 = arith.select %broadcast_in_dim3A_245, %broadcast_in_dim3A_247, %select_n3A_229 : vector<512x512xi1>, vector<512x512xf32>
      %get3A_249 = arith.constant 0 : index
      %get3A_250 = arith.constant 11 : index
      %get3A_251 = vector.load %arg4[%get3A_249, %get3A_250] : memref<512x16xf32, #tpu.memory_space<vmem>>, vector<512x1xf32>
      %eq3A_252 = arith.constant 11 : i32
      %eq3A_253 = vector.broadcast %eq3A_252 : i32 to vector<1x512xi32>
      %eq3A_254 = arith.cmpi eq, %broadcast_in_dim3A_37, %eq3A_253 : vector<1x512xi32>
      %broadcast_in_dim3A_255 = vector.shape_cast %eq3A_254 : vector<1x512xi1> to vector<1x512xi1>
      %broadcast_in_dim3A_256 = vector.broadcast %broadcast_in_dim3A_255 : vector<1x512xi1> to vector<512x512xi1>
      %broadcast_in_dim3A_257 = vector.shape_cast %get3A_251 : vector<512x1xf32> to vector<512x1xf32>
      %broadcast_in_dim3A_258 = vector.broadcast %broadcast_in_dim3A_257 : vector<512x1xf32> to vector<512x512xf32>
      %select_n3A_259 = arith.select %broadcast_in_dim3A_256, %broadcast_in_dim3A_258, %select_n3A_240 : vector<512x512xi1>, vector<512x512xf32>
      %eq3A_260 = arith.constant 11 : i32
      %eq3A_261 = vector.broadcast %eq3A_260 : i32 to vector<1x512xi32>
      %eq3A_262 = arith.cmpi eq, %broadcast_in_dim3A_53, %eq3A_261 : vector<1x512xi32>
      %broadcast_in_dim3A_263 = vector.shape_cast %eq3A_262 : vector<1x512xi1> to vector<1x512xi1>
      %broadcast_in_dim3A_264 = vector.broadcast %broadcast_in_dim3A_263 : vector<1x512xi1> to vector<512x512xi1>
      %broadcast_in_dim3A_265 = vector.shape_cast %get3A_251 : vector<512x1xf32> to vector<512x1xf32>
      %broadcast_in_dim3A_266 = vector.broadcast %broadcast_in_dim3A_265 : vector<512x1xf32> to vector<512x512xf32>
      %select_n3A_267 = arith.select %broadcast_in_dim3A_264, %broadcast_in_dim3A_266, %select_n3A_248 : vector<512x512xi1>, vector<512x512xf32>
      %get3A_268 = arith.constant 0 : index
      %get3A_269 = arith.constant 12 : index
      %get3A_270 = vector.load %arg4[%get3A_268, %get3A_269] : memref<512x16xf32, #tpu.memory_space<vmem>>, vector<512x1xf32>
      %eq3A_271 = arith.constant 12 : i32
      %eq3A_272 = vector.broadcast %eq3A_271 : i32 to vector<1x512xi32>
      %eq3A_273 = arith.cmpi eq, %broadcast_in_dim3A_37, %eq3A_272 : vector<1x512xi32>
      %broadcast_in_dim3A_274 = vector.shape_cast %eq3A_273 : vector<1x512xi1> to vector<1x512xi1>
      %broadcast_in_dim3A_275 = vector.broadcast %broadcast_in_dim3A_274 : vector<1x512xi1> to vector<512x512xi1>
      %broadcast_in_dim3A_276 = vector.shape_cast %get3A_270 : vector<512x1xf32> to vector<512x1xf32>
      %broadcast_in_dim3A_277 = vector.broadcast %broadcast_in_dim3A_276 : vector<512x1xf32> to vector<512x512xf32>
      %select_n3A_278 = arith.select %broadcast_in_dim3A_275, %broadcast_in_dim3A_277, %select_n3A_259 : vector<512x512xi1>, vector<512x512xf32>
      %eq3A_279 = arith.constant 12 : i32
      %eq3A_280 = vector.broadcast %eq3A_279 : i32 to vector<1x512xi32>
      %eq3A_281 = arith.cmpi eq, %broadcast_in_dim3A_53, %eq3A_280 : vector<1x512xi32>
      %broadcast_in_dim3A_282 = vector.shape_cast %eq3A_281 : vector<1x512xi1> to vector<1x512xi1>
      %broadcast_in_dim3A_283 = vector.broadcast %broadcast_in_dim3A_282 : vector<1x512xi1> to vector<512x512xi1>
      %broadcast_in_dim3A_284 = vector.shape_cast %get3A_270 : vector<512x1xf32> to vector<512x1xf32>
      %broadcast_in_dim3A_285 = vector.broadcast %broadcast_in_dim3A_284 : vector<512x1xf32> to vector<512x512xf32>
      %select_n3A_286 = arith.select %broadcast_in_dim3A_283, %broadcast_in_dim3A_285, %select_n3A_267 : vector<512x512xi1>, vector<512x512xf32>
      %get3A_287 = arith.constant 0 : index
      %get3A_288 = arith.constant 13 : index
      %get3A_289 = vector.load %arg4[%get3A_287, %get3A_288] : memref<512x16xf32, #tpu.memory_space<vmem>>, vector<512x1xf32>
      %eq3A_290 = arith.constant 13 : i32
      %eq3A_291 = vector.broadcast %eq3A_290 : i32 to vector<1x512xi32>
      %eq3A_292 = arith.cmpi eq, %broadcast_in_dim3A_37, %eq3A_291 : vector<1x512xi32>
      %broadcast_in_dim3A_293 = vector.shape_cast %eq3A_292 : vector<1x512xi1> to vector<1x512xi1>
      %broadcast_in_dim3A_294 = vector.broadcast %broadcast_in_dim3A_293 : vector<1x512xi1> to vector<512x512xi1>
      %broadcast_in_dim3A_295 = vector.shape_cast %get3A_289 : vector<512x1xf32> to vector<512x1xf32>
      %broadcast_in_dim3A_296 = vector.broadcast %broadcast_in_dim3A_295 : vector<512x1xf32> to vector<512x512xf32>
      %select_n3A_297 = arith.select %broadcast_in_dim3A_294, %broadcast_in_dim3A_296, %select_n3A_278 : vector<512x512xi1>, vector<512x512xf32>
      %eq3A_298 = arith.constant 13 : i32
      %eq3A_299 = vector.broadcast %eq3A_298 : i32 to vector<1x512xi32>
      %eq3A_300 = arith.cmpi eq, %broadcast_in_dim3A_53, %eq3A_299 : vector<1x512xi32>
      %broadcast_in_dim3A_301 = vector.shape_cast %eq3A_300 : vector<1x512xi1> to vector<1x512xi1>
      %broadcast_in_dim3A_302 = vector.broadcast %broadcast_in_dim3A_301 : vector<1x512xi1> to vector<512x512xi1>
      %broadcast_in_dim3A_303 = vector.shape_cast %get3A_289 : vector<512x1xf32> to vector<512x1xf32>
      %broadcast_in_dim3A_304 = vector.broadcast %broadcast_in_dim3A_303 : vector<512x1xf32> to vector<512x512xf32>
      %select_n3A_305 = arith.select %broadcast_in_dim3A_302, %broadcast_in_dim3A_304, %select_n3A_286 : vector<512x512xi1>, vector<512x512xf32>
      %get3A_306 = arith.constant 0 : index
      %get3A_307 = arith.constant 14 : index
      %get3A_308 = vector.load %arg4[%get3A_306, %get3A_307] : memref<512x16xf32, #tpu.memory_space<vmem>>, vector<512x1xf32>
      %eq3A_309 = arith.constant 14 : i32
      %eq3A_310 = vector.broadcast %eq3A_309 : i32 to vector<1x512xi32>
      %eq3A_311 = arith.cmpi eq, %broadcast_in_dim3A_37, %eq3A_310 : vector<1x512xi32>
      %broadcast_in_dim3A_312 = vector.shape_cast %eq3A_311 : vector<1x512xi1> to vector<1x512xi1>
      %broadcast_in_dim3A_313 = vector.broadcast %broadcast_in_dim3A_312 : vector<1x512xi1> to vector<512x512xi1>
      %broadcast_in_dim3A_314 = vector.shape_cast %get3A_308 : vector<512x1xf32> to vector<512x1xf32>
      %broadcast_in_dim3A_315 = vector.broadcast %broadcast_in_dim3A_314 : vector<512x1xf32> to vector<512x512xf32>
      %select_n3A_316 = arith.select %broadcast_in_dim3A_313, %broadcast_in_dim3A_315, %select_n3A_297 : vector<512x512xi1>, vector<512x512xf32>
      %eq3A_317 = arith.constant 14 : i32
      %eq3A_318 = vector.broadcast %eq3A_317 : i32 to vector<1x512xi32>
      %eq3A_319 = arith.cmpi eq, %broadcast_in_dim3A_53, %eq3A_318 : vector<1x512xi32>
      %broadcast_in_dim3A_320 = vector.shape_cast %eq3A_319 : vector<1x512xi1> to vector<1x512xi1>
      %broadcast_in_dim3A_321 = vector.broadcast %broadcast_in_dim3A_320 : vector<1x512xi1> to vector<512x512xi1>
      %broadcast_in_dim3A_322 = vector.shape_cast %get3A_308 : vector<512x1xf32> to vector<512x1xf32>
      %broadcast_in_dim3A_323 = vector.broadcast %broadcast_in_dim3A_322 : vector<512x1xf32> to vector<512x512xf32>
      %select_n3A_324 = arith.select %broadcast_in_dim3A_321, %broadcast_in_dim3A_323, %select_n3A_305 : vector<512x512xi1>, vector<512x512xf32>
      %get3A_325 = arith.constant 0 : index
      %get3A_326 = arith.constant 15 : index
      %get3A_327 = vector.load %arg4[%get3A_325, %get3A_326] : memref<512x16xf32, #tpu.memory_space<vmem>>, vector<512x1xf32>
      %eq3A_328 = arith.constant 15 : i32
      %eq3A_329 = vector.broadcast %eq3A_328 : i32 to vector<1x512xi32>
      %eq3A_330 = arith.cmpi eq, %broadcast_in_dim3A_37, %eq3A_329 : vector<1x512xi32>
      %broadcast_in_dim3A_331 = vector.shape_cast %eq3A_330 : vector<1x512xi1> to vector<1x512xi1>
      %broadcast_in_dim3A_332 = vector.broadcast %broadcast_in_dim3A_331 : vector<1x512xi1> to vector<512x512xi1>
      %broadcast_in_dim3A_333 = vector.shape_cast %get3A_327 : vector<512x1xf32> to vector<512x1xf32>
      %broadcast_in_dim3A_334 = vector.broadcast %broadcast_in_dim3A_333 : vector<512x1xf32> to vector<512x512xf32>
      %select_n3A_335 = arith.select %broadcast_in_dim3A_332, %broadcast_in_dim3A_334, %select_n3A_316 : vector<512x512xi1>, vector<512x512xf32>
      %eq3A_336 = arith.constant 15 : i32
      %eq3A_337 = vector.broadcast %eq3A_336 : i32 to vector<1x512xi32>
      %eq3A_338 = arith.cmpi eq, %broadcast_in_dim3A_53, %eq3A_337 : vector<1x512xi32>
      %broadcast_in_dim3A_339 = vector.shape_cast %eq3A_338 : vector<1x512xi1> to vector<1x512xi1>
      %broadcast_in_dim3A_340 = vector.broadcast %broadcast_in_dim3A_339 : vector<1x512xi1> to vector<512x512xi1>
      %broadcast_in_dim3A_341 = vector.shape_cast %get3A_327 : vector<512x1xf32> to vector<512x1xf32>
      %broadcast_in_dim3A_342 = vector.broadcast %broadcast_in_dim3A_341 : vector<512x1xf32> to vector<512x512xf32>
      %select_n3A_343 = arith.select %broadcast_in_dim3A_340, %broadcast_in_dim3A_342, %select_n3A_324 : vector<512x512xi1>, vector<512x512xf32>
      %iota3A_344 = tpu.iota {dimensions = array<i32: 0>} : vector<512x512xi32>
      %mul3A = arith.constant 512 : i32
      %mul3A_345 = vector.broadcast %mul3A : i32 to vector<1x512xi32>
      %mul3A_346 = arith.muli %broadcast_in_dim3A_37, %mul3A_345 : vector<1x512xi32>
      %add3A = vector.broadcast %mul3A_346 : vector<1x512xi32> to vector<512x512xi32>
      %add3A_347 = arith.addi %add3A, %iota3A_344 : vector<512x512xi32>
      %mul3A_348 = arith.constant 512 : i32
      %mul3A_349 = vector.broadcast %mul3A_348 : i32 to vector<1x512xi32>
      %mul3A_350 = arith.muli %broadcast_in_dim3A_53, %mul3A_349 : vector<1x512xi32>
      %add3A_351 = vector.broadcast %mul3A_350 : vector<1x512xi32> to vector<512x512xi32>
      %add3A_352 = arith.addi %add3A_351, %iota3A_344 : vector<512x512xi32>
      %sub3A = vector.broadcast %get3A_30 : vector<1x512xf32> to vector<512x512xf32>
      %sub3A_353 = arith.subf %sub3A, %select_n3A_335 : vector<512x512xf32>
      %integer_pow3A = arith.mulf %sub3A_353, %sub3A_353 : vector<512x512xf32>
      %sub3A_354 = vector.broadcast %get3A_30 : vector<1x512xf32> to vector<512x512xf32>
      %sub3A_355 = arith.subf %sub3A_354, %select_n3A_343 : vector<512x512xf32>
      %integer_pow3A_356 = arith.mulf %sub3A_355, %sub3A_355 : vector<512x512xf32>
      %reduce_min3A_357 = arith.constant dense<0x7F800000> : vector<512xf32>
      %reduce_min3A_358 = vector.multi_reduction <minimumf>, %integer_pow3A, %reduce_min3A_357 [0] : vector<512x512xf32> to vector<512xf32>
      %broadcast_in_dim3A_359 = vector.shape_cast %reduce_min3A_358 : vector<512xf32> to vector<1x512xf32>
      %eq3A_360 = vector.broadcast %broadcast_in_dim3A_359 : vector<1x512xf32> to vector<512x512xf32>
      %eq3A_361 = arith.cmpf oeq, %integer_pow3A, %eq3A_360 : vector<512x512xf32>
      %jit3A_362 = arith.constant 1073741824 : i32
      %broadcast_in_dim3A_363 = vector.broadcast %jit3A_362 : i32 to vector<512x512xi32>
      %select_n3A_364 = arith.select %eq3A_361, %add3A_347, %broadcast_in_dim3A_363 : vector<512x512xi1>, vector<512x512xi32>
      %reduce_min3A_365 = arith.constant dense<2147483647> : vector<512xi32>
      %reduce_min3A_366 = vector.multi_reduction <minsi>, %select_n3A_364, %reduce_min3A_365 [0] : vector<512x512xi32> to vector<512xi32>
      %broadcast_in_dim3A_367 = vector.shape_cast %reduce_min3A_366 : vector<512xi32> to vector<1x512xi32>
      %eq3A_368 = vector.broadcast %broadcast_in_dim3A_367 : vector<1x512xi32> to vector<512x512xi32>
      %eq3A_369 = arith.cmpi eq, %add3A_347, %eq3A_368 : vector<512x512xi32>
      %jit3A_370 = arith.constant 0x7F800000 : f32
      %broadcast_in_dim3A_371 = vector.broadcast %jit3A_370 : f32 to vector<512x512xf32>
      %select_n3A_372 = arith.select %eq3A_369, %broadcast_in_dim3A_371, %integer_pow3A : vector<512x512xi1>, vector<512x512xf32>
      %reduce_min3A_373 = arith.constant dense<0x7F800000> : vector<512xf32>
      %reduce_min3A_374 = vector.multi_reduction <minimumf>, %select_n3A_372, %reduce_min3A_373 [0] : vector<512x512xf32> to vector<512xf32>
      %broadcast_in_dim3A_375 = vector.shape_cast %reduce_min3A_374 : vector<512xf32> to vector<1x512xf32>
      %eq3A_376 = vector.broadcast %broadcast_in_dim3A_375 : vector<1x512xf32> to vector<512x512xf32>
      %eq3A_377 = arith.cmpf oeq, %select_n3A_372, %eq3A_376 : vector<512x512xf32>
      %jit3A_378 = arith.constant 1073741824 : i32
      %broadcast_in_dim3A_379 = vector.broadcast %jit3A_378 : i32 to vector<512x512xi32>
      %select_n3A_380 = arith.select %eq3A_377, %add3A_347, %broadcast_in_dim3A_379 : vector<512x512xi1>, vector<512x512xi32>
      %reduce_min3A_381 = arith.constant dense<2147483647> : vector<512xi32>
      %reduce_min3A_382 = vector.multi_reduction <minsi>, %select_n3A_380, %reduce_min3A_381 [0] : vector<512x512xi32> to vector<512xi32>
      %broadcast_in_dim3A_383 = vector.shape_cast %reduce_min3A_382 : vector<512xi32> to vector<1x512xi32>
      %reduce_min3A_384 = arith.constant dense<0x7F800000> : vector<512xf32>
      %reduce_min3A_385 = vector.multi_reduction <minimumf>, %integer_pow3A_356, %reduce_min3A_384 [0] : vector<512x512xf32> to vector<512xf32>
      %broadcast_in_dim3A_386 = vector.shape_cast %reduce_min3A_385 : vector<512xf32> to vector<1x512xf32>
      %eq3A_387 = vector.broadcast %broadcast_in_dim3A_386 : vector<1x512xf32> to vector<512x512xf32>
      %eq3A_388 = arith.cmpf oeq, %integer_pow3A_356, %eq3A_387 : vector<512x512xf32>
      %jit3A_389 = arith.constant 1073741824 : i32
      %broadcast_in_dim3A_390 = vector.broadcast %jit3A_389 : i32 to vector<512x512xi32>
      %select_n3A_391 = arith.select %eq3A_388, %add3A_352, %broadcast_in_dim3A_390 : vector<512x512xi1>, vector<512x512xi32>
      %reduce_min3A_392 = arith.constant dense<2147483647> : vector<512xi32>
      %reduce_min3A_393 = vector.multi_reduction <minsi>, %select_n3A_391, %reduce_min3A_392 [0] : vector<512x512xi32> to vector<512xi32>
      %broadcast_in_dim3A_394 = vector.shape_cast %reduce_min3A_393 : vector<512xi32> to vector<1x512xi32>
      %eq3A_395 = vector.broadcast %broadcast_in_dim3A_394 : vector<1x512xi32> to vector<512x512xi32>
      %eq3A_396 = arith.cmpi eq, %add3A_352, %eq3A_395 : vector<512x512xi32>
      %jit3A_397 = arith.constant 0x7F800000 : f32
      %broadcast_in_dim3A_398 = vector.broadcast %jit3A_397 : f32 to vector<512x512xf32>
      %select_n3A_399 = arith.select %eq3A_396, %broadcast_in_dim3A_398, %integer_pow3A_356 : vector<512x512xi1>, vector<512x512xf32>
      %reduce_min3A_400 = arith.constant dense<0x7F800000> : vector<512xf32>
      %reduce_min3A_401 = vector.multi_reduction <minimumf>, %select_n3A_399, %reduce_min3A_400 [0] : vector<512x512xf32> to vector<512xf32>
      %broadcast_in_dim3A_402 = vector.shape_cast %reduce_min3A_401 : vector<512xf32> to vector<1x512xf32>
      %eq3A_403 = vector.broadcast %broadcast_in_dim3A_402 : vector<1x512xf32> to vector<512x512xf32>
      %eq3A_404 = arith.cmpf oeq, %select_n3A_399, %eq3A_403 : vector<512x512xf32>
      %jit3A_405 = arith.constant 1073741824 : i32
      %broadcast_in_dim3A_406 = vector.broadcast %jit3A_405 : i32 to vector<512x512xi32>
      %select_n3A_407 = arith.select %eq3A_404, %add3A_352, %broadcast_in_dim3A_406 : vector<512x512xi1>, vector<512x512xi32>
      %reduce_min3A_408 = arith.constant dense<2147483647> : vector<512xi32>
      %reduce_min3A_409 = vector.multi_reduction <minsi>, %select_n3A_407, %reduce_min3A_408 [0] : vector<512x512xi32> to vector<512xi32>
      %broadcast_in_dim3A_410 = vector.shape_cast %reduce_min3A_409 : vector<512xi32> to vector<1x512xi32>
      %lt3A_411 = arith.cmpf olt, %broadcast_in_dim3A_386, %broadcast_in_dim3A_359 : vector<1x512xf32>
      %eq3A_412 = arith.cmpf oeq, %broadcast_in_dim3A_386, %broadcast_in_dim3A_359 : vector<1x512xf32>
      %lt3A_413 = arith.cmpi slt, %broadcast_in_dim3A_394, %broadcast_in_dim3A_367 : vector<1x512xi32>
      %and3A_414 = arith.andi %eq3A_412, %lt3A_413 : vector<1x512xi1>
      %or3A = arith.ori %lt3A_411, %and3A_414 : vector<1x512xi1>
      %select_n3A_415 = arith.select %or3A, %broadcast_in_dim3A_386, %broadcast_in_dim3A_359 : vector<1x512xi1>, vector<1x512xf32>
      %select_n3A_416 = arith.select %or3A, %broadcast_in_dim3A_394, %broadcast_in_dim3A_367 : vector<1x512xi1>, vector<1x512xi32>
      %select_n3A_417 = arith.select %or3A, %broadcast_in_dim3A_359, %broadcast_in_dim3A_375 : vector<1x512xi1>, vector<1x512xf32>
      %select_n3A_418 = arith.select %or3A, %broadcast_in_dim3A_367, %broadcast_in_dim3A_383 : vector<1x512xi1>, vector<1x512xi32>
      %select_n3A_419 = arith.select %or3A, %broadcast_in_dim3A_402, %broadcast_in_dim3A_386 : vector<1x512xi1>, vector<1x512xf32>
      %select_n3A_420 = arith.select %or3A, %broadcast_in_dim3A_410, %broadcast_in_dim3A_394 : vector<1x512xi1>, vector<1x512xi32>
      %lt3A_421 = arith.cmpf olt, %select_n3A_419, %select_n3A_417 : vector<1x512xf32>
      %eq3A_422 = arith.cmpf oeq, %select_n3A_419, %select_n3A_417 : vector<1x512xf32>
      %lt3A_423 = arith.cmpi slt, %select_n3A_420, %select_n3A_418 : vector<1x512xi32>
      %and3A_424 = arith.andi %eq3A_422, %lt3A_423 : vector<1x512xi1>
      %or3A_425 = arith.ori %lt3A_421, %and3A_424 : vector<1x512xi1>
      %select_n3A_426 = arith.select %or3A_425, %select_n3A_419, %select_n3A_417 : vector<1x512xi1>, vector<1x512xf32>
      %select_n3A_427 = arith.select %or3A_425, %select_n3A_420, %select_n3A_418 : vector<1x512xi1>, vector<1x512xi32>
      %get3A_428 = arith.constant 0 : index
      %get3A_429 = arith.constant 0 : index
      %get3A_430 = vector.load %arg3[%get3A_428, %get3A_429] : memref<4096x1xf32, #tpu.memory_space<vmem>>, vector<4096x1xf32>
      %iota3A_431 = tpu.iota {dimensions = array<i32: 0>} : vector<4096x512xi32>
      %mul3A_432 = arith.constant 512 : i32
      %mul3A_433 = arith.muli %arg0, %mul3A_432 : i32
      %iota3A_434 = tpu.iota {dimensions = array<i32: 1>} : vector<4096x512xi32>
      %add3A_435 = vector.broadcast %mul3A_433 : i32 to vector<4096x512xi32>
      %add3A_436 = arith.addi %add3A_435, %iota3A_434 : vector<4096x512xi32>
      %eq3A_437 = vector.broadcast %get3A_430 : vector<4096x1xf32> to vector<4096x512xf32>
      %eq3A_438 = vector.broadcast %get3A_30 : vector<1x512xf32> to vector<4096x512xf32>
      %eq3A_439 = arith.cmpf oeq, %eq3A_437, %eq3A_438 : vector<4096x512xf32>
      %lt3A_440 = arith.cmpi slt, %iota3A_431, %add3A_436 : vector<4096x512xi32>
      %and3A_441 = arith.andi %eq3A_439, %lt3A_440 : vector<4096x512xi1>
      %reduce_or3A = arith.constant 1.000000e+00 : f32
      %reduce_or3A_442 = arith.constant 0.000000e+00 : f32
      %reduce_or3A_443 = vector.broadcast %reduce_or3A : f32 to vector<4096x512xf32>
      %reduce_or3A_444 = vector.broadcast %reduce_or3A_442 : f32 to vector<4096x512xf32>
      %reduce_or3A_445 = arith.select %and3A_441, %reduce_or3A_443, %reduce_or3A_444 : vector<4096x512xi1>, vector<4096x512xf32>
      %reduce_or3A_446 = arith.constant dense<0xFF800000> : vector<512xf32>
      %reduce_or3A_447 = vector.multi_reduction <maximumf>, %reduce_or3A_445, %reduce_or3A_446 [0] : vector<4096x512xf32> to vector<512xf32>
      %reduce_or3A_448 = arith.constant 0.000000e+00 : f32
      %reduce_or3A_449 = vector.broadcast %reduce_or3A_448 : f32 to vector<512xf32>
      %reduce_or3A_450 = arith.cmpf ogt, %reduce_or3A_447, %reduce_or3A_449 : vector<512xf32>
      %broadcast_in_dim3A_451 = vector.shape_cast %reduce_or3A_450 : vector<512xi1> to vector<1x512xi1>
      %get3A_452 = arith.constant 0 : index
      %get3A_453 = arith.constant 0 : index
      %get3A_454 = vector.load %arg5[%get3A_452, %get3A_453] : memref<1x512xi32, #tpu.memory_space<vmem>>, vector<1x512xi32>
      %add3A_455 = arith.addf %select_n3A_415, %select_n3A_426 : vector<1x512xf32>
      %div3A = arith.divf %select_n3A_426, %add3A_455 : vector<1x512xf32>
      %ge3A = arith.constant 0 : i32
      %ge3A_456 = vector.broadcast %ge3A : i32 to vector<1x512xi32>
      %ge3A_457 = arith.cmpi sge, %get3A_454, %ge3A_456 : vector<1x512xi32>
      %not3A = arith.constant dense<true> : vector<1x512xi1>
      %not3A_458 = arith.xori %broadcast_in_dim3A_451, %not3A : vector<1x512xi1>
      %and3A_459 = arith.andi %ge3A_457, %not3A_458 : vector<1x512xi1>
      %select_n3A_460 = arith.select %and3A_459, %get3A_454, %select_n3A_416 : vector<1x512xi1>, vector<1x512xi32>
      %select_n3A_461 = arith.select %and3A_459, %get3A_454, %select_n3A_427 : vector<1x512xi1>, vector<1x512xi32>
      %jit3A_462 = arith.constant 1.000000e+00 : f32
      %broadcast_in_dim3A_463 = vector.broadcast %jit3A_462 : f32 to vector<1x512xf32>
      %select_n3A_464 = arith.select %and3A_459, %broadcast_in_dim3A_463, %div3A : vector<1x512xi1>, vector<1x512xf32>
      %get3A_465 = arith.constant 0 : index
      %get3A_466 = arith.constant 0 : index
      %get3A_467 = vector.load %arg6[%get3A_465, %get3A_466] : memref<1x1xf32, #tpu.memory_space<vmem>>, vector<1x1xf32>
      %get3A_468 = vector.extract %get3A_467[0, 0] : f32 from vector<1x1xf32>
      %le3A = vector.broadcast %get3A_468 : f32 to vector<1x512xf32>
      %le3A_469 = arith.cmpf ole, %get3A_30, %le3A : vector<1x512xf32>
      %not3A_470 = arith.constant dense<true> : vector<1x512xi1>
      %not3A_471 = arith.xori %and3A_459, %not3A_470 : vector<1x512xi1>
      %and3A_472 = arith.andi %le3A_469, %not3A_471 : vector<1x512xi1>
      %get3A_473 = arith.constant 0 : index
      %get3A_474 = arith.constant 0 : index
      %get3A_475 = vector.load %arg7[%get3A_473, %get3A_474] : memref<1x1xf32, #tpu.memory_space<vmem>>, vector<1x1xf32>
      %get3A_476 = vector.extract %get3A_475[0, 0] : f32 from vector<1x1xf32>
      %ge3A_477 = vector.broadcast %get3A_476 : f32 to vector<1x512xf32>
      %ge3A_478 = arith.cmpf oge, %get3A_30, %ge3A_477 : vector<1x512xf32>
      %not3A_479 = arith.constant dense<true> : vector<1x512xi1>
      %not3A_480 = arith.xori %and3A_459, %not3A_479 : vector<1x512xi1>
      %and3A_481 = arith.andi %ge3A_478, %not3A_480 : vector<1x512xi1>
      %jit3A_482 = arith.constant 8192 : i32
      %broadcast_in_dim3A_483 = vector.broadcast %jit3A_482 : i32 to vector<1x512xi32>
      %select_n3A_484 = arith.select %and3A_472, %broadcast_in_dim3A_483, %select_n3A_460 : vector<1x512xi1>, vector<1x512xi32>
      %jit3A_485 = arith.constant 8193 : i32
      %broadcast_in_dim3A_486 = vector.broadcast %jit3A_485 : i32 to vector<1x512xi32>
      %select_n3A_487 = arith.select %and3A_481, %broadcast_in_dim3A_486, %select_n3A_484 : vector<1x512xi1>, vector<1x512xi32>
      %or3A_488 = arith.ori %and3A_472, %and3A_481 : vector<1x512xi1>
      %jit3A_489 = arith.constant 1.000000e+00 : f32
      %broadcast_in_dim3A_490 = vector.broadcast %jit3A_489 : f32 to vector<1x512xf32>
      %select_n3A_491 = arith.select %or3A_488, %broadcast_in_dim3A_490, %select_n3A_464 : vector<1x512xi1>, vector<1x512xf32>
      %swap3A = arith.constant 0 : index
      %swap3A_492 = arith.constant 0 : index
      %swap3A_493 = vector.load %arg11[%swap3A, %swap3A_492] : memref<1x512xi32, #tpu.memory_space<vmem>>, vector<1x512xi32>
      tpu.vector_store %arg11[%swap3A, %swap3A_492], %select_n3A_487 {strides = array<i32>} : memref<1x512xi32, #tpu.memory_space<vmem>>, vector<1x512xi32>,
      %swap3A_494 = arith.constant 0 : index
      %swap3A_495 = arith.constant 0 : index
      %swap3A_496 = vector.load %arg12[%swap3A_494, %swap3A_495] : memref<1x512xi32, #tpu.memory_space<vmem>>, vector<1x512xi32>
      tpu.vector_store %arg12[%swap3A_494, %swap3A_495], %select_n3A_461 {strides = array<i32>} : memref<1x512xi32, #tpu.memory_space<vmem>>, vector<1x512xi32>,
      %swap3A_497 = arith.constant 0 : index
      %swap3A_498 = arith.constant 0 : index
      %swap3A_499 = vector.load %arg13[%swap3A_497, %swap3A_498] : memref<1x512xf32, #tpu.memory_space<vmem>>, vector<1x512xf32>
      tpu.vector_store %arg13[%swap3A_497, %swap3A_498], %select_n3A_491 {strides = array<i32>} : memref<1x512xf32, #tpu.memory_space<vmem>>, vector<1x512xf32>,
    } else {
    }
    return
  }
  func.func @transform_0(%arg0: i32) -> (i32, i32, i32) {
    %min3A = arith.constant 7 : i32
    %min3A_0 = arith.minsi %arg0, %min3A : i32
    %c0_i32 = arith.constant 0 : i32
    %c0_i32_1 = arith.constant 0 : i32
    %c0_i32_2 = arith.constant 0 : i32
    return %c0_i32, %c0_i32_1, %min3A_0 : i32, i32, i32
  }
  func.func @transform_1(%arg0: i32) -> (i32, i32) {
    %min3A = arith.constant 7 : i32
    %min3A_0 = arith.minsi %arg0, %min3A : i32
    %c0_i32 = arith.constant 0 : i32
    %c0_i32_1 = arith.constant 0 : i32
    return %c0_i32, %min3A_0 : i32, i32
  }
  func.func @transform_2(%arg0: i32) -> (i32, i32) {
    %c0_i32 = arith.constant 0 : i32
    %c0_i32_0 = arith.constant 0 : i32
    %c0_i32_1 = arith.constant 0 : i32
    return %c0_i32, %c0_i32_0 : i32, i32
  }
  func.func @transform_3(%arg0: i32) -> (i32, i32) {
    %c0_i32 = arith.constant 0 : i32
    %c0_i32_0 = arith.constant 0 : i32
    %c0_i32_1 = arith.constant 0 : i32
    return %c0_i32, %c0_i32_0 : i32, i32
  }
  func.func @transform_4(%arg0: i32) -> (i32, i32) {
    %min3A = arith.constant 7 : i32
    %min3A_0 = arith.minsi %arg0, %min3A : i32
    %c0_i32 = arith.constant 0 : i32
    %c0_i32_1 = arith.constant 0 : i32
    return %c0_i32, %min3A_0 : i32, i32
  }
  func.func @transform_5(%arg0: i32) -> (i32, i32) {
    %c0_i32 = arith.constant 0 : i32
    %c0_i32_0 = arith.constant 0 : i32
    %c0_i32_1 = arith.constant 0 : i32
    return %c0_i32, %c0_i32_0 : i32, i32
  }
  func.func @transform_6(%arg0: i32) -> (i32, i32) {
    %c0_i32 = arith.constant 0 : i32
    %c0_i32_0 = arith.constant 0 : i32
    %c0_i32_1 = arith.constant 0 : i32
    return %c0_i32, %c0_i32_0 : i32, i32
  }
  func.func @transform_7(%arg0: i32) -> (i32, i32) {
    %min3A = arith.constant 7 : i32
    %min3A_0 = arith.minsi %arg0, %min3A : i32
    %c0_i32 = arith.constant 0 : i32
    %c0_i32_1 = arith.constant 0 : i32
    return %min3A_0, %c0_i32 : i32, i32
  }
  func.func @transform_8(%arg0: i32) -> (i32, i32) {
    %ge3A = arith.constant 8 : i32
    %ge3A_0 = arith.cmpi sge, %arg0, %ge3A : i32
    %sub3A = arith.constant 1 : i32
    %sub3A_1 = arith.subi %arg0, %sub3A : i32
    %max3A = arith.constant 0 : i32
    %max3A_2 = arith.maxsi %sub3A_1, %max3A : i32
    %jit3A = arith.constant 0 : i32
    %select_n3A = arith.select %ge3A_0, %jit3A, %max3A_2 : i32
    %c0_i32 = arith.constant 0 : i32
    %c0_i32_3 = arith.constant 0 : i32
    return %select_n3A, %c0_i32 : i32, i32
  }
  func.func @transform_9(%arg0: i32) -> (i32, i32) {
    %add3A = arith.constant 1 : i32
    %add3A_0 = arith.addi %arg0, %add3A : i32
    %min3A = arith.constant 7 : i32
    %min3A_1 = arith.minsi %add3A_0, %min3A : i32
    %c0_i32 = arith.constant 0 : i32
    %c0_i32_2 = arith.constant 0 : i32
    return %min3A_1, %c0_i32 : i32, i32
  }
  func.func @transform_10(%arg0: i32) -> (i32, i32) {
    %min3A = arith.constant 7 : i32
    %min3A_0 = arith.minsi %arg0, %min3A : i32
    %c0_i32 = arith.constant 0 : i32
    %c0_i32_1 = arith.constant 0 : i32
    return %c0_i32, %min3A_0 : i32, i32
  }
  func.func @transform_11(%arg0: i32) -> (i32, i32) {
    %min3A = arith.constant 7 : i32
    %min3A_0 = arith.minsi %arg0, %min3A : i32
    %c0_i32 = arith.constant 0 : i32
    %c0_i32_1 = arith.constant 0 : i32
    return %c0_i32, %min3A_0 : i32, i32
  }
  func.func @transform_12(%arg0: i32) -> (i32, i32) {
    %min3A = arith.constant 7 : i32
    %min3A_0 = arith.minsi %arg0, %min3A : i32
    %c0_i32 = arith.constant 0 : i32
    %c0_i32_1 = arith.constant 0 : i32
    return %c0_i32, %min3A_0 : i32, i32
  }
  func.func @transform_13(%arg0: i32) -> (i32, i32) {
    %c0_i32 = arith.constant 0 : i32
    %c0_i32_0 = arith.constant 0 : i32
    return %arg0, %c0_i32 : i32, i32
  }
}

</mosaic_0001>

<sc_bundles>
// kernel: kernel.5.cloned.1.call-start
scs
__scs_entry_jumppad:
0x0: {  	(pc) =	sbr.rel $0x88, $3  }
0x1: {  	(tag) =	ssettag $0x0;
	lr =	simm.s32 $0x1  }
0x2: {  	[smem:$0x3F9E] =	sst lr;
	_ =	strace $0xD0000000  }
0x3: {  	_ = 	snop  }
0x4: {  	_ = 	snop  }
0x5: {  	_ = 	snop  }
0x6: {  	_ = 	snop  }
0x7: {  	_ = 	snop  }
__scs_overlays_trampoline_lowered:
0x8: {  	[smem:$0x3FAD] =	sst s0  }
0x9: {  	[smem:$0x3FAE] =	sst s1  }
0xa: {  	[smem:$0x3FAF] =	sst s2  }
0xb: {  	[smem:$0x3FB0] =	sst s3  }
0xc: {  	[smem:$0x3FB1] =	sst s4  }
0xd: {  	[smem:$0x3FB2] =	sst s5  }
0xe: {  	[smem:$0x3FB3] =	sst s6  }
0xf: {  	[smem:$0x3FB4] =	sst s7  }
0x10: {  	[smem:$0x3FB5] =	sst s8  }
0x11: {  	[smem:$0x3FB6] =	sst s9;
	s0 =	simm.s32 @!p0 $0x0  }
0x12: {  	s1 =	sld [smem:$0x3F9C];
	s0 =	simm.s32 @p0 $0x1  }
0x13: {  	[smem:$0x3FB7] =	sst s0;
	s0 =	simm.s32 @!p1 $0x0  }
0x14: {  	s2 =	sld [smem:$0x3F9B];
	s0 =	simm.s32 @p1 $0x1  }
0x15: {  	[smem:$0x3FB8] =	sst s0;
	s0 =	simm.s32 @!p2 $0x0  }
0x16: {  	s3 =	sld [smem:$0x3FDB];
	s0 =	simm.s32 @p2 $0x1  }
0x17: {  	s4 =	simm.s32 $0x1BF5;
	[smem:$0x3FBA] =	sst s0  }
0x18: {  	s0 =	sld [smem:$0x3F9D];
	_ =	swait.ge [sflag:s4], $0x0  }
0x19: {  	s7 =	sld [smem:$0x3F9E]  }
0x1a: {  	s8 =	sadd.s32 $0xFFFFE003, lr  }
0x1b: {  	s9 =	sadd.s32 $0xFFFFFEF7, lr;
	s5 =	simm.s32 $0xFFFFFFFF;
	p2 =	slt.u32 s8, $0xFFFFF086  }
0x1c: {  	p1 =	slt.u32 s9, $0xF7A;
	s5 =	simm.s32 @!p2 $0x0  }
0x1d: {  	s5 =	simm.s32 @p1 $0x1;
	p0 =	seq.s32 s7, s2  }
0x1e: {  	s7 =	smul.u32 @!p0 $0xF7A, s2;
	p2 =	seq.s32 @!p0 s5, $0x0  }
0x1f: {  	s9 =	smul.u32 $0xF7A, s1;
	s8 =	simm.s32 @!p0 $0x1BF5;
	p2 =	por !p2, p0  }
0x20: {  	[sflag:s8] =	ssyncset.s32 @!p0 $0xFFFFF086;
	s6 =	sadd.s32 @!p0 s3, s7;
	s7 =	simm.s32 @!p0 $0x108  }
0x21: {  	s3 =	sadd.s32 s3, s9;
	s6 =	sadd.s32 @!p0 $0x88, s6;
	s7 =	simm.s32 @p2 $0x1082  }
0x22: {  	[simem:s7], [sflag:s8] =	dma.local @!p0 [hbm:s6], $0xF7A  }
0x23: {  	s9 =	sor.u32 $0xD0000000, s2;
	s6 =	simm.s32 $0x108;
	_ =	swait.ge @!p0 [sflag:s8], $0x0  }
0x24: {  	s3 =	sadd.s32 $0x88, s3;
	s6 =	simm.s32 @!p1 $0x1082;
	[sflag:s4] =	ssyncset.s32 $0xFFFFF086  }
0x25: {  	[simem:s6], [sflag:s4] =	dma.local [hbm:s3], $0xF7A  }
0x26: {  	[smem:$0x3F9E] =	sst s1;
	(tag) =	ssettag s2;
	_ =	strace s9  }
0x27: {  	s1 =	sld [smem:$0x3FAE]  }
0x28: {  	s2 =	sld [smem:$0x3FAF]  }
0x29: {  	s4 =	sld [smem:$0x3FB1]  }
0x2a: {  	p0 =	seq.s32 s5, $0x0;
	s5 =	sld [smem:$0x3FB2]  }
0x2b: {  	s6 =	sld [smem:$0x3FB3]  }
0x2c: {  	s7 =	sld [smem:$0x3FB4]  }
0x2d: {  	s3 =	simm.s32 $0x108;
	s8 =	sld [smem:$0x3FB5]  }
0x2e: {  	s3 =	simm.s32 @!p0 $0x1082;
	s9 =	sld [smem:$0x3FB6]  }
0x2f: {  	lr =	sadd.s32 s0, s3;
	s0 =	sld [smem:$0x3FAD]  }
0x30: {  	s3 =	sld [smem:$0x3FB0]  }
0x31: {  	[smem:$0x3FB9] =	sst s10  }
0x32: {  	s10 =	sld [smem:$0x3FB7];
	_ =	sdelay $0x3  }
0x33: {  	p0 =	seq.s32 s10, $0x1;
	s10 =	sld [smem:$0x3FB9];
	_ =	sdelay $0x3  }
0x34: {  	[smem:$0x3FB9] =	sst s10  }
0x35: {  	s10 =	sld [smem:$0x3FB8];
	_ =	sdelay $0x3  }
0x36: {  	p1 =	seq.s32 s10, $0x1;
	s10 =	sld [smem:$0x3FB9];
	_ =	sdelay $0x3  }
0x37: {  	[smem:$0x3FB9] =	sst s10  }
0x38: {  	s10 =	sld [smem:$0x3FBA]  }
0x39: {  	_ = 	snop;
	(pc) =	sbr.ind lr, $3  }
0x3a: {  	_ = 	snop  }
0x3b: {  	_ = 	snop  }
0x3c: {  	p2 =	seq.s32 s10, $0x1;
	s10 =	sld [smem:$0x3FB9]  }
0x3d: {  	_ =	shalt  }
0x3e: {  	_ =	shalt  }
0x3f: {  	_ =	shalt  }
0x40: {  	_ =	shalt  }
0x41: {  	_ =	shalt  }
0x42: {  	_ =	shalt  }
0x43: {  	_ =	shalt  }
0x44: {  	_ =	shalt  }
0x45: {  	_ =	shalt  }
0x46: {  	_ =	shalt  }
0x47: {  	_ =	shalt  }
0x48: {  	_ =	shalt  }
0x49: {  	_ =	shalt  }
0x4a: {  	_ =	shalt  }
0x4b: {  	_ =	shalt  }
0x4c: {  	_ =	shalt  }
0x4d: {  	_ =	shalt  }
0x4e: {  	_ =	shalt  }
0x4f: {  	_ =	shalt  }
0x50: {  	_ =	shalt  }
0x51: {  	_ =	shalt  }
0x52: {  	_ =	shalt  }
0x53: {  	_ =	shalt  }
0x54: {  	_ =	shalt  }
0x55: {  	_ =	shalt  }
0x56: {  	_ =	shalt  }
0x57: {  	_ =	shalt  }
0x58: {  	_ =	shalt  }
0x59: {  	_ =	shalt  }
0x5a: {  	_ =	shalt  }
0x5b: {  	_ =	shalt  }
0x5c: {  	_ =	shalt  }
0x5d: {  	_ =	shalt  }
0x5e: {  	_ =	shalt  }
0x5f: {  	_ =	shalt  }
0x60: {  	_ =	shalt  }
0x61: {  	_ =	shalt  }
0x62: {  	_ =	shalt  }
0x63: {  	_ =	shalt  }
0x64: {  	_ =	shalt  }
0x65: {  	_ =	shalt  }
0x66: {  	_ =	shalt  }
0x67: {  	_ =	shalt  }
0x68: {  	_ =	shalt  }
0x69: {  	_ =	shalt  }
0x6a: {  	_ =	shalt  }
0x6b: {  	_ =	shalt  }
0x6c: {  	_ =	shalt  }
0x6d: {  	_ =	shalt  }
0x6e: {  	_ =	shalt  }
0x6f: {  	_ =	shalt  }
0x70: {  	_ =	shalt  }
0x71: {  	_ =	shalt  }
0x72: {  	_ =	shalt  }
0x73: {  	_ =	shalt  }
0x74: {  	_ =	shalt  }
0x75: {  	_ =	shalt  }
0x76: {  	_ =	shalt  }
0x77: {  	_ =	shalt  }
0x78: {  	_ =	shalt  }
0x79: {  	_ =	shalt  }
0x7a: {  	_ =	shalt  }
0x7b: {  	_ =	shalt  }
0x7c: {  	_ =	shalt  }
0x7d: {  	_ =	shalt  }
0x7e: {  	_ =	shalt  }
0x7f: {  	_ =	shalt  }
0x80: {  	_ =	shalt  }
0x81: {  	_ =	shalt  }
0x82: {  	_ =	shalt  }
0x83: {  	_ =	shalt  }
0x84: {  	_ =	shalt  }
0x85: {  	_ =	shalt  }
0x86: {  	_ =	shalt  }
0x87: {  	_ =	shalt  }
.Lfunc_end0:
.L_simem_size_0:
called_computation_lowered:
.L_overlay_start_0:
0x88: {  	s2 =	sld [smem:$0x3FD9]  }
0x89: {  	s3 =	sld [smem:$0x3FFE];
	_ =	sdelay $0x1  }
0x8a: {  	s1 =	srdreg.scid  }
0x8b: {  	s0 =	sand.u32 $0x1, s1  }
0x8c: {  	s17 =	sshll.u32 s0, $0xA;
	s2 =	sadd.s32 s3, s2  }
0x8d: {  	s2 =	sadd.s32 s2, s17  }
0x8e: {  	[smem:$0x3FC5] =	sst s2  }
0x8f: {  	_ = 	snop  }
0x90: {  	s2 =	sld [smem:$0x3FD0];
	(tm) =	ssettm $0x1  }
0x91: {  	s18 =	sld [smem:$0x3FFB];
	_ =	sdelay $0x3  }
0x92: {  	_ =	strace s18  }
0x93: {  	s3 =	sld [smem:$0x3FFC];
	_ =	sdelay $0x3  }
0x94: {  	_ =	strace s3  }
0x95: {  	s3 =	sld [smem:$0x3FFD];
	_ =	sdelay $0x3  }
0x96: {  	_ =	strace s3  }
0x97: {  	_ =	strace $0x8FFFFFFF  }
0x98: {  	s19 =	sld [smem:$0x3FDB];
	_ =	sdelay $0x1  }
0x99: {  	s4 =	simm.s32 $_scs_section_size  }
0x9a: {  	s5 =	simm.s32 $_size__tile_overlayer_lowered;
	s6 =	simm.s32 $_tile_overlayer_lowered  }
0x9b: {  	s22 =	simm.s32 $0x1BFF;
	s21 =	sshll.u32 s6, $0x1;
	s3 =	sadd.s32 s4, s19  }
0x9c: {  	s7 =	simm.s32 $0x0;
	s20 =	sshll.u32 s5, $0x1;
	s5 =	sadd.s32 s21, s3  }
0x9d: {  	[timem:s7], [sflag:s22] =	dma.local [hbm:s5], s20  }
0x9e: {  	_ =	swait.ge [sflag:s22], s20  }
0x9f: {  	s4 =	ssub.s32 $0x0, s20;
	[sflag:s22] =	ssyncset.done $0x0  }
0xa0: {  	[sflag:s22] =	ssyncadd.s32 s4;
	_ =	sdelay $0x1  }
0xa1: {  	s23 =	simm.s32 $0x1B8B  }
0xa2: {  	_ =	swait.ge [sflag:s23], $0x1  }
0xa3: {  	[sflag:s23] =	ssyncset.done $0x0  }
0xa4: {  	s25 =	simm.s32 $0x1B8E;
	s24 =	sld [smem:$0x3FFE];
	[sflag:s23] =	ssyncadd.s32 $0xFFFFFFFF  }
0xa5: {  	s26 =	simm.s32 $execute0_lowered;
	[smem:$0x3FD2] =	sst s25  }
0xa6: {  	s5 =	sshll.u32 s26, $0x1;
	_ =	strace $0x80000046;
	[dreg:$0x1] =	wrdreg $0xFFFFFFFF  }
0xa7: {  	s28 =	simm.s32 $_size_execute0_lowered;
	s3 =	sadd.s32 s3, s5;
	[dreg:$0x0] =	wrdreg $0x0  }
0xa8: {  	s5 =	sshll.u32 s28, $0x1;
	[dreg:$0x2] =	wrdreg s3  }
0xa9: {  	[dreg:$0x3] =	wrdreg s5  }
0xaa: {  	[dreg:$0x4] =	wrdreg $0xC0  }
0xab: {  	_ =	task [dreg:s7], $0x5FFFF  }
0xac: {  	[dreg:$0x1] =	wrdreg $0xFFFFFFFF  }
0xad: {  	[dreg:$0x0] =	wrdreg $0x60  }
0xae: {  	[dreg:$0x2] =	wrdreg s24  }
0xaf: {  	[dreg:$0x3] =	wrdreg s2  }
0xb0: {  	[dreg:$0x4] =	wrdreg $0x9  }
0xb1: {  	_ =	task.clear_ibuf [dreg:s7], $0x5FFFF;
	_ =	strace $0x90000046  }
0xb2: {  	s29 =	simm.s32 $0x9;
	_ =	strace $0x80000048  }
0xb3: {  	_ =	swait.ge [sflag:s29], $0x1  }
0xb4: {  	[sflag:s29] =	ssyncadd.s32 $0xFFFFFFFF  }
0xb5: {  	_ =	strace $0x90000048  }
0xb6: {  	_ =	sfence  }
0xb7: {  	s30 =	sld [smem:$0x0];
	_ =	sdelay $0x2  }
0xb8: {  	s31 =	sshll.u32 s1, $0xD;
	s1 =	sshrl.u32 s1, $0x2  }
0xb9: {  	s3 =	sand.u32 $0x4000, s31;
	s1 =	sadd.s32 s1, s30  }
0xba: {  	s0 =	sor.u32 s3, s0;
	s1 =	sshll.u32 s1, $0x11  }
0xbb: {  	s0 =	sor.u32 s1, s0  }
0xbc: {  	s0 =	sadd.s32 $0x8F2B, s0  }
0xbd: {  	[sflag:s0] =	ssyncadd.remote.s32 $0x1  }
0xbe: {  	_ =	sfence.sel $0xFFFF  }
0xbf: {  	[dreg:$0x0] =	wrdreg $0xFFFFFFFF;
	(pc) =	sbr.abs _section_cstart, $3  }
0xc0: {  	[dreg:$0x1] =	wrdreg $0xFFFFFFFF  }
0xc1: {  	_ =	task.clear_ibuf [dreg:s7], $0x2FFFF;
	_ =	strace $0x9FFFFFFF  }
0xc2: {  	(tm) =	ssettm $0x7FFFFFFF  }
0xc3: {  	_ =	shalt  }
tec
execute0_lowered:
.L_overlay_start_1:
0x0: {  	(tag) =	ssettag $0x1  }
0x1: {  	s0 =	rddreg [dreg:$0x0]  }
0x2: {  	s1 =	rddreg [dreg:$0x1]  }
0x3: {  	s3 =	srdreg.scid;
	s2 =	simm.s32 $0x0;
	s5 =	stileid.u32  }
0x4: {  	s13 =	simm.s32 $0x3;
	s18 =	simm.s32 $0xA100;
	s19 =	simm.s32 $0xA900  }
0x5: {  	s20 =	simm.s32 $0xB100;
	s21 =	simm.s32 $0xB900;
	s28 =	simm.s32 $0x12900  }
0x6: {  	s29 =	simm.s32 $0x13100;
	s30 =	simm.s32 $0x13900;
	s31 =	simm.s32 $0x14100  }
0x7: {  	s4 =	sand.u32 $0x1, s3;
	[smem:$0x7FF] =	sst s2;
	s22 =	sshll.u32 s5, $0x8  }
0x8: {  	s3 =	sadd.s32 $0x1000, s0;
	s23 =	sshll.u32 s4, $0x7;
	s4 =	ssub.s32 $0x2, s4  }
0x9: {  	_ =	strace $0x80000047;
	s5 =	sor.u32 s23, s22;
	s8 =	sshrl.u32 s4, $0x1  }
0xa: {  	s22 =	simm.s32 $0x10100;
	s23 =	simm.s32 $0x10900;
	s6 =	sshrl.u32 s5, $0x3  }
0xb: {  	s7 =	sshll.u32 s5, $0x4;
	s4 =	ssub.s32 s4, s8;
	s5 =	sshll.u32 s5, $0x6  }
0xc: {  	s8 =	sadd.s32 $0x1100, s0;
	s6 =	sadd.s32 s6, s0;
	s7 =	sadd.s32 s7, s0  }
0xd: {  	s12 =	smax.u32 s4, $0x1;
	s4 =	simm.s32 $0x2;
	s24 =	sadd.s32 $0x91000, s6  }
0xe: {  	v2 =	vlaneseq.u32;
	s0 =	simm.s32 $0x0;
	s6 =	sadd.s32 $0x91200, s6;
	[dreg:$0x3] =	wrdreg s24  }
0xf: {  	v0 =	vand.u32 $0x7, v2;
	v1 =	vshrl.u32 v2, $0x3;
	s25 =	sadd.s32 $0x91400, s7;
	[dreg:$0x4] =	wrdreg s6;
	s6 =	sadd.s32 s1, s5  }
0x10: {  	v63 =	vor.u32 $0x8, v2;
	[tilespmem:$0x1FFD0] =	vst v0;
	v62 =	vmul.u32 $0x8, v1;
	[dreg:$0x5] =	wrdreg s25;
	s1 =	simm.s32 $0x1;
	s24 =	simm.s32 $0x11100  }
0x11: {  	[tilespmem:$0x1FFF0] =	vst v63;
	s25 =	simm.s32 $0x11900;
	s26 =	sadd.s32 $0x800, s6;
	s10 =	sadd.s32 $0x1000, s6  }
0x12: {  	vm0 =	vmmov $0xffff;
	[tilespmem:$0x1FFE0] =	vst v62;
	s11 =	sadd.s32 $0x1800, s6;
	[dreg:$0x6] =	wrdreg s26;
	s26 =	simm.s32 $0x12100  }
.LBB2_1:
0x13: {  	s5 =	rddreg [dreg:$0x3]  }
0x14: {  	[tilespmem:s2], [sflag:$0x3] =	stream.linear.gather [hbm4b:s5+s2], $0x80, $0x38;
	[tilespmem:$0x18100] =	vst v63  }
0x15: {  	_ =	swait.ge [sflag:s13], $0x80  }
0x16: {  	[sflag:s13] =	ssyncset.done $0x0  }
0x17: {  	s7 =	simm.s32 $0x80;
	s17 =	rddreg [dreg:$0x4];
	[sflag:s13] =	ssyncadd.s32 $0xFFFFFF80  }
0x18: {  	[tilespmem:s7], [sflag:$0x3] =	stream.linear.gather [hbm4b:s17+s2], $0x80, $0x38;
	[tilespmem:$0x18100] =	vst v63  }
0x19: {  	_ =	swait.ge [sflag:s13], $0x80  }
0x1a: {  	[sflag:s13] =	ssyncset.done $0x0  }
0x1b: {  	s9 =	simm.s32 $0x100;
	s7 =	rddreg [dreg:$0x5];
	[sflag:s13] =	ssyncadd.s32 $0xFFFFFF80  }
0x1c: {  	[tilespmem:s9], [sflag:$0x3] =	stream.linear.gather [hbm4b:s7+s2], $0x4000, $0x38;
	[tilespmem:$0x18100] =	vst v63  }
0x1d: {  	_ =	swait.ge [sflag:s13], $0x4000  }
0x1e: {  	[sflag:s13] =	ssyncset.done $0x0  }
0x1f: {  	[sflag:s13] =	ssyncadd.s32 $0xFFFFC000  }
0x20: {  	v3 =	vld [tilespmem:$0x0];
	_ =	sdelay $0x2  }
0x21: {  	v0 =	vld [tilespmem:$0x1FFD0];
	_ =	sdelay $0x1  }
0x22: {  	v1 =	vld [tilespmem:$0x1FFE0];
	v4 =	vshll.u32 v3, $0x2  }
0x23: {  	v3 =	vand.u32 $0x7, v3;
	v4 =	vand.u32 $0xFFFFFFE0, v4  }
0x24: {  	v2 =	vld [tilespmem:$0x1FFF0];
	v3 =	vor.u32 v3, v4  }
0x25: {  	v4 =	vperm.xlane v3, v0;
	_ =	sdelay $0x1  }
0x26: {  	v4 =	vadd.s32 v1, v4;
	_ =	sdelay $0x1  }
0x27: {  	v3 =	vperm.xlane v3, v2;
	_ =	sdelay $0x1  }
0x28: {  	s14 =	simm.s32 $0x4100;
	v3 =	vadd.s32 v1, v3  }
0x29: {  	[tilespmem:s14], [sflag:$0x1] =	stream.indirect_vreg.gather [hbm4b:s3+s2], $0x80, v4, vm0, $0xb8;
	[tilespmem:$0x18100] =	vst v63  }
0x2a: {  	s15 =	simm.s32 $0x4900  }
0x2b: {  	[tilespmem:s15], [sflag:$0x1] =	stream.indirect_vreg.gather [hbm4b:s8+s2], $0x80, v4, vm0, $0xb8;
	[tilespmem:$0x18100] =	vst v63  }
0x2c: {  	s16 =	simm.s32 $0x5100  }
0x2d: {  	[tilespmem:s16], [sflag:$0x1] =	stream.indirect_vreg.gather [hbm4b:s3+s2], $0x80, v3, vm0, $0xb8;
	[tilespmem:$0x18100] =	vst v63  }
0x2e: {  	s17 =	simm.s32 $0x5900  }
0x2f: {  	[tilespmem:s17], [sflag:$0x1] =	stream.indirect_vreg.gather [hbm4b:s8+s2], $0x80, v3, vm0, $0xb8;
	[tilespmem:$0x18100] =	vst v63  }
0x30: {  	v3 =	vld [tilespmem:$0x10];
	_ =	sdelay $0x4  }
0x31: {  	v4 =	vshll.u32 v3, $0x2  }
0x32: {  	v3 =	vand.u32 $0x7, v3;
	v4 =	vand.u32 $0xFFFFFFE0, v4  }
0x33: {  	v3 =	vor.u32 v3, v4  }
0x34: {  	v4 =	vperm.xlane v3, v0;
	_ =	sdelay $0x1  }
0x35: {  	v4 =	vadd.s32 v1, v4;
	_ =	sdelay $0x1  }
0x36: {  	v3 =	vperm.xlane v3, v2;
	_ =	sdelay $0x1  }
0x37: {  	s7 =	simm.s32 $0x6100;
	v3 =	vadd.s32 v1, v3  }
0x38: {  	[tilespmem:s7], [sflag:$0x1] =	stream.indirect_vreg.gather [hbm4b:s3+s2], $0x80, v4, vm0, $0xb8;
	[tilespmem:$0x18100] =	vst v63  }
0x39: {  	s9 =	simm.s32 $0x6900  }
0x3a: {  	[tilespmem:s9], [sflag:$0x1] =	stream.indirect_vreg.gather [hbm4b:s8+s2], $0x80, v4, vm0, $0xb8;
	[tilespmem:$0x18100] =	vst v63  }
0x3b: {  	s14 =	simm.s32 $0x7100  }
0x3c: {  	[tilespmem:s14], [sflag:$0x1] =	stream.indirect_vreg.gather [hbm4b:s3+s2], $0x80, v3, vm0, $0xb8;
	[tilespmem:$0x18100] =	vst v63  }
0x3d: {  	s15 =	simm.s32 $0x7900  }
0x3e: {  	[tilespmem:s15], [sflag:$0x1] =	stream.indirect_vreg.gather [hbm4b:s8+s2], $0x80, v3, vm0, $0xb8;
	[tilespmem:$0x18100] =	vst v63  }
0x3f: {  	v3 =	vld [tilespmem:$0x80];
	_ =	sdelay $0x4  }
0x40: {  	v4 =	vshll.u32 v3, $0x2  }
0x41: {  	v3 =	vand.u32 $0x7, v3;
	v4 =	vand.u32 $0xFFFFFFE0, v4  }
0x42: {  	v3 =	vor.u32 v3, v4  }
0x43: {  	v4 =	vperm.xlane v3, v0;
	_ =	sdelay $0x1  }
0x44: {  	v4 =	vadd.s32 v1, v4;
	_ =	sdelay $0x1  }
0x45: {  	v3 =	vperm.xlane v3, v2;
	_ =	sdelay $0x1  }
0x46: {  	s16 =	simm.s32 $0xC100;
	v3 =	vadd.s32 v1, v3  }
0x47: {  	[tilespmem:s16], [sflag:$0x1] =	stream.indirect_vreg.gather [hbm4b:s3+s2], $0x80, v4, vm0, $0xb8;
	[tilespmem:$0x18100] =	vst v63  }
0x48: {  	s17 =	simm.s32 $0xC900  }
0x49: {  	[tilespmem:s17], [sflag:$0x1] =	stream.indirect_vreg.gather [hbm4b:s8+s2], $0x80, v4, vm0, $0xb8;
	[tilespmem:$0x18100] =	vst v63  }
0x4a: {  	s7 =	simm.s32 $0xD100  }
0x4b: {  	[tilespmem:s7], [sflag:$0x1] =	stream.indirect_vreg.gather [hbm4b:s3+s2], $0x80, v3, vm0, $0xb8;
	[tilespmem:$0x18100] =	vst v63  }
0x4c: {  	s9 =	simm.s32 $0xD900  }
0x4d: {  	[tilespmem:s9], [sflag:$0x1] =	stream.indirect_vreg.gather [hbm4b:s8+s2], $0x80, v3, vm0, $0xb8;
	[tilespmem:$0x18100] =	vst v63  }
0x4e: {  	v3 =	vld [tilespmem:$0x90];
	_ =	sdelay $0x4  }
0x4f: {  	v4 =	vshll.u32 v3, $0x2  }
0x50: {  	v3 =	vand.u32 $0x7, v3;
	v4 =	vand.u32 $0xFFFFFFE0, v4  }
0x51: {  	v3 =	vor.u32 v3, v4  }
0x52: {  	v4 =	vperm.xlane v3, v0;
	_ =	sdelay $0x1  }
0x53: {  	v4 =	vadd.s32 v1, v4;
	_ =	sdelay $0x1  }
0x54: {  	v3 =	vperm.xlane v3, v2;
	_ =	sdelay $0x1  }
0x55: {  	s14 =	simm.s32 $0xE100;
	v3 =	vadd.s32 v1, v3  }
0x56: {  	[tilespmem:s14], [sflag:$0x1] =	stream.indirect_vreg.gather [hbm4b:s3+s2], $0x80, v4, vm0, $0xb8;
	[tilespmem:$0x18100] =	vst v63  }
0x57: {  	s15 =	simm.s32 $0xE900  }
0x58: {  	[tilespmem:s15], [sflag:$0x1] =	stream.indirect_vreg.gather [hbm4b:s8+s2], $0x80, v4, vm0, $0xb8;
	[tilespmem:$0x18100] =	vst v63  }
0x59: {  	s16 =	simm.s32 $0xF100  }
0x5a: {  	[tilespmem:s16], [sflag:$0x1] =	stream.indirect_vreg.gather [hbm4b:s3+s2], $0x80, v3, vm0, $0xb8;
	[tilespmem:$0x18100] =	vst v63  }
0x5b: {  	s17 =	simm.s32 $0xF900  }
0x5c: {  	[tilespmem:s17], [sflag:$0x1] =	stream.indirect_vreg.gather [hbm4b:s8+s2], $0x80, v3, vm0, $0xb8;
	[tilespmem:$0x18100] =	vst v63  }
0x5d: {  	_ =	swait.ge [sflag:s1], $0x4000  }
0x5e: {  	[sflag:s1] =	ssyncset.done $0x0  }
0x5f: {  	[sflag:s1] =	ssyncadd.s32 $0xFFFFC000  }
0x60: {  	_ =	swait.ge [sflag:s1], $0x4000  }
0x61: {  	[sflag:s1] =	ssyncset.done $0x0  }
0x62: {  	[sflag:s1] =	ssyncadd.s32 $0xFFFFC000  }
0x63: {  	v3 =	vld [tilespmem:$0x20];
	_ =	sdelay $0x4  }
0x64: {  	v4 =	vshll.u32 v3, $0x2  }
0x65: {  	v3 =	vand.u32 $0x7, v3;
	v4 =	vand.u32 $0xFFFFFFE0, v4  }
0x66: {  	v3 =	vor.u32 v3, v4  }
0x67: {  	v4 =	vperm.xlane v3, v0;
	_ =	sdelay $0x1  }
0x68: {  	v4 =	vadd.s32 v1, v4;
	_ =	sdelay $0x1  }
0x69: {  	v3 =	vperm.xlane v3, v2;
	_ =	sdelay $0x1  }
0x6a: {  	s7 =	simm.s32 $0x8100;
	v3 =	vadd.s32 v1, v3  }
0x6b: {  	[tilespmem:s7], [sflag:$0x1] =	stream.indirect_vreg.gather [hbm4b:s3+s2], $0x80, v4, vm0, $0xb8;
	[tilespmem:$0x18100] =	vst v63  }
0x6c: {  	s9 =	simm.s32 $0x8900  }
0x6d: {  	[tilespmem:s9], [sflag:$0x1] =	stream.indirect_vreg.gather [hbm4b:s8+s2], $0x80, v4, vm0, $0xb8;
	[tilespmem:$0x18100] =	vst v63  }
0x6e: {  	s14 =	simm.s32 $0x9100  }
0x6f: {  	[tilespmem:s14], [sflag:$0x1] =	stream.indirect_vreg.gather [hbm4b:s3+s2], $0x80, v3, vm0, $0xb8;
	[tilespmem:$0x18100] =	vst v63  }
0x70: {  	s15 =	simm.s32 $0x9900  }
0x71: {  	[tilespmem:s15], [sflag:$0x1] =	stream.indirect_vreg.gather [hbm4b:s8+s2], $0x80, v3, vm0, $0xb8;
	[tilespmem:$0x18100] =	vst v63  }
0x72: {  	v3 =	vld [tilespmem:$0x30];
	_ =	sdelay $0x4  }
0x73: {  	v4 =	vshll.u32 v3, $0x2  }
0x74: {  	v3 =	vand.u32 $0x7, v3;
	v4 =	vand.u32 $0xFFFFFFE0, v4  }
0x75: {  	v3 =	vor.u32 v3, v4  }
0x76: {  	v4 =	vperm.xlane v3, v0;
	_ =	sdelay $0x1  }
0x77: {  	v4 =	vadd.s32 v1, v4;
	_ =	sdelay $0x1  }
0x78: {  	v3 =	vperm.xlane v3, v2;
	_ =	sdelay $0x1  }
0x79: {  	v3 =	vadd.s32 v1, v3  }
0x7a: {  	[tilespmem:s18], [sflag:$0x1] =	stream.indirect_vreg.gather [hbm4b:s3+s2], $0x80, v4, vm0, $0xb8;
	[tilespmem:$0x18100] =	vst v63  }
0x7b: {  	_ = 	snop  }
0x7c: {  	[tilespmem:s19], [sflag:$0x1] =	stream.indirect_vreg.gather [hbm4b:s8+s2], $0x80, v4, vm0, $0xb8;
	[tilespmem:$0x18100] =	vst v63  }
0x7d: {  	_ = 	snop  }
0x7e: {  	[tilespmem:s20], [sflag:$0x1] =	stream.indirect_vreg.gather [hbm4b:s3+s2], $0x80, v3, vm0, $0xb8;
	[tilespmem:$0x18100] =	vst v63  }
0x7f: {  	_ = 	snop  }
0x80: {  	[tilespmem:s21], [sflag:$0x1] =	stream.indirect_vreg.gather [hbm4b:s8+s2], $0x80, v3, vm0, $0xb8;
	[tilespmem:$0x18100] =	vst v63  }
0x81: {  	v3 =	vld [tilespmem:$0xA0];
	_ =	sdelay $0x4  }
0x82: {  	v4 =	vshll.u32 v3, $0x2  }
0x83: {  	v3 =	vand.u32 $0x7, v3;
	v4 =	vand.u32 $0xFFFFFFE0, v4  }
0x84: {  	v3 =	vor.u32 v3, v4  }
0x85: {  	v4 =	vperm.xlane v3, v0;
	_ =	sdelay $0x1  }
0x86: {  	v4 =	vadd.s32 v1, v4;
	_ =	sdelay $0x1  }
0x87: {  	v3 =	vperm.xlane v3, v2;
	_ =	sdelay $0x1  }
0x88: {  	v3 =	vadd.s32 v1, v3  }
0x89: {  	[tilespmem:s22], [sflag:$0x1] =	stream.indirect_vreg.gather [hbm4b:s3+s2], $0x80, v4, vm0, $0xb8;
	[tilespmem:$0x18100] =	vst v63  }
0x8a: {  	_ = 	snop  }
0x8b: {  	[tilespmem:s23], [sflag:$0x1] =	stream.indirect_vreg.gather [hbm4b:s8+s2], $0x80, v4, vm0, $0xb8;
	[tilespmem:$0x18100] =	vst v63  }
0x8c: {  	_ = 	snop  }
0x8d: {  	[tilespmem:s24], [sflag:$0x1] =	stream.indirect_vreg.gather [hbm4b:s3+s2], $0x80, v3, vm0, $0xb8;
	[tilespmem:$0x18100] =	vst v63  }
0x8e: {  	_ = 	snop  }
0x8f: {  	[tilespmem:s25], [sflag:$0x1] =	stream.indirect_vreg.gather [hbm4b:s8+s2], $0x80, v3, vm0, $0xb8;
	[tilespmem:$0x18100] =	vst v63  }
0x90: {  	v3 =	vld [tilespmem:$0xB0];
	_ =	sdelay $0x4  }
0x91: {  	v4 =	vshll.u32 v3, $0x2  }
0x92: {  	v3 =	vand.u32 $0x7, v3;
	v4 =	vand.u32 $0xFFFFFFE0, v4  }
0x93: {  	v3 =	vor.u32 v3, v4  }
0x94: {  	v4 =	vperm.xlane v3, v0;
	_ =	sdelay $0x1  }
0x95: {  	v4 =	vadd.s32 v1, v4;
	_ =	sdelay $0x1  }
0x96: {  	v3 =	vperm.xlane v3, v2;
	_ =	sdelay $0x1  }
0x97: {  	v3 =	vadd.s32 v1, v3  }
0x98: {  	[tilespmem:s26], [sflag:$0x1] =	stream.indirect_vreg.gather [hbm4b:s3+s2], $0x80, v4, vm0, $0xb8;
	[tilespmem:$0x18100] =	vst v63  }
0x99: {  	_ = 	snop  }
0x9a: {  	[tilespmem:s28], [sflag:$0x1] =	stream.indirect_vreg.gather [hbm4b:s8+s2], $0x80, v4, vm0, $0xb8;
	[tilespmem:$0x18100] =	vst v63  }
0x9b: {  	s16 =	sand.u32 $0x3000, s2;
	s17 =	sand.u32 $0x380, s2  }
0x9c: {  	[tilespmem:s29], [sflag:$0x1] =	stream.indirect_vreg.gather [hbm4b:s3+s2], $0x80, v3, vm0, $0xb8;
	[tilespmem:$0x18100] =	vst v63  }
0x9d: {  	s5 =	sor.u32 s17, s16  }
0x9e: {  	[tilespmem:s30], [sflag:$0x1] =	stream.indirect_vreg.gather [hbm4b:s8+s2], $0x80, v3, vm0, $0xb8;
	[tilespmem:$0x18100] =	vst v63  }
0x9f: {  	v14 =	vld [tilespmem:s5+$0x4100]  }
0xa0: {  	v3 =	vld [tilespmem:s5+$0xC100]  }
0xa1: {  	v24 =	vld [tilespmem:s5+$0x4110]  }
0xa2: {  	v8 =	vld [tilespmem:s5+$0xC110]  }
0xa3: {  	v29 =	vld [tilespmem:s5+$0x4120]  }
0xa4: {  	v31 =	vld [tilespmem:s5+$0xC120]  }
0xa5: {  	v30 =	vld [tilespmem:s5+$0x4130]  }
0xa6: {  	v5 =	vld [tilespmem:s5+$0xC130]  }
0xa7: {  	v10 =	vld [tilespmem:s5+$0x4140]  }
0xa8: {  	v4 =	vld [tilespmem:s5+$0xC140]  }
0xa9: {  	v35 =	vld [tilespmem:s5+$0x4150]  }
0xaa: {  	v6 =	vld [tilespmem:s5+$0xC150]  }
0xab: {  	v36 =	vld [tilespmem:s5+$0x4160]  }
0xac: {  	v15 =	vld [tilespmem:s5+$0xC160]  }
0xad: {  	v37 =	vld [tilespmem:s5+$0x4170]  }
0xae: {  	v55 =	vld [tilespmem:s5+$0xC170]  }
0xaf: {  	v51 =	vld [tilespmem:s5+$0x4500]  }
0xb0: {  	v56 =	vld [tilespmem:s5+$0xC500]  }
0xb1: {  	v0 =	vld [tilespmem:s5+$0x4510]  }
0xb2: {  	v9 =	vld [tilespmem:s5+$0xC510]  }
0xb3: {  	v53 =	vld [tilespmem:s5+$0x4520]  }
0xb4: {  	v11 =	vld [tilespmem:s5+$0xC520]  }
0xb5: {  	v54 =	vld [tilespmem:s5+$0x4530]  }
0xb6: {  	v1 =	vld [tilespmem:s5+$0xC530]  }
0xb7: {  	v38 =	vld [tilespmem:s5+$0x4540]  }
0xb8: {  	v25 =	vld [tilespmem:s5+$0xC540]  }
0xb9: {  	v17 =	vld [tilespmem:s5+$0x4550]  }
0xba: {  	v52 =	vld [tilespmem:s5+$0xC550]  }
0xbb: {  	v33 =	vld [tilespmem:s5+$0x4560]  }
0xbc: {  	v21 =	vld [tilespmem:s5+$0xC560]  }
0xbd: {  	v39 =	vld [tilespmem:s5+$0x4570]  }
0xbe: {  	v13 =	vld [tilespmem:s5+$0xC570]  }
0xbf: {  	v40 =	vld [tilespmem:s5+$0x4900]  }
0xc0: {  	v26 =	vld [tilespmem:s5+$0xC900]  }
0xc1: {  	v46 =	vld [tilespmem:s5+$0x4910]  }
0xc2: {  	v22 =	vld [tilespmem:s5+$0xC910]  }
0xc3: {  	v47 =	vld [tilespmem:s5+$0x4920]  }
0xc4: {  	v19 =	vld [tilespmem:s5+$0xC920]  }
0xc5: {  	v50 =	vld [tilespmem:s5+$0x4930]  }
0xc6: {  	v12 =	vld [tilespmem:s5+$0xC930]  }
0xc7: {  	v43 =	vld [tilespmem:s5+$0x4940]  }
0xc8: {  	v20 =	vld [tilespmem:s5+$0xC940]  }
0xc9: {  	v48 =	vld [tilespmem:s5+$0x4950]  }
0xca: {  	v23 =	vld [tilespmem:s5+$0xC950]  }
0xcb: {  	v44 =	vld [tilespmem:s5+$0x4960]  }
0xcc: {  	v18 =	vld [tilespmem:s5+$0xC960]  }
0xcd: {  	v49 =	vld [tilespmem:s5+$0x4970]  }
0xce: {  	v16 =	vld [tilespmem:s5+$0xC970]  }
0xcf: {  	v41 =	vld [tilespmem:s5+$0x4D00]  }
0xd0: {  	v27 =	vld [tilespmem:s5+$0xCD00]  }
0xd1: {  	v45 =	vld [tilespmem:s5+$0x4D10]  }
0xd2: {  	v7 =	vld [tilespmem:s5+$0xCD10]  }
0xd3: {  	v42 =	vld [tilespmem:s5+$0x4D20]  }
0xd4: {  	v32 =	vld [tilespmem:s5+$0xCD40];
	v63 =	vsub.f32 v14, v3;
	v62 =	vsub.f32 v24, v8  }
0xd5: {  	v2 =	vmov v8;
	v8 =	vld [tilespmem:s5+$0xCD20];
	v61 =	vsub.f32 v29, v31;
	v60 =	vsub.f32 v30, v5  }
0xd6: {  	v34 =	vmovc v3;
	v3 =	vmov v5;
	v5 =	vld [tilespmem:s5+$0x4D30];
	v59 =	vsub.f32 v10, v4;
	v58 =	vsub.f32 v35, v6  }
0xd7: {  	v14 =	vmovc v7;
	v30 =	vmov v9;
	v29 =	vld [tilespmem:s5+$0xCD30];
	v57 =	vsub.f32 v36, v15;
	v37 =	vsub.f32 v37, v55  }
0xd8: {  	v7 =	vmovc v4;
	v28 =	vmovc v55;
	v35 =	vld [tilespmem:s5+$0x4D40];
	v10 =	vmov v56;
	v56 =	vsub.f32 v51, v56;
	v55 =	vsub.f32 v0, v9  }
0xd9: {  	v4 =	vmovc v27;
	v24 =	vmovc v6;
	v27 =	vmov v15;
	v51 =	vsub.f32 v53, v11;
	v54 =	vsub.f32 v54, v1;
	v36 =	vld [tilespmem:s5+$0x4D50]  }
0xda: {  	s7 =	simm.s32 $0x0;
	s14 =	simm.s32 $0x200;
	s15 =	simm.s32 $0x0;
	v15 =	vmovc v11;
	v0 =	vmovc v1;
	v53 =	vsub.f32 v38, v25;
	v38 =	vmov v52;
	v52 =	vsub.f32 v17, v52;
	v11 =	vld [tilespmem:s5+$0xCD50]  }
.LBB2_2:
0xdb: {  	s7 =	sadd.s32 $0x80, s7  }
0xdc: {  	s9 =	sand.u32 $0x3000, s14;
	s17 =	sand.u32 $0x380, s7  }
0xdd: {  	s17 =	sor.u32 s17, s9  }
0xde: {  	[tilespmem:$0x1FF10] =	vst v14;
	v45 =	vsub.f32 v45, v14;
	v14 =	vmov v8;
	v42 =	vsub.f32 v42, v8;
	v8 =	vld [tilespmem:s17+$0x4110];
	_ =	sdelay $0x4  }
0xdf: {  	[tilespmem:$0x1FF80] =	vst v8;
	v8 =	vsub.f32 v35, v32;
	_ =	sdelay $0x1  }
0xe0: {  	[tilespmem:$0x1FF20] =	vst v8;
	v8 =	vsub.f32 v36, v11;
	_ =	sdelay $0x1  }
0xe1: {  	[tilespmem:$0x1FF30] =	vst v8;
	v8 =	vld [tilespmem:s17+$0xC110]  }
0xe2: {  	s16 =	sshra.s32 s15, $0x2  }
0xe3: {  	[tilespmem:$0x1FEF0] =	vst v21;
	v17 =	vsub.f32 v33, v21;
	v21 =	vsub.f32 v40, v26;
	v40 =	vld [tilespmem:s16+$0x100];
	_ =	sdelay $0x2  }
0xe4: {  	[tilespmem:$0x1FF40] =	vst v8;
	v8 =	vld [tilespmem:s17+$0x4120];
	_ =	sdelay $0x1  }
0xe5: {  	v1 =	vsub.f32 v39, v13;
	v9 =	vmov v31;
	v31 =	vld [tilespmem:s5+$0xCD60];
	v60 =	vmul.f32 v60, v40  }
0xe6: {  	v6 =	vld [tilespmem:s17+$0x4100]  }
0xe7: {  	[tilespmem:$0x1FEE0] =	vst v1;
	v60 =	vadd.f32 v60, v3;
	v3 =	vld [tilespmem:s17+$0xC130]  }
0xe8: {  	[tilespmem:$0x1FF90] =	vst v8;
	v8 =	vld [tilespmem:s17+$0xC120]  }
0xe9: {  	v1 =	vld [tilespmem:s5+$0x4D60];
	[tilespmem:$0x1FF00] =	vst v4  }
0xea: {  	[tilespmem:$0x1FF60] =	vst v31;
	v63 =	vmul.f32 v63, v40  }
0xeb: {  	v41 =	vsub.f32 v41, v4;
	v4 =	vld [tilespmem:s17+$0xC100];
	v62 =	vmul.f32 v62, v40;
	[tilespmem:$0x1FF70] =	vst v6  }
0xec: {  	v61 =	vmul.f32 v61, v40;
	v63 =	vadd.f32 v63, v34;
	[tilespmem:$0x1FFA0] =	vst v3  }
0xed: {  	v58 =	vmul.f32 v58, v40;
	v6 =	vmov v32;
	v32 =	vadd.f32 v62, v2;
	v2 =	vld [tilespmem:$0x1FEE0];
	[tilespmem:$0x1FF50] =	vst v8  }
0xee: {  	v1 =	vsub.f32 v1, v31;
	v31 =	vadd.f32 v61, v9;
	v36 =	vmul.f32 v59, v40;
	v8 =	vld [tilespmem:s17+$0x4130];
	[tilespmem:s5+$0x14100] =	vst v63  }
0xef: {  	v57 =	vmul.f32 v57, v40;
	v3 =	vld [tilespmem:s17+$0x4140];
	[tilespmem:s5+$0x14110] =	vst v32  }
0xf0: {  	v62 =	vadd.f32 v58, v24;
	v59 =	vmov v4;
	v4 =	vadd.f32 v36, v7;
	v24 =	vld [tilespmem:s17+$0xC140];
	[tilespmem:s5+$0x14120] =	vst v31  }
0xf1: {  	v7 =	vmul.f32 v51, v40;
	v31 =	vadd.f32 v57, v27;
	v27 =	vld [tilespmem:s17+$0x4150];
	[tilespmem:s5+$0x14130] =	vst v60  }
0xf2: {  	v37 =	vmul.f32 v37, v40;
	v58 =	vld [tilespmem:s17+$0xC150];
	[tilespmem:s5+$0x14140] =	vst v4  }
0xf3: {  	v56 =	vmul.f32 v56, v40;
	v4 =	vadd.f32 v7, v15;
	v7 =	vld [tilespmem:$0x1FEF0];
	[tilespmem:$0x1FFB0] =	vst v8  }
0xf4: {  	v8 =	vadd.f32 v37, v28;
	v28 =	vld [tilespmem:s17+$0x4160];
	[tilespmem:s5+$0x14150] =	vst v62  }
0xf5: {  	v55 =	vmul.f32 v55, v40;
	v54 =	vmul.f32 v54, v40;
	v9 =	vadd.f32 v56, v10;
	v57 =	vld [tilespmem:s17+$0xC160];
	[tilespmem:s5+$0x14160] =	vst v31  }
0xf6: {  	v47 =	vsub.f32 v47, v19;
	v35 =	vmov v11;
	v11 =	vmul.f32 v53, v40;
	v37 =	vld [tilespmem:s17+$0x4170];
	[tilespmem:s5+$0x14170] =	vst v8  }
0xf7: {  	v10 =	vadd.f32 v55, v30;
	v15 =	vadd.f32 v54, v0;
	v0 =	vmul.f32 v17, v40;
	v56 =	vld [tilespmem:s17+$0xC170];
	[tilespmem:s5+$0x14500] =	vst v9  }
0xf8: {  	v44 =	vsub.f32 v44, v18;
	v11 =	vadd.f32 v11, v25;
	v25 =	vmul.f32 v47, v40;
	[tilespmem:$0x1FFC0] =	vst v3;
	v54 =	vld [tilespmem:s17+$0x4500]  }
0xf9: {  	v3 =	vmul.f32 v21, v40;
	v0 =	vadd.f32 v0, v7;
	[tilespmem:s5+$0x14510] =	vst v10;
	v7 =	vld [tilespmem:$0x1FF10]  }
0xfa: {  	v50 =	vsub.f32 v50, v12;
	v30 =	vld [tilespmem:s17+$0xC500];
	[tilespmem:s5+$0x14520] =	vst v4;
	v4 =	vadd.f32 v25, v19;
	v25 =	vmul.f32 v44, v40  }
0xfb: {  	v63 =	vmul.f32 v52, v40;
	v3 =	vadd.f32 v3, v26  }
0xfc: {  	v26 =	vmul.f32 v50, v40;
	v18 =	vadd.f32 v25, v18;
	v25 =	vmul.f32 v45, v40  }
0xfd: {  	v17 =	vadd.f32 v63, v38;
	v55 =	vld [tilespmem:s17+$0x4510]  }
0xfe: {  	v2 =	vmul.f32 v2, v40;
	v19 =	vadd.f32 v26, v12;
	[tilespmem:s5+$0x14530] =	vst v15;
	v12 =	vadd.f32 v25, v7;
	v7 =	vld [tilespmem:$0x1FF20]  }
0xff: {  	v53 =	vld [tilespmem:s17+$0xC510];
	[tilespmem:s5+$0x14540] =	vst v11  }
0x100: {  	v2 =	vadd.f32 v2, v13;
	v51 =	vld [tilespmem:s17+$0x4520];
	[tilespmem:s5+$0x14550] =	vst v17  }
0x101: {  	v11 =	vld [tilespmem:s17+$0xC520];
	[tilespmem:s5+$0x14560] =	vst v0  }
0x102: {  	v36 =	vld [tilespmem:s17+$0x4530];
	[tilespmem:s5+$0x14570] =	vst v2  }
0x103: {  	v38 =	vld [tilespmem:s17+$0xC530];
	v13 =	vmul.f32 v7, v40  }
0x104: {  	v49 =	vsub.f32 v49, v16;
	v7 =	vld [tilespmem:$0x1FF30]  }
0x105: {  	[tilespmem:s5+$0x14900] =	vst v3;
	v3 =	vadd.f32 v13, v6;
	v6 =	vld [tilespmem:$0x1FF40]  }
0x106: {  	v46 =	vsub.f32 v46, v22;
	v15 =	vmul.f32 v49, v40;
	_ =	sdelay $0x1  }
0x107: {  	v33 =	vld [tilespmem:s5+$0x4D70];
	v21 =	vmul.f32 v46, v40;
	v16 =	vadd.f32 v15, v16;
	v15 =	vmul.f32 v42, v40  }
0x108: {  	v39 =	vld [tilespmem:s5+$0xCD70];
	v43 =	vsub.f32 v43, v20  }
0x109: {  	v21 =	vadd.f32 v21, v22;
	v2 =	vadd.f32 v15, v14;
	v14 =	vmul.f32 v7, v40;
	v7 =	vmovc v6;
	v6 =	vld [tilespmem:$0x1FF50]  }
0x10a: {  	v48 =	vsub.f32 v48, v23;
	v0 =	vld [tilespmem:$0x1FF00]  }
0x10b: {  	v10 =	vmul.f32 v43, v40;
	v52 =	vld [tilespmem:s17+$0x4540];
	[tilespmem:s5+$0x14910] =	vst v21  }
0x10c: {  	v22 =	vmul.f32 v48, v40;
	v25 =	vld [tilespmem:s17+$0xC540]  }
0x10d: {  	v20 =	vadd.f32 v10, v20;
	[tilespmem:s5+$0x14920] =	vst v4;
	v4 =	vld [tilespmem:$0x1FF60]  }
0x10e: {  	v33 =	vsub.f32 v33, v39;
	v22 =	vadd.f32 v22, v23;
	v31 =	vmov v6;
	v6 =	vld [tilespmem:s17+$0x4550];
	[tilespmem:s5+$0x14930] =	vst v19  }
0x10f: {  	v23 =	vmul.f32 v41, v40;
	v17 =	vld [tilespmem:s17+$0xC550];
	[tilespmem:s5+$0x14940] =	vst v20  }
0x110: {  	v1 =	vmul.f32 v1, v40;
	v13 =	vmul.f32 v33, v40;
	v33 =	vld [tilespmem:s17+$0x4560];
	[tilespmem:s5+$0x14950] =	vst v22  }
0x111: {  	v5 =	vsub.f32 v5, v29;
	v0 =	vadd.f32 v23, v0;
	v21 =	vld [tilespmem:s17+$0xC560];
	[tilespmem:s5+$0x14960] =	vst v18  }
0x112: {  	v1 =	vadd.f32 v1, v4;
	v4 =	vadd.f32 v13, v39;
	v39 =	vld [tilespmem:s17+$0x4570];
	[tilespmem:s5+$0x14970] =	vst v16  }
0x113: {  	v5 =	vmul.f32 v5, v40;
	v13 =	vld [tilespmem:s17+$0xC570]  }
0x114: {  	[tilespmem:s5+$0x14D00] =	vst v0;
	v0 =	vld [tilespmem:$0x1FF70]  }
0x115: {  	v5 =	vadd.f32 v5, v29;
	v40 =	vld [tilespmem:s17+$0x4900];
	[tilespmem:s5+$0x14D10] =	vst v12  }
0x116: {  	v26 =	vld [tilespmem:s17+$0xC900];
	[tilespmem:s5+$0x14D20] =	vst v2  }
0x117: {  	v46 =	vld [tilespmem:s17+$0x4910];
	[tilespmem:s5+$0x14D30] =	vst v5  }
0x118: {  	v14 =	vadd.f32 v14, v35;
	v22 =	vld [tilespmem:s17+$0xC910];
	[tilespmem:s5+$0x14D40] =	vst v3  }
0x119: {  	v47 =	vld [tilespmem:s17+$0x4920]  }
0x11a: {  	[tilespmem:s5+$0x14D50] =	vst v14;
	v63 =	vsub.f32 v0, v59;
	v0 =	vld [tilespmem:$0x1FF80]  }
0x11b: {  	v19 =	vld [tilespmem:s17+$0xC920]  }
0x11c: {  	[tilespmem:s5+$0x14D60] =	vst v1;
	v1 =	vld [tilespmem:$0x1FFA0]  }
0x11d: {  	v50 =	vld [tilespmem:s17+$0x4930];
	[tilespmem:s5+$0x14D70] =	vst v4;
	s5 =	smov.u32 s17  }
0x11e: {  	v12 =	vld [tilespmem:s5+$0xC930]  }
0x11f: {  	v43 =	vld [tilespmem:s5+$0x4940]  }
0x120: {  	v20 =	vld [tilespmem:s5+$0xC940]  }
0x121: {  	v48 =	vld [tilespmem:s5+$0x4950]  }
0x122: {  	v23 =	vld [tilespmem:s5+$0xC950]  }
0x123: {  	v62 =	vsub.f32 v0, v7;
	v0 =	vld [tilespmem:$0x1FF90]  }
0x124: {  	v44 =	vld [tilespmem:s5+$0x4960]  }
0x125: {  	v18 =	vld [tilespmem:s5+$0xC960]  }
0x126: {  	v49 =	vld [tilespmem:s5+$0x4970]  }
0x127: {  	v16 =	vld [tilespmem:s5+$0xC970]  }
0x128: {  	v61 =	vsub.f32 v0, v31;
	v0 =	vld [tilespmem:$0x1FFB0]  }
0x129: {  	v41 =	vld [tilespmem:s5+$0x4D00]  }
0x12a: {  	v4 =	vld [tilespmem:s5+$0xCD00]  }
0x12b: {  	v45 =	vld [tilespmem:s5+$0x4D10]  }
0x12c: {  	v14 =	vld [tilespmem:s5+$0xCD10]  }
0x12d: {  	v60 =	vsub.f32 v0, v1;
	v0 =	vld [tilespmem:$0x1FFC0]  }
0x12e: {  	v42 =	vld [tilespmem:s5+$0x4D20]  }
0x12f: {  	v8 =	vld [tilespmem:s5+$0xCD20]  }
0x130: {  	p0 =	sne.s32 s14, $0x3E00;
	v5 =	vld [tilespmem:s5+$0x4D30]  }
.Ltmp0:
0x131: {  	v37 =	vsub.f32 v37, v56;
	v55 =	vsub.f32 v55, v53;
	v29 =	vld [tilespmem:s5+$0xCD30];
	(pc) =	sbr.rel @p0 .LBB2_2-.Ltmp0, $4  }
0x132: {  	v34 =	vmovc v59;
	v10 =	vmovc v30;
	v51 =	vsub.f32 v51, v11;
	v2 =	vmov v7;
	v35 =	vld [tilespmem:s5+$0x4D40];
	v59 =	vsub.f32 v0, v24  }
0x133: {  	v32 =	vld [tilespmem:s5+$0xCD40];
	v7 =	vmovc v24;
	v24 =	vmovc v58;
	v58 =	vsub.f32 v27, v58;
	v27 =	vmov v57;
	v57 =	vsub.f32 v28, v57  }
0x134: {  	v15 =	vmovc v11;
	v11 =	vld [tilespmem:s5+$0xCD50];
	v3 =	vmovc v1;
	v28 =	vmov v56;
	v56 =	vsub.f32 v54, v30;
	v54 =	vsub.f32 v36, v38  }
0x135: {  	s15 =	smov.u32 s14;
	s14 =	sadd.s32 $0x200, s14;
	v30 =	vmovc v53;
	v0 =	vmovc v38;
	v36 =	vld [tilespmem:s5+$0x4D50];
	v53 =	vsub.f32 v52, v25;
	v38 =	vmov v17;
	v52 =	vsub.f32 v6, v17  }
0x136: {  	s7 =	sshra.s32 s15, $0x2  }
0x137: {  	v17 =	vld [tilespmem:s7+$0x100]  }
0x138: {  	v1 =	vld [tilespmem:s5+$0x4D60];
	_ =	sdelay $0x3  }
0x139: {  	v6 =	vmul.f32 v63, v17  }
0x13a: {  	[tilespmem:$0x1FED0] =	vst v1;
	v1 =	vmov v4;
	v4 =	vmul.f32 v62, v17  }
0x13b: {  	v60 =	vmul.f32 v60, v17;
	v59 =	vmul.f32 v59, v17;
	v9 =	vadd.f32 v6, v34  }
0x13c: {  	v41 =	vsub.f32 v41, v1;
	v4 =	vadd.f32 v4, v2  }
0x13d: {  	v6 =	vmul.f32 v61, v17;
	v60 =	vadd.f32 v60, v3;
	v2 =	vadd.f32 v59, v7;
	[tilespmem:s5+$0x14100] =	vst v9  }
0x13e: {  	v34 =	vmul.f32 v57, v17;
	v57 =	vmul.f32 v37, v17;
	v37 =	vsub.f32 v43, v20;
	[tilespmem:s5+$0x14110] =	vst v4  }
0x13f: {  	v62 =	vld [tilespmem:s5+$0x4D70];
	v43 =	vsub.f32 v45, v14;
	v6 =	vadd.f32 v6, v31;
	v9 =	vmul.f32 v58, v17;
	[tilespmem:s5+$0x14130] =	vst v60  }
0x140: {  	v61 =	vld [tilespmem:s5+$0xCD70];
	v45 =	vsub.f32 v42, v8;
	[tilespmem:s5+$0x14140] =	vst v2;
	v58 =	vmul.f32 v56, v17;
	v59 =	vadd.f32 v57, v28  }
0x141: {  	v60 =	vmul.f32 v55, v17;
	v31 =	vsub.f32 v46, v22;
	[tilespmem:s5+$0x14120] =	vst v6;
	v4 =	vadd.f32 v9, v24  }
0x142: {  	v46 =	vmul.f32 v41, v17;
	v6 =	vadd.f32 v34, v27;
	v2 =	vadd.f32 v58, v10;
	[tilespmem:s5+$0x14170] =	vst v59  }
0x143: {  	v9 =	vmul.f32 v51, v17;
	v10 =	vmul.f32 v54, v17;
	v27 =	vsub.f32 v39, v13;
	[tilespmem:s5+$0x14150] =	vst v4  }
0x144: {  	v39 =	vsub.f32 v44, v18;
	v44 =	vmov v8;
	v8 =	vadd.f32 v46, v1;
	[tilespmem:s5+$0x14160] =	vst v6  }
0x145: {  	v24 =	vmul.f32 v53, v17;
	v53 =	vsub.f32 v62, v61;
	v4 =	vadd.f32 v60, v30;
	[tilespmem:s5+$0x14500] =	vst v2  }
0x146: {  	v28 =	vmul.f32 v52, v17;
	v6 =	vadd.f32 v9, v15;
	v15 =	vsub.f32 v33, v21;
	[tilespmem:s5+$0x14D00] =	vst v8  }
0x147: {  	v7 =	vadd.f32 v10, v0;
	v3 =	vadd.f32 v24, v25;
	[tilespmem:s5+$0x14510] =	vst v4  }
0x148: {  	v63 =	vld [tilespmem:s5+$0xCD60];
	v10 =	vadd.f32 v28, v38;
	v38 =	vsub.f32 v48, v23;
	v48 =	vmul.f32 v43, v17;
	[tilespmem:s5+$0x14520] =	vst v6  }
0x149: {  	v51 =	vld [tilespmem:$0x1FED0];
	v54 =	vmul.f32 v53, v17;
	[tilespmem:s5+$0x14530] =	vst v7  }
0x14a: {  	v30 =	vsub.f32 v40, v26;
	v2 =	vmul.f32 v15, v17;
	[tilespmem:s5+$0x14540] =	vst v3;
	v9 =	vadd.f32 v48, v14  }
0x14b: {  	v4 =	vmul.f32 v27, v17;
	[tilespmem:s5+$0x14550] =	vst v10;
	v0 =	vadd.f32 v54, v61  }
0x14c: {  	v33 =	vsub.f32 v47, v19;
	v6 =	vmul.f32 v30, v17;
	v2 =	vadd.f32 v2, v21;
	[tilespmem:s5+$0x14D10] =	vst v9  }
0x14d: {  	v34 =	vsub.f32 v50, v12;
	v7 =	vmul.f32 v31, v17;
	v4 =	vadd.f32 v4, v13;
	[tilespmem:s5+$0x14D70] =	vst v0  }
0x14e: {  	v3 =	vmul.f32 v33, v17;
	v52 =	vsub.f32 v51, v63;
	v6 =	vadd.f32 v6, v26;
	[tilespmem:s5+$0x14560] =	vst v2  }
0x14f: {  	v10 =	vmul.f32 v34, v17;
	v7 =	vadd.f32 v7, v22;
	[tilespmem:s5+$0x14570] =	vst v4  }
0x150: {  	v3 =	vadd.f32 v3, v19;
	v1 =	vmul.f32 v52, v17;
	[tilespmem:s5+$0x14900] =	vst v6  }
0x151: {  	v10 =	vadd.f32 v10, v12;
	v2 =	vmul.f32 v37, v17;
	[tilespmem:s5+$0x14910] =	vst v7  }
0x152: {  	v40 =	vsub.f32 v49, v16;
	v4 =	vmul.f32 v38, v17;
	[tilespmem:s5+$0x14920] =	vst v3;
	v1 =	vadd.f32 v1, v63  }
0x153: {  	v6 =	vmul.f32 v39, v17;
	[tilespmem:s5+$0x14930] =	vst v10;
	v2 =	vadd.f32 v2, v20  }
0x154: {  	v47 =	vsub.f32 v5, v29;
	v7 =	vmul.f32 v40, v17;
	v4 =	vadd.f32 v4, v23;
	[tilespmem:s5+$0x14D60] =	vst v1  }
0x155: {  	v49 =	vsub.f32 v35, v32;
	v6 =	vadd.f32 v6, v18;
	[tilespmem:s5+$0x14940] =	vst v2;
	v2 =	vmul.f32 v45, v17  }
0x156: {  	v50 =	vsub.f32 v36, v11;
	v7 =	vadd.f32 v7, v16;
	[tilespmem:s5+$0x14950] =	vst v4;
	v4 =	vmul.f32 v47, v17  }
0x157: {  	[tilespmem:s5+$0x14960] =	vst v6;
	v6 =	vmul.f32 v49, v17;
	v2 =	vadd.f32 v2, v44  }
0x158: {  	[tilespmem:s5+$0x14970] =	vst v7;
	v7 =	vmul.f32 v50, v17;
	v4 =	vadd.f32 v4, v29  }
0x159: {  	v6 =	vadd.f32 v6, v32;
	[tilespmem:s5+$0x14D20] =	vst v2  }
0x15a: {  	v55 =	vadd.f32 v7, v11;
	[tilespmem:s5+$0x14D30] =	vst v4  }
0x15b: {  	[tilespmem:s5+$0x14D40] =	vst v6  }
0x15c: {  	[tilespmem:s5+$0x14D50] =	vst v55;
	s5 =	simm.s32 $0x0  }
0x15d: {  	[hbm4b:s6+s5] =	stream.linear.scatter [tilespmem:s31], [sflag:$0x2], $0x4000, $0x38;
	[tilespmem:$0x18100] =	vst v63  }
0x15e: {  	_ =	swait.ge [sflag:s1], $0x4000  }
0x15f: {  	[sflag:s1] =	ssyncset.done $0x0  }
0x160: {  	[sflag:s1] =	ssyncadd.s32 $0xFFFFC000  }
0x161: {  	_ =	swait.ge [sflag:s1], $0x4000  }
0x162: {  	[sflag:s1] =	ssyncset.done $0x0  }
0x163: {  	[sflag:s1] =	ssyncadd.s32 $0xFFFFC000  }
0x164: {  	v56 =	vld [tilespmem:$0x40];
	_ =	sdelay $0x2  }
0x165: {  	v58 =	vld [tilespmem:$0x1FFD0];
	_ =	sdelay $0x1  }
0x166: {  	v59 =	vld [tilespmem:$0x1FFE0];
	v57 =	vshll.u32 v56, $0x2  }
0x167: {  	v0 =	vand.u32 $0x7, v56;
	v1 =	vand.u32 $0xFFFFFFE0, v57  }
0x168: {  	v60 =	vld [tilespmem:$0x1FFF0];
	v0 =	vor.u32 v0, v1  }
0x169: {  	v1 =	vperm.xlane v0, v58;
	_ =	sdelay $0x1  }
0x16a: {  	v1 =	vadd.s32 v59, v1;
	_ =	sdelay $0x1  }
0x16b: {  	v0 =	vperm.xlane v0, v60;
	_ =	sdelay $0x1  }
0x16c: {  	s17 =	simm.s32 $0x4100;
	v0 =	vadd.s32 v59, v0  }
0x16d: {  	[tilespmem:s17], [sflag:$0x1] =	stream.indirect_vreg.gather [hbm4b:s3+s5], $0x80, v1, vm0, $0xb8;
	[tilespmem:$0x18100] =	vst v63  }
0x16e: {  	s9 =	simm.s32 $0x4900  }
0x16f: {  	[tilespmem:s9], [sflag:$0x1] =	stream.indirect_vreg.gather [hbm4b:s8+s5], $0x80, v1, vm0, $0xb8;
	[tilespmem:$0x18100] =	vst v63  }
0x170: {  	s14 =	simm.s32 $0x5100  }
0x171: {  	[tilespmem:s14], [sflag:$0x1] =	stream.indirect_vreg.gather [hbm4b:s3+s5], $0x80, v0, vm0, $0xb8;
	[tilespmem:$0x18100] =	vst v63  }
0x172: {  	s15 =	simm.s32 $0x5900  }
0x173: {  	[tilespmem:s15], [sflag:$0x1] =	stream.indirect_vreg.gather [hbm4b:s8+s5], $0x80, v0, vm0, $0xb8;
	[tilespmem:$0x18100] =	vst v63  }
0x174: {  	v0 =	vld [tilespmem:$0x50];
	_ =	sdelay $0x4  }
0x175: {  	v61 =	vshll.u32 v0, $0x2  }
0x176: {  	v0 =	vand.u32 $0x7, v0;
	v1 =	vand.u32 $0xFFFFFFE0, v61  }
0x177: {  	v0 =	vor.u32 v0, v1  }
0x178: {  	v1 =	vperm.xlane v0, v58;
	_ =	sdelay $0x1  }
0x179: {  	v1 =	vadd.s32 v59, v1;
	_ =	sdelay $0x1  }
0x17a: {  	v0 =	vperm.xlane v0, v60;
	_ =	sdelay $0x1  }
0x17b: {  	s16 =	simm.s32 $0x6100;
	v0 =	vadd.s32 v59, v0  }
0x17c: {  	[tilespmem:s16], [sflag:$0x1] =	stream.indirect_vreg.gather [hbm4b:s3+s5], $0x80, v1, vm0, $0xb8;
	[tilespmem:$0x18100] =	vst v63  }
0x17d: {  	s17 =	simm.s32 $0x6900  }
0x17e: {  	[tilespmem:s17], [sflag:$0x1] =	stream.indirect_vreg.gather [hbm4b:s8+s5], $0x80, v1, vm0, $0xb8;
	[tilespmem:$0x18100] =	vst v63  }
0x17f: {  	s9 =	simm.s32 $0x7100  }
0x180: {  	[tilespmem:s9], [sflag:$0x1] =	stream.indirect_vreg.gather [hbm4b:s3+s5], $0x80, v0, vm0, $0xb8;
	[tilespmem:$0x18100] =	vst v63  }
0x181: {  	s14 =	simm.s32 $0x7900  }
0x182: {  	[tilespmem:s14], [sflag:$0x1] =	stream.indirect_vreg.gather [hbm4b:s8+s5], $0x80, v0, vm0, $0xb8;
	[tilespmem:$0x18100] =	vst v63  }
0x183: {  	v0 =	vld [tilespmem:$0xC0];
	_ =	sdelay $0x4  }
0x184: {  	v62 =	vshll.u32 v0, $0x2  }
0x185: {  	v0 =	vand.u32 $0x7, v0;
	v1 =	vand.u32 $0xFFFFFFE0, v62  }
0x186: {  	v0 =	vor.u32 v0, v1  }
0x187: {  	v1 =	vperm.xlane v0, v58;
	_ =	sdelay $0x1  }
0x188: {  	v1 =	vadd.s32 v59, v1;
	_ =	sdelay $0x1  }
0x189: {  	v0 =	vperm.xlane v0, v60;
	_ =	sdelay $0x1  }
0x18a: {  	s15 =	simm.s32 $0xC100;
	v0 =	vadd.s32 v59, v0  }
0x18b: {  	[tilespmem:s15], [sflag:$0x1] =	stream.indirect_vreg.gather [hbm4b:s3+s5], $0x80, v1, vm0, $0xb8;
	[tilespmem:$0x18100] =	vst v63  }
0x18c: {  	s16 =	simm.s32 $0xC900  }
0x18d: {  	[tilespmem:s16], [sflag:$0x1] =	stream.indirect_vreg.gather [hbm4b:s8+s5], $0x80, v1, vm0, $0xb8;
	[tilespmem:$0x18100] =	vst v63  }
0x18e: {  	s17 =	simm.s32 $0xD100  }
0x18f: {  	[tilespmem:s17], [sflag:$0x1] =	stream.indirect_vreg.gather [hbm4b:s3+s5], $0x80, v0, vm0, $0xb8;
	[tilespmem:$0x18100] =	vst v63  }
0x190: {  	s9 =	simm.s32 $0xD900  }
0x191: {  	[tilespmem:s9], [sflag:$0x1] =	stream.indirect_vreg.gather [hbm4b:s8+s5], $0x80, v0, vm0, $0xb8;
	[tilespmem:$0x18100] =	vst v63  }
0x192: {  	v0 =	vld [tilespmem:$0xD0];
	_ =	sdelay $0x4  }
0x193: {  	v63 =	vshll.u32 v0, $0x2  }
0x194: {  	v0 =	vand.u32 $0x7, v0;
	v1 =	vand.u32 $0xFFFFFFE0, v63  }
0x195: {  	v0 =	vor.u32 v0, v1  }
0x196: {  	v1 =	vperm.xlane v0, v58;
	_ =	sdelay $0x1  }
0x197: {  	v1 =	vadd.s32 v59, v1;
	_ =	sdelay $0x1  }
0x198: {  	v0 =	vperm.xlane v0, v60;
	_ =	sdelay $0x1  }
0x199: {  	s14 =	simm.s32 $0xE100;
	v0 =	vadd.s32 v59, v0  }
0x19a: {  	[tilespmem:s14], [sflag:$0x1] =	stream.indirect_vreg.gather [hbm4b:s3+s5], $0x80, v1, vm0, $0xb8;
	[tilespmem:$0x18100] =	vst v63  }
0x19b: {  	s15 =	simm.s32 $0xE900  }
0x19c: {  	[tilespmem:s15], [sflag:$0x1] =	stream.indirect_vreg.gather [hbm4b:s8+s5], $0x80, v1, vm0, $0xb8;
	[tilespmem:$0x18100] =	vst v63  }
0x19d: {  	s16 =	simm.s32 $0xF100  }
0x19e: {  	[tilespmem:s16], [sflag:$0x1] =	stream.indirect_vreg.gather [hbm4b:s3+s5], $0x80, v0, vm0, $0xb8;
	[tilespmem:$0x18100] =	vst v63  }
0x19f: {  	s17 =	simm.s32 $0xF900  }
0x1a0: {  	[tilespmem:s17], [sflag:$0x1] =	stream.indirect_vreg.gather [hbm4b:s8+s5], $0x80, v0, vm0, $0xb8;
	[tilespmem:$0x18100] =	vst v63  }
0x1a1: {  	_ =	swait.ge [sflag:s4], $0x4000  }
0x1a2: {  	[sflag:s4] =	ssyncset.done $0x0  }
0x1a3: {  	s7 =	simm.s32 $0x0;
	[sflag:s4] =	ssyncadd.s32 $0xFFFFC000  }
.LBB2_4:
0x1a4: {  	s9 =	sshra.s32 s7, $0x2;
	s14 =	sand.u32 $0x3000, s7;
	s15 =	sand.u32 $0x380, s5  }
0x1a5: {  	v3 =	vld [tilespmem:s9+$0x1100];
	s14 =	sor.u32 s15, s14  }
0x1a6: {  	v0 =	vld [tilespmem:s14+$0x8100]  }
0x1a7: {  	v1 =	vld [tilespmem:s14+$0x10100]  }
0x1a8: {  	v2 =	vld [tilespmem:s14+$0x8110]  }
0x1a9: {  	v4 =	vld [tilespmem:s14+$0x10110]  }
0x1aa: {  	v5 =	vld [tilespmem:s14+$0x8120]  }
0x1ab: {  	v6 =	vld [tilespmem:s14+$0x10120]  }
0x1ac: {  	v7 =	vld [tilespmem:s14+$0x8130]  }
0x1ad: {  	v8 =	vld [tilespmem:s14+$0x10130]  }
0x1ae: {  	v9 =	vld [tilespmem:s14+$0x8140]  }
0x1af: {  	v10 =	vld [tilespmem:s14+$0x10140]  }
0x1b0: {  	v11 =	vld [tilespmem:s14+$0x8150]  }
0x1b1: {  	v12 =	vld [tilespmem:s14+$0x10150]  }
0x1b2: {  	v13 =	vld [tilespmem:s14+$0x8160]  }
0x1b3: {  	v14 =	vld [tilespmem:s14+$0x10160]  }
0x1b4: {  	v15 =	vld [tilespmem:s14+$0x8170]  }
0x1b5: {  	v16 =	vld [tilespmem:s14+$0x10170]  }
0x1b6: {  	v17 =	vld [tilespmem:s14+$0x8500]  }
0x1b7: {  	v18 =	vld [tilespmem:s14+$0x10500]  }
0x1b8: {  	v19 =	vld [tilespmem:s14+$0x8510]  }
0x1b9: {  	v20 =	vld [tilespmem:s14+$0x10510]  }
0x1ba: {  	v21 =	vld [tilespmem:s14+$0x8520]  }
0x1bb: {  	v22 =	vld [tilespmem:s14+$0x10520]  }
0x1bc: {  	v23 =	vld [tilespmem:s14+$0x8530]  }
0x1bd: {  	v24 =	vld [tilespmem:s14+$0x10530]  }
0x1be: {  	v25 =	vld [tilespmem:s14+$0x8540]  }
0x1bf: {  	v26 =	vld [tilespmem:s14+$0x10540]  }
0x1c0: {  	v27 =	vld [tilespmem:s14+$0x8550]  }
0x1c1: {  	v28 =	vld [tilespmem:s14+$0x10550]  }
0x1c2: {  	v29 =	vld [tilespmem:s14+$0x8560]  }
0x1c3: {  	v30 =	vld [tilespmem:s14+$0x10560];
	v0 =	vsub.f32 v0, v1  }
0x1c4: {  	v31 =	vld [tilespmem:s14+$0x8570];
	v2 =	vsub.f32 v2, v4  }
0x1c5: {  	v32 =	vld [tilespmem:s14+$0x10570];
	v5 =	vsub.f32 v5, v6;
	v0 =	vmul.f32 v0, v3  }
0x1c6: {  	v33 =	vld [tilespmem:s14+$0x8900];
	v7 =	vsub.f32 v7, v8;
	v57 =	vsub.f32 v9, v10;
	v2 =	vmul.f32 v2, v3  }
0x1c7: {  	v34 =	vld [tilespmem:s14+$0x8920];
	v59 =	vsub.f32 v11, v12;
	v56 =	vmul.f32 v5, v3;
	v0 =	vadd.f32 v0, v1  }
0x1c8: {  	v41 =	vld [tilespmem:s14+$0x8930];
	v62 =	vsub.f32 v13, v14;
	v58 =	vmul.f32 v7, v3;
	v2 =	vadd.f32 v2, v4  }
0x1c9: {  	v48 =	vld [tilespmem:s14+$0x8940];
	v15 =	vsub.f32 v15, v16;
	v61 =	vmul.f32 v57, v3;
	v60 =	vadd.f32 v56, v6;
	[tilespmem:s14+$0x14100] =	vst v0  }
0x1ca: {  	v52 =	vld [tilespmem:s14+$0x10940];
	v37 =	vsub.f32 v17, v18;
	v13 =	vmul.f32 v59, v3;
	v63 =	vadd.f32 v58, v8;
	[tilespmem:s14+$0x14110] =	vst v2  }
0x1cb: {  	v9 =	vld [tilespmem:s14+$0x10900];
	v40 =	vsub.f32 v19, v20;
	v36 =	vmul.f32 v62, v3;
	v35 =	vadd.f32 v61, v10;
	[tilespmem:s14+$0x14120] =	vst v60  }
0x1cc: {  	v11 =	vld [tilespmem:s14+$0x8910];
	v44 =	vsub.f32 v21, v22;
	v39 =	vmul.f32 v15, v3;
	v38 =	vadd.f32 v13, v12;
	[tilespmem:s14+$0x14130] =	vst v63  }
0x1cd: {  	v47 =	vsub.f32 v23, v24;
	v21 =	vld [tilespmem:s14+$0x8960];
	v43 =	vmul.f32 v37, v3;
	v42 =	vadd.f32 v36, v14;
	[tilespmem:s14+$0x14140] =	vst v35  }
0x1ce: {  	v51 =	vsub.f32 v25, v26;
	v25 =	vld [tilespmem:s14+$0x10960];
	v46 =	vmul.f32 v40, v3;
	v45 =	vadd.f32 v39, v16;
	[tilespmem:s14+$0x14150] =	vst v38  }
0x1cf: {  	v50 =	vmul.f32 v44, v3;
	v6 =	vld [tilespmem:s14+$0x10910];
	v49 =	vadd.f32 v43, v18;
	[tilespmem:s14+$0x14160] =	vst v42  }
0x1d0: {  	v55 =	vsub.f32 v27, v28;
	v54 =	vmul.f32 v47, v3;
	v10 =	vld [tilespmem:s14+$0x10920];
	v53 =	vadd.f32 v46, v20;
	[tilespmem:s14+$0x14170] =	vst v45  }
0x1d1: {  	v59 =	vsub.f32 v29, v30;
	v13 =	vld [tilespmem:s14+$0x10930];
	v57 =	vadd.f32 v50, v22;
	v58 =	vmul.f32 v51, v3;
	[tilespmem:s14+$0x14500] =	vst v49  }
0x1d2: {  	v62 =	vmul.f32 v55, v3;
	v56 =	vld [tilespmem:s14+$0x8950];
	v61 =	vadd.f32 v54, v24;
	v24 =	vsub.f32 v33, v9;
	[tilespmem:s14+$0x14510] =	vst v53  }
0x1d3: {  	v23 =	vmul.f32 v59, v3;
	v60 =	vld [tilespmem:s14+$0x10950];
	v63 =	vsub.f32 v31, v32;
	[tilespmem:s14+$0x14520] =	vst v57;
	v22 =	vadd.f32 v58, v26  }
0x1d4: {  	v29 =	vld [tilespmem:s14+$0x8970];
	[tilespmem:s14+$0x14530] =	vst v61;
	v26 =	vadd.f32 v62, v28;
	v33 =	vmul.f32 v24, v3;
	v28 =	vsub.f32 v11, v6  }
0x1d5: {  	v31 =	vadd.f32 v23, v30;
	v35 =	vld [tilespmem:s14+$0x10970];
	v27 =	vmul.f32 v63, v3;
	[tilespmem:s14+$0x14540] =	vst v22;
	v34 =	vsub.f32 v34, v10  }
0x1d6: {  	[tilespmem:s14+$0x14550] =	vst v26;
	v38 =	vsub.f32 v41, v13;
	v39 =	vadd.f32 v33, v9;
	v37 =	vmul.f32 v28, v3  }
0x1d7: {  	[tilespmem:s14+$0x14560] =	vst v31;
	v41 =	vsub.f32 v48, v52;
	v36 =	vadd.f32 v27, v32;
	v40 =	vmul.f32 v34, v3  }
0x1d8: {  	v43 =	vmul.f32 v38, v3;
	v44 =	vsub.f32 v56, v60;
	[tilespmem:s14+$0x14900] =	vst v39;
	v42 =	vadd.f32 v37, v6  }
0x1d9: {  	v47 =	vsub.f32 v21, v25;
	v46 =	vmul.f32 v41, v3;
	[tilespmem:s14+$0x14570] =	vst v36;
	v45 =	vadd.f32 v40, v10  }
0x1da: {  	v50 =	vsub.f32 v29, v35;
	v48 =	vadd.f32 v43, v13;
	v49 =	vmul.f32 v44, v3;
	[tilespmem:s14+$0x14910] =	vst v42  }
0x1db: {  	v51 =	vadd.f32 v46, v52;
	v52 =	vmul.f32 v47, v3;
	[tilespmem:s14+$0x14920] =	vst v45  }
0x1dc: {  	v54 =	vmul.f32 v50, v3;
	[tilespmem:s14+$0x14930] =	vst v48;
	v53 =	vadd.f32 v49, v60  }
0x1dd: {  	[tilespmem:s14+$0x14940] =	vst v51;
	v55 =	vadd.f32 v52, v25  }
0x1de: {  	s16 =	sand.u32 $0xFFFFF000, s7;
	v56 =	vadd.f32 v54, v35;
	[tilespmem:s14+$0x14950] =	vst v53  }
0x1df: {  	s9 =	sadd.s32 s16, s5;
	[tilespmem:s14+$0x14960] =	vst v55  }
0x1e0: {  	s17 =	sor.u32 $0x4C00, s9;
	[tilespmem:s14+$0x14970] =	vst v56  }
0x1e1: {  	v0 =	vld [tilespmem:s17+$0x4100]  }
0x1e2: {  	v1 =	vld [tilespmem:s17+$0xC100];
	_ =	sdelay $0x4  }
0x1e3: {  	v0 =	vsub.f32 v0, v1;
	_ =	sdelay $0x1  }
0x1e4: {  	v0 =	vmul.f32 v0, v3;
	_ =	sdelay $0x1  }
0x1e5: {  	v0 =	vadd.f32 v0, v1;
	_ =	sdelay $0x1  }
0x1e6: {  	s16 =	sor.u32 $0x4C10, s9;
	[tilespmem:s14+$0x14D00] =	vst v0  }
0x1e7: {  	v0 =	vld [tilespmem:s16+$0x4100]  }
0x1e8: {  	v57 =	vld [tilespmem:s16+$0xC100];
	_ =	sdelay $0x4  }
0x1e9: {  	v0 =	vsub.f32 v0, v57;
	_ =	sdelay $0x1  }
0x1ea: {  	v0 =	vmul.f32 v0, v3;
	_ =	sdelay $0x1  }
0x1eb: {  	v0 =	vadd.f32 v0, v57;
	_ =	sdelay $0x1  }
0x1ec: {  	s17 =	sor.u32 $0x4C20, s9;
	[tilespmem:s14+$0x14D10] =	vst v0  }
0x1ed: {  	v0 =	vld [tilespmem:s17+$0x4100]  }
0x1ee: {  	v58 =	vld [tilespmem:s17+$0xC100];
	_ =	sdelay $0x4  }
0x1ef: {  	v0 =	vsub.f32 v0, v58;
	_ =	sdelay $0x1  }
0x1f0: {  	v0 =	vmul.f32 v0, v3;
	_ =	sdelay $0x1  }
0x1f1: {  	v0 =	vadd.f32 v0, v58;
	_ =	sdelay $0x1  }
0x1f2: {  	s16 =	sor.u32 $0x4C30, s9;
	[tilespmem:s14+$0x14D20] =	vst v0  }
0x1f3: {  	v0 =	vld [tilespmem:s16+$0x4100]  }
0x1f4: {  	v59 =	vld [tilespmem:s16+$0xC100];
	_ =	sdelay $0x4  }
0x1f5: {  	v0 =	vsub.f32 v0, v59;
	_ =	sdelay $0x1  }
0x1f6: {  	v0 =	vmul.f32 v0, v3;
	_ =	sdelay $0x1  }
0x1f7: {  	v0 =	vadd.f32 v0, v59;
	_ =	sdelay $0x1  }
0x1f8: {  	s17 =	sor.u32 $0x4C40, s9;
	[tilespmem:s14+$0x14D30] =	vst v0  }
0x1f9: {  	v0 =	vld [tilespmem:s17+$0x4100]  }
0x1fa: {  	v60 =	vld [tilespmem:s17+$0xC100];
	_ =	sdelay $0x4  }
0x1fb: {  	v0 =	vsub.f32 v0, v60;
	_ =	sdelay $0x1  }
0x1fc: {  	v0 =	vmul.f32 v0, v3;
	_ =	sdelay $0x1  }
0x1fd: {  	v0 =	vadd.f32 v0, v60;
	_ =	sdelay $0x1  }
0x1fe: {  	s16 =	sor.u32 $0x4C50, s9;
	[tilespmem:s14+$0x14D40] =	vst v0  }
0x1ff: {  	v0 =	vld [tilespmem:s16+$0x4100]  }
0x200: {  	v61 =	vld [tilespmem:s16+$0xC100];
	_ =	sdelay $0x4  }
0x201: {  	v0 =	vsub.f32 v0, v61;
	_ =	sdelay $0x1  }
0x202: {  	v0 =	vmul.f32 v0, v3;
	_ =	sdelay $0x1  }
0x203: {  	v0 =	vadd.f32 v0, v61;
	_ =	sdelay $0x1  }
0x204: {  	s17 =	sor.u32 $0x4C60, s9;
	[tilespmem:s14+$0x14D50] =	vst v0  }
0x205: {  	v0 =	vld [tilespmem:s17+$0x4100]  }
0x206: {  	v62 =	vld [tilespmem:s17+$0xC100];
	_ =	sdelay $0x4  }
0x207: {  	v0 =	vsub.f32 v0, v62;
	_ =	sdelay $0x1  }
0x208: {  	v0 =	vmul.f32 v0, v3;
	_ =	sdelay $0x1  }
0x209: {  	v0 =	vadd.f32 v0, v62;
	_ =	sdelay $0x1  }
0x20a: {  	s9 =	sor.u32 $0x4C70, s9;
	[tilespmem:s14+$0x14D60] =	vst v0  }
0x20b: {  	v0 =	vld [tilespmem:s9+$0x4100]  }
0x20c: {  	v63 =	vld [tilespmem:s9+$0xC100];
	_ =	sdelay $0x4  }
0x20d: {  	v0 =	vsub.f32 v0, v63  }
0x20e: {  	p0 =	sne.s32 s7, $0x3E00  }
.Ltmp1:
0x20f: {  	v0 =	vmul.f32 v0, v3;
	(pc) =	sbr.rel @p0 .LBB2_4-.Ltmp1, $3  }
0x210: {  	_ = 	snop  }
0x211: {  	v0 =	vadd.f32 v0, v63;
	_ =	sdelay $0x1  }
0x212: {  	s7 =	sadd.s32 $0x200, s7;
	s5 =	sadd.s32 $0x80, s5;
	[tilespmem:s14+$0x14D70] =	vst v0  }
0x213: {  	s14 =	simm.s32 $0x0;
	s5 =	rddreg [dreg:$0x6]  }
0x214: {  	[hbm4b:s5+s14] =	stream.linear.scatter [tilespmem:s31], [sflag:$0x2], $0x4000, $0x38;
	[tilespmem:$0x18100] =	vst v63  }
0x215: {  	_ =	swait.ge [sflag:s1], $0x4000  }
0x216: {  	[sflag:s1] =	ssyncset.done $0x0  }
0x217: {  	[sflag:s1] =	ssyncadd.s32 $0xFFFFC000  }
0x218: {  	_ =	swait.ge [sflag:s1], $0x4000  }
0x219: {  	[sflag:s1] =	ssyncset.done $0x0  }
0x21a: {  	[sflag:s1] =	ssyncadd.s32 $0xFFFFC000  }
0x21b: {  	v0 =	vld [tilespmem:$0x60];
	_ =	sdelay $0x2  }
0x21c: {  	v2 =	vld [tilespmem:$0x1FFD0];
	_ =	sdelay $0x1  }
0x21d: {  	v3 =	vld [tilespmem:$0x1FFE0];
	v1 =	vshll.u32 v0, $0x2  }
0x21e: {  	v0 =	vand.u32 $0x7, v0;
	v1 =	vand.u32 $0xFFFFFFE0, v1  }
0x21f: {  	v4 =	vld [tilespmem:$0x1FFF0];
	v0 =	vor.u32 v0, v1  }
0x220: {  	v1 =	vperm.xlane v0, v2;
	_ =	sdelay $0x1  }
0x221: {  	v1 =	vadd.s32 v3, v1;
	_ =	sdelay $0x1  }
0x222: {  	v0 =	vperm.xlane v0, v4;
	_ =	sdelay $0x1  }
0x223: {  	s7 =	simm.s32 $0x8100;
	v0 =	vadd.s32 v3, v0  }
0x224: {  	[tilespmem:s7], [sflag:$0x1] =	stream.indirect_vreg.gather [hbm4b:s3+s14], $0x80, v1, vm0, $0xb8;
	[tilespmem:$0x18100] =	vst v63  }
0x225: {  	s9 =	simm.s32 $0x8900  }
0x226: {  	[tilespmem:s9], [sflag:$0x1] =	stream.indirect_vreg.gather [hbm4b:s8+s14], $0x80, v1, vm0, $0xb8;
	[tilespmem:$0x18100] =	vst v63  }
0x227: {  	s15 =	simm.s32 $0x9100  }
0x228: {  	[tilespmem:s15], [sflag:$0x1] =	stream.indirect_vreg.gather [hbm4b:s3+s14], $0x80, v0, vm0, $0xb8;
	[tilespmem:$0x18100] =	vst v63  }
0x229: {  	s16 =	simm.s32 $0x9900  }
0x22a: {  	[tilespmem:s16], [sflag:$0x1] =	stream.indirect_vreg.gather [hbm4b:s8+s14], $0x80, v0, vm0, $0xb8;
	[tilespmem:$0x18100] =	vst v63  }
0x22b: {  	v0 =	vld [tilespmem:$0x70];
	_ =	sdelay $0x4  }
0x22c: {  	v1 =	vshll.u32 v0, $0x2  }
0x22d: {  	v0 =	vand.u32 $0x7, v0;
	v1 =	vand.u32 $0xFFFFFFE0, v1  }
0x22e: {  	v0 =	vor.u32 v0, v1  }
0x22f: {  	v1 =	vperm.xlane v0, v2;
	_ =	sdelay $0x1  }
0x230: {  	v1 =	vadd.s32 v3, v1;
	_ =	sdelay $0x1  }
0x231: {  	v0 =	vperm.xlane v0, v4;
	_ =	sdelay $0x1  }
0x232: {  	v0 =	vadd.s32 v3, v0  }
0x233: {  	[tilespmem:s18], [sflag:$0x1] =	stream.indirect_vreg.gather [hbm4b:s3+s14], $0x80, v1, vm0, $0xb8;
	[tilespmem:$0x18100] =	vst v63  }
0x234: {  	_ = 	snop  }
0x235: {  	[tilespmem:s19], [sflag:$0x1] =	stream.indirect_vreg.gather [hbm4b:s8+s14], $0x80, v1, vm0, $0xb8;
	[tilespmem:$0x18100] =	vst v63  }
0x236: {  	_ = 	snop  }
0x237: {  	[tilespmem:s20], [sflag:$0x1] =	stream.indirect_vreg.gather [hbm4b:s3+s14], $0x80, v0, vm0, $0xb8;
	[tilespmem:$0x18100] =	vst v63  }
0x238: {  	_ = 	snop  }
0x239: {  	[tilespmem:s21], [sflag:$0x1] =	stream.indirect_vreg.gather [hbm4b:s8+s14], $0x80, v0, vm0, $0xb8;
	[tilespmem:$0x18100] =	vst v63  }
0x23a: {  	v0 =	vld [tilespmem:$0xE0];
	_ =	sdelay $0x4  }
0x23b: {  	v1 =	vshll.u32 v0, $0x2  }
0x23c: {  	v0 =	vand.u32 $0x7, v0;
	v1 =	vand.u32 $0xFFFFFFE0, v1  }
0x23d: {  	v0 =	vor.u32 v0, v1  }
0x23e: {  	v1 =	vperm.xlane v0, v2;
	_ =	sdelay $0x1  }
0x23f: {  	v1 =	vadd.s32 v3, v1;
	_ =	sdelay $0x1  }
0x240: {  	v0 =	vperm.xlane v0, v4;
	_ =	sdelay $0x1  }
0x241: {  	v0 =	vadd.s32 v3, v0  }
0x242: {  	[tilespmem:s22], [sflag:$0x1] =	stream.indirect_vreg.gather [hbm4b:s3+s14], $0x80, v1, vm0, $0xb8;
	[tilespmem:$0x18100] =	vst v63  }
0x243: {  	_ = 	snop  }
0x244: {  	[tilespmem:s23], [sflag:$0x1] =	stream.indirect_vreg.gather [hbm4b:s8+s14], $0x80, v1, vm0, $0xb8;
	[tilespmem:$0x18100] =	vst v63  }
0x245: {  	_ = 	snop  }
0x246: {  	[tilespmem:s24], [sflag:$0x1] =	stream.indirect_vreg.gather [hbm4b:s3+s14], $0x80, v0, vm0, $0xb8;
	[tilespmem:$0x18100] =	vst v63  }
0x247: {  	_ = 	snop  }
0x248: {  	[tilespmem:s25], [sflag:$0x1] =	stream.indirect_vreg.gather [hbm4b:s8+s14], $0x80, v0, vm0, $0xb8;
	[tilespmem:$0x18100] =	vst v63  }
0x249: {  	v0 =	vld [tilespmem:$0xF0];
	_ =	sdelay $0x4  }
0x24a: {  	v1 =	vshll.u32 v0, $0x2  }
0x24b: {  	v0 =	vand.u32 $0x7, v0;
	v1 =	vand.u32 $0xFFFFFFE0, v1  }
0x24c: {  	v0 =	vor.u32 v0, v1  }
0x24d: {  	v1 =	vperm.xlane v0, v2;
	_ =	sdelay $0x1  }
0x24e: {  	v1 =	vadd.s32 v3, v1;
	_ =	sdelay $0x1  }
0x24f: {  	v0 =	vperm.xlane v0, v4;
	_ =	sdelay $0x1  }
0x250: {  	v0 =	vadd.s32 v3, v0  }
0x251: {  	[tilespmem:s26], [sflag:$0x1] =	stream.indirect_vreg.gather [hbm4b:s3+s14], $0x80, v1, vm0, $0xb8;
	[tilespmem:$0x18100] =	vst v63  }
0x252: {  	_ = 	snop  }
0x253: {  	[tilespmem:s28], [sflag:$0x1] =	stream.indirect_vreg.gather [hbm4b:s8+s14], $0x80, v1, vm0, $0xb8;
	[tilespmem:$0x18100] =	vst v63  }
0x254: {  	_ = 	snop  }
0x255: {  	[tilespmem:s29], [sflag:$0x1] =	stream.indirect_vreg.gather [hbm4b:s3+s14], $0x80, v0, vm0, $0xb8;
	[tilespmem:$0x18100] =	vst v63  }
0x256: {  	_ = 	snop  }
0x257: {  	[tilespmem:s30], [sflag:$0x1] =	stream.indirect_vreg.gather [hbm4b:s8+s14], $0x80, v0, vm0, $0xb8;
	[tilespmem:$0x18100] =	vst v63  }
0x258: {  	_ =	swait.ge [sflag:s4], $0x4000  }
0x259: {  	s17 =	sand.u32 $0x3000, s14;
	s7 =	sand.u32 $0x380, s14;
	[sflag:s4] =	ssyncset.done $0x0  }
0x25a: {  	s5 =	sor.u32 s7, s17;
	[sflag:s4] =	ssyncadd.s32 $0xFFFFC000  }
0x25b: {  	v8 =	vld [tilespmem:s5+$0x4100]  }
0x25c: {  	v5 =	vld [tilespmem:s5+$0xC100]  }
0x25d: {  	v7 =	vld [tilespmem:s5+$0x4110]  }
0x25e: {  	v9 =	vld [tilespmem:s5+$0xC110]  }
0x25f: {  	v15 =	vld [tilespmem:s5+$0x4120]  }
0x260: {  	v31 =	vld [tilespmem:s5+$0xC120]  }
0x261: {  	v24 =	vld [tilespmem:s5+$0x4130]  }
0x262: {  	v4 =	vld [tilespmem:s5+$0xC130]  }
0x263: {  	v29 =	vld [tilespmem:s5+$0x4140]  }
0x264: {  	v26 =	vld [tilespmem:s5+$0xC140]  }
0x265: {  	v30 =	vld [tilespmem:s5+$0x4150]  }
0x266: {  	v12 =	vld [tilespmem:s5+$0xC150]  }
0x267: {  	v0 =	vld [tilespmem:s5+$0x4160]  }
0x268: {  	v37 =	vld [tilespmem:s5+$0xC160]  }
0x269: {  	v35 =	vld [tilespmem:s5+$0x4170]  }
0x26a: {  	v54 =	vld [tilespmem:s5+$0xC170]  }
0x26b: {  	v36 =	vld [tilespmem:s5+$0x4500]  }
0x26c: {  	v55 =	vld [tilespmem:s5+$0xC500]  }
0x26d: {  	v50 =	vld [tilespmem:s5+$0x4510]  }
0x26e: {  	v10 =	vld [tilespmem:s5+$0xC510]  }
0x26f: {  	v52 =	vld [tilespmem:s5+$0x4520]  }
0x270: {  	v14 =	vld [tilespmem:s5+$0xC520]  }
0x271: {  	v53 =	vld [tilespmem:s5+$0x4530]  }
0x272: {  	v17 =	vld [tilespmem:s5+$0xC530]  }
0x273: {  	v19 =	vld [tilespmem:s5+$0x4540]  }
0x274: {  	v2 =	vld [tilespmem:s5+$0xC540]  }
0x275: {  	v1 =	vld [tilespmem:s5+$0x4550]  }
0x276: {  	v13 =	vld [tilespmem:s5+$0xC550]  }
0x277: {  	v21 =	vld [tilespmem:s5+$0x4560]  }
0x278: {  	v33 =	vld [tilespmem:s5+$0xC560]  }
0x279: {  	v39 =	vld [tilespmem:s5+$0x4570]  }
0x27a: {  	v6 =	vld [tilespmem:s5+$0xC570]  }
0x27b: {  	v40 =	vld [tilespmem:s5+$0x4900]  }
0x27c: {  	v22 =	vld [tilespmem:s5+$0xC900]  }
0x27d: {  	v46 =	vld [tilespmem:s5+$0x4910]  }
0x27e: {  	v18 =	vld [tilespmem:s5+$0xC910]  }
0x27f: {  	v47 =	vld [tilespmem:s5+$0x4920]  }
0x280: {  	v23 =	vld [tilespmem:s5+$0xC920]  }
0x281: {  	v51 =	vld [tilespmem:s5+$0x4930]  }
0x282: {  	v25 =	vld [tilespmem:s5+$0xC930]  }
0x283: {  	v43 =	vld [tilespmem:s5+$0x4940]  }
0x284: {  	v20 =	vld [tilespmem:s5+$0xC940]  }
0x285: {  	v48 =	vld [tilespmem:s5+$0x4950]  }
0x286: {  	v38 =	vld [tilespmem:s5+$0xC950]  }
0x287: {  	v44 =	vld [tilespmem:s5+$0x4960]  }
0x288: {  	v3 =	vld [tilespmem:s5+$0xC960]  }
0x289: {  	v49 =	vld [tilespmem:s5+$0x4970]  }
0x28a: {  	v16 =	vld [tilespmem:s5+$0xC970]  }
0x28b: {  	v41 =	vld [tilespmem:s5+$0x4D00]  }
0x28c: {  	v27 =	vld [tilespmem:s5+$0xCD00]  }
0x28d: {  	v45 =	vld [tilespmem:s5+$0x4D10]  }
0x28e: {  	v32 =	vld [tilespmem:s5+$0xCD10]  }
0x28f: {  	v42 =	vld [tilespmem:s5+$0x4D20]  }
0x290: {  	v11 =	vld [tilespmem:s5+$0xCD20];
	v63 =	vsub.f32 v8, v5;
	v62 =	vsub.f32 v7, v9  }
0x291: {  	v34 =	vmov v5;
	v61 =	vsub.f32 v15, v31;
	v60 =	vsub.f32 v24, v4;
	v5 =	vld [tilespmem:s5+$0x4D30]  }
0x292: {  	v59 =	vsub.f32 v29, v26;
	v24 =	vmovc v12;
	v58 =	vsub.f32 v30, v12;
	v12 =	vmov v18;
	v18 =	vld [tilespmem:s5+$0xCD30]  }
0x293: {  	v8 =	vmovc v4;
	v4 =	vmovc v27;
	v27 =	vmov v37;
	v57 =	vsub.f32 v0, v37;
	v37 =	vsub.f32 v35, v54;
	v35 =	vld [tilespmem:s5+$0x4D40]  }
0x294: {  	v29 =	vmovc v10;
	v28 =	vmov v54;
	v56 =	vsub.f32 v36, v55;
	v0 =	vld [tilespmem:s5+$0xCD40];
	v54 =	vsub.f32 v53, v17  }
0x295: {  	v7 =	vmovc v26;
	v10 =	vmovc v55;
	v15 =	vmov v14;
	v36 =	vld [tilespmem:s5+$0x4D50];
	v53 =	vsub.f32 v19, v2;
	v55 =	vsub.f32 v50, v29  }
0x296: {  	s7 =	simm.s32 $0x200;
	s15 =	simm.s32 $0x0;
	v26 =	vmovc v13;
	v50 =	vsub.f32 v52, v14;
	v14 =	vmovc v16;
	v16 =	vmov v2;
	v52 =	vsub.f32 v1, v13;
	v1 =	vld [tilespmem:s5+$0xCD50]  }
.LBB2_6:
0x297: {  	v19 =	vmov v25;
	v25 =	vmov v22  }
0x298: {  	v13 =	vsub.f32 v40, v25;
	_ =	sdelay $0x1  }
0x299: {  	s15 =	sadd.s32 $0x80, s15;
	v48 =	vsub.f32 v48, v38;
	[tilespmem:$0x1FDD0] =	vst v13;
	v13 =	vsub.f32 v46, v12  }
0x29a: {  	s16 =	sand.u32 $0x3000, s7;
	s17 =	sand.u32 $0x380, s15;
	v46 =	vsub.f32 v43, v20;
	v43 =	vmovc v12;
	v12 =	vmovc v38;
	v38 =	vmov v0;
	v0 =	vsub.f32 v35, v0  }
0x29b: {  	s16 =	sor.u32 s17, s16  }
0x29c: {  	[tilespmem:$0x1FE20] =	vst v0;
	v0 =	vld [tilespmem:s16+$0xC110];
	_ =	sdelay $0x4  }
0x29d: {  	[tilespmem:$0x1FE30] =	vst v0;
	v0 =	vld [tilespmem:s16+$0x4120];
	_ =	sdelay $0x4  }
0x29e: {  	[tilespmem:$0x1FE80] =	vst v0;
	v0 =	vld [tilespmem:s16+$0xC120];
	_ =	sdelay $0x1  }
0x29f: {  	v2 =	vsub.f32 v21, v33;
	v21 =	vmov v31;
	v31 =	vld [tilespmem:s5+$0xCD60]  }
0x2a0: {  	s9 =	sshra.s32 s14, $0x2;
	v47 =	vsub.f32 v47, v23;
	[tilespmem:$0x1FDF0] =	vst v20;
	v44 =	vsub.f32 v44, v3;
	v20 =	vmovc v23;
	v23 =	vmov v3;
	v3 =	vld [tilespmem:s16+$0x4100]  }
0x2a1: {  	[tilespmem:$0x1FDB0] =	vst v2;
	v2 =	vsub.f32 v39, v6;
	v40 =	vld [tilespmem:s9+$0x2100]  }
0x2a2: {  	[tilespmem:$0x1FE40] =	vst v0;
	v0 =	vld [tilespmem:s16+$0x4130]  }
0x2a3: {  	[tilespmem:$0x1FDC0] =	vst v2;
	v2 =	vld [tilespmem:s5+$0x4D60]  }
0x2a4: {  	v36 =	vsub.f32 v36, v1;
	v35 =	vmov v1;
	v1 =	vld [tilespmem:$0x1FDC0]  }
0x2a5: {  	[tilespmem:$0x1FE60] =	vst v3;
	v3 =	vld [tilespmem:s16+$0x4110]  }
0x2a6: {  	[tilespmem:$0x1FE10] =	vst v4  }
0x2a7: {  	v63 =	vmul.f32 v63, v40;
	[tilespmem:$0x1FEA0] =	vst v0;
	v0 =	vld [tilespmem:s16+$0xC130]  }
0x2a8: {  	v41 =	vsub.f32 v41, v4;
	v45 =	vsub.f32 v45, v32;
	[tilespmem:$0x1FE50] =	vst v31  }
0x2a9: {  	v4 =	vld [tilespmem:s16+$0xC100];
	[tilespmem:$0x1FDE0] =	vst v13;
	v62 =	vmul.f32 v62, v40;
	v63 =	vadd.f32 v63, v34;
	v1 =	vmul.f32 v1, v40  }
0x2aa: {  	v2 =	vsub.f32 v2, v31;
	v61 =	vmul.f32 v61, v40;
	v60 =	vmul.f32 v60, v40;
	[tilespmem:$0x1FE70] =	vst v3  }
0x2ab: {  	v13 =	vmov v32;
	v32 =	vadd.f32 v62, v9;
	v1 =	vadd.f32 v1, v6;
	v6 =	vld [tilespmem:$0x1FDE0];
	[tilespmem:s5+$0x14100] =	vst v63  }
0x2ac: {  	v58 =	vmul.f32 v58, v40;
	v34 =	vmul.f32 v59, v40;
	v31 =	vadd.f32 v61, v21;
	v3 =	vld [tilespmem:$0x1FDD0];
	[tilespmem:$0x1FE90] =	vst v0  }
0x2ad: {  	v57 =	vmul.f32 v57, v40;
	v60 =	vadd.f32 v60, v8;
	v0 =	vld [tilespmem:s16+$0x4140];
	[tilespmem:s5+$0x14110] =	vst v32  }
0x2ae: {  	v59 =	vmov v4;
	v62 =	vadd.f32 v58, v24;
	v4 =	vadd.f32 v34, v7;
	v24 =	vld [tilespmem:s16+$0xC140];
	[tilespmem:s5+$0x14120] =	vst v31  }
0x2af: {  	v37 =	vmul.f32 v37, v40;
	v31 =	vadd.f32 v57, v27;
	v27 =	vld [tilespmem:s16+$0x4150];
	[tilespmem:s5+$0x14130] =	vst v60  }
0x2b0: {  	v56 =	vmul.f32 v56, v40;
	v58 =	vld [tilespmem:s16+$0xC150];
	[tilespmem:s5+$0x14140] =	vst v4  }
0x2b1: {  	v8 =	vadd.f32 v37, v28;
	v28 =	vld [tilespmem:s16+$0x4160];
	[tilespmem:s5+$0x14150] =	vst v62  }
0x2b2: {  	v9 =	vadd.f32 v56, v10;
	v57 =	vld [tilespmem:s16+$0xC160];
	[tilespmem:s5+$0x14160] =	vst v31  }
0x2b3: {  	v37 =	vld [tilespmem:s16+$0x4170];
	[tilespmem:s5+$0x14170] =	vst v8  }
0x2b4: {  	v56 =	vld [tilespmem:s16+$0xC170];
	[tilespmem:s5+$0x14500] =	vst v9  }
0x2b5: {  	v21 =	vmul.f32 v6, v40;
	v6 =	vld [tilespmem:s16+$0x4500];
	_ =	sdelay $0x3  }
0x2b6: {  	[tilespmem:$0x1FE00] =	vst v14;
	v55 =	vmul.f32 v55, v40  }
0x2b7: {  	v22 =	vmov v33;
	v49 =	vsub.f32 v49, v14;
	v3 =	vmul.f32 v3, v40;
	[tilespmem:$0x1FEC0] =	vst v6;
	v6 =	vld [tilespmem:$0x1FDF0]  }
0x2b8: {  	v42 =	vsub.f32 v42, v11;
	v10 =	vadd.f32 v55, v29;
	v7 =	vmul.f32 v50, v40;
	[tilespmem:$0x1FEB0] =	vst v0;
	v0 =	vld [tilespmem:$0x1FDB0]  }
0x2b9: {  	v39 =	vld [tilespmem:s5+$0xCD70];
	v14 =	vmovc v11;
	v54 =	vmul.f32 v54, v40;
	v11 =	vmul.f32 v53, v40;
	v3 =	vadd.f32 v3, v25  }
0x2ba: {  	v33 =	vld [tilespmem:s5+$0x4D70];
	v25 =	vmul.f32 v47, v40;
	v4 =	vadd.f32 v7, v15;
	[tilespmem:s5+$0x14510] =	vst v10;
	v10 =	vmul.f32 v46, v40  }
0x2bb: {  	v11 =	vadd.f32 v11, v16;
	v63 =	vmul.f32 v52, v40;
	v15 =	vadd.f32 v54, v17;
	v29 =	vld [tilespmem:s16+$0xC500]  }
0x2bc: {  	[tilespmem:s5+$0x14520] =	vst v4;
	v4 =	vadd.f32 v25, v20;
	v20 =	vadd.f32 v10, v6;
	v6 =	vld [tilespmem:$0x1FE00]  }
0x2bd: {  	v17 =	vadd.f32 v63, v26;
	v0 =	vmul.f32 v0, v40;
	v55 =	vld [tilespmem:s16+$0x4510];
	[tilespmem:s5+$0x14530] =	vst v15  }
0x2be: {  	v54 =	vld [tilespmem:s16+$0xC510];
	[tilespmem:s5+$0x14540] =	vst v11  }
0x2bf: {  	v51 =	vsub.f32 v51, v19;
	v15 =	vmul.f32 v49, v40;
	v0 =	vadd.f32 v0, v22;
	v50 =	vld [tilespmem:s16+$0x4520];
	[tilespmem:s5+$0x14550] =	vst v17  }
0x2c0: {  	v30 =	vmov v18;
	v5 =	vsub.f32 v5, v18;
	v17 =	vld [tilespmem:s16+$0xC520]  }
0x2c1: {  	v26 =	vmul.f32 v51, v40;
	[tilespmem:s5+$0x14560] =	vst v0;
	v16 =	vadd.f32 v15, v6;
	v15 =	vmul.f32 v42, v40;
	v6 =	vld [tilespmem:$0x1FE20]  }
0x2c2: {  	v5 =	vmul.f32 v5, v40;
	v21 =	vadd.f32 v21, v43;
	v25 =	vmul.f32 v44, v40;
	v53 =	vld [tilespmem:s16+$0x4530];
	[tilespmem:s5+$0x14570] =	vst v1  }
0x2c3: {  	v19 =	vadd.f32 v26, v19;
	v1 =	vadd.f32 v15, v14;
	v14 =	vmul.f32 v36, v40;
	v36 =	vld [tilespmem:s16+$0xC530];
	[tilespmem:s5+$0x14900] =	vst v3  }
0x2c4: {  	v18 =	vadd.f32 v25, v23;
	v25 =	vmul.f32 v45, v40;
	v22 =	vmul.f32 v48, v40;
	v26 =	vld [tilespmem:s16+$0x4540];
	[tilespmem:s5+$0x14910] =	vst v21  }
0x2c5: {  	v5 =	vadd.f32 v5, v30;
	v30 =	vld [tilespmem:s16+$0xC540]  }
0x2c6: {  	v22 =	vadd.f32 v22, v12;
	v12 =	vadd.f32 v25, v13;
	v13 =	vmul.f32 v6, v40;
	v6 =	vld [tilespmem:$0x1FE30]  }
0x2c7: {  	[tilespmem:s5+$0x14920] =	vst v4;
	v4 =	vld [tilespmem:$0x1FE50]  }
0x2c8: {  	v33 =	vsub.f32 v33, v39  }
0x2c9: {  	v0 =	vld [tilespmem:$0x1FE10]  }
0x2ca: {  	v2 =	vmul.f32 v2, v40;
	v52 =	vld [tilespmem:s16+$0x4550];
	v3 =	vadd.f32 v13, v38;
	v13 =	vmul.f32 v33, v40  }
0x2cb: {  	[tilespmem:s5+$0x14930] =	vst v19;
	v9 =	vmov v6;
	v6 =	vld [tilespmem:$0x1FE40]  }
0x2cc: {  	v2 =	vadd.f32 v2, v4;
	v4 =	vadd.f32 v13, v39;
	v13 =	vld [tilespmem:s16+$0xC550];
	[tilespmem:s5+$0x14940] =	vst v20  }
0x2cd: {  	v23 =	vmul.f32 v41, v40;
	v21 =	vld [tilespmem:s16+$0x4560];
	[tilespmem:s5+$0x14950] =	vst v22  }
0x2ce: {  	v33 =	vld [tilespmem:s16+$0xC560];
	[tilespmem:s5+$0x14960] =	vst v18  }
0x2cf: {  	v0 =	vadd.f32 v23, v0;
	v39 =	vld [tilespmem:s16+$0x4570];
	[tilespmem:s5+$0x14970] =	vst v16  }
0x2d0: {  	v31 =	vmov v6;
	v6 =	vld [tilespmem:s16+$0xC570]  }
0x2d1: {  	[tilespmem:s5+$0x14D00] =	vst v0;
	v0 =	vld [tilespmem:$0x1FE60]  }
0x2d2: {  	v40 =	vld [tilespmem:s16+$0x4900];
	[tilespmem:s5+$0x14D10] =	vst v12  }
0x2d3: {  	v22 =	vld [tilespmem:s16+$0xC900]  }
0x2d4: {  	[tilespmem:s5+$0x14D20] =	vst v1;
	v1 =	vld [tilespmem:$0x1FE90]  }
0x2d5: {  	v46 =	vld [tilespmem:s16+$0x4910];
	[tilespmem:s5+$0x14D30] =	vst v5  }
0x2d6: {  	v14 =	vadd.f32 v14, v35;
	v12 =	vld [tilespmem:s16+$0xC910];
	[tilespmem:s5+$0x14D40] =	vst v3  }
0x2d7: {  	v47 =	vld [tilespmem:s16+$0x4920]  }
0x2d8: {  	[tilespmem:s5+$0x14D50] =	vst v14;
	v63 =	vsub.f32 v0, v59;
	v0 =	vld [tilespmem:$0x1FE70]  }
0x2d9: {  	v23 =	vld [tilespmem:s16+$0xC920];
	[tilespmem:s5+$0x14D60] =	vst v2  }
0x2da: {  	v51 =	vld [tilespmem:s16+$0x4930];
	[tilespmem:s5+$0x14D70] =	vst v4;
	s5 =	smov.u32 s16  }
0x2db: {  	v25 =	vld [tilespmem:s5+$0xC930]  }
0x2dc: {  	v43 =	vld [tilespmem:s5+$0x4940]  }
0x2dd: {  	v20 =	vld [tilespmem:s5+$0xC940]  }
0x2de: {  	v62 =	vsub.f32 v0, v9;
	v0 =	vld [tilespmem:$0x1FE80]  }
0x2df: {  	v48 =	vld [tilespmem:s5+$0x4950]  }
0x2e0: {  	v38 =	vld [tilespmem:s5+$0xC950]  }
0x2e1: {  	v44 =	vld [tilespmem:s5+$0x4960]  }
0x2e2: {  	v3 =	vld [tilespmem:s5+$0xC960]  }
0x2e3: {  	v61 =	vsub.f32 v0, v31;
	v0 =	vld [tilespmem:$0x1FEA0]  }
0x2e4: {  	v49 =	vld [tilespmem:s5+$0x4970]  }
0x2e5: {  	v14 =	vld [tilespmem:s5+$0xC970]  }
0x2e6: {  	v41 =	vld [tilespmem:s5+$0x4D00]  }
0x2e7: {  	v4 =	vld [tilespmem:s5+$0xCD00]  }
0x2e8: {  	v60 =	vsub.f32 v0, v1;
	v0 =	vld [tilespmem:$0x1FEB0]  }
0x2e9: {  	v45 =	vld [tilespmem:s5+$0x4D10]  }
0x2ea: {  	v32 =	vld [tilespmem:s5+$0xCD10]  }
0x2eb: {  	v42 =	vld [tilespmem:s5+$0x4D20]  }
0x2ec: {  	v11 =	vld [tilespmem:s5+$0xCD20]  }
0x2ed: {  	v34 =	vmov v59;
	v59 =	vsub.f32 v0, v24;
	v0 =	vld [tilespmem:$0x1FEC0]  }
0x2ee: {  	p0 =	sne.s32 s7, $0x3E00;
	v5 =	vld [tilespmem:s5+$0x4D30]  }
.Ltmp2:
0x2ef: {  	v37 =	vsub.f32 v37, v56;
	v18 =	vld [tilespmem:s5+$0xCD30];
	(pc) =	sbr.rel @p0 .LBB2_6-.Ltmp2, $4  }
0x2f0: {  	v7 =	vmovc v24;
	v55 =	vsub.f32 v55, v54;
	v10 =	vmov v29;
	v50 =	vsub.f32 v50, v17;
	v35 =	vld [tilespmem:s5+$0x4D40]  }
0x2f1: {  	v15 =	vmovc v17;
	v52 =	vsub.f32 v52, v13;
	v8 =	vmovc v1;
	v1 =	vld [tilespmem:s5+$0xCD50];
	v24 =	vmov v58;
	v58 =	vsub.f32 v27, v58  }
0x2f2: {  	v17 =	vmovc v36;
	v27 =	vmovc v57;
	v57 =	vsub.f32 v28, v57;
	v28 =	vmov v56;
	v56 =	vsub.f32 v0, v29;
	v0 =	vld [tilespmem:s5+$0xCD40]  }
0x2f3: {  	s14 =	smov.u32 s7;
	s7 =	sadd.s32 $0x200, s7;
	v16 =	vmovc v30;
	v29 =	vmovc v54;
	v54 =	vsub.f32 v53, v36;
	v36 =	vld [tilespmem:s5+$0x4D50];
	v53 =	vsub.f32 v26, v30;
	v26 =	vmov v13  }
0x2f4: {  	s7 =	sshra.s32 s14, $0x2  }
0x2f5: {  	v13 =	vld [tilespmem:s7+$0x2100];
	_ =	sdelay $0x1  }
0x2f6: {  	v2 =	vld [tilespmem:s5+$0x4D60];
	_ =	sdelay $0x2  }
0x2f7: {  	v19 =	vmul.f32 v63, v13  }
0x2f8: {  	v63 =	vmov v4;
	v4 =	vmul.f32 v62, v13  }
0x2f9: {  	[tilespmem:$0x1FDA0] =	vst v2;
	v2 =	vadd.f32 v19, v34;
	v19 =	vmul.f32 v61, v13  }
0x2fa: {  	v4 =	vadd.f32 v4, v9;
	v34 =	vmov v12;
	v9 =	vmul.f32 v60, v13  }
0x2fb: {  	v60 =	vmul.f32 v59, v13;
	v12 =	vmul.f32 v58, v13;
	v19 =	vadd.f32 v19, v31;
	[tilespmem:s5+$0x14100] =	vst v2  }
0x2fc: {  	v9 =	vadd.f32 v9, v8;
	[tilespmem:s5+$0x14110] =	vst v4  }
0x2fd: {  	v2 =	vadd.f32 v60, v7;
	v4 =	vadd.f32 v12, v24;
	v24 =	vmul.f32 v37, v13;
	[tilespmem:s5+$0x14120] =	vst v19  }
0x2fe: {  	v56 =	vmul.f32 v56, v13;
	[tilespmem:s5+$0x14130] =	vst v9  }
0x2ff: {  	v58 =	vmul.f32 v55, v13;
	v19 =	vmul.f32 v57, v13;
	[tilespmem:s5+$0x14140] =	vst v2;
	v57 =	vadd.f32 v24, v28  }
0x300: {  	v60 =	vmul.f32 v54, v13;
	[tilespmem:s5+$0x14150] =	vst v4;
	v2 =	vadd.f32 v56, v10  }
0x301: {  	v48 =	vsub.f32 v48, v38;
	v31 =	vmul.f32 v52, v13;
	v4 =	vadd.f32 v58, v29;
	[tilespmem:s5+$0x14170] =	vst v57  }
0x302: {  	v59 =	vmul.f32 v50, v13;
	v24 =	vsub.f32 v21, v33;
	v7 =	vadd.f32 v60, v17;
	[tilespmem:s5+$0x14500] =	vst v2  }
0x303: {  	v28 =	vmov v6;
	v29 =	vsub.f32 v39, v6;
	v10 =	vadd.f32 v31, v26;
	[tilespmem:s5+$0x14510] =	vst v4  }
0x304: {  	v39 =	vsub.f32 v46, v34;
	v37 =	vadd.f32 v19, v27;
	v27 =	vmul.f32 v53, v13;
	[tilespmem:s5+$0x14530] =	vst v7  }
0x305: {  	v46 =	vsub.f32 v51, v25;
	v19 =	vadd.f32 v59, v15;
	v2 =	vmul.f32 v24, v13;
	[tilespmem:s5+$0x14550] =	vst v10  }
0x306: {  	v51 =	vsub.f32 v49, v14;
	v4 =	vmul.f32 v29, v13;
	[tilespmem:s5+$0x14160] =	vst v37;
	v8 =	vadd.f32 v27, v16  }
0x307: {  	v30 =	vld [tilespmem:s5+$0xCD60];
	v7 =	vmul.f32 v39, v13;
	v53 =	vsub.f32 v45, v32;
	[tilespmem:s5+$0x14520] =	vst v19;
	v2 =	vadd.f32 v2, v33  }
0x308: {  	v10 =	vmul.f32 v46, v13;
	v59 =	vld [tilespmem:$0x1FDA0];
	v37 =	vsub.f32 v40, v22;
	v4 =	vadd.f32 v4, v28;
	[tilespmem:s5+$0x14540] =	vst v8  }
0x309: {  	v40 =	vsub.f32 v47, v23;
	v7 =	vadd.f32 v7, v34;
	v9 =	vmul.f32 v53, v13;
	[tilespmem:s5+$0x14560] =	vst v2  }
0x30a: {  	v47 =	vsub.f32 v43, v20;
	v10 =	vadd.f32 v10, v25;
	v6 =	vmul.f32 v37, v13;
	[tilespmem:s5+$0x14570] =	vst v4  }
0x30b: {  	v58 =	vsub.f32 v36, v1;
	v8 =	vmul.f32 v40, v13;
	[tilespmem:s5+$0x14910] =	vst v7;
	v9 =	vadd.f32 v9, v32  }
0x30c: {  	v57 =	vmov v1;
	v2 =	vmul.f32 v47, v13;
	[tilespmem:s5+$0x14930] =	vst v10;
	v6 =	vadd.f32 v6, v22  }
0x30d: {  	v4 =	vmul.f32 v48, v13;
	v1 =	vsub.f32 v59, v30;
	v8 =	vadd.f32 v8, v23;
	[tilespmem:s5+$0x14D10] =	vst v9  }
0x30e: {  	v62 =	vld [tilespmem:s5+$0x4D70];
	v50 =	vsub.f32 v44, v3;
	v7 =	vmul.f32 v51, v13;
	v2 =	vadd.f32 v2, v20;
	[tilespmem:s5+$0x14900] =	vst v6  }
0x30f: {  	v61 =	vld [tilespmem:s5+$0xCD70];
	v52 =	vsub.f32 v41, v63;
	v4 =	vadd.f32 v4, v38;
	v1 =	vmul.f32 v1, v13;
	[tilespmem:s5+$0x14920] =	vst v8  }
0x310: {  	v54 =	vsub.f32 v42, v11;
	v7 =	vadd.f32 v7, v14;
	v6 =	vmul.f32 v50, v13;
	[tilespmem:s5+$0x14940] =	vst v2  }
0x311: {  	v55 =	vsub.f32 v5, v18;
	v8 =	vmul.f32 v52, v13;
	[tilespmem:s5+$0x14950] =	vst v4;
	v1 =	vadd.f32 v1, v30  }
0x312: {  	v2 =	vmul.f32 v54, v13;
	[tilespmem:s5+$0x14970] =	vst v7;
	v6 =	vadd.f32 v6, v3  }
0x313: {  	v56 =	vsub.f32 v35, v0;
	v4 =	vmul.f32 v55, v13;
	v8 =	vadd.f32 v8, v63;
	[tilespmem:s5+$0x14D60] =	vst v1  }
0x314: {  	v60 =	vsub.f32 v62, v61;
	v7 =	vmul.f32 v58, v13;
	v2 =	vadd.f32 v2, v11;
	[tilespmem:s5+$0x14960] =	vst v6  }
0x315: {  	v4 =	vadd.f32 v4, v18;
	[tilespmem:s5+$0x14D00] =	vst v8;
	v6 =	vmul.f32 v56, v13  }
0x316: {  	v62 =	vmul.f32 v60, v13;
	v63 =	vadd.f32 v7, v57;
	[tilespmem:s5+$0x14D20] =	vst v2  }
0x317: {  	[tilespmem:s5+$0x14D30] =	vst v4;
	v6 =	vadd.f32 v6, v0  }
0x318: {  	[tilespmem:s5+$0x14D50] =	vst v63;
	v0 =	vadd.f32 v62, v61  }
0x319: {  	[tilespmem:s5+$0x14D40] =	vst v6  }
0x31a: {  	[tilespmem:s5+$0x14D70] =	vst v0;
	s5 =	simm.s32 $0x0  }
0x31b: {  	[hbm4b:s10+s5] =	stream.linear.scatter [tilespmem:s31], [sflag:$0x2], $0x4000, $0x38;
	[tilespmem:$0x18100] =	vst v63  }
0x31c: {  	_ =	swait.ge [sflag:s1], $0x4000  }
0x31d: {  	[sflag:s1] =	ssyncset.done $0x0  }
0x31e: {  	[sflag:s1] =	ssyncadd.s32 $0xFFFFC000  }
0x31f: {  	_ =	swait.ge [sflag:s1], $0x4000  }
0x320: {  	[sflag:s1] =	ssyncset.done $0x0  }
0x321: {  	[sflag:s1] =	ssyncadd.s32 $0xFFFFC000  }
0x322: {  	_ =	swait.ge [sflag:s4], $0x4000  }
0x323: {  	[sflag:s4] =	ssyncset.done $0x0  }
0x324: {  	s7 =	simm.s32 $0x0;
	[sflag:s4] =	ssyncadd.s32 $0xFFFFC000  }
.LBB2_8:
0x325: {  	s9 =	sshra.s32 s7, $0x2;
	s14 =	sand.u32 $0x3000, s7;
	s15 =	sand.u32 $0x380, s5  }
0x326: {  	v3 =	vld [tilespmem:s9+$0x3100];
	s14 =	sor.u32 s15, s14  }
0x327: {  	v0 =	vld [tilespmem:s14+$0x8100]  }
0x328: {  	v1 =	vld [tilespmem:s14+$0x10100]  }
0x329: {  	v2 =	vld [tilespmem:s14+$0x8110]  }
0x32a: {  	v4 =	vld [tilespmem:s14+$0x10110]  }
0x32b: {  	v5 =	vld [tilespmem:s14+$0x8120]  }
0x32c: {  	v6 =	vld [tilespmem:s14+$0x10120]  }
0x32d: {  	v7 =	vld [tilespmem:s14+$0x8130]  }
0x32e: {  	v8 =	vld [tilespmem:s14+$0x10130]  }
0x32f: {  	v9 =	vld [tilespmem:s14+$0x8140]  }
0x330: {  	v10 =	vld [tilespmem:s14+$0x10140]  }
0x331: {  	v11 =	vld [tilespmem:s14+$0x8150]  }
0x332: {  	v12 =	vld [tilespmem:s14+$0x10150]  }
0x333: {  	v13 =	vld [tilespmem:s14+$0x8160]  }
0x334: {  	v14 =	vld [tilespmem:s14+$0x10160]  }
0x335: {  	v15 =	vld [tilespmem:s14+$0x8170]  }
0x336: {  	v16 =	vld [tilespmem:s14+$0x10170]  }
0x337: {  	v17 =	vld [tilespmem:s14+$0x8500]  }
0x338: {  	v18 =	vld [tilespmem:s14+$0x10500]  }
0x339: {  	v19 =	vld [tilespmem:s14+$0x8510]  }
0x33a: {  	v20 =	vld [tilespmem:s14+$0x10510]  }
0x33b: {  	v21 =	vld [tilespmem:s14+$0x8520]  }
0x33c: {  	v22 =	vld [tilespmem:s14+$0x10520]  }
0x33d: {  	v23 =	vld [tilespmem:s14+$0x8530]  }
0x33e: {  	v24 =	vld [tilespmem:s14+$0x10530]  }
0x33f: {  	v25 =	vld [tilespmem:s14+$0x8540]  }
0x340: {  	v26 =	vld [tilespmem:s14+$0x10540]  }
0x341: {  	v27 =	vld [tilespmem:s14+$0x8550]  }
0x342: {  	v28 =	vld [tilespmem:s14+$0x10550]  }
0x343: {  	v29 =	vld [tilespmem:s14+$0x8560]  }
0x344: {  	v30 =	vld [tilespmem:s14+$0x10560];
	v0 =	vsub.f32 v0, v1  }
0x345: {  	v31 =	vld [tilespmem:s14+$0x8570];
	v2 =	vsub.f32 v2, v4  }
0x346: {  	v32 =	vld [tilespmem:s14+$0x10570];
	v5 =	vsub.f32 v5, v6;
	v0 =	vmul.f32 v0, v3  }
0x347: {  	v33 =	vld [tilespmem:s14+$0x8900];
	v7 =	vsub.f32 v7, v8;
	v57 =	vsub.f32 v9, v10;
	v2 =	vmul.f32 v2, v3  }
0x348: {  	v34 =	vld [tilespmem:s14+$0x8920];
	v59 =	vsub.f32 v11, v12;
	v56 =	vmul.f32 v5, v3;
	v0 =	vadd.f32 v0, v1  }
0x349: {  	v41 =	vld [tilespmem:s14+$0x8930];
	v62 =	vsub.f32 v13, v14;
	v58 =	vmul.f32 v7, v3;
	v2 =	vadd.f32 v2, v4  }
0x34a: {  	v48 =	vld [tilespmem:s14+$0x8940];
	v15 =	vsub.f32 v15, v16;
	v61 =	vmul.f32 v57, v3;
	v60 =	vadd.f32 v56, v6;
	[tilespmem:s14+$0x14100] =	vst v0  }
0x34b: {  	v52 =	vld [tilespmem:s14+$0x10940];
	v37 =	vsub.f32 v17, v18;
	v13 =	vmul.f32 v59, v3;
	v63 =	vadd.f32 v58, v8;
	[tilespmem:s14+$0x14110] =	vst v2  }
0x34c: {  	v9 =	vld [tilespmem:s14+$0x10900];
	v40 =	vsub.f32 v19, v20;
	v36 =	vmul.f32 v62, v3;
	v35 =	vadd.f32 v61, v10;
	[tilespmem:s14+$0x14120] =	vst v60  }
0x34d: {  	v11 =	vld [tilespmem:s14+$0x8910];
	v44 =	vsub.f32 v21, v22;
	v39 =	vmul.f32 v15, v3;
	v38 =	vadd.f32 v13, v12;
	[tilespmem:s14+$0x14130] =	vst v63  }
0x34e: {  	v47 =	vsub.f32 v23, v24;
	v21 =	vld [tilespmem:s14+$0x8960];
	v43 =	vmul.f32 v37, v3;
	v42 =	vadd.f32 v36, v14;
	[tilespmem:s14+$0x14140] =	vst v35  }
0x34f: {  	v51 =	vsub.f32 v25, v26;
	v25 =	vld [tilespmem:s14+$0x10960];
	v46 =	vmul.f32 v40, v3;
	v45 =	vadd.f32 v39, v16;
	[tilespmem:s14+$0x14150] =	vst v38  }
0x350: {  	v50 =	vmul.f32 v44, v3;
	v6 =	vld [tilespmem:s14+$0x10910];
	v49 =	vadd.f32 v43, v18;
	[tilespmem:s14+$0x14160] =	vst v42  }
0x351: {  	v55 =	vsub.f32 v27, v28;
	v54 =	vmul.f32 v47, v3;
	v10 =	vld [tilespmem:s14+$0x10920];
	v53 =	vadd.f32 v46, v20;
	[tilespmem:s14+$0x14170] =	vst v45  }
0x352: {  	v59 =	vsub.f32 v29, v30;
	v13 =	vld [tilespmem:s14+$0x10930];
	v57 =	vadd.f32 v50, v22;
	v58 =	vmul.f32 v51, v3;
	[tilespmem:s14+$0x14500] =	vst v49  }
0x353: {  	v62 =	vmul.f32 v55, v3;
	v56 =	vld [tilespmem:s14+$0x8950];
	v61 =	vadd.f32 v54, v24;
	v24 =	vsub.f32 v33, v9;
	[tilespmem:s14+$0x14510] =	vst v53  }
0x354: {  	v23 =	vmul.f32 v59, v3;
	v60 =	vld [tilespmem:s14+$0x10950];
	v63 =	vsub.f32 v31, v32;
	[tilespmem:s14+$0x14520] =	vst v57;
	v22 =	vadd.f32 v58, v26  }
0x355: {  	v29 =	vld [tilespmem:s14+$0x8970];
	[tilespmem:s14+$0x14530] =	vst v61;
	v26 =	vadd.f32 v62, v28;
	v33 =	vmul.f32 v24, v3;
	v28 =	vsub.f32 v11, v6  }
0x356: {  	v31 =	vadd.f32 v23, v30;
	v35 =	vld [tilespmem:s14+$0x10970];
	v27 =	vmul.f32 v63, v3;
	[tilespmem:s14+$0x14540] =	vst v22;
	v34 =	vsub.f32 v34, v10  }
0x357: {  	[tilespmem:s14+$0x14550] =	vst v26;
	v38 =	vsub.f32 v41, v13;
	v39 =	vadd.f32 v33, v9;
	v37 =	vmul.f32 v28, v3  }
0x358: {  	[tilespmem:s14+$0x14560] =	vst v31;
	v41 =	vsub.f32 v48, v52;
	v36 =	vadd.f32 v27, v32;
	v40 =	vmul.f32 v34, v3  }
0x359: {  	v43 =	vmul.f32 v38, v3;
	v44 =	vsub.f32 v56, v60;
	[tilespmem:s14+$0x14900] =	vst v39;
	v42 =	vadd.f32 v37, v6  }
0x35a: {  	v47 =	vsub.f32 v21, v25;
	v46 =	vmul.f32 v41, v3;
	[tilespmem:s14+$0x14570] =	vst v36;
	v45 =	vadd.f32 v40, v10  }
0x35b: {  	v50 =	vsub.f32 v29, v35;
	v48 =	vadd.f32 v43, v13;
	v49 =	vmul.f32 v44, v3;
	[tilespmem:s14+$0x14910] =	vst v42  }
0x35c: {  	v51 =	vadd.f32 v46, v52;
	v52 =	vmul.f32 v47, v3;
	[tilespmem:s14+$0x14920] =	vst v45  }
0x35d: {  	v54 =	vmul.f32 v50, v3;
	[tilespmem:s14+$0x14930] =	vst v48;
	v53 =	vadd.f32 v49, v60  }
0x35e: {  	[tilespmem:s14+$0x14940] =	vst v51;
	v55 =	vadd.f32 v52, v25  }
0x35f: {  	s16 =	sand.u32 $0xFFFFF000, s7;
	v56 =	vadd.f32 v54, v35;
	[tilespmem:s14+$0x14950] =	vst v53  }
0x360: {  	s9 =	sadd.s32 s16, s5;
	[tilespmem:s14+$0x14960] =	vst v55  }
0x361: {  	s17 =	sor.u32 $0x4C00, s9;
	[tilespmem:s14+$0x14970] =	vst v56  }
0x362: {  	v0 =	vld [tilespmem:s17+$0x4100]  }
0x363: {  	v1 =	vld [tilespmem:s17+$0xC100];
	_ =	sdelay $0x4  }
0x364: {  	v0 =	vsub.f32 v0, v1;
	_ =	sdelay $0x1  }
0x365: {  	v0 =	vmul.f32 v0, v3;
	_ =	sdelay $0x1  }
0x366: {  	v0 =	vadd.f32 v0, v1;
	_ =	sdelay $0x1  }
0x367: {  	s16 =	sor.u32 $0x4C10, s9;
	[tilespmem:s14+$0x14D00] =	vst v0  }
0x368: {  	v0 =	vld [tilespmem:s16+$0x4100]  }
0x369: {  	v57 =	vld [tilespmem:s16+$0xC100];
	_ =	sdelay $0x4  }
0x36a: {  	v0 =	vsub.f32 v0, v57;
	_ =	sdelay $0x1  }
0x36b: {  	v0 =	vmul.f32 v0, v3;
	_ =	sdelay $0x1  }
0x36c: {  	v0 =	vadd.f32 v0, v57;
	_ =	sdelay $0x1  }
0x36d: {  	s17 =	sor.u32 $0x4C20, s9;
	[tilespmem:s14+$0x14D10] =	vst v0  }
0x36e: {  	v0 =	vld [tilespmem:s17+$0x4100]  }
0x36f: {  	v58 =	vld [tilespmem:s17+$0xC100];
	_ =	sdelay $0x4  }
0x370: {  	v0 =	vsub.f32 v0, v58;
	_ =	sdelay $0x1  }
0x371: {  	v0 =	vmul.f32 v0, v3;
	_ =	sdelay $0x1  }
0x372: {  	v0 =	vadd.f32 v0, v58;
	_ =	sdelay $0x1  }
0x373: {  	s16 =	sor.u32 $0x4C30, s9;
	[tilespmem:s14+$0x14D20] =	vst v0  }
0x374: {  	v0 =	vld [tilespmem:s16+$0x4100]  }
0x375: {  	v59 =	vld [tilespmem:s16+$0xC100];
	_ =	sdelay $0x4  }
0x376: {  	v0 =	vsub.f32 v0, v59;
	_ =	sdelay $0x1  }
0x377: {  	v0 =	vmul.f32 v0, v3;
	_ =	sdelay $0x1  }
0x378: {  	v0 =	vadd.f32 v0, v59;
	_ =	sdelay $0x1  }
0x379: {  	s17 =	sor.u32 $0x4C40, s9;
	[tilespmem:s14+$0x14D30] =	vst v0  }
0x37a: {  	v0 =	vld [tilespmem:s17+$0x4100]  }
0x37b: {  	v60 =	vld [tilespmem:s17+$0xC100];
	_ =	sdelay $0x4  }
0x37c: {  	v0 =	vsub.f32 v0, v60;
	_ =	sdelay $0x1  }
0x37d: {  	v0 =	vmul.f32 v0, v3;
	_ =	sdelay $0x1  }
0x37e: {  	v0 =	vadd.f32 v0, v60;
	_ =	sdelay $0x1  }
0x37f: {  	s16 =	sor.u32 $0x4C50, s9;
	[tilespmem:s14+$0x14D40] =	vst v0  }
0x380: {  	v0 =	vld [tilespmem:s16+$0x4100]  }
0x381: {  	v61 =	vld [tilespmem:s16+$0xC100];
	_ =	sdelay $0x4  }
0x382: {  	v0 =	vsub.f32 v0, v61;
	_ =	sdelay $0x1  }
0x383: {  	v0 =	vmul.f32 v0, v3;
	_ =	sdelay $0x1  }
0x384: {  	v0 =	vadd.f32 v0, v61;
	_ =	sdelay $0x1  }
0x385: {  	s17 =	sor.u32 $0x4C60, s9;
	[tilespmem:s14+$0x14D50] =	vst v0  }
0x386: {  	v0 =	vld [tilespmem:s17+$0x4100]  }
0x387: {  	v62 =	vld [tilespmem:s17+$0xC100];
	_ =	sdelay $0x4  }
0x388: {  	v0 =	vsub.f32 v0, v62;
	_ =	sdelay $0x1  }
0x389: {  	v0 =	vmul.f32 v0, v3;
	_ =	sdelay $0x1  }
0x38a: {  	v0 =	vadd.f32 v0, v62;
	_ =	sdelay $0x1  }
0x38b: {  	s9 =	sor.u32 $0x4C70, s9;
	[tilespmem:s14+$0x14D60] =	vst v0  }
0x38c: {  	v0 =	vld [tilespmem:s9+$0x4100]  }
0x38d: {  	v63 =	vld [tilespmem:s9+$0xC100];
	_ =	sdelay $0x4  }
0x38e: {  	v0 =	vsub.f32 v0, v63  }
0x38f: {  	p0 =	sne.s32 s7, $0x3E00  }
.Ltmp3:
0x390: {  	v0 =	vmul.f32 v0, v3;
	(pc) =	sbr.rel @p0 .LBB2_8-.Ltmp3, $3  }
0x391: {  	_ = 	snop  }
0x392: {  	v0 =	vadd.f32 v0, v63;
	_ =	sdelay $0x1  }
0x393: {  	s7 =	sadd.s32 $0x200, s7;
	s5 =	sadd.s32 $0x80, s5;
	[tilespmem:s14+$0x14D70] =	vst v0  }
0x394: {  	s0 =	sadd.s32 $0x1, s0  }
0x395: {  	p0 =	sne.s32 s0, s12  }
.Ltmp4:
0x396: {  	_ = 	snop;
	(pc) =	sbr.rel @p0 .LBB2_1-.Ltmp4, $4  }
0x397: {  	[hbm4b:s11+s2] =	stream.linear.scatter [tilespmem:s31], [sflag:$0x2], $0x4000, $0x38;
	[tilespmem:$0x18100] =	vst v63  }
0x398: {  	_ =	swait.ge [sflag:s4], $0x4000  }
0x399: {  	[sflag:s4] =	ssyncset.done $0x0  }
0x39a: {  	[sflag:s4] =	ssyncadd.s32 $0xFFFFC000  }
0x39b: {  	_ =	sfence.sel $0x180000  }
0x39c: {  	[bflag:$0x0] =	sbarrier.arrive $0xFFFF  }
0x39d: {  	_ =	strace $0x90000047  }
0x39e: {  	s0 =	stileid.u32;
	[bflag:$0x2] =	sbarrier.arrive $0xFFFF  }
0x39f: {  	p0 =	sne.s32 s0, $0x0;
	s0 =	rddreg [dreg:$0x2]  }
0x3a0: {  	s0 =	sadd.s32 @!p0 $0x100000, s0  }
0x3a1: {  	[sflag:s0] =	ssyncadd.tile.s32 @!p0 $0x1;
	_ =	shalt  }
.Lfunc_end2:
_tile_overlayer_lowered:
.L_overlay_start_2:
0x3a2: {  	(tag) =	ssettag $0x2  }
0x3a3: {  	s0 =	rddreg [dreg:$0x0];
	s2 =	stileid.u32  }
0x3a4: {  	s1 =	rddreg [dreg:$0x1];
	p0 =	sne.s32 s2, $0x0  }
0x3a5: {  	s3 =	rddreg [dreg:$0x2];
	[bflag:$0x3] =	sbarrier.arrive $0xFFFF;
	s2 =	simm.s32 @!p0 $0x1C03  }
0x3a6: {  	[timem:s3], [sflag:s2] =	dma.local @!p0 [hbm:s0], s1  }
0x3a7: {  	s0 =	simm.s32 @!p0 $0x3  }
0x3a8: {  	_ =	swait.ge @!p0 [sflag:s0], s1  }
0x3a9: {  	s1 =	ssub.s32 @!p0 $0x0, s1;
	[sflag:s0] =	ssyncset.done @!p0 $0x0  }
0x3aa: {  	[sflag:s0] =	ssyncadd.s32 @!p0 s1  }
0x3ab: {  	[bflag:$0x3] =	sbarrier.arrive $0xFFFF  }
0x3ac: {  	_ =	shalt  }

</sc_bundles>
